<compile_context>
chip_gen: v7x
topology: tpu7x:2x2x1
jax: 0.10.2.dev20260603
libtpu: 0.0.44.dev20260713+nightly
codegen_flags: <defaults>
</compile_context>

<pallas_src>
import functools

import jax
import jax.numpy as jnp
from jax import lax
from jax.experimental import pallas as pl
from jax.experimental.pallas import tpu as pltpu
from jax.experimental.pallas import tpu_sc as plsc

MAX_POS = 2048
DEPTH = 4
ROWS, COLS = 16384, 200
N = ROWS * COLS
NC, NS, L = 2, 16, 16
NW = NC * NS
RT = ROWS // 128
TASKS = COLS * 4
PER_W = TASKS // NW
TQ = RT // 4
TBL_ROWS = MAX_POS + 1
PLANE = 2052
TBL_PAD = DEPTH * PLANE

_mesh = plsc.VectorSubcoreMesh(core_axis_name="c", subcore_axis_name="s")


def _task_slices(pos_hbm, out_hbm, t):
    c = t // 4
    rt0 = (t % 4) * TQ
    src = pos_hbm.at[c // 8, pl.ds(rt0, TQ), c % 8, :]
    dst = out_hbm.at[pl.ds(t * TQ * DEPTH, TQ * DEPTH), :]
    return src, dst


@functools.partial(
    pl.kernel,
    out_type=jax.ShapeDtypeStruct((TASKS * TQ * DEPTH, 128), jnp.float32),
    mesh=_mesh,
    scratch_types=[
        pltpu.VMEM((TBL_PAD,), jnp.float32),
        pltpu.VMEM((TQ, 128), jnp.int32),
        pltpu.VMEM((TQ, 128), jnp.int32),
        pltpu.VMEM((TQ * DEPTH, 128), jnp.float32),
        pltpu.VMEM((TQ * DEPTH, 128), jnp.float32),
        pltpu.SemaphoreType.DMA,
        pltpu.SemaphoreType.DMA,
        pltpu.SemaphoreType.DMA,
        pltpu.SemaphoreType.DMA,
    ],
    compiler_params=pltpu.CompilerParams(needs_layout_passes=False),
)
def _lookup(pos_hbm, tbl_hbm, out_hbm,
            tbl_v, idx0, idx1, out0, out1, sin0, sin1, sout0, sout1):
    wid = lax.axis_index("s") * NC + lax.axis_index("c")
    t0 = wid * PER_W

    pltpu.sync_copy(tbl_hbm, tbl_v)

    bufs = ((idx0, out0, sin0, sout0), (idx1, out1, sin1, sout1))
    t_last = t0 + PER_W - 1

    for s in range(2):
        src, _ = _task_slices(pos_hbm, out_hbm, t0 + s)
        pltpu.async_copy(src, bufs[s][0], bufs[s][2])

    def compute(idxb, outb):
        @plsc.parallel_loop(0, TQ, 1, unroll=4)
        def row_body(j):
            for i in range(8):
                v = idxb[j, pl.ds(i * L, L)]
                f = jnp.minimum(v, MAX_POS)
                for k in range(DEPTH):
                    gk = plsc.load_gather(tbl_v, [f + k * PLANE])
                    outb[j * DEPTH + k, pl.ds(i * L, L)] = gk

    def pair_body(q, _):
        t = t0 + 2 * q
        for s in range(2):
            idxb, outb, sin, sout = bufs[s]
            src, dst = _task_slices(pos_hbm, out_hbm, t + s)
            pltpu.make_async_copy(src, idxb, sin).wait()

            @pl.when(q > 0)
            def _():
                pltpu.make_async_copy(outb, dst, sout).wait()

            compute(idxb, outb)
            pltpu.async_copy(outb, dst, sout)
            nsrc, _ = _task_slices(
                pos_hbm, out_hbm, jnp.minimum(t + s + 2, t_last))
            pltpu.async_copy(nsrc, idxb, sin)
        return 0

    lax.fori_loop(0, (PER_W - 1) // 2, pair_body, 0)

    idxb, outb, sin, sout = bufs[0]
    src, dst = _task_slices(pos_hbm, out_hbm, t_last)
    pltpu.make_async_copy(src, idxb, sin).wait()
    pltpu.make_async_copy(outb, dst, sout).wait()
    compute(idxb, outb)
    pltpu.async_copy(outb, dst, sout)
    pltpu.make_async_copy(outb, dst, sout).wait()
    pltpu.make_async_copy(bufs[1][1], dst, bufs[1][3]).wait()
    src1, _ = _task_slices(pos_hbm, out_hbm, t_last)
    pltpu.make_async_copy(src1, bufs[1][0], bufs[1][2]).wait()


def kernel(positions, embedding):
    pos4d = (positions.T.reshape(COLS // 8, 8, RT, 128)
             .transpose(0, 2, 1, 3))
    tbl_flat = jnp.pad(embedding.T, ((0, 0), (0, PLANE - TBL_ROWS))).reshape(-1)
    out = _lookup(pos4d, tbl_flat)
    out = (out.reshape(COLS, 4, TQ, DEPTH, 128)
           .transpose(1, 2, 4, 0, 3)
           .reshape(ROWS, COLS, DEPTH))
    return out

# --- scband reference (transcript-rebuilt; emitter-appended) ---
"""Pipeline reference for scband-position-embedder-10376640987864 (READ-ONLY COPY).

The authoritative reference and input builder live on the scoring server;
editing this copy changes nothing except your own understanding.
"""

import jax, jax.numpy as jnp
import numpy as np

MAX_POS = 2048
DEPTH = 4


def setup_inputs(seed: int = 0) -> dict:
    key = jax.random.key(seed)
    k1, k2 = jax.random.split(key)
    positions = jax.random.randint(k1, (16384, 200), 0, 2500, dtype=jnp.int32)
    # glorot_uniform for shape [MAX_POS + 1, DEPTH]
    fan_in, fan_out = MAX_POS + 1, DEPTH
    limit = float(np.sqrt(6.0 / (fan_in + fan_out)))
    embedding = jax.random.uniform(k2, (MAX_POS + 1, DEPTH), minval=-limit, maxval=limit, dtype=jnp.float32)
    return {"positions": positions, "embedding": embedding}


def reference(positions, embedding):
    # encode(): clamp positions to maximum_position, then embedding lookup
    pos = jnp.minimum(positions, MAX_POS)
    return jnp.take(embedding, pos, axis=0)

if __name__ == "__main__":
    import jax
    _d = setup_inputs()
    print(jax.jit(kernel)(*tuple(_d.values())))

</pallas_src>

<mosaic_0001>
#map = affine_map<(d0, d1) -> (0, 0, 0, 0)>
#map1 = affine_map<(d0, d1) -> (0)>
#map2 = affine_map<(d0, d1) -> (0, 0)>
module attributes {stable_mosaic.version = 14 : i64} {
  func.func @_lookup(%arg0: i32, %arg1: i32, %arg2: memref<25x128x8x128xi32, #tpu.memory_space<hbm>>, %arg3: memref<8208xf32, #tpu.memory_space<hbm>>, %arg4: memref<102400x128xf32, #tpu.memory_space<hbm>>, %arg5: memref<8208xf32, #tpu.memory_space<vmem>>, %arg6: memref<32x128xi32, #tpu.memory_space<vmem>>, %arg7: memref<32x128xi32, #tpu.memory_space<vmem>>, %arg8: memref<128x128xf32, #tpu.memory_space<vmem>>, %arg9: memref<128x128xf32, #tpu.memory_space<vmem>>, %arg10: memref<!tpu.dma_semaphore, #tpu.memory_space<semaphore_mem>>, %arg11: memref<!tpu.dma_semaphore, #tpu.memory_space<semaphore_mem>>, %arg12: memref<!tpu.dma_semaphore, #tpu.memory_space<semaphore_mem>>, %arg13: memref<!tpu.dma_semaphore, #tpu.memory_space<semaphore_mem>>) attributes {dimension_semantics = [#tpu.dimension_semantics<core_parallel>, #tpu.dimension_semantics<subcore_parallel>], iteration_bounds = array<i64: 2, 16>, scalar_prefetch = 0 : i64, scratch_operands = 9 : i64, tpu.core_type = #tpu.core_type<sc_vector_subcore>, window_params = [{transform_indices = #map}, {transform_indices = #map1}, {transform_indices = #map2}]} {
    %mul3A = arith.constant 2 : i32
    %mul3A_0 = arith.muli %arg1, %mul3A : i32
    %add3A = arith.addi %mul3A_0, %arg0 : i32
    %mul3A_1 = arith.constant 25 : i32
    %mul3A_2 = arith.muli %add3A, %mul3A_1 : i32
    "tpu.region"() ({
      %run_scoped3A = tpu.sem_alloc : memref<!tpu.dma_semaphore, #tpu.memory_space<semaphore_mem>>
      tpu.enqueue_dma source(%arg3 : memref<8208xf32, #tpu.memory_space<hbm>>) target(%arg5 : memref<8208xf32, #tpu.memory_space<vmem>>) target_semaphore(%run_scoped3A : memref<!tpu.dma_semaphore, #tpu.memory_space<semaphore_mem>>)
      tpu.wait_dma2 semaphore(%run_scoped3A : memref<!tpu.dma_semaphore, #tpu.memory_space<semaphore_mem>>) src(%arg3 : memref<8208xf32, #tpu.memory_space<hbm>>) dst(%arg5 : memref<8208xf32, #tpu.memory_space<vmem>>)
      tpu.yield
    }) : () -> ()
    %add3A_3 = arith.constant 25 : i32
    %add3A_4 = arith.addi %mul3A_2, %add3A_3 : i32
    %sub3A = arith.constant 1 : i32
    %sub3A_5 = arith.subi %add3A_4, %sub3A : i32
    %add3A_6 = arith.constant 0 : i32
    %add3A_7 = arith.addi %mul3A_2, %add3A_6 : i32
    %jit3A = arith.constant 4 : i32
    %div3A = arith.divsi %add3A_7, %jit3A : i32
    %sign3A = arith.constant 0 : i32
    %sign3A_8 = arith.cmpi sgt, %add3A_7, %sign3A : i32
    %sign3A_9 = arith.extui %sign3A_8 : i1 to i32
    %sign3A_10 = arith.constant 0 : i32
    %sign3A_11 = arith.cmpi slt, %add3A_7, %sign3A_10 : i32
    %sign3A_12 = arith.extui %sign3A_11 : i1 to i32
    %sign3A_13 = arith.subi %sign3A_9, %sign3A_12 : i32
    %sign3A_14 = arith.constant 0 : i32
    %sign3A_15 = arith.cmpi sgt, %jit3A, %sign3A_14 : i32
    %sign3A_16 = arith.extui %sign3A_15 : i1 to i32
    %sign3A_17 = arith.constant 0 : i32
    %sign3A_18 = arith.cmpi slt, %jit3A, %sign3A_17 : i32
    %sign3A_19 = arith.extui %sign3A_18 : i1 to i32
    %sign3A_20 = arith.subi %sign3A_16, %sign3A_19 : i32
    %ne3A = arith.cmpi ne, %sign3A_13, %sign3A_20 : i32
    %rem3A = arith.remsi %add3A_7, %jit3A : i32
    %ne3A_21 = arith.constant 0 : i32
    %ne3A_22 = arith.cmpi ne, %rem3A, %ne3A_21 : i32
    %and3A = arith.andi %ne3A, %ne3A_22 : i1
    %sub3A_23 = arith.constant 1 : i32
    %sub3A_24 = arith.subi %div3A, %sub3A_23 : i32
    %select_n3A = arith.select %and3A, %sub3A_24, %div3A : i32
    %jit3A_25 = arith.constant 4 : i32
    %eq3A = arith.constant 0 : i32
    %eq3A_26 = arith.cmpi eq, %jit3A_25, %eq3A : i32
    %jit3A_27 = arith.constant 1 : i32
    %select_n3A_28 = arith.select %eq3A_26, %jit3A_27, %jit3A_25 : i32
    %rem3A_29 = arith.remsi %add3A_7, %select_n3A_28 : i32
    %ne3A_30 = arith.constant 0 : i32
    %ne3A_31 = arith.cmpi ne, %rem3A_29, %ne3A_30 : i32
    %lt3A = arith.constant 0 : i32
    %lt3A_32 = arith.cmpi slt, %rem3A_29, %lt3A : i32
    %lt3A_33 = arith.constant 0 : i32
    %lt3A_34 = arith.cmpi slt, %select_n3A_28, %lt3A_33 : i32
    %ne3A_35 = arith.xori %lt3A_32, %lt3A_34 : i1
    %and3A_36 = arith.andi %ne3A_35, %ne3A_31 : i1
    %add3A_37 = arith.addi %rem3A_29, %select_n3A_28 : i32
    %select_n3A_38 = arith.select %and3A_36, %add3A_37, %rem3A_29 : i32
    %mul3A_39 = arith.constant 32 : i32
    %mul3A_40 = arith.muli %select_n3A_38, %mul3A_39 : i32
    %jit3A_41 = arith.constant 8 : i32
    %div3A_42 = arith.divsi %select_n3A, %jit3A_41 : i32
    %sign3A_43 = arith.constant 0 : i32
    %sign3A_44 = arith.cmpi sgt, %select_n3A, %sign3A_43 : i32
    %sign3A_45 = arith.extui %sign3A_44 : i1 to i32
    %sign3A_46 = arith.constant 0 : i32
    %sign3A_47 = arith.cmpi slt, %select_n3A, %sign3A_46 : i32
    %sign3A_48 = arith.extui %sign3A_47 : i1 to i32
    %sign3A_49 = arith.subi %sign3A_45, %sign3A_48 : i32
    %sign3A_50 = arith.constant 0 : i32
    %sign3A_51 = arith.cmpi sgt, %jit3A_41, %sign3A_50 : i32
    %sign3A_52 = arith.extui %sign3A_51 : i1 to i32
    %sign3A_53 = arith.constant 0 : i32
    %sign3A_54 = arith.cmpi slt, %jit3A_41, %sign3A_53 : i32
    %sign3A_55 = arith.extui %sign3A_54 : i1 to i32
    %sign3A_56 = arith.subi %sign3A_52, %sign3A_55 : i32
    %ne3A_57 = arith.cmpi ne, %sign3A_49, %sign3A_56 : i32
    %rem3A_58 = arith.remsi %select_n3A, %jit3A_41 : i32
    %ne3A_59 = arith.constant 0 : i32
    %ne3A_60 = arith.cmpi ne, %rem3A_58, %ne3A_59 : i32
    %and3A_61 = arith.andi %ne3A_57, %ne3A_60 : i1
    %sub3A_62 = arith.constant 1 : i32
    %sub3A_63 = arith.subi %div3A_42, %sub3A_62 : i32
    %select_n3A_64 = arith.select %and3A_61, %sub3A_63, %div3A_42 : i32
    %jit3A_65 = arith.constant 8 : i32
    %eq3A_66 = arith.constant 0 : i32
    %eq3A_67 = arith.cmpi eq, %jit3A_65, %eq3A_66 : i32
    %jit3A_68 = arith.constant 1 : i32
    %select_n3A_69 = arith.select %eq3A_67, %jit3A_68, %jit3A_65 : i32
    %rem3A_70 = arith.remsi %select_n3A, %select_n3A_69 : i32
    %ne3A_71 = arith.constant 0 : i32
    %ne3A_72 = arith.cmpi ne, %rem3A_70, %ne3A_71 : i32
    %lt3A_73 = arith.constant 0 : i32
    %lt3A_74 = arith.cmpi slt, %rem3A_70, %lt3A_73 : i32
    %lt3A_75 = arith.constant 0 : i32
    %lt3A_76 = arith.cmpi slt, %select_n3A_69, %lt3A_75 : i32
    %ne3A_77 = arith.xori %lt3A_74, %lt3A_76 : i1
    %and3A_78 = arith.andi %ne3A_77, %ne3A_72 : i1
    %add3A_79 = arith.addi %rem3A_70, %select_n3A_69 : i32
    %select_n3A_80 = arith.select %and3A_78, %add3A_79, %rem3A_70 : i32
    %mul3A_81 = arith.constant 32 : i32
    %mul3A_82 = arith.muli %add3A_7, %mul3A_81 : i32
    %mul3A_83 = arith.constant 4 : i32
    %mul3A_84 = arith.muli %mul3A_82, %mul3A_83 : i32
    %dma_start3A = arith.constant 0 : i32
    %dma_start3A_85 = tpu.memref_slice %arg2[%select_n3A_64, %mul3A_40, %select_n3A_80, %dma_start3A] : memref<25x128x8x128xi32, #tpu.memory_space<hbm>> -> memref<1x32x1x128xi32, #tpu.memory_space<hbm>>
    %dma_start3A_86 = tpu.memref_squeeze %dma_start3A_85 : memref<1x32x1x128xi32, #tpu.memory_space<hbm>> -> memref<32x128xi32, #tpu.memory_space<hbm>>
    %dma_start3A_87 = arith.constant 0 : i32
    %dma_start3A_88 = tpu.memref_slice %arg2[%select_n3A_64, %mul3A_40, %select_n3A_80, %dma_start3A_87] : memref<25x128x8x128xi32, #tpu.memory_space<hbm>> -> memref<1x32x1x128xi32, #tpu.memory_space<hbm>>
    %dma_start3A_89 = tpu.memref_squeeze %dma_start3A_88 : memref<1x32x1x128xi32, #tpu.memory_space<hbm>> -> memref<32x128xi32, #tpu.memory_space<hbm>>
    tpu.enqueue_dma source(%dma_start3A_89 : memref<32x128xi32, #tpu.memory_space<hbm>>) target(%arg6 : memref<32x128xi32, #tpu.memory_space<vmem>>) target_semaphore(%arg10 : memref<!tpu.dma_semaphore, #tpu.memory_space<semaphore_mem>>)
    %add3A_90 = arith.constant 1 : i32
    %add3A_91 = arith.addi %mul3A_2, %add3A_90 : i32
    %jit3A_92 = arith.constant 4 : i32
    %div3A_93 = arith.divsi %add3A_91, %jit3A_92 : i32
    %sign3A_94 = arith.constant 0 : i32
    %sign3A_95 = arith.cmpi sgt, %add3A_91, %sign3A_94 : i32
    %sign3A_96 = arith.extui %sign3A_95 : i1 to i32
    %sign3A_97 = arith.constant 0 : i32
    %sign3A_98 = arith.cmpi slt, %add3A_91, %sign3A_97 : i32
    %sign3A_99 = arith.extui %sign3A_98 : i1 to i32
    %sign3A_100 = arith.subi %sign3A_96, %sign3A_99 : i32
    %sign3A_101 = arith.constant 0 : i32
    %sign3A_102 = arith.cmpi sgt, %jit3A_92, %sign3A_101 : i32
    %sign3A_103 = arith.extui %sign3A_102 : i1 to i32
    %sign3A_104 = arith.constant 0 : i32
    %sign3A_105 = arith.cmpi slt, %jit3A_92, %sign3A_104 : i32
    %sign3A_106 = arith.extui %sign3A_105 : i1 to i32
    %sign3A_107 = arith.subi %sign3A_103, %sign3A_106 : i32
    %ne3A_108 = arith.cmpi ne, %sign3A_100, %sign3A_107 : i32
    %rem3A_109 = arith.remsi %add3A_91, %jit3A_92 : i32
    %ne3A_110 = arith.constant 0 : i32
    %ne3A_111 = arith.cmpi ne, %rem3A_109, %ne3A_110 : i32
    %and3A_112 = arith.andi %ne3A_108, %ne3A_111 : i1
    %sub3A_113 = arith.constant 1 : i32
    %sub3A_114 = arith.subi %div3A_93, %sub3A_113 : i32
    %select_n3A_115 = arith.select %and3A_112, %sub3A_114, %div3A_93 : i32
    %jit3A_116 = arith.constant 4 : i32
    %eq3A_117 = arith.constant 0 : i32
    %eq3A_118 = arith.cmpi eq, %jit3A_116, %eq3A_117 : i32
    %jit3A_119 = arith.constant 1 : i32
    %select_n3A_120 = arith.select %eq3A_118, %jit3A_119, %jit3A_116 : i32
    %rem3A_121 = arith.remsi %add3A_91, %select_n3A_120 : i32
    %ne3A_122 = arith.constant 0 : i32
    %ne3A_123 = arith.cmpi ne, %rem3A_121, %ne3A_122 : i32
    %lt3A_124 = arith.constant 0 : i32
    %lt3A_125 = arith.cmpi slt, %rem3A_121, %lt3A_124 : i32
    %lt3A_126 = arith.constant 0 : i32
    %lt3A_127 = arith.cmpi slt, %select_n3A_120, %lt3A_126 : i32
    %ne3A_128 = arith.xori %lt3A_125, %lt3A_127 : i1
    %and3A_129 = arith.andi %ne3A_128, %ne3A_123 : i1
    %add3A_130 = arith.addi %rem3A_121, %select_n3A_120 : i32
    %select_n3A_131 = arith.select %and3A_129, %add3A_130, %rem3A_121 : i32
    %mul3A_132 = arith.constant 32 : i32
    %mul3A_133 = arith.muli %select_n3A_131, %mul3A_132 : i32
    %jit3A_134 = arith.constant 8 : i32
    %div3A_135 = arith.divsi %select_n3A_115, %jit3A_134 : i32
    %sign3A_136 = arith.constant 0 : i32
    %sign3A_137 = arith.cmpi sgt, %select_n3A_115, %sign3A_136 : i32
    %sign3A_138 = arith.extui %sign3A_137 : i1 to i32
    %sign3A_139 = arith.constant 0 : i32
    %sign3A_140 = arith.cmpi slt, %select_n3A_115, %sign3A_139 : i32
    %sign3A_141 = arith.extui %sign3A_140 : i1 to i32
    %sign3A_142 = arith.subi %sign3A_138, %sign3A_141 : i32
    %sign3A_143 = arith.constant 0 : i32
    %sign3A_144 = arith.cmpi sgt, %jit3A_134, %sign3A_143 : i32
    %sign3A_145 = arith.extui %sign3A_144 : i1 to i32
    %sign3A_146 = arith.constant 0 : i32
    %sign3A_147 = arith.cmpi slt, %jit3A_134, %sign3A_146 : i32
    %sign3A_148 = arith.extui %sign3A_147 : i1 to i32
    %sign3A_149 = arith.subi %sign3A_145, %sign3A_148 : i32
    %ne3A_150 = arith.cmpi ne, %sign3A_142, %sign3A_149 : i32
    %rem3A_151 = arith.remsi %select_n3A_115, %jit3A_134 : i32
    %ne3A_152 = arith.constant 0 : i32
    %ne3A_153 = arith.cmpi ne, %rem3A_151, %ne3A_152 : i32
    %and3A_154 = arith.andi %ne3A_150, %ne3A_153 : i1
    %sub3A_155 = arith.constant 1 : i32
    %sub3A_156 = arith.subi %div3A_135, %sub3A_155 : i32
    %select_n3A_157 = arith.select %and3A_154, %sub3A_156, %div3A_135 : i32
    %jit3A_158 = arith.constant 8 : i32
    %eq3A_159 = arith.constant 0 : i32
    %eq3A_160 = arith.cmpi eq, %jit3A_158, %eq3A_159 : i32
    %jit3A_161 = arith.constant 1 : i32
    %select_n3A_162 = arith.select %eq3A_160, %jit3A_161, %jit3A_158 : i32
    %rem3A_163 = arith.remsi %select_n3A_115, %select_n3A_162 : i32
    %ne3A_164 = arith.constant 0 : i32
    %ne3A_165 = arith.cmpi ne, %rem3A_163, %ne3A_164 : i32
    %lt3A_166 = arith.constant 0 : i32
    %lt3A_167 = arith.cmpi slt, %rem3A_163, %lt3A_166 : i32
    %lt3A_168 = arith.constant 0 : i32
    %lt3A_169 = arith.cmpi slt, %select_n3A_162, %lt3A_168 : i32
    %ne3A_170 = arith.xori %lt3A_167, %lt3A_169 : i1
    %and3A_171 = arith.andi %ne3A_170, %ne3A_165 : i1
    %add3A_172 = arith.addi %rem3A_163, %select_n3A_162 : i32
    %select_n3A_173 = arith.select %and3A_171, %add3A_172, %rem3A_163 : i32
    %mul3A_174 = arith.constant 32 : i32
    %mul3A_175 = arith.muli %add3A_91, %mul3A_174 : i32
    %mul3A_176 = arith.constant 4 : i32
    %mul3A_177 = arith.muli %mul3A_175, %mul3A_176 : i32
    %dma_start3A_178 = arith.constant 0 : i32
    %dma_start3A_179 = tpu.memref_slice %arg2[%select_n3A_157, %mul3A_133, %select_n3A_173, %dma_start3A_178] : memref<25x128x8x128xi32, #tpu.memory_space<hbm>> -> memref<1x32x1x128xi32, #tpu.memory_space<hbm>>
    %dma_start3A_180 = tpu.memref_squeeze %dma_start3A_179 : memref<1x32x1x128xi32, #tpu.memory_space<hbm>> -> memref<32x128xi32, #tpu.memory_space<hbm>>
    %dma_start3A_181 = arith.constant 0 : i32
    %dma_start3A_182 = tpu.memref_slice %arg2[%select_n3A_157, %mul3A_133, %select_n3A_173, %dma_start3A_181] : memref<25x128x8x128xi32, #tpu.memory_space<hbm>> -> memref<1x32x1x128xi32, #tpu.memory_space<hbm>>
    %dma_start3A_183 = tpu.memref_squeeze %dma_start3A_182 : memref<1x32x1x128xi32, #tpu.memory_space<hbm>> -> memref<32x128xi32, #tpu.memory_space<hbm>>
    tpu.enqueue_dma source(%dma_start3A_183 : memref<32x128xi32, #tpu.memory_space<hbm>>) target(%arg7 : memref<32x128xi32, #tpu.memory_space<vmem>>) target_semaphore(%arg11 : memref<!tpu.dma_semaphore, #tpu.memory_space<semaphore_mem>>)
    %scan3A = arith.constant 0 : i32
    %scan3A_184 = arith.constant 0 : i32
    %scan3A_185 = arith.constant 12 : i32
    %scan3A_186 = arith.addi %scan3A_184, %scan3A_185 : i32
    %scan3A_187 = arith.constant 1 : i32
    %scan3A_188 = scf.for %scan3A_391 = %scan3A_184 to %scan3A_186 step %scan3A_187 iter_args(%scan3A_392 = %scan3A) -> (i32)  : i32 {
      %mul3A_393 = arith.constant 2 : i32
      %mul3A_394 = arith.muli %mul3A_393, %scan3A_391 : i32
      %add3A_395 = arith.addi %mul3A_2, %mul3A_394 : i32
      %add3A_396 = arith.constant 0 : i32
      %add3A_397 = arith.addi %add3A_395, %add3A_396 : i32
      %jit3A_398 = arith.constant 4 : i32
      %div3A_399 = arith.divsi %add3A_397, %jit3A_398 : i32
      %sign3A_400 = arith.constant 0 : i32
      %sign3A_401 = arith.cmpi sgt, %add3A_397, %sign3A_400 : i32
      %sign3A_402 = arith.extui %sign3A_401 : i1 to i32
      %sign3A_403 = arith.constant 0 : i32
      %sign3A_404 = arith.cmpi slt, %add3A_397, %sign3A_403 : i32
      %sign3A_405 = arith.extui %sign3A_404 : i1 to i32
      %sign3A_406 = arith.subi %sign3A_402, %sign3A_405 : i32
      %sign3A_407 = arith.constant 0 : i32
      %sign3A_408 = arith.cmpi sgt, %jit3A_398, %sign3A_407 : i32
      %sign3A_409 = arith.extui %sign3A_408 : i1 to i32
      %sign3A_410 = arith.constant 0 : i32
      %sign3A_411 = arith.cmpi slt, %jit3A_398, %sign3A_410 : i32
      %sign3A_412 = arith.extui %sign3A_411 : i1 to i32
      %sign3A_413 = arith.subi %sign3A_409, %sign3A_412 : i32
      %ne3A_414 = arith.cmpi ne, %sign3A_406, %sign3A_413 : i32
      %rem3A_415 = arith.remsi %add3A_397, %jit3A_398 : i32
      %ne3A_416 = arith.constant 0 : i32
      %ne3A_417 = arith.cmpi ne, %rem3A_415, %ne3A_416 : i32
      %and3A_418 = arith.andi %ne3A_414, %ne3A_417 : i1
      %sub3A_419 = arith.constant 1 : i32
      %sub3A_420 = arith.subi %div3A_399, %sub3A_419 : i32
      %select_n3A_421 = arith.select %and3A_418, %sub3A_420, %div3A_399 : i32
      %jit3A_422 = arith.constant 4 : i32
      %eq3A_423 = arith.constant 0 : i32
      %eq3A_424 = arith.cmpi eq, %jit3A_422, %eq3A_423 : i32
      %jit3A_425 = arith.constant 1 : i32
      %select_n3A_426 = arith.select %eq3A_424, %jit3A_425, %jit3A_422 : i32
      %rem3A_427 = arith.remsi %add3A_397, %select_n3A_426 : i32
      %ne3A_428 = arith.constant 0 : i32
      %ne3A_429 = arith.cmpi ne, %rem3A_427, %ne3A_428 : i32
      %lt3A_430 = arith.constant 0 : i32
      %lt3A_431 = arith.cmpi slt, %rem3A_427, %lt3A_430 : i32
      %lt3A_432 = arith.constant 0 : i32
      %lt3A_433 = arith.cmpi slt, %select_n3A_426, %lt3A_432 : i32
      %ne3A_434 = arith.xori %lt3A_431, %lt3A_433 : i1
      %and3A_435 = arith.andi %ne3A_434, %ne3A_429 : i1
      %add3A_436 = arith.addi %rem3A_427, %select_n3A_426 : i32
      %select_n3A_437 = arith.select %and3A_435, %add3A_436, %rem3A_427 : i32
      %mul3A_438 = arith.constant 32 : i32
      %mul3A_439 = arith.muli %select_n3A_437, %mul3A_438 : i32
      %jit3A_440 = arith.constant 8 : i32
      %div3A_441 = arith.divsi %select_n3A_421, %jit3A_440 : i32
      %sign3A_442 = arith.constant 0 : i32
      %sign3A_443 = arith.cmpi sgt, %select_n3A_421, %sign3A_442 : i32
      %sign3A_444 = arith.extui %sign3A_443 : i1 to i32
      %sign3A_445 = arith.constant 0 : i32
      %sign3A_446 = arith.cmpi slt, %select_n3A_421, %sign3A_445 : i32
      %sign3A_447 = arith.extui %sign3A_446 : i1 to i32
      %sign3A_448 = arith.subi %sign3A_444, %sign3A_447 : i32
      %sign3A_449 = arith.constant 0 : i32
      %sign3A_450 = arith.cmpi sgt, %jit3A_440, %sign3A_449 : i32
      %sign3A_451 = arith.extui %sign3A_450 : i1 to i32
      %sign3A_452 = arith.constant 0 : i32
      %sign3A_453 = arith.cmpi slt, %jit3A_440, %sign3A_452 : i32
      %sign3A_454 = arith.extui %sign3A_453 : i1 to i32
      %sign3A_455 = arith.subi %sign3A_451, %sign3A_454 : i32
      %ne3A_456 = arith.cmpi ne, %sign3A_448, %sign3A_455 : i32
      %rem3A_457 = arith.remsi %select_n3A_421, %jit3A_440 : i32
      %ne3A_458 = arith.constant 0 : i32
      %ne3A_459 = arith.cmpi ne, %rem3A_457, %ne3A_458 : i32
      %and3A_460 = arith.andi %ne3A_456, %ne3A_459 : i1
      %sub3A_461 = arith.constant 1 : i32
      %sub3A_462 = arith.subi %div3A_441, %sub3A_461 : i32
      %select_n3A_463 = arith.select %and3A_460, %sub3A_462, %div3A_441 : i32
      %jit3A_464 = arith.constant 8 : i32
      %eq3A_465 = arith.constant 0 : i32
      %eq3A_466 = arith.cmpi eq, %jit3A_464, %eq3A_465 : i32
      %jit3A_467 = arith.constant 1 : i32
      %select_n3A_468 = arith.select %eq3A_466, %jit3A_467, %jit3A_464 : i32
      %rem3A_469 = arith.remsi %select_n3A_421, %select_n3A_468 : i32
      %ne3A_470 = arith.constant 0 : i32
      %ne3A_471 = arith.cmpi ne, %rem3A_469, %ne3A_470 : i32
      %lt3A_472 = arith.constant 0 : i32
      %lt3A_473 = arith.cmpi slt, %rem3A_469, %lt3A_472 : i32
      %lt3A_474 = arith.constant 0 : i32
      %lt3A_475 = arith.cmpi slt, %select_n3A_468, %lt3A_474 : i32
      %ne3A_476 = arith.xori %lt3A_473, %lt3A_475 : i1
      %and3A_477 = arith.andi %ne3A_476, %ne3A_471 : i1
      %add3A_478 = arith.addi %rem3A_469, %select_n3A_468 : i32
      %select_n3A_479 = arith.select %and3A_477, %add3A_478, %rem3A_469 : i32
      %mul3A_480 = arith.constant 32 : i32
      %mul3A_481 = arith.muli %add3A_397, %mul3A_480 : i32
      %mul3A_482 = arith.constant 4 : i32
      %mul3A_483 = arith.muli %mul3A_481, %mul3A_482 : i32
      %dma_wait3A_484 = arith.constant 0 : i32
      %dma_wait3A_485 = tpu.memref_slice %arg2[%select_n3A_463, %mul3A_439, %select_n3A_479, %dma_wait3A_484] : memref<25x128x8x128xi32, #tpu.memory_space<hbm>> -> memref<1x32x1x128xi32, #tpu.memory_space<hbm>>
      %dma_wait3A_486 = tpu.memref_squeeze %dma_wait3A_485 : memref<1x32x1x128xi32, #tpu.memory_space<hbm>> -> memref<32x128xi32, #tpu.memory_space<hbm>>
      %dma_wait3A_487 = arith.constant 0 : i32
      %dma_wait3A_488 = tpu.memref_slice %arg2[%select_n3A_463, %mul3A_439, %select_n3A_479, %dma_wait3A_487] : memref<25x128x8x128xi32, #tpu.memory_space<hbm>> -> memref<1x32x1x128xi32, #tpu.memory_space<hbm>>
      %dma_wait3A_489 = tpu.memref_squeeze %dma_wait3A_488 : memref<1x32x1x128xi32, #tpu.memory_space<hbm>> -> memref<32x128xi32, #tpu.memory_space<hbm>>
      tpu.wait_dma2 semaphore(%arg10 : memref<!tpu.dma_semaphore, #tpu.memory_space<semaphore_mem>>) src(%dma_wait3A_489 : memref<32x128xi32, #tpu.memory_space<hbm>>) dst(%arg6 : memref<32x128xi32, #tpu.memory_space<vmem>>)
      %gt3A = arith.constant 0 : i32
      %gt3A_490 = arith.cmpi sgt, %scan3A_391, %gt3A : i32
      %convert_element_type3A = arith.extui %gt3A_490 : i1 to i32
      %cond3A = arith.constant 0 : i32
      %cond3A_491 = arith.cmpi ne, %convert_element_type3A, %cond3A : i32
      scf.if %cond3A_491 {
        %dma_wait3A_799 = arith.constant 0 : i32
        %dma_wait3A_800 = tpu.memref_slice %arg4[%mul3A_483, %dma_wait3A_799] : memref<102400x128xf32, #tpu.memory_space<hbm>> -> memref<128x128xf32, #tpu.memory_space<hbm>>
        %dma_wait3A_801 = arith.constant 0 : i32
        %dma_wait3A_802 = tpu.memref_slice %arg4[%mul3A_483, %dma_wait3A_801] : memref<102400x128xf32, #tpu.memory_space<hbm>> -> memref<128x128xf32, #tpu.memory_space<hbm>>
        tpu.wait_dma2 semaphore(%arg12 : memref<!tpu.dma_semaphore, #tpu.memory_space<semaphore_mem>>) src(%arg8 : memref<128x128xf32, #tpu.memory_space<vmem>>) dst(%dma_wait3A_802 : memref<128x128xf32, #tpu.memory_space<hbm>>)
      } else {
      }
      %parallel_loop3A_492 = arith.constant 0 : i32
      %parallel_loop3A_493 = arith.constant 32 : i32
      %parallel_loop3A_494 = arith.constant 1 : i32
      scf.for %parallel_loop3A_799 = %parallel_loop3A_492 to %parallel_loop3A_493 step %parallel_loop3A_494  : i32 {
        %parallel_loop3A_800 = arith.index_cast %parallel_loop3A_799 : i32 to index
        %parallel_loop3A_801 = arith.constant 0 : index
        %parallel_loop3A_802 = tpu.vector_load %arg6[%parallel_loop3A_800, %parallel_loop3A_801] {strides = array<i32>} : memref<32x128xi32, #tpu.memory_space<vmem>>, vector<16xi32>,
        %parallel_loop3A_803 = arith.constant 2048 : i32
        %parallel_loop3A_804 = vector.broadcast %parallel_loop3A_803 : i32 to vector<16xi32>
        %parallel_loop3A_805 = arith.minsi %parallel_loop3A_802, %parallel_loop3A_804 : vector<16xi32>
        %parallel_loop3A_806 = arith.constant 0 : i32
        %parallel_loop3A_807 = vector.broadcast %parallel_loop3A_806 : i32 to vector<16xi32>
        %parallel_loop3A_808 = arith.addi %parallel_loop3A_805, %parallel_loop3A_807 : vector<16xi32>
        %parallel_loop3A_809 = tpu.vector_load_idx %arg5[%parallel_loop3A_808] : memref<8208xf32, #tpu.memory_space<vmem>>[vector<16xi32>], vector<16xf32>,
        %parallel_loop3A_810 = arith.constant 4 : i32
        %parallel_loop3A_811 = arith.muli %parallel_loop3A_799, %parallel_loop3A_810 : i32
        %parallel_loop3A_812 = arith.constant 0 : i32
        %parallel_loop3A_813 = arith.addi %parallel_loop3A_811, %parallel_loop3A_812 : i32
        %parallel_loop3A_814 = arith.index_cast %parallel_loop3A_813 : i32 to index
        %parallel_loop3A_815 = arith.constant 0 : index
        %parallel_loop3A_816 = tpu.vector_load %arg8[%parallel_loop3A_814, %parallel_loop3A_815] {strides = array<i32>} : memref<128x128xf32, #tpu.memory_space<vmem>>, vector<16xf32>,
        tpu.vector_store %arg8[%parallel_loop3A_814, %parallel_loop3A_815], %parallel_loop3A_809 {strides = array<i32>} : memref<128x128xf32, #tpu.memory_space<vmem>>, vector<16xf32>,
        %parallel_loop3A_817 = arith.constant 2052 : i32
        %parallel_loop3A_818 = vector.broadcast %parallel_loop3A_817 : i32 to vector<16xi32>
        %parallel_loop3A_819 = arith.addi %parallel_loop3A_805, %parallel_loop3A_818 : vector<16xi32>
        %parallel_loop3A_820 = tpu.vector_load_idx %arg5[%parallel_loop3A_819] : memref<8208xf32, #tpu.memory_space<vmem>>[vector<16xi32>], vector<16xf32>,
        %parallel_loop3A_821 = arith.constant 4 : i32
        %parallel_loop3A_822 = arith.muli %parallel_loop3A_799, %parallel_loop3A_821 : i32
        %parallel_loop3A_823 = arith.constant 1 : i32
        %parallel_loop3A_824 = arith.addi %parallel_loop3A_822, %parallel_loop3A_823 : i32
        %parallel_loop3A_825 = arith.index_cast %parallel_loop3A_824 : i32 to index
        %parallel_loop3A_826 = arith.constant 0 : index
        %parallel_loop3A_827 = tpu.vector_load %arg8[%parallel_loop3A_825, %parallel_loop3A_826] {strides = array<i32>} : memref<128x128xf32, #tpu.memory_space<vmem>>, vector<16xf32>,
        tpu.vector_store %arg8[%parallel_loop3A_825, %parallel_loop3A_826], %parallel_loop3A_820 {strides = array<i32>} : memref<128x128xf32, #tpu.memory_space<vmem>>, vector<16xf32>,
        %parallel_loop3A_828 = arith.constant 4104 : i32
        %parallel_loop3A_829 = vector.broadcast %parallel_loop3A_828 : i32 to vector<16xi32>
        %parallel_loop3A_830 = arith.addi %parallel_loop3A_805, %parallel_loop3A_829 : vector<16xi32>
        %parallel_loop3A_831 = tpu.vector_load_idx %arg5[%parallel_loop3A_830] : memref<8208xf32, #tpu.memory_space<vmem>>[vector<16xi32>], vector<16xf32>,
        %parallel_loop3A_832 = arith.constant 4 : i32
        %parallel_loop3A_833 = arith.muli %parallel_loop3A_799, %parallel_loop3A_832 : i32
        %parallel_loop3A_834 = arith.constant 2 : i32
        %parallel_loop3A_835 = arith.addi %parallel_loop3A_833, %parallel_loop3A_834 : i32
        %parallel_loop3A_836 = arith.index_cast %parallel_loop3A_835 : i32 to index
        %parallel_loop3A_837 = arith.constant 0 : index
        %parallel_loop3A_838 = tpu.vector_load %arg8[%parallel_loop3A_836, %parallel_loop3A_837] {strides = array<i32>} : memref<128x128xf32, #tpu.memory_space<vmem>>, vector<16xf32>,
        tpu.vector_store %arg8[%parallel_loop3A_836, %parallel_loop3A_837], %parallel_loop3A_831 {strides = array<i32>} : memref<128x128xf32, #tpu.memory_space<vmem>>, vector<16xf32>,
        %parallel_loop3A_839 = arith.constant 6156 : i32
        %parallel_loop3A_840 = vector.broadcast %parallel_loop3A_839 : i32 to vector<16xi32>
        %parallel_loop3A_841 = arith.addi %parallel_loop3A_805, %parallel_loop3A_840 : vector<16xi32>
        %parallel_loop3A_842 = tpu.vector_load_idx %arg5[%parallel_loop3A_841] : memref<8208xf32, #tpu.memory_space<vmem>>[vector<16xi32>], vector<16xf32>,
        %parallel_loop3A_843 = arith.constant 4 : i32
        %parallel_loop3A_844 = arith.muli %parallel_loop3A_799, %parallel_loop3A_843 : i32
        %parallel_loop3A_845 = arith.constant 3 : i32
        %parallel_loop3A_846 = arith.addi %parallel_loop3A_844, %parallel_loop3A_845 : i32
        %parallel_loop3A_847 = arith.index_cast %parallel_loop3A_846 : i32 to index
        %parallel_loop3A_848 = arith.constant 0 : index
        %parallel_loop3A_849 = tpu.vector_load %arg8[%parallel_loop3A_847, %parallel_loop3A_848] {strides = array<i32>} : memref<128x128xf32, #tpu.memory_space<vmem>>, vector<16xf32>,
        tpu.vector_store %arg8[%parallel_loop3A_847, %parallel_loop3A_848], %parallel_loop3A_842 {strides = array<i32>} : memref<128x128xf32, #tpu.memory_space<vmem>>, vector<16xf32>,
        %parallel_loop3A_850 = arith.index_cast %parallel_loop3A_799 : i32 to index
        %parallel_loop3A_851 = arith.constant 16 : index
        %parallel_loop3A_852 = tpu.vector_load %arg6[%parallel_loop3A_850, %parallel_loop3A_851] {strides = array<i32>} : memref<32x128xi32, #tpu.memory_space<vmem>>, vector<16xi32>,
        %parallel_loop3A_853 = arith.constant 2048 : i32
        %parallel_loop3A_854 = vector.broadcast %parallel_loop3A_853 : i32 to vector<16xi32>
        %parallel_loop3A_855 = arith.minsi %parallel_loop3A_852, %parallel_loop3A_854 : vector<16xi32>
        %parallel_loop3A_856 = arith.constant 0 : i32
        %parallel_loop3A_857 = vector.broadcast %parallel_loop3A_856 : i32 to vector<16xi32>
        %parallel_loop3A_858 = arith.addi %parallel_loop3A_855, %parallel_loop3A_857 : vector<16xi32>
        %parallel_loop3A_859 = tpu.vector_load_idx %arg5[%parallel_loop3A_858] : memref<8208xf32, #tpu.memory_space<vmem>>[vector<16xi32>], vector<16xf32>,
        %parallel_loop3A_860 = arith.constant 4 : i32
        %parallel_loop3A_861 = arith.muli %parallel_loop3A_799, %parallel_loop3A_860 : i32
        %parallel_loop3A_862 = arith.constant 0 : i32
        %parallel_loop3A_863 = arith.addi %parallel_loop3A_861, %parallel_loop3A_862 : i32
        %parallel_loop3A_864 = arith.index_cast %parallel_loop3A_863 : i32 to index
        %parallel_loop3A_865 = arith.constant 16 : index
        %parallel_loop3A_866 = tpu.vector_load %arg8[%parallel_loop3A_864, %parallel_loop3A_865] {strides = array<i32>} : memref<128x128xf32, #tpu.memory_space<vmem>>, vector<16xf32>,
        tpu.vector_store %arg8[%parallel_loop3A_864, %parallel_loop3A_865], %parallel_loop3A_859 {strides = array<i32>} : memref<128x128xf32, #tpu.memory_space<vmem>>, vector<16xf32>,
        %parallel_loop3A_867 = arith.constant 2052 : i32
        %parallel_loop3A_868 = vector.broadcast %parallel_loop3A_867 : i32 to vector<16xi32>
        %parallel_loop3A_869 = arith.addi %parallel_loop3A_855, %parallel_loop3A_868 : vector<16xi32>
        %parallel_loop3A_870 = tpu.vector_load_idx %arg5[%parallel_loop3A_869] : memref<8208xf32, #tpu.memory_space<vmem>>[vector<16xi32>], vector<16xf32>,
        %parallel_loop3A_871 = arith.constant 4 : i32
        %parallel_loop3A_872 = arith.muli %parallel_loop3A_799, %parallel_loop3A_871 : i32
        %parallel_loop3A_873 = arith.constant 1 : i32
        %parallel_loop3A_874 = arith.addi %parallel_loop3A_872, %parallel_loop3A_873 : i32
        %parallel_loop3A_875 = arith.index_cast %parallel_loop3A_874 : i32 to index
        %parallel_loop3A_876 = arith.constant 16 : index
        %parallel_loop3A_877 = tpu.vector_load %arg8[%parallel_loop3A_875, %parallel_loop3A_876] {strides = array<i32>} : memref<128x128xf32, #tpu.memory_space<vmem>>, vector<16xf32>,
        tpu.vector_store %arg8[%parallel_loop3A_875, %parallel_loop3A_876], %parallel_loop3A_870 {strides = array<i32>} : memref<128x128xf32, #tpu.memory_space<vmem>>, vector<16xf32>,
        %parallel_loop3A_878 = arith.constant 4104 : i32
        %parallel_loop3A_879 = vector.broadcast %parallel_loop3A_878 : i32 to vector<16xi32>
        %parallel_loop3A_880 = arith.addi %parallel_loop3A_855, %parallel_loop3A_879 : vector<16xi32>
        %parallel_loop3A_881 = tpu.vector_load_idx %arg5[%parallel_loop3A_880] : memref<8208xf32, #tpu.memory_space<vmem>>[vector<16xi32>], vector<16xf32>,
        %parallel_loop3A_882 = arith.constant 4 : i32
        %parallel_loop3A_883 = arith.muli %parallel_loop3A_799, %parallel_loop3A_882 : i32
        %parallel_loop3A_884 = arith.constant 2 : i32
        %parallel_loop3A_885 = arith.addi %parallel_loop3A_883, %parallel_loop3A_884 : i32
        %parallel_loop3A_886 = arith.index_cast %parallel_loop3A_885 : i32 to index
        %parallel_loop3A_887 = arith.constant 16 : index
        %parallel_loop3A_888 = tpu.vector_load %arg8[%parallel_loop3A_886, %parallel_loop3A_887] {strides = array<i32>} : memref<128x128xf32, #tpu.memory_space<vmem>>, vector<16xf32>,
        tpu.vector_store %arg8[%parallel_loop3A_886, %parallel_loop3A_887], %parallel_loop3A_881 {strides = array<i32>} : memref<128x128xf32, #tpu.memory_space<vmem>>, vector<16xf32>,
        %parallel_loop3A_889 = arith.constant 6156 : i32
        %parallel_loop3A_890 = vector.broadcast %parallel_loop3A_889 : i32 to vector<16xi32>
        %parallel_loop3A_891 = arith.addi %parallel_loop3A_855, %parallel_loop3A_890 : vector<16xi32>
        %parallel_loop3A_892 = tpu.vector_load_idx %arg5[%parallel_loop3A_891] : memref<8208xf32, #tpu.memory_space<vmem>>[vector<16xi32>], vector<16xf32>,
        %parallel_loop3A_893 = arith.constant 4 : i32
        %parallel_loop3A_894 = arith.muli %parallel_loop3A_799, %parallel_loop3A_893 : i32
        %parallel_loop3A_895 = arith.constant 3 : i32
        %parallel_loop3A_896 = arith.addi %parallel_loop3A_894, %parallel_loop3A_895 : i32
        %parallel_loop3A_897 = arith.index_cast %parallel_loop3A_896 : i32 to index
        %parallel_loop3A_898 = arith.constant 16 : index
        %parallel_loop3A_899 = tpu.vector_load %arg8[%parallel_loop3A_897, %parallel_loop3A_898] {strides = array<i32>} : memref<128x128xf32, #tpu.memory_space<vmem>>, vector<16xf32>,
        tpu.vector_store %arg8[%parallel_loop3A_897, %parallel_loop3A_898], %parallel_loop3A_892 {strides = array<i32>} : memref<128x128xf32, #tpu.memory_space<vmem>>, vector<16xf32>,
        %parallel_loop3A_900 = arith.index_cast %parallel_loop3A_799 : i32 to index
        %parallel_loop3A_901 = arith.constant 32 : index
        %parallel_loop3A_902 = tpu.vector_load %arg6[%parallel_loop3A_900, %parallel_loop3A_901] {strides = array<i32>} : memref<32x128xi32, #tpu.memory_space<vmem>>, vector<16xi32>,
        %parallel_loop3A_903 = arith.constant 2048 : i32
        %parallel_loop3A_904 = vector.broadcast %parallel_loop3A_903 : i32 to vector<16xi32>
        %parallel_loop3A_905 = arith.minsi %parallel_loop3A_902, %parallel_loop3A_904 : vector<16xi32>
        %parallel_loop3A_906 = arith.constant 0 : i32
        %parallel_loop3A_907 = vector.broadcast %parallel_loop3A_906 : i32 to vector<16xi32>
        %parallel_loop3A_908 = arith.addi %parallel_loop3A_905, %parallel_loop3A_907 : vector<16xi32>
        %parallel_loop3A_909 = tpu.vector_load_idx %arg5[%parallel_loop3A_908] : memref<8208xf32, #tpu.memory_space<vmem>>[vector<16xi32>], vector<16xf32>,
        %parallel_loop3A_910 = arith.constant 4 : i32
        %parallel_loop3A_911 = arith.muli %parallel_loop3A_799, %parallel_loop3A_910 : i32
        %parallel_loop3A_912 = arith.constant 0 : i32
        %parallel_loop3A_913 = arith.addi %parallel_loop3A_911, %parallel_loop3A_912 : i32
        %parallel_loop3A_914 = arith.index_cast %parallel_loop3A_913 : i32 to index
        %parallel_loop3A_915 = arith.constant 32 : index
        %parallel_loop3A_916 = tpu.vector_load %arg8[%parallel_loop3A_914, %parallel_loop3A_915] {strides = array<i32>} : memref<128x128xf32, #tpu.memory_space<vmem>>, vector<16xf32>,
        tpu.vector_store %arg8[%parallel_loop3A_914, %parallel_loop3A_915], %parallel_loop3A_909 {strides = array<i32>} : memref<128x128xf32, #tpu.memory_space<vmem>>, vector<16xf32>,
        %parallel_loop3A_917 = arith.constant 2052 : i32
        %parallel_loop3A_918 = vector.broadcast %parallel_loop3A_917 : i32 to vector<16xi32>
        %parallel_loop3A_919 = arith.addi %parallel_loop3A_905, %parallel_loop3A_918 : vector<16xi32>
        %parallel_loop3A_920 = tpu.vector_load_idx %arg5[%parallel_loop3A_919] : memref<8208xf32, #tpu.memory_space<vmem>>[vector<16xi32>], vector<16xf32>,
        %parallel_loop3A_921 = arith.constant 4 : i32
        %parallel_loop3A_922 = arith.muli %parallel_loop3A_799, %parallel_loop3A_921 : i32
        %parallel_loop3A_923 = arith.constant 1 : i32
        %parallel_loop3A_924 = arith.addi %parallel_loop3A_922, %parallel_loop3A_923 : i32
        %parallel_loop3A_925 = arith.index_cast %parallel_loop3A_924 : i32 to index
        %parallel_loop3A_926 = arith.constant 32 : index
        %parallel_loop3A_927 = tpu.vector_load %arg8[%parallel_loop3A_925, %parallel_loop3A_926] {strides = array<i32>} : memref<128x128xf32, #tpu.memory_space<vmem>>, vector<16xf32>,
        tpu.vector_store %arg8[%parallel_loop3A_925, %parallel_loop3A_926], %parallel_loop3A_920 {strides = array<i32>} : memref<128x128xf32, #tpu.memory_space<vmem>>, vector<16xf32>,
        %parallel_loop3A_928 = arith.constant 4104 : i32
        %parallel_loop3A_929 = vector.broadcast %parallel_loop3A_928 : i32 to vector<16xi32>
        %parallel_loop3A_930 = arith.addi %parallel_loop3A_905, %parallel_loop3A_929 : vector<16xi32>
        %parallel_loop3A_931 = tpu.vector_load_idx %arg5[%parallel_loop3A_930] : memref<8208xf32, #tpu.memory_space<vmem>>[vector<16xi32>], vector<16xf32>,
        %parallel_loop3A_932 = arith.constant 4 : i32
        %parallel_loop3A_933 = arith.muli %parallel_loop3A_799, %parallel_loop3A_932 : i32
        %parallel_loop3A_934 = arith.constant 2 : i32
        %parallel_loop3A_935 = arith.addi %parallel_loop3A_933, %parallel_loop3A_934 : i32
        %parallel_loop3A_936 = arith.index_cast %parallel_loop3A_935 : i32 to index
        %parallel_loop3A_937 = arith.constant 32 : index
        %parallel_loop3A_938 = tpu.vector_load %arg8[%parallel_loop3A_936, %parallel_loop3A_937] {strides = array<i32>} : memref<128x128xf32, #tpu.memory_space<vmem>>, vector<16xf32>,
        tpu.vector_store %arg8[%parallel_loop3A_936, %parallel_loop3A_937], %parallel_loop3A_931 {strides = array<i32>} : memref<128x128xf32, #tpu.memory_space<vmem>>, vector<16xf32>,
        %parallel_loop3A_939 = arith.constant 6156 : i32
        %parallel_loop3A_940 = vector.broadcast %parallel_loop3A_939 : i32 to vector<16xi32>
        %parallel_loop3A_941 = arith.addi %parallel_loop3A_905, %parallel_loop3A_940 : vector<16xi32>
        %parallel_loop3A_942 = tpu.vector_load_idx %arg5[%parallel_loop3A_941] : memref<8208xf32, #tpu.memory_space<vmem>>[vector<16xi32>], vector<16xf32>,
        %parallel_loop3A_943 = arith.constant 4 : i32
        %parallel_loop3A_944 = arith.muli %parallel_loop3A_799, %parallel_loop3A_943 : i32
        %parallel_loop3A_945 = arith.constant 3 : i32
        %parallel_loop3A_946 = arith.addi %parallel_loop3A_944, %parallel_loop3A_945 : i32
        %parallel_loop3A_947 = arith.index_cast %parallel_loop3A_946 : i32 to index
        %parallel_loop3A_948 = arith.constant 32 : index
        %parallel_loop3A_949 = tpu.vector_load %arg8[%parallel_loop3A_947, %parallel_loop3A_948] {strides = array<i32>} : memref<128x128xf32, #tpu.memory_space<vmem>>, vector<16xf32>,
        tpu.vector_store %arg8[%parallel_loop3A_947, %parallel_loop3A_948], %parallel_loop3A_942 {strides = array<i32>} : memref<128x128xf32, #tpu.memory_space<vmem>>, vector<16xf32>,
        %parallel_loop3A_950 = arith.index_cast %parallel_loop3A_799 : i32 to index
        %parallel_loop3A_951 = arith.constant 48 : index
        %parallel_loop3A_952 = tpu.vector_load %arg6[%parallel_loop3A_950, %parallel_loop3A_951] {strides = array<i32>} : memref<32x128xi32, #tpu.memory_space<vmem>>, vector<16xi32>,
        %parallel_loop3A_953 = arith.constant 2048 : i32
        %parallel_loop3A_954 = vector.broadcast %parallel_loop3A_953 : i32 to vector<16xi32>
        %parallel_loop3A_955 = arith.minsi %parallel_loop3A_952, %parallel_loop3A_954 : vector<16xi32>
        %parallel_loop3A_956 = arith.constant 0 : i32
        %parallel_loop3A_957 = vector.broadcast %parallel_loop3A_956 : i32 to vector<16xi32>
        %parallel_loop3A_958 = arith.addi %parallel_loop3A_955, %parallel_loop3A_957 : vector<16xi32>
        %parallel_loop3A_959 = tpu.vector_load_idx %arg5[%parallel_loop3A_958] : memref<8208xf32, #tpu.memory_space<vmem>>[vector<16xi32>], vector<16xf32>,
        %parallel_loop3A_960 = arith.constant 4 : i32
        %parallel_loop3A_961 = arith.muli %parallel_loop3A_799, %parallel_loop3A_960 : i32
        %parallel_loop3A_962 = arith.constant 0 : i32
        %parallel_loop3A_963 = arith.addi %parallel_loop3A_961, %parallel_loop3A_962 : i32
        %parallel_loop3A_964 = arith.index_cast %parallel_loop3A_963 : i32 to index
        %parallel_loop3A_965 = arith.constant 48 : index
        %parallel_loop3A_966 = tpu.vector_load %arg8[%parallel_loop3A_964, %parallel_loop3A_965] {strides = array<i32>} : memref<128x128xf32, #tpu.memory_space<vmem>>, vector<16xf32>,
        tpu.vector_store %arg8[%parallel_loop3A_964, %parallel_loop3A_965], %parallel_loop3A_959 {strides = array<i32>} : memref<128x128xf32, #tpu.memory_space<vmem>>, vector<16xf32>,
        %parallel_loop3A_967 = arith.constant 2052 : i32
        %parallel_loop3A_968 = vector.broadcast %parallel_loop3A_967 : i32 to vector<16xi32>
        %parallel_loop3A_969 = arith.addi %parallel_loop3A_955, %parallel_loop3A_968 : vector<16xi32>
        %parallel_loop3A_970 = tpu.vector_load_idx %arg5[%parallel_loop3A_969] : memref<8208xf32, #tpu.memory_space<vmem>>[vector<16xi32>], vector<16xf32>,
        %parallel_loop3A_971 = arith.constant 4 : i32
        %parallel_loop3A_972 = arith.muli %parallel_loop3A_799, %parallel_loop3A_971 : i32
        %parallel_loop3A_973 = arith.constant 1 : i32
        %parallel_loop3A_974 = arith.addi %parallel_loop3A_972, %parallel_loop3A_973 : i32
        %parallel_loop3A_975 = arith.index_cast %parallel_loop3A_974 : i32 to index
        %parallel_loop3A_976 = arith.constant 48 : index
        %parallel_loop3A_977 = tpu.vector_load %arg8[%parallel_loop3A_975, %parallel_loop3A_976] {strides = array<i32>} : memref<128x128xf32, #tpu.memory_space<vmem>>, vector<16xf32>,
        tpu.vector_store %arg8[%parallel_loop3A_975, %parallel_loop3A_976], %parallel_loop3A_970 {strides = array<i32>} : memref<128x128xf32, #tpu.memory_space<vmem>>, vector<16xf32>,
        %parallel_loop3A_978 = arith.constant 4104 : i32
        %parallel_loop3A_979 = vector.broadcast %parallel_loop3A_978 : i32 to vector<16xi32>
        %parallel_loop3A_980 = arith.addi %parallel_loop3A_955, %parallel_loop3A_979 : vector<16xi32>
        %parallel_loop3A_981 = tpu.vector_load_idx %arg5[%parallel_loop3A_980] : memref<8208xf32, #tpu.memory_space<vmem>>[vector<16xi32>], vector<16xf32>,
        %parallel_loop3A_982 = arith.constant 4 : i32
        %parallel_loop3A_983 = arith.muli %parallel_loop3A_799, %parallel_loop3A_982 : i32
        %parallel_loop3A_984 = arith.constant 2 : i32
        %parallel_loop3A_985 = arith.addi %parallel_loop3A_983, %parallel_loop3A_984 : i32
        %parallel_loop3A_986 = arith.index_cast %parallel_loop3A_985 : i32 to index
        %parallel_loop3A_987 = arith.constant 48 : index
        %parallel_loop3A_988 = tpu.vector_load %arg8[%parallel_loop3A_986, %parallel_loop3A_987] {strides = array<i32>} : memref<128x128xf32, #tpu.memory_space<vmem>>, vector<16xf32>,
        tpu.vector_store %arg8[%parallel_loop3A_986, %parallel_loop3A_987], %parallel_loop3A_981 {strides = array<i32>} : memref<128x128xf32, #tpu.memory_space<vmem>>, vector<16xf32>,
        %parallel_loop3A_989 = arith.constant 6156 : i32
        %parallel_loop3A_990 = vector.broadcast %parallel_loop3A_989 : i32 to vector<16xi32>
        %parallel_loop3A_991 = arith.addi %parallel_loop3A_955, %parallel_loop3A_990 : vector<16xi32>
        %parallel_loop3A_992 = tpu.vector_load_idx %arg5[%parallel_loop3A_991] : memref<8208xf32, #tpu.memory_space<vmem>>[vector<16xi32>], vector<16xf32>,
        %parallel_loop3A_993 = arith.constant 4 : i32
        %parallel_loop3A_994 = arith.muli %parallel_loop3A_799, %parallel_loop3A_993 : i32
        %parallel_loop3A_995 = arith.constant 3 : i32
        %parallel_loop3A_996 = arith.addi %parallel_loop3A_994, %parallel_loop3A_995 : i32
        %parallel_loop3A_997 = arith.index_cast %parallel_loop3A_996 : i32 to index
        %parallel_loop3A_998 = arith.constant 48 : index
        %parallel_loop3A_999 = tpu.vector_load %arg8[%parallel_loop3A_997, %parallel_loop3A_998] {strides = array<i32>} : memref<128x128xf32, #tpu.memory_space<vmem>>, vector<16xf32>,
        tpu.vector_store %arg8[%parallel_loop3A_997, %parallel_loop3A_998], %parallel_loop3A_992 {strides = array<i32>} : memref<128x128xf32, #tpu.memory_space<vmem>>, vector<16xf32>,
        %parallel_loop3A_1000 = arith.index_cast %parallel_loop3A_799 : i32 to index
        %parallel_loop3A_1001 = arith.constant 64 : index
        %parallel_loop3A_1002 = tpu.vector_load %arg6[%parallel_loop3A_1000, %parallel_loop3A_1001] {strides = array<i32>} : memref<32x128xi32, #tpu.memory_space<vmem>>, vector<16xi32>,
        %parallel_loop3A_1003 = arith.constant 2048 : i32
        %parallel_loop3A_1004 = vector.broadcast %parallel_loop3A_1003 : i32 to vector<16xi32>
        %parallel_loop3A_1005 = arith.minsi %parallel_loop3A_1002, %parallel_loop3A_1004 : vector<16xi32>
        %parallel_loop3A_1006 = arith.constant 0 : i32
        %parallel_loop3A_1007 = vector.broadcast %parallel_loop3A_1006 : i32 to vector<16xi32>
        %parallel_loop3A_1008 = arith.addi %parallel_loop3A_1005, %parallel_loop3A_1007 : vector<16xi32>
        %parallel_loop3A_1009 = tpu.vector_load_idx %arg5[%parallel_loop3A_1008] : memref<8208xf32, #tpu.memory_space<vmem>>[vector<16xi32>], vector<16xf32>,
        %parallel_loop3A_1010 = arith.constant 4 : i32
        %parallel_loop3A_1011 = arith.muli %parallel_loop3A_799, %parallel_loop3A_1010 : i32
        %parallel_loop3A_1012 = arith.constant 0 : i32
        %parallel_loop3A_1013 = arith.addi %parallel_loop3A_1011, %parallel_loop3A_1012 : i32
        %parallel_loop3A_1014 = arith.index_cast %parallel_loop3A_1013 : i32 to index
        %parallel_loop3A_1015 = arith.constant 64 : index
        %parallel_loop3A_1016 = tpu.vector_load %arg8[%parallel_loop3A_1014, %parallel_loop3A_1015] {strides = array<i32>} : memref<128x128xf32, #tpu.memory_space<vmem>>, vector<16xf32>,
        tpu.vector_store %arg8[%parallel_loop3A_1014, %parallel_loop3A_1015], %parallel_loop3A_1009 {strides = array<i32>} : memref<128x128xf32, #tpu.memory_space<vmem>>, vector<16xf32>,
        %parallel_loop3A_1017 = arith.constant 2052 : i32
        %parallel_loop3A_1018 = vector.broadcast %parallel_loop3A_1017 : i32 to vector<16xi32>
        %parallel_loop3A_1019 = arith.addi %parallel_loop3A_1005, %parallel_loop3A_1018 : vector<16xi32>
        %parallel_loop3A_1020 = tpu.vector_load_idx %arg5[%parallel_loop3A_1019] : memref<8208xf32, #tpu.memory_space<vmem>>[vector<16xi32>], vector<16xf32>,
        %parallel_loop3A_1021 = arith.constant 4 : i32
        %parallel_loop3A_1022 = arith.muli %parallel_loop3A_799, %parallel_loop3A_1021 : i32
        %parallel_loop3A_1023 = arith.constant 1 : i32
        %parallel_loop3A_1024 = arith.addi %parallel_loop3A_1022, %parallel_loop3A_1023 : i32
        %parallel_loop3A_1025 = arith.index_cast %parallel_loop3A_1024 : i32 to index
        %parallel_loop3A_1026 = arith.constant 64 : index
        %parallel_loop3A_1027 = tpu.vector_load %arg8[%parallel_loop3A_1025, %parallel_loop3A_1026] {strides = array<i32>} : memref<128x128xf32, #tpu.memory_space<vmem>>, vector<16xf32>,
        tpu.vector_store %arg8[%parallel_loop3A_1025, %parallel_loop3A_1026], %parallel_loop3A_1020 {strides = array<i32>} : memref<128x128xf32, #tpu.memory_space<vmem>>, vector<16xf32>,
        %parallel_loop3A_1028 = arith.constant 4104 : i32
        %parallel_loop3A_1029 = vector.broadcast %parallel_loop3A_1028 : i32 to vector<16xi32>
        %parallel_loop3A_1030 = arith.addi %parallel_loop3A_1005, %parallel_loop3A_1029 : vector<16xi32>
        %parallel_loop3A_1031 = tpu.vector_load_idx %arg5[%parallel_loop3A_1030] : memref<8208xf32, #tpu.memory_space<vmem>>[vector<16xi32>], vector<16xf32>,
        %parallel_loop3A_1032 = arith.constant 4 : i32
        %parallel_loop3A_1033 = arith.muli %parallel_loop3A_799, %parallel_loop3A_1032 : i32
        %parallel_loop3A_1034 = arith.constant 2 : i32
        %parallel_loop3A_1035 = arith.addi %parallel_loop3A_1033, %parallel_loop3A_1034 : i32
        %parallel_loop3A_1036 = arith.index_cast %parallel_loop3A_1035 : i32 to index
        %parallel_loop3A_1037 = arith.constant 64 : index
        %parallel_loop3A_1038 = tpu.vector_load %arg8[%parallel_loop3A_1036, %parallel_loop3A_1037] {strides = array<i32>} : memref<128x128xf32, #tpu.memory_space<vmem>>, vector<16xf32>,
        tpu.vector_store %arg8[%parallel_loop3A_1036, %parallel_loop3A_1037], %parallel_loop3A_1031 {strides = array<i32>} : memref<128x128xf32, #tpu.memory_space<vmem>>, vector<16xf32>,
        %parallel_loop3A_1039 = arith.constant 6156 : i32
        %parallel_loop3A_1040 = vector.broadcast %parallel_loop3A_1039 : i32 to vector<16xi32>
        %parallel_loop3A_1041 = arith.addi %parallel_loop3A_1005, %parallel_loop3A_1040 : vector<16xi32>
        %parallel_loop3A_1042 = tpu.vector_load_idx %arg5[%parallel_loop3A_1041] : memref<8208xf32, #tpu.memory_space<vmem>>[vector<16xi32>], vector<16xf32>,
        %parallel_loop3A_1043 = arith.constant 4 : i32
        %parallel_loop3A_1044 = arith.muli %parallel_loop3A_799, %parallel_loop3A_1043 : i32
        %parallel_loop3A_1045 = arith.constant 3 : i32
        %parallel_loop3A_1046 = arith.addi %parallel_loop3A_1044, %parallel_loop3A_1045 : i32
        %parallel_loop3A_1047 = arith.index_cast %parallel_loop3A_1046 : i32 to index
        %parallel_loop3A_1048 = arith.constant 64 : index
        %parallel_loop3A_1049 = tpu.vector_load %arg8[%parallel_loop3A_1047, %parallel_loop3A_1048] {strides = array<i32>} : memref<128x128xf32, #tpu.memory_space<vmem>>, vector<16xf32>,
        tpu.vector_store %arg8[%parallel_loop3A_1047, %parallel_loop3A_1048], %parallel_loop3A_1042 {strides = array<i32>} : memref<128x128xf32, #tpu.memory_space<vmem>>, vector<16xf32>,
        %parallel_loop3A_1050 = arith.index_cast %parallel_loop3A_799 : i32 to index
        %parallel_loop3A_1051 = arith.constant 80 : index
        %parallel_loop3A_1052 = tpu.vector_load %arg6[%parallel_loop3A_1050, %parallel_loop3A_1051] {strides = array<i32>} : memref<32x128xi32, #tpu.memory_space<vmem>>, vector<16xi32>,
        %parallel_loop3A_1053 = arith.constant 2048 : i32
        %parallel_loop3A_1054 = vector.broadcast %parallel_loop3A_1053 : i32 to vector<16xi32>
        %parallel_loop3A_1055 = arith.minsi %parallel_loop3A_1052, %parallel_loop3A_1054 : vector<16xi32>
        %parallel_loop3A_1056 = arith.constant 0 : i32
        %parallel_loop3A_1057 = vector.broadcast %parallel_loop3A_1056 : i32 to vector<16xi32>
        %parallel_loop3A_1058 = arith.addi %parallel_loop3A_1055, %parallel_loop3A_1057 : vector<16xi32>
        %parallel_loop3A_1059 = tpu.vector_load_idx %arg5[%parallel_loop3A_1058] : memref<8208xf32, #tpu.memory_space<vmem>>[vector<16xi32>], vector<16xf32>,
        %parallel_loop3A_1060 = arith.constant 4 : i32
        %parallel_loop3A_1061 = arith.muli %parallel_loop3A_799, %parallel_loop3A_1060 : i32
        %parallel_loop3A_1062 = arith.constant 0 : i32
        %parallel_loop3A_1063 = arith.addi %parallel_loop3A_1061, %parallel_loop3A_1062 : i32
        %parallel_loop3A_1064 = arith.index_cast %parallel_loop3A_1063 : i32 to index
        %parallel_loop3A_1065 = arith.constant 80 : index
        %parallel_loop3A_1066 = tpu.vector_load %arg8[%parallel_loop3A_1064, %parallel_loop3A_1065] {strides = array<i32>} : memref<128x128xf32, #tpu.memory_space<vmem>>, vector<16xf32>,
        tpu.vector_store %arg8[%parallel_loop3A_1064, %parallel_loop3A_1065], %parallel_loop3A_1059 {strides = array<i32>} : memref<128x128xf32, #tpu.memory_space<vmem>>, vector<16xf32>,
        %parallel_loop3A_1067 = arith.constant 2052 : i32
        %parallel_loop3A_1068 = vector.broadcast %parallel_loop3A_1067 : i32 to vector<16xi32>
        %parallel_loop3A_1069 = arith.addi %parallel_loop3A_1055, %parallel_loop3A_1068 : vector<16xi32>
        %parallel_loop3A_1070 = tpu.vector_load_idx %arg5[%parallel_loop3A_1069] : memref<8208xf32, #tpu.memory_space<vmem>>[vector<16xi32>], vector<16xf32>,
        %parallel_loop3A_1071 = arith.constant 4 : i32
        %parallel_loop3A_1072 = arith.muli %parallel_loop3A_799, %parallel_loop3A_1071 : i32
        %parallel_loop3A_1073 = arith.constant 1 : i32
        %parallel_loop3A_1074 = arith.addi %parallel_loop3A_1072, %parallel_loop3A_1073 : i32
        %parallel_loop3A_1075 = arith.index_cast %parallel_loop3A_1074 : i32 to index
        %parallel_loop3A_1076 = arith.constant 80 : index
        %parallel_loop3A_1077 = tpu.vector_load %arg8[%parallel_loop3A_1075, %parallel_loop3A_1076] {strides = array<i32>} : memref<128x128xf32, #tpu.memory_space<vmem>>, vector<16xf32>,
        tpu.vector_store %arg8[%parallel_loop3A_1075, %parallel_loop3A_1076], %parallel_loop3A_1070 {strides = array<i32>} : memref<128x128xf32, #tpu.memory_space<vmem>>, vector<16xf32>,
        %parallel_loop3A_1078 = arith.constant 4104 : i32
        %parallel_loop3A_1079 = vector.broadcast %parallel_loop3A_1078 : i32 to vector<16xi32>
        %parallel_loop3A_1080 = arith.addi %parallel_loop3A_1055, %parallel_loop3A_1079 : vector<16xi32>
        %parallel_loop3A_1081 = tpu.vector_load_idx %arg5[%parallel_loop3A_1080] : memref<8208xf32, #tpu.memory_space<vmem>>[vector<16xi32>], vector<16xf32>,
        %parallel_loop3A_1082 = arith.constant 4 : i32
        %parallel_loop3A_1083 = arith.muli %parallel_loop3A_799, %parallel_loop3A_1082 : i32
        %parallel_loop3A_1084 = arith.constant 2 : i32
        %parallel_loop3A_1085 = arith.addi %parallel_loop3A_1083, %parallel_loop3A_1084 : i32
        %parallel_loop3A_1086 = arith.index_cast %parallel_loop3A_1085 : i32 to index
        %parallel_loop3A_1087 = arith.constant 80 : index
        %parallel_loop3A_1088 = tpu.vector_load %arg8[%parallel_loop3A_1086, %parallel_loop3A_1087] {strides = array<i32>} : memref<128x128xf32, #tpu.memory_space<vmem>>, vector<16xf32>,
        tpu.vector_store %arg8[%parallel_loop3A_1086, %parallel_loop3A_1087], %parallel_loop3A_1081 {strides = array<i32>} : memref<128x128xf32, #tpu.memory_space<vmem>>, vector<16xf32>,
        %parallel_loop3A_1089 = arith.constant 6156 : i32
        %parallel_loop3A_1090 = vector.broadcast %parallel_loop3A_1089 : i32 to vector<16xi32>
        %parallel_loop3A_1091 = arith.addi %parallel_loop3A_1055, %parallel_loop3A_1090 : vector<16xi32>
        %parallel_loop3A_1092 = tpu.vector_load_idx %arg5[%parallel_loop3A_1091] : memref<8208xf32, #tpu.memory_space<vmem>>[vector<16xi32>], vector<16xf32>,
        %parallel_loop3A_1093 = arith.constant 4 : i32
        %parallel_loop3A_1094 = arith.muli %parallel_loop3A_799, %parallel_loop3A_1093 : i32
        %parallel_loop3A_1095 = arith.constant 3 : i32
        %parallel_loop3A_1096 = arith.addi %parallel_loop3A_1094, %parallel_loop3A_1095 : i32
        %parallel_loop3A_1097 = arith.index_cast %parallel_loop3A_1096 : i32 to index
        %parallel_loop3A_1098 = arith.constant 80 : index
        %parallel_loop3A_1099 = tpu.vector_load %arg8[%parallel_loop3A_1097, %parallel_loop3A_1098] {strides = array<i32>} : memref<128x128xf32, #tpu.memory_space<vmem>>, vector<16xf32>,
        tpu.vector_store %arg8[%parallel_loop3A_1097, %parallel_loop3A_1098], %parallel_loop3A_1092 {strides = array<i32>} : memref<128x128xf32, #tpu.memory_space<vmem>>, vector<16xf32>,
        %parallel_loop3A_1100 = arith.index_cast %parallel_loop3A_799 : i32 to index
        %parallel_loop3A_1101 = arith.constant 96 : index
        %parallel_loop3A_1102 = tpu.vector_load %arg6[%parallel_loop3A_1100, %parallel_loop3A_1101] {strides = array<i32>} : memref<32x128xi32, #tpu.memory_space<vmem>>, vector<16xi32>,
        %parallel_loop3A_1103 = arith.constant 2048 : i32
        %parallel_loop3A_1104 = vector.broadcast %parallel_loop3A_1103 : i32 to vector<16xi32>
        %parallel_loop3A_1105 = arith.minsi %parallel_loop3A_1102, %parallel_loop3A_1104 : vector<16xi32>
        %parallel_loop3A_1106 = arith.constant 0 : i32
        %parallel_loop3A_1107 = vector.broadcast %parallel_loop3A_1106 : i32 to vector<16xi32>
        %parallel_loop3A_1108 = arith.addi %parallel_loop3A_1105, %parallel_loop3A_1107 : vector<16xi32>
        %parallel_loop3A_1109 = tpu.vector_load_idx %arg5[%parallel_loop3A_1108] : memref<8208xf32, #tpu.memory_space<vmem>>[vector<16xi32>], vector<16xf32>,
        %parallel_loop3A_1110 = arith.constant 4 : i32
        %parallel_loop3A_1111 = arith.muli %parallel_loop3A_799, %parallel_loop3A_1110 : i32
        %parallel_loop3A_1112 = arith.constant 0 : i32
        %parallel_loop3A_1113 = arith.addi %parallel_loop3A_1111, %parallel_loop3A_1112 : i32
        %parallel_loop3A_1114 = arith.index_cast %parallel_loop3A_1113 : i32 to index
        %parallel_loop3A_1115 = arith.constant 96 : index
        %parallel_loop3A_1116 = tpu.vector_load %arg8[%parallel_loop3A_1114, %parallel_loop3A_1115] {strides = array<i32>} : memref<128x128xf32, #tpu.memory_space<vmem>>, vector<16xf32>,
        tpu.vector_store %arg8[%parallel_loop3A_1114, %parallel_loop3A_1115], %parallel_loop3A_1109 {strides = array<i32>} : memref<128x128xf32, #tpu.memory_space<vmem>>, vector<16xf32>,
        %parallel_loop3A_1117 = arith.constant 2052 : i32
        %parallel_loop3A_1118 = vector.broadcast %parallel_loop3A_1117 : i32 to vector<16xi32>
        %parallel_loop3A_1119 = arith.addi %parallel_loop3A_1105, %parallel_loop3A_1118 : vector<16xi32>
        %parallel_loop3A_1120 = tpu.vector_load_idx %arg5[%parallel_loop3A_1119] : memref<8208xf32, #tpu.memory_space<vmem>>[vector<16xi32>], vector<16xf32>,
        %parallel_loop3A_1121 = arith.constant 4 : i32
        %parallel_loop3A_1122 = arith.muli %parallel_loop3A_799, %parallel_loop3A_1121 : i32
        %parallel_loop3A_1123 = arith.constant 1 : i32
        %parallel_loop3A_1124 = arith.addi %parallel_loop3A_1122, %parallel_loop3A_1123 : i32
        %parallel_loop3A_1125 = arith.index_cast %parallel_loop3A_1124 : i32 to index
        %parallel_loop3A_1126 = arith.constant 96 : index
        %parallel_loop3A_1127 = tpu.vector_load %arg8[%parallel_loop3A_1125, %parallel_loop3A_1126] {strides = array<i32>} : memref<128x128xf32, #tpu.memory_space<vmem>>, vector<16xf32>,
        tpu.vector_store %arg8[%parallel_loop3A_1125, %parallel_loop3A_1126], %parallel_loop3A_1120 {strides = array<i32>} : memref<128x128xf32, #tpu.memory_space<vmem>>, vector<16xf32>,
        %parallel_loop3A_1128 = arith.constant 4104 : i32
        %parallel_loop3A_1129 = vector.broadcast %parallel_loop3A_1128 : i32 to vector<16xi32>
        %parallel_loop3A_1130 = arith.addi %parallel_loop3A_1105, %parallel_loop3A_1129 : vector<16xi32>
        %parallel_loop3A_1131 = tpu.vector_load_idx %arg5[%parallel_loop3A_1130] : memref<8208xf32, #tpu.memory_space<vmem>>[vector<16xi32>], vector<16xf32>,
        %parallel_loop3A_1132 = arith.constant 4 : i32
        %parallel_loop3A_1133 = arith.muli %parallel_loop3A_799, %parallel_loop3A_1132 : i32
        %parallel_loop3A_1134 = arith.constant 2 : i32
        %parallel_loop3A_1135 = arith.addi %parallel_loop3A_1133, %parallel_loop3A_1134 : i32
        %parallel_loop3A_1136 = arith.index_cast %parallel_loop3A_1135 : i32 to index
        %parallel_loop3A_1137 = arith.constant 96 : index
        %parallel_loop3A_1138 = tpu.vector_load %arg8[%parallel_loop3A_1136, %parallel_loop3A_1137] {strides = array<i32>} : memref<128x128xf32, #tpu.memory_space<vmem>>, vector<16xf32>,
        tpu.vector_store %arg8[%parallel_loop3A_1136, %parallel_loop3A_1137], %parallel_loop3A_1131 {strides = array<i32>} : memref<128x128xf32, #tpu.memory_space<vmem>>, vector<16xf32>,
        %parallel_loop3A_1139 = arith.constant 6156 : i32
        %parallel_loop3A_1140 = vector.broadcast %parallel_loop3A_1139 : i32 to vector<16xi32>
        %parallel_loop3A_1141 = arith.addi %parallel_loop3A_1105, %parallel_loop3A_1140 : vector<16xi32>
        %parallel_loop3A_1142 = tpu.vector_load_idx %arg5[%parallel_loop3A_1141] : memref<8208xf32, #tpu.memory_space<vmem>>[vector<16xi32>], vector<16xf32>,
        %parallel_loop3A_1143 = arith.constant 4 : i32
        %parallel_loop3A_1144 = arith.muli %parallel_loop3A_799, %parallel_loop3A_1143 : i32
        %parallel_loop3A_1145 = arith.constant 3 : i32
        %parallel_loop3A_1146 = arith.addi %parallel_loop3A_1144, %parallel_loop3A_1145 : i32
        %parallel_loop3A_1147 = arith.index_cast %parallel_loop3A_1146 : i32 to index
        %parallel_loop3A_1148 = arith.constant 96 : index
        %parallel_loop3A_1149 = tpu.vector_load %arg8[%parallel_loop3A_1147, %parallel_loop3A_1148] {strides = array<i32>} : memref<128x128xf32, #tpu.memory_space<vmem>>, vector<16xf32>,
        tpu.vector_store %arg8[%parallel_loop3A_1147, %parallel_loop3A_1148], %parallel_loop3A_1142 {strides = array<i32>} : memref<128x128xf32, #tpu.memory_space<vmem>>, vector<16xf32>,
        %parallel_loop3A_1150 = arith.index_cast %parallel_loop3A_799 : i32 to index
        %parallel_loop3A_1151 = arith.constant 112 : index
        %parallel_loop3A_1152 = tpu.vector_load %arg6[%parallel_loop3A_1150, %parallel_loop3A_1151] {strides = array<i32>} : memref<32x128xi32, #tpu.memory_space<vmem>>, vector<16xi32>,
        %parallel_loop3A_1153 = arith.constant 2048 : i32
        %parallel_loop3A_1154 = vector.broadcast %parallel_loop3A_1153 : i32 to vector<16xi32>
        %parallel_loop3A_1155 = arith.minsi %parallel_loop3A_1152, %parallel_loop3A_1154 : vector<16xi32>
        %parallel_loop3A_1156 = arith.constant 0 : i32
        %parallel_loop3A_1157 = vector.broadcast %parallel_loop3A_1156 : i32 to vector<16xi32>
        %parallel_loop3A_1158 = arith.addi %parallel_loop3A_1155, %parallel_loop3A_1157 : vector<16xi32>
        %parallel_loop3A_1159 = tpu.vector_load_idx %arg5[%parallel_loop3A_1158] : memref<8208xf32, #tpu.memory_space<vmem>>[vector<16xi32>], vector<16xf32>,
        %parallel_loop3A_1160 = arith.constant 4 : i32
        %parallel_loop3A_1161 = arith.muli %parallel_loop3A_799, %parallel_loop3A_1160 : i32
        %parallel_loop3A_1162 = arith.constant 0 : i32
        %parallel_loop3A_1163 = arith.addi %parallel_loop3A_1161, %parallel_loop3A_1162 : i32
        %parallel_loop3A_1164 = arith.index_cast %parallel_loop3A_1163 : i32 to index
        %parallel_loop3A_1165 = arith.constant 112 : index
        %parallel_loop3A_1166 = tpu.vector_load %arg8[%parallel_loop3A_1164, %parallel_loop3A_1165] {strides = array<i32>} : memref<128x128xf32, #tpu.memory_space<vmem>>, vector<16xf32>,
        tpu.vector_store %arg8[%parallel_loop3A_1164, %parallel_loop3A_1165], %parallel_loop3A_1159 {strides = array<i32>} : memref<128x128xf32, #tpu.memory_space<vmem>>, vector<16xf32>,
        %parallel_loop3A_1167 = arith.constant 2052 : i32
        %parallel_loop3A_1168 = vector.broadcast %parallel_loop3A_1167 : i32 to vector<16xi32>
        %parallel_loop3A_1169 = arith.addi %parallel_loop3A_1155, %parallel_loop3A_1168 : vector<16xi32>
        %parallel_loop3A_1170 = tpu.vector_load_idx %arg5[%parallel_loop3A_1169] : memref<8208xf32, #tpu.memory_space<vmem>>[vector<16xi32>], vector<16xf32>,
        %parallel_loop3A_1171 = arith.constant 4 : i32
        %parallel_loop3A_1172 = arith.muli %parallel_loop3A_799, %parallel_loop3A_1171 : i32
        %parallel_loop3A_1173 = arith.constant 1 : i32
        %parallel_loop3A_1174 = arith.addi %parallel_loop3A_1172, %parallel_loop3A_1173 : i32
        %parallel_loop3A_1175 = arith.index_cast %parallel_loop3A_1174 : i32 to index
        %parallel_loop3A_1176 = arith.constant 112 : index
        %parallel_loop3A_1177 = tpu.vector_load %arg8[%parallel_loop3A_1175, %parallel_loop3A_1176] {strides = array<i32>} : memref<128x128xf32, #tpu.memory_space<vmem>>, vector<16xf32>,
        tpu.vector_store %arg8[%parallel_loop3A_1175, %parallel_loop3A_1176], %parallel_loop3A_1170 {strides = array<i32>} : memref<128x128xf32, #tpu.memory_space<vmem>>, vector<16xf32>,
        %parallel_loop3A_1178 = arith.constant 4104 : i32
        %parallel_loop3A_1179 = vector.broadcast %parallel_loop3A_1178 : i32 to vector<16xi32>
        %parallel_loop3A_1180 = arith.addi %parallel_loop3A_1155, %parallel_loop3A_1179 : vector<16xi32>
        %parallel_loop3A_1181 = tpu.vector_load_idx %arg5[%parallel_loop3A_1180] : memref<8208xf32, #tpu.memory_space<vmem>>[vector<16xi32>], vector<16xf32>,
        %parallel_loop3A_1182 = arith.constant 4 : i32
        %parallel_loop3A_1183 = arith.muli %parallel_loop3A_799, %parallel_loop3A_1182 : i32
        %parallel_loop3A_1184 = arith.constant 2 : i32
        %parallel_loop3A_1185 = arith.addi %parallel_loop3A_1183, %parallel_loop3A_1184 : i32
        %parallel_loop3A_1186 = arith.index_cast %parallel_loop3A_1185 : i32 to index
        %parallel_loop3A_1187 = arith.constant 112 : index
        %parallel_loop3A_1188 = tpu.vector_load %arg8[%parallel_loop3A_1186, %parallel_loop3A_1187] {strides = array<i32>} : memref<128x128xf32, #tpu.memory_space<vmem>>, vector<16xf32>,
        tpu.vector_store %arg8[%parallel_loop3A_1186, %parallel_loop3A_1187], %parallel_loop3A_1181 {strides = array<i32>} : memref<128x128xf32, #tpu.memory_space<vmem>>, vector<16xf32>,
        %parallel_loop3A_1189 = arith.constant 6156 : i32
        %parallel_loop3A_1190 = vector.broadcast %parallel_loop3A_1189 : i32 to vector<16xi32>
        %parallel_loop3A_1191 = arith.addi %parallel_loop3A_1155, %parallel_loop3A_1190 : vector<16xi32>
        %parallel_loop3A_1192 = tpu.vector_load_idx %arg5[%parallel_loop3A_1191] : memref<8208xf32, #tpu.memory_space<vmem>>[vector<16xi32>], vector<16xf32>,
        %parallel_loop3A_1193 = arith.constant 4 : i32
        %parallel_loop3A_1194 = arith.muli %parallel_loop3A_799, %parallel_loop3A_1193 : i32
        %parallel_loop3A_1195 = arith.constant 3 : i32
        %parallel_loop3A_1196 = arith.addi %parallel_loop3A_1194, %parallel_loop3A_1195 : i32
        %parallel_loop3A_1197 = arith.index_cast %parallel_loop3A_1196 : i32 to index
        %parallel_loop3A_1198 = arith.constant 112 : index
        %parallel_loop3A_1199 = tpu.vector_load %arg8[%parallel_loop3A_1197, %parallel_loop3A_1198] {strides = array<i32>} : memref<128x128xf32, #tpu.memory_space<vmem>>, vector<16xf32>,
        tpu.vector_store %arg8[%parallel_loop3A_1197, %parallel_loop3A_1198], %parallel_loop3A_1192 {strides = array<i32>} : memref<128x128xf32, #tpu.memory_space<vmem>>, vector<16xf32>,
      } {sc.loop_unroll_factor = 4 : i64, sc.parallel_access}
      %dma_start3A_495 = arith.constant 0 : i32
      %dma_start3A_496 = tpu.memref_slice %arg4[%mul3A_483, %dma_start3A_495] : memref<102400x128xf32, #tpu.memory_space<hbm>> -> memref<128x128xf32, #tpu.memory_space<hbm>>
      %dma_start3A_497 = arith.constant 0 : i32
      %dma_start3A_498 = tpu.memref_slice %arg4[%mul3A_483, %dma_start3A_497] : memref<102400x128xf32, #tpu.memory_space<hbm>> -> memref<128x128xf32, #tpu.memory_space<hbm>>
      tpu.enqueue_dma source(%arg8 : memref<128x128xf32, #tpu.memory_space<vmem>>) target(%dma_start3A_498 : memref<128x128xf32, #tpu.memory_space<hbm>>) target_semaphore(%arg12 : memref<!tpu.dma_semaphore, #tpu.memory_space<semaphore_mem>>)
      %add3A_499 = arith.constant 0 : i32
      %add3A_500 = arith.addi %add3A_395, %add3A_499 : i32
      %add3A_501 = arith.constant 2 : i32
      %add3A_502 = arith.addi %add3A_500, %add3A_501 : i32
      %min3A = arith.minsi %add3A_502, %sub3A_5 : i32
      %jit3A_503 = arith.constant 4 : i32
      %div3A_504 = arith.divsi %min3A, %jit3A_503 : i32
      %sign3A_505 = arith.constant 0 : i32
      %sign3A_506 = arith.cmpi sgt, %min3A, %sign3A_505 : i32
      %sign3A_507 = arith.extui %sign3A_506 : i1 to i32
      %sign3A_508 = arith.constant 0 : i32
      %sign3A_509 = arith.cmpi slt, %min3A, %sign3A_508 : i32
      %sign3A_510 = arith.extui %sign3A_509 : i1 to i32
      %sign3A_511 = arith.subi %sign3A_507, %sign3A_510 : i32
      %sign3A_512 = arith.constant 0 : i32
      %sign3A_513 = arith.cmpi sgt, %jit3A_503, %sign3A_512 : i32
      %sign3A_514 = arith.extui %sign3A_513 : i1 to i32
      %sign3A_515 = arith.constant 0 : i32
      %sign3A_516 = arith.cmpi slt, %jit3A_503, %sign3A_515 : i32
      %sign3A_517 = arith.extui %sign3A_516 : i1 to i32
      %sign3A_518 = arith.subi %sign3A_514, %sign3A_517 : i32
      %ne3A_519 = arith.cmpi ne, %sign3A_511, %sign3A_518 : i32
      %rem3A_520 = arith.remsi %min3A, %jit3A_503 : i32
      %ne3A_521 = arith.constant 0 : i32
      %ne3A_522 = arith.cmpi ne, %rem3A_520, %ne3A_521 : i32
      %and3A_523 = arith.andi %ne3A_519, %ne3A_522 : i1
      %sub3A_524 = arith.constant 1 : i32
      %sub3A_525 = arith.subi %div3A_504, %sub3A_524 : i32
      %select_n3A_526 = arith.select %and3A_523, %sub3A_525, %div3A_504 : i32
      %jit3A_527 = arith.constant 4 : i32
      %eq3A_528 = arith.constant 0 : i32
      %eq3A_529 = arith.cmpi eq, %jit3A_527, %eq3A_528 : i32
      %jit3A_530 = arith.constant 1 : i32
      %select_n3A_531 = arith.select %eq3A_529, %jit3A_530, %jit3A_527 : i32
      %rem3A_532 = arith.remsi %min3A, %select_n3A_531 : i32
      %ne3A_533 = arith.constant 0 : i32
      %ne3A_534 = arith.cmpi ne, %rem3A_532, %ne3A_533 : i32
      %lt3A_535 = arith.constant 0 : i32
      %lt3A_536 = arith.cmpi slt, %rem3A_532, %lt3A_535 : i32
      %lt3A_537 = arith.constant 0 : i32
      %lt3A_538 = arith.cmpi slt, %select_n3A_531, %lt3A_537 : i32
      %ne3A_539 = arith.xori %lt3A_536, %lt3A_538 : i1
      %and3A_540 = arith.andi %ne3A_539, %ne3A_534 : i1
      %add3A_541 = arith.addi %rem3A_532, %select_n3A_531 : i32
      %select_n3A_542 = arith.select %and3A_540, %add3A_541, %rem3A_532 : i32
      %mul3A_543 = arith.constant 32 : i32
      %mul3A_544 = arith.muli %select_n3A_542, %mul3A_543 : i32
      %jit3A_545 = arith.constant 8 : i32
      %div3A_546 = arith.divsi %select_n3A_526, %jit3A_545 : i32
      %sign3A_547 = arith.constant 0 : i32
      %sign3A_548 = arith.cmpi sgt, %select_n3A_526, %sign3A_547 : i32
      %sign3A_549 = arith.extui %sign3A_548 : i1 to i32
      %sign3A_550 = arith.constant 0 : i32
      %sign3A_551 = arith.cmpi slt, %select_n3A_526, %sign3A_550 : i32
      %sign3A_552 = arith.extui %sign3A_551 : i1 to i32
      %sign3A_553 = arith.subi %sign3A_549, %sign3A_552 : i32
      %sign3A_554 = arith.constant 0 : i32
      %sign3A_555 = arith.cmpi sgt, %jit3A_545, %sign3A_554 : i32
      %sign3A_556 = arith.extui %sign3A_555 : i1 to i32
      %sign3A_557 = arith.constant 0 : i32
      %sign3A_558 = arith.cmpi slt, %jit3A_545, %sign3A_557 : i32
      %sign3A_559 = arith.extui %sign3A_558 : i1 to i32
      %sign3A_560 = arith.subi %sign3A_556, %sign3A_559 : i32
      %ne3A_561 = arith.cmpi ne, %sign3A_553, %sign3A_560 : i32
      %rem3A_562 = arith.remsi %select_n3A_526, %jit3A_545 : i32
      %ne3A_563 = arith.constant 0 : i32
      %ne3A_564 = arith.cmpi ne, %rem3A_562, %ne3A_563 : i32
      %and3A_565 = arith.andi %ne3A_561, %ne3A_564 : i1
      %sub3A_566 = arith.constant 1 : i32
      %sub3A_567 = arith.subi %div3A_546, %sub3A_566 : i32
      %select_n3A_568 = arith.select %and3A_565, %sub3A_567, %div3A_546 : i32
      %jit3A_569 = arith.constant 8 : i32
      %eq3A_570 = arith.constant 0 : i32
      %eq3A_571 = arith.cmpi eq, %jit3A_569, %eq3A_570 : i32
      %jit3A_572 = arith.constant 1 : i32
      %select_n3A_573 = arith.select %eq3A_571, %jit3A_572, %jit3A_569 : i32
      %rem3A_574 = arith.remsi %select_n3A_526, %select_n3A_573 : i32
      %ne3A_575 = arith.constant 0 : i32
      %ne3A_576 = arith.cmpi ne, %rem3A_574, %ne3A_575 : i32
      %lt3A_577 = arith.constant 0 : i32
      %lt3A_578 = arith.cmpi slt, %rem3A_574, %lt3A_577 : i32
      %lt3A_579 = arith.constant 0 : i32
      %lt3A_580 = arith.cmpi slt, %select_n3A_573, %lt3A_579 : i32
      %ne3A_581 = arith.xori %lt3A_578, %lt3A_580 : i1
      %and3A_582 = arith.andi %ne3A_581, %ne3A_576 : i1
      %add3A_583 = arith.addi %rem3A_574, %select_n3A_573 : i32
      %select_n3A_584 = arith.select %and3A_582, %add3A_583, %rem3A_574 : i32
      %mul3A_585 = arith.constant 32 : i32
      %mul3A_586 = arith.muli %min3A, %mul3A_585 : i32
      %mul3A_587 = arith.constant 4 : i32
      %mul3A_588 = arith.muli %mul3A_586, %mul3A_587 : i32
      %dma_start3A_589 = arith.constant 0 : i32
      %dma_start3A_590 = tpu.memref_slice %arg2[%select_n3A_568, %mul3A_544, %select_n3A_584, %dma_start3A_589] : memref<25x128x8x128xi32, #tpu.memory_space<hbm>> -> memref<1x32x1x128xi32, #tpu.memory_space<hbm>>
      %dma_start3A_591 = tpu.memref_squeeze %dma_start3A_590 : memref<1x32x1x128xi32, #tpu.memory_space<hbm>> -> memref<32x128xi32, #tpu.memory_space<hbm>>
      %dma_start3A_592 = arith.constant 0 : i32
      %dma_start3A_593 = tpu.memref_slice %arg2[%select_n3A_568, %mul3A_544, %select_n3A_584, %dma_start3A_592] : memref<25x128x8x128xi32, #tpu.memory_space<hbm>> -> memref<1x32x1x128xi32, #tpu.memory_space<hbm>>
      %dma_start3A_594 = tpu.memref_squeeze %dma_start3A_593 : memref<1x32x1x128xi32, #tpu.memory_space<hbm>> -> memref<32x128xi32, #tpu.memory_space<hbm>>
      tpu.enqueue_dma source(%dma_start3A_594 : memref<32x128xi32, #tpu.memory_space<hbm>>) target(%arg6 : memref<32x128xi32, #tpu.memory_space<vmem>>) target_semaphore(%arg10 : memref<!tpu.dma_semaphore, #tpu.memory_space<semaphore_mem>>)
      %add3A_595 = arith.constant 1 : i32
      %add3A_596 = arith.addi %add3A_395, %add3A_595 : i32
      %jit3A_597 = arith.constant 4 : i32
      %div3A_598 = arith.divsi %add3A_596, %jit3A_597 : i32
      %sign3A_599 = arith.constant 0 : i32
      %sign3A_600 = arith.cmpi sgt, %add3A_596, %sign3A_599 : i32
      %sign3A_601 = arith.extui %sign3A_600 : i1 to i32
      %sign3A_602 = arith.constant 0 : i32
      %sign3A_603 = arith.cmpi slt, %add3A_596, %sign3A_602 : i32
      %sign3A_604 = arith.extui %sign3A_603 : i1 to i32
      %sign3A_605 = arith.subi %sign3A_601, %sign3A_604 : i32
      %sign3A_606 = arith.constant 0 : i32
      %sign3A_607 = arith.cmpi sgt, %jit3A_597, %sign3A_606 : i32
      %sign3A_608 = arith.extui %sign3A_607 : i1 to i32
      %sign3A_609 = arith.constant 0 : i32
      %sign3A_610 = arith.cmpi slt, %jit3A_597, %sign3A_609 : i32
      %sign3A_611 = arith.extui %sign3A_610 : i1 to i32
      %sign3A_612 = arith.subi %sign3A_608, %sign3A_611 : i32
      %ne3A_613 = arith.cmpi ne, %sign3A_605, %sign3A_612 : i32
      %rem3A_614 = arith.remsi %add3A_596, %jit3A_597 : i32
      %ne3A_615 = arith.constant 0 : i32
      %ne3A_616 = arith.cmpi ne, %rem3A_614, %ne3A_615 : i32
      %and3A_617 = arith.andi %ne3A_613, %ne3A_616 : i1
      %sub3A_618 = arith.constant 1 : i32
      %sub3A_619 = arith.subi %div3A_598, %sub3A_618 : i32
      %select_n3A_620 = arith.select %and3A_617, %sub3A_619, %div3A_598 : i32
      %jit3A_621 = arith.constant 4 : i32
      %eq3A_622 = arith.constant 0 : i32
      %eq3A_623 = arith.cmpi eq, %jit3A_621, %eq3A_622 : i32
      %jit3A_624 = arith.constant 1 : i32
      %select_n3A_625 = arith.select %eq3A_623, %jit3A_624, %jit3A_621 : i32
      %rem3A_626 = arith.remsi %add3A_596, %select_n3A_625 : i32
      %ne3A_627 = arith.constant 0 : i32
      %ne3A_628 = arith.cmpi ne, %rem3A_626, %ne3A_627 : i32
      %lt3A_629 = arith.constant 0 : i32
      %lt3A_630 = arith.cmpi slt, %rem3A_626, %lt3A_629 : i32
      %lt3A_631 = arith.constant 0 : i32
      %lt3A_632 = arith.cmpi slt, %select_n3A_625, %lt3A_631 : i32
      %ne3A_633 = arith.xori %lt3A_630, %lt3A_632 : i1
      %and3A_634 = arith.andi %ne3A_633, %ne3A_628 : i1
      %add3A_635 = arith.addi %rem3A_626, %select_n3A_625 : i32
      %select_n3A_636 = arith.select %and3A_634, %add3A_635, %rem3A_626 : i32
      %mul3A_637 = arith.constant 32 : i32
      %mul3A_638 = arith.muli %select_n3A_636, %mul3A_637 : i32
      %jit3A_639 = arith.constant 8 : i32
      %div3A_640 = arith.divsi %select_n3A_620, %jit3A_639 : i32
      %sign3A_641 = arith.constant 0 : i32
      %sign3A_642 = arith.cmpi sgt, %select_n3A_620, %sign3A_641 : i32
      %sign3A_643 = arith.extui %sign3A_642 : i1 to i32
      %sign3A_644 = arith.constant 0 : i32
      %sign3A_645 = arith.cmpi slt, %select_n3A_620, %sign3A_644 : i32
      %sign3A_646 = arith.extui %sign3A_645 : i1 to i32
      %sign3A_647 = arith.subi %sign3A_643, %sign3A_646 : i32
      %sign3A_648 = arith.constant 0 : i32
      %sign3A_649 = arith.cmpi sgt, %jit3A_639, %sign3A_648 : i32
      %sign3A_650 = arith.extui %sign3A_649 : i1 to i32
      %sign3A_651 = arith.constant 0 : i32
      %sign3A_652 = arith.cmpi slt, %jit3A_639, %sign3A_651 : i32
      %sign3A_653 = arith.extui %sign3A_652 : i1 to i32
      %sign3A_654 = arith.subi %sign3A_650, %sign3A_653 : i32
      %ne3A_655 = arith.cmpi ne, %sign3A_647, %sign3A_654 : i32
      %rem3A_656 = arith.remsi %select_n3A_620, %jit3A_639 : i32
      %ne3A_657 = arith.constant 0 : i32
      %ne3A_658 = arith.cmpi ne, %rem3A_656, %ne3A_657 : i32
      %and3A_659 = arith.andi %ne3A_655, %ne3A_658 : i1
      %sub3A_660 = arith.constant 1 : i32
      %sub3A_661 = arith.subi %div3A_640, %sub3A_660 : i32
      %select_n3A_662 = arith.select %and3A_659, %sub3A_661, %div3A_640 : i32
      %jit3A_663 = arith.constant 8 : i32
      %eq3A_664 = arith.constant 0 : i32
      %eq3A_665 = arith.cmpi eq, %jit3A_663, %eq3A_664 : i32
      %jit3A_666 = arith.constant 1 : i32
      %select_n3A_667 = arith.select %eq3A_665, %jit3A_666, %jit3A_663 : i32
      %rem3A_668 = arith.remsi %select_n3A_620, %select_n3A_667 : i32
      %ne3A_669 = arith.constant 0 : i32
      %ne3A_670 = arith.cmpi ne, %rem3A_668, %ne3A_669 : i32
      %lt3A_671 = arith.constant 0 : i32
      %lt3A_672 = arith.cmpi slt, %rem3A_668, %lt3A_671 : i32
      %lt3A_673 = arith.constant 0 : i32
      %lt3A_674 = arith.cmpi slt, %select_n3A_667, %lt3A_673 : i32
      %ne3A_675 = arith.xori %lt3A_672, %lt3A_674 : i1
      %and3A_676 = arith.andi %ne3A_675, %ne3A_670 : i1
      %add3A_677 = arith.addi %rem3A_668, %select_n3A_667 : i32
      %select_n3A_678 = arith.select %and3A_676, %add3A_677, %rem3A_668 : i32
      %mul3A_679 = arith.constant 32 : i32
      %mul3A_680 = arith.muli %add3A_596, %mul3A_679 : i32
      %mul3A_681 = arith.constant 4 : i32
      %mul3A_682 = arith.muli %mul3A_680, %mul3A_681 : i32
      %dma_wait3A_683 = arith.constant 0 : i32
      %dma_wait3A_684 = tpu.memref_slice %arg2[%select_n3A_662, %mul3A_638, %select_n3A_678, %dma_wait3A_683] : memref<25x128x8x128xi32, #tpu.memory_space<hbm>> -> memref<1x32x1x128xi32, #tpu.memory_space<hbm>>
      %dma_wait3A_685 = tpu.memref_squeeze %dma_wait3A_684 : memref<1x32x1x128xi32, #tpu.memory_space<hbm>> -> memref<32x128xi32, #tpu.memory_space<hbm>>
      %dma_wait3A_686 = arith.constant 0 : i32
      %dma_wait3A_687 = tpu.memref_slice %arg2[%select_n3A_662, %mul3A_638, %select_n3A_678, %dma_wait3A_686] : memref<25x128x8x128xi32, #tpu.memory_space<hbm>> -> memref<1x32x1x128xi32, #tpu.memory_space<hbm>>
      %dma_wait3A_688 = tpu.memref_squeeze %dma_wait3A_687 : memref<1x32x1x128xi32, #tpu.memory_space<hbm>> -> memref<32x128xi32, #tpu.memory_space<hbm>>
      tpu.wait_dma2 semaphore(%arg11 : memref<!tpu.dma_semaphore, #tpu.memory_space<semaphore_mem>>) src(%dma_wait3A_688 : memref<32x128xi32, #tpu.memory_space<hbm>>) dst(%arg7 : memref<32x128xi32, #tpu.memory_space<vmem>>)
      %gt3A_689 = arith.constant 0 : i32
      %gt3A_690 = arith.cmpi sgt, %scan3A_391, %gt3A_689 : i32
      %convert_element_type3A_691 = arith.extui %gt3A_690 : i1 to i32
      %cond3A_692 = arith.constant 0 : i32
      %cond3A_693 = arith.cmpi ne, %convert_element_type3A_691, %cond3A_692 : i32
      scf.if %cond3A_693 {
        %dma_wait3A_799 = arith.constant 0 : i32
        %dma_wait3A_800 = tpu.memref_slice %arg4[%mul3A_682, %dma_wait3A_799] : memref<102400x128xf32, #tpu.memory_space<hbm>> -> memref<128x128xf32, #tpu.memory_space<hbm>>
        %dma_wait3A_801 = arith.constant 0 : i32
        %dma_wait3A_802 = tpu.memref_slice %arg4[%mul3A_682, %dma_wait3A_801] : memref<102400x128xf32, #tpu.memory_space<hbm>> -> memref<128x128xf32, #tpu.memory_space<hbm>>
        tpu.wait_dma2 semaphore(%arg13 : memref<!tpu.dma_semaphore, #tpu.memory_space<semaphore_mem>>) src(%arg9 : memref<128x128xf32, #tpu.memory_space<vmem>>) dst(%dma_wait3A_802 : memref<128x128xf32, #tpu.memory_space<hbm>>)
      } else {
      }
      %parallel_loop3A_694 = arith.constant 0 : i32
      %parallel_loop3A_695 = arith.constant 32 : i32
      %parallel_loop3A_696 = arith.constant 1 : i32
      scf.for %parallel_loop3A_799 = %parallel_loop3A_694 to %parallel_loop3A_695 step %parallel_loop3A_696  : i32 {
        %parallel_loop3A_800 = arith.index_cast %parallel_loop3A_799 : i32 to index
        %parallel_loop3A_801 = arith.constant 0 : index
        %parallel_loop3A_802 = tpu.vector_load %arg7[%parallel_loop3A_800, %parallel_loop3A_801] {strides = array<i32>} : memref<32x128xi32, #tpu.memory_space<vmem>>, vector<16xi32>,
        %parallel_loop3A_803 = arith.constant 2048 : i32
        %parallel_loop3A_804 = vector.broadcast %parallel_loop3A_803 : i32 to vector<16xi32>
        %parallel_loop3A_805 = arith.minsi %parallel_loop3A_802, %parallel_loop3A_804 : vector<16xi32>
        %parallel_loop3A_806 = arith.constant 0 : i32
        %parallel_loop3A_807 = vector.broadcast %parallel_loop3A_806 : i32 to vector<16xi32>
        %parallel_loop3A_808 = arith.addi %parallel_loop3A_805, %parallel_loop3A_807 : vector<16xi32>
        %parallel_loop3A_809 = tpu.vector_load_idx %arg5[%parallel_loop3A_808] : memref<8208xf32, #tpu.memory_space<vmem>>[vector<16xi32>], vector<16xf32>,
        %parallel_loop3A_810 = arith.constant 4 : i32
        %parallel_loop3A_811 = arith.muli %parallel_loop3A_799, %parallel_loop3A_810 : i32
        %parallel_loop3A_812 = arith.constant 0 : i32
        %parallel_loop3A_813 = arith.addi %parallel_loop3A_811, %parallel_loop3A_812 : i32
        %parallel_loop3A_814 = arith.index_cast %parallel_loop3A_813 : i32 to index
        %parallel_loop3A_815 = arith.constant 0 : index
        %parallel_loop3A_816 = tpu.vector_load %arg9[%parallel_loop3A_814, %parallel_loop3A_815] {strides = array<i32>} : memref<128x128xf32, #tpu.memory_space<vmem>>, vector<16xf32>,
        tpu.vector_store %arg9[%parallel_loop3A_814, %parallel_loop3A_815], %parallel_loop3A_809 {strides = array<i32>} : memref<128x128xf32, #tpu.memory_space<vmem>>, vector<16xf32>,
        %parallel_loop3A_817 = arith.constant 2052 : i32
        %parallel_loop3A_818 = vector.broadcast %parallel_loop3A_817 : i32 to vector<16xi32>
        %parallel_loop3A_819 = arith.addi %parallel_loop3A_805, %parallel_loop3A_818 : vector<16xi32>
        %parallel_loop3A_820 = tpu.vector_load_idx %arg5[%parallel_loop3A_819] : memref<8208xf32, #tpu.memory_space<vmem>>[vector<16xi32>], vector<16xf32>,
        %parallel_loop3A_821 = arith.constant 4 : i32
        %parallel_loop3A_822 = arith.muli %parallel_loop3A_799, %parallel_loop3A_821 : i32
        %parallel_loop3A_823 = arith.constant 1 : i32
        %parallel_loop3A_824 = arith.addi %parallel_loop3A_822, %parallel_loop3A_823 : i32
        %parallel_loop3A_825 = arith.index_cast %parallel_loop3A_824 : i32 to index
        %parallel_loop3A_826 = arith.constant 0 : index
        %parallel_loop3A_827 = tpu.vector_load %arg9[%parallel_loop3A_825, %parallel_loop3A_826] {strides = array<i32>} : memref<128x128xf32, #tpu.memory_space<vmem>>, vector<16xf32>,
        tpu.vector_store %arg9[%parallel_loop3A_825, %parallel_loop3A_826], %parallel_loop3A_820 {strides = array<i32>} : memref<128x128xf32, #tpu.memory_space<vmem>>, vector<16xf32>,
        %parallel_loop3A_828 = arith.constant 4104 : i32
        %parallel_loop3A_829 = vector.broadcast %parallel_loop3A_828 : i32 to vector<16xi32>
        %parallel_loop3A_830 = arith.addi %parallel_loop3A_805, %parallel_loop3A_829 : vector<16xi32>
        %parallel_loop3A_831 = tpu.vector_load_idx %arg5[%parallel_loop3A_830] : memref<8208xf32, #tpu.memory_space<vmem>>[vector<16xi32>], vector<16xf32>,
        %parallel_loop3A_832 = arith.constant 4 : i32
        %parallel_loop3A_833 = arith.muli %parallel_loop3A_799, %parallel_loop3A_832 : i32
        %parallel_loop3A_834 = arith.constant 2 : i32
        %parallel_loop3A_835 = arith.addi %parallel_loop3A_833, %parallel_loop3A_834 : i32
        %parallel_loop3A_836 = arith.index_cast %parallel_loop3A_835 : i32 to index
        %parallel_loop3A_837 = arith.constant 0 : index
        %parallel_loop3A_838 = tpu.vector_load %arg9[%parallel_loop3A_836, %parallel_loop3A_837] {strides = array<i32>} : memref<128x128xf32, #tpu.memory_space<vmem>>, vector<16xf32>,
        tpu.vector_store %arg9[%parallel_loop3A_836, %parallel_loop3A_837], %parallel_loop3A_831 {strides = array<i32>} : memref<128x128xf32, #tpu.memory_space<vmem>>, vector<16xf32>,
        %parallel_loop3A_839 = arith.constant 6156 : i32
        %parallel_loop3A_840 = vector.broadcast %parallel_loop3A_839 : i32 to vector<16xi32>
        %parallel_loop3A_841 = arith.addi %parallel_loop3A_805, %parallel_loop3A_840 : vector<16xi32>
        %parallel_loop3A_842 = tpu.vector_load_idx %arg5[%parallel_loop3A_841] : memref<8208xf32, #tpu.memory_space<vmem>>[vector<16xi32>], vector<16xf32>,
        %parallel_loop3A_843 = arith.constant 4 : i32
        %parallel_loop3A_844 = arith.muli %parallel_loop3A_799, %parallel_loop3A_843 : i32
        %parallel_loop3A_845 = arith.constant 3 : i32
        %parallel_loop3A_846 = arith.addi %parallel_loop3A_844, %parallel_loop3A_845 : i32
        %parallel_loop3A_847 = arith.index_cast %parallel_loop3A_846 : i32 to index
        %parallel_loop3A_848 = arith.constant 0 : index
        %parallel_loop3A_849 = tpu.vector_load %arg9[%parallel_loop3A_847, %parallel_loop3A_848] {strides = array<i32>} : memref<128x128xf32, #tpu.memory_space<vmem>>, vector<16xf32>,
        tpu.vector_store %arg9[%parallel_loop3A_847, %parallel_loop3A_848], %parallel_loop3A_842 {strides = array<i32>} : memref<128x128xf32, #tpu.memory_space<vmem>>, vector<16xf32>,
        %parallel_loop3A_850 = arith.index_cast %parallel_loop3A_799 : i32 to index
        %parallel_loop3A_851 = arith.constant 16 : index
        %parallel_loop3A_852 = tpu.vector_load %arg7[%parallel_loop3A_850, %parallel_loop3A_851] {strides = array<i32>} : memref<32x128xi32, #tpu.memory_space<vmem>>, vector<16xi32>,
        %parallel_loop3A_853 = arith.constant 2048 : i32
        %parallel_loop3A_854 = vector.broadcast %parallel_loop3A_853 : i32 to vector<16xi32>
        %parallel_loop3A_855 = arith.minsi %parallel_loop3A_852, %parallel_loop3A_854 : vector<16xi32>
        %parallel_loop3A_856 = arith.constant 0 : i32
        %parallel_loop3A_857 = vector.broadcast %parallel_loop3A_856 : i32 to vector<16xi32>
        %parallel_loop3A_858 = arith.addi %parallel_loop3A_855, %parallel_loop3A_857 : vector<16xi32>
        %parallel_loop3A_859 = tpu.vector_load_idx %arg5[%parallel_loop3A_858] : memref<8208xf32, #tpu.memory_space<vmem>>[vector<16xi32>], vector<16xf32>,
        %parallel_loop3A_860 = arith.constant 4 : i32
        %parallel_loop3A_861 = arith.muli %parallel_loop3A_799, %parallel_loop3A_860 : i32
        %parallel_loop3A_862 = arith.constant 0 : i32
        %parallel_loop3A_863 = arith.addi %parallel_loop3A_861, %parallel_loop3A_862 : i32
        %parallel_loop3A_864 = arith.index_cast %parallel_loop3A_863 : i32 to index
        %parallel_loop3A_865 = arith.constant 16 : index
        %parallel_loop3A_866 = tpu.vector_load %arg9[%parallel_loop3A_864, %parallel_loop3A_865] {strides = array<i32>} : memref<128x128xf32, #tpu.memory_space<vmem>>, vector<16xf32>,
        tpu.vector_store %arg9[%parallel_loop3A_864, %parallel_loop3A_865], %parallel_loop3A_859 {strides = array<i32>} : memref<128x128xf32, #tpu.memory_space<vmem>>, vector<16xf32>,
        %parallel_loop3A_867 = arith.constant 2052 : i32
        %parallel_loop3A_868 = vector.broadcast %parallel_loop3A_867 : i32 to vector<16xi32>
        %parallel_loop3A_869 = arith.addi %parallel_loop3A_855, %parallel_loop3A_868 : vector<16xi32>
        %parallel_loop3A_870 = tpu.vector_load_idx %arg5[%parallel_loop3A_869] : memref<8208xf32, #tpu.memory_space<vmem>>[vector<16xi32>], vector<16xf32>,
        %parallel_loop3A_871 = arith.constant 4 : i32
        %parallel_loop3A_872 = arith.muli %parallel_loop3A_799, %parallel_loop3A_871 : i32
        %parallel_loop3A_873 = arith.constant 1 : i32
        %parallel_loop3A_874 = arith.addi %parallel_loop3A_872, %parallel_loop3A_873 : i32
        %parallel_loop3A_875 = arith.index_cast %parallel_loop3A_874 : i32 to index
        %parallel_loop3A_876 = arith.constant 16 : index
        %parallel_loop3A_877 = tpu.vector_load %arg9[%parallel_loop3A_875, %parallel_loop3A_876] {strides = array<i32>} : memref<128x128xf32, #tpu.memory_space<vmem>>, vector<16xf32>,
        tpu.vector_store %arg9[%parallel_loop3A_875, %parallel_loop3A_876], %parallel_loop3A_870 {strides = array<i32>} : memref<128x128xf32, #tpu.memory_space<vmem>>, vector<16xf32>,
        %parallel_loop3A_878 = arith.constant 4104 : i32
        %parallel_loop3A_879 = vector.broadcast %parallel_loop3A_878 : i32 to vector<16xi32>
        %parallel_loop3A_880 = arith.addi %parallel_loop3A_855, %parallel_loop3A_879 : vector<16xi32>
        %parallel_loop3A_881 = tpu.vector_load_idx %arg5[%parallel_loop3A_880] : memref<8208xf32, #tpu.memory_space<vmem>>[vector<16xi32>], vector<16xf32>,
        %parallel_loop3A_882 = arith.constant 4 : i32
        %parallel_loop3A_883 = arith.muli %parallel_loop3A_799, %parallel_loop3A_882 : i32
        %parallel_loop3A_884 = arith.constant 2 : i32
        %parallel_loop3A_885 = arith.addi %parallel_loop3A_883, %parallel_loop3A_884 : i32
        %parallel_loop3A_886 = arith.index_cast %parallel_loop3A_885 : i32 to index
        %parallel_loop3A_887 = arith.constant 16 : index
        %parallel_loop3A_888 = tpu.vector_load %arg9[%parallel_loop3A_886, %parallel_loop3A_887] {strides = array<i32>} : memref<128x128xf32, #tpu.memory_space<vmem>>, vector<16xf32>,
        tpu.vector_store %arg9[%parallel_loop3A_886, %parallel_loop3A_887], %parallel_loop3A_881 {strides = array<i32>} : memref<128x128xf32, #tpu.memory_space<vmem>>, vector<16xf32>,
        %parallel_loop3A_889 = arith.constant 6156 : i32
        %parallel_loop3A_890 = vector.broadcast %parallel_loop3A_889 : i32 to vector<16xi32>
        %parallel_loop3A_891 = arith.addi %parallel_loop3A_855, %parallel_loop3A_890 : vector<16xi32>
        %parallel_loop3A_892 = tpu.vector_load_idx %arg5[%parallel_loop3A_891] : memref<8208xf32, #tpu.memory_space<vmem>>[vector<16xi32>], vector<16xf32>,
        %parallel_loop3A_893 = arith.constant 4 : i32
        %parallel_loop3A_894 = arith.muli %parallel_loop3A_799, %parallel_loop3A_893 : i32
        %parallel_loop3A_895 = arith.constant 3 : i32
        %parallel_loop3A_896 = arith.addi %parallel_loop3A_894, %parallel_loop3A_895 : i32
        %parallel_loop3A_897 = arith.index_cast %parallel_loop3A_896 : i32 to index
        %parallel_loop3A_898 = arith.constant 16 : index
        %parallel_loop3A_899 = tpu.vector_load %arg9[%parallel_loop3A_897, %parallel_loop3A_898] {strides = array<i32>} : memref<128x128xf32, #tpu.memory_space<vmem>>, vector<16xf32>,
        tpu.vector_store %arg9[%parallel_loop3A_897, %parallel_loop3A_898], %parallel_loop3A_892 {strides = array<i32>} : memref<128x128xf32, #tpu.memory_space<vmem>>, vector<16xf32>,
        %parallel_loop3A_900 = arith.index_cast %parallel_loop3A_799 : i32 to index
        %parallel_loop3A_901 = arith.constant 32 : index
        %parallel_loop3A_902 = tpu.vector_load %arg7[%parallel_loop3A_900, %parallel_loop3A_901] {strides = array<i32>} : memref<32x128xi32, #tpu.memory_space<vmem>>, vector<16xi32>,
        %parallel_loop3A_903 = arith.constant 2048 : i32
        %parallel_loop3A_904 = vector.broadcast %parallel_loop3A_903 : i32 to vector<16xi32>
        %parallel_loop3A_905 = arith.minsi %parallel_loop3A_902, %parallel_loop3A_904 : vector<16xi32>
        %parallel_loop3A_906 = arith.constant 0 : i32
        %parallel_loop3A_907 = vector.broadcast %parallel_loop3A_906 : i32 to vector<16xi32>
        %parallel_loop3A_908 = arith.addi %parallel_loop3A_905, %parallel_loop3A_907 : vector<16xi32>
        %parallel_loop3A_909 = tpu.vector_load_idx %arg5[%parallel_loop3A_908] : memref<8208xf32, #tpu.memory_space<vmem>>[vector<16xi32>], vector<16xf32>,
        %parallel_loop3A_910 = arith.constant 4 : i32
        %parallel_loop3A_911 = arith.muli %parallel_loop3A_799, %parallel_loop3A_910 : i32
        %parallel_loop3A_912 = arith.constant 0 : i32
        %parallel_loop3A_913 = arith.addi %parallel_loop3A_911, %parallel_loop3A_912 : i32
        %parallel_loop3A_914 = arith.index_cast %parallel_loop3A_913 : i32 to index
        %parallel_loop3A_915 = arith.constant 32 : index
        %parallel_loop3A_916 = tpu.vector_load %arg9[%parallel_loop3A_914, %parallel_loop3A_915] {strides = array<i32>} : memref<128x128xf32, #tpu.memory_space<vmem>>, vector<16xf32>,
        tpu.vector_store %arg9[%parallel_loop3A_914, %parallel_loop3A_915], %parallel_loop3A_909 {strides = array<i32>} : memref<128x128xf32, #tpu.memory_space<vmem>>, vector<16xf32>,
        %parallel_loop3A_917 = arith.constant 2052 : i32
        %parallel_loop3A_918 = vector.broadcast %parallel_loop3A_917 : i32 to vector<16xi32>
        %parallel_loop3A_919 = arith.addi %parallel_loop3A_905, %parallel_loop3A_918 : vector<16xi32>
        %parallel_loop3A_920 = tpu.vector_load_idx %arg5[%parallel_loop3A_919] : memref<8208xf32, #tpu.memory_space<vmem>>[vector<16xi32>], vector<16xf32>,
        %parallel_loop3A_921 = arith.constant 4 : i32
        %parallel_loop3A_922 = arith.muli %parallel_loop3A_799, %parallel_loop3A_921 : i32
        %parallel_loop3A_923 = arith.constant 1 : i32
        %parallel_loop3A_924 = arith.addi %parallel_loop3A_922, %parallel_loop3A_923 : i32
        %parallel_loop3A_925 = arith.index_cast %parallel_loop3A_924 : i32 to index
        %parallel_loop3A_926 = arith.constant 32 : index
        %parallel_loop3A_927 = tpu.vector_load %arg9[%parallel_loop3A_925, %parallel_loop3A_926] {strides = array<i32>} : memref<128x128xf32, #tpu.memory_space<vmem>>, vector<16xf32>,
        tpu.vector_store %arg9[%parallel_loop3A_925, %parallel_loop3A_926], %parallel_loop3A_920 {strides = array<i32>} : memref<128x128xf32, #tpu.memory_space<vmem>>, vector<16xf32>,
        %parallel_loop3A_928 = arith.constant 4104 : i32
        %parallel_loop3A_929 = vector.broadcast %parallel_loop3A_928 : i32 to vector<16xi32>
        %parallel_loop3A_930 = arith.addi %parallel_loop3A_905, %parallel_loop3A_929 : vector<16xi32>
        %parallel_loop3A_931 = tpu.vector_load_idx %arg5[%parallel_loop3A_930] : memref<8208xf32, #tpu.memory_space<vmem>>[vector<16xi32>], vector<16xf32>,
        %parallel_loop3A_932 = arith.constant 4 : i32
        %parallel_loop3A_933 = arith.muli %parallel_loop3A_799, %parallel_loop3A_932 : i32
        %parallel_loop3A_934 = arith.constant 2 : i32
        %parallel_loop3A_935 = arith.addi %parallel_loop3A_933, %parallel_loop3A_934 : i32
        %parallel_loop3A_936 = arith.index_cast %parallel_loop3A_935 : i32 to index
        %parallel_loop3A_937 = arith.constant 32 : index
        %parallel_loop3A_938 = tpu.vector_load %arg9[%parallel_loop3A_936, %parallel_loop3A_937] {strides = array<i32>} : memref<128x128xf32, #tpu.memory_space<vmem>>, vector<16xf32>,
        tpu.vector_store %arg9[%parallel_loop3A_936, %parallel_loop3A_937], %parallel_loop3A_931 {strides = array<i32>} : memref<128x128xf32, #tpu.memory_space<vmem>>, vector<16xf32>,
        %parallel_loop3A_939 = arith.constant 6156 : i32
        %parallel_loop3A_940 = vector.broadcast %parallel_loop3A_939 : i32 to vector<16xi32>
        %parallel_loop3A_941 = arith.addi %parallel_loop3A_905, %parallel_loop3A_940 : vector<16xi32>
        %parallel_loop3A_942 = tpu.vector_load_idx %arg5[%parallel_loop3A_941] : memref<8208xf32, #tpu.memory_space<vmem>>[vector<16xi32>], vector<16xf32>,
        %parallel_loop3A_943 = arith.constant 4 : i32
        %parallel_loop3A_944 = arith.muli %parallel_loop3A_799, %parallel_loop3A_943 : i32
        %parallel_loop3A_945 = arith.constant 3 : i32
        %parallel_loop3A_946 = arith.addi %parallel_loop3A_944, %parallel_loop3A_945 : i32
        %parallel_loop3A_947 = arith.index_cast %parallel_loop3A_946 : i32 to index
        %parallel_loop3A_948 = arith.constant 32 : index
        %parallel_loop3A_949 = tpu.vector_load %arg9[%parallel_loop3A_947, %parallel_loop3A_948] {strides = array<i32>} : memref<128x128xf32, #tpu.memory_space<vmem>>, vector<16xf32>,
        tpu.vector_store %arg9[%parallel_loop3A_947, %parallel_loop3A_948], %parallel_loop3A_942 {strides = array<i32>} : memref<128x128xf32, #tpu.memory_space<vmem>>, vector<16xf32>,
        %parallel_loop3A_950 = arith.index_cast %parallel_loop3A_799 : i32 to index
        %parallel_loop3A_951 = arith.constant 48 : index
        %parallel_loop3A_952 = tpu.vector_load %arg7[%parallel_loop3A_950, %parallel_loop3A_951] {strides = array<i32>} : memref<32x128xi32, #tpu.memory_space<vmem>>, vector<16xi32>,
        %parallel_loop3A_953 = arith.constant 2048 : i32
        %parallel_loop3A_954 = vector.broadcast %parallel_loop3A_953 : i32 to vector<16xi32>
        %parallel_loop3A_955 = arith.minsi %parallel_loop3A_952, %parallel_loop3A_954 : vector<16xi32>
        %parallel_loop3A_956 = arith.constant 0 : i32
        %parallel_loop3A_957 = vector.broadcast %parallel_loop3A_956 : i32 to vector<16xi32>
        %parallel_loop3A_958 = arith.addi %parallel_loop3A_955, %parallel_loop3A_957 : vector<16xi32>
        %parallel_loop3A_959 = tpu.vector_load_idx %arg5[%parallel_loop3A_958] : memref<8208xf32, #tpu.memory_space<vmem>>[vector<16xi32>], vector<16xf32>,
        %parallel_loop3A_960 = arith.constant 4 : i32
        %parallel_loop3A_961 = arith.muli %parallel_loop3A_799, %parallel_loop3A_960 : i32
        %parallel_loop3A_962 = arith.constant 0 : i32
        %parallel_loop3A_963 = arith.addi %parallel_loop3A_961, %parallel_loop3A_962 : i32
        %parallel_loop3A_964 = arith.index_cast %parallel_loop3A_963 : i32 to index
        %parallel_loop3A_965 = arith.constant 48 : index
        %parallel_loop3A_966 = tpu.vector_load %arg9[%parallel_loop3A_964, %parallel_loop3A_965] {strides = array<i32>} : memref<128x128xf32, #tpu.memory_space<vmem>>, vector<16xf32>,
        tpu.vector_store %arg9[%parallel_loop3A_964, %parallel_loop3A_965], %parallel_loop3A_959 {strides = array<i32>} : memref<128x128xf32, #tpu.memory_space<vmem>>, vector<16xf32>,
        %parallel_loop3A_967 = arith.constant 2052 : i32
        %parallel_loop3A_968 = vector.broadcast %parallel_loop3A_967 : i32 to vector<16xi32>
        %parallel_loop3A_969 = arith.addi %parallel_loop3A_955, %parallel_loop3A_968 : vector<16xi32>
        %parallel_loop3A_970 = tpu.vector_load_idx %arg5[%parallel_loop3A_969] : memref<8208xf32, #tpu.memory_space<vmem>>[vector<16xi32>], vector<16xf32>,
        %parallel_loop3A_971 = arith.constant 4 : i32
        %parallel_loop3A_972 = arith.muli %parallel_loop3A_799, %parallel_loop3A_971 : i32
        %parallel_loop3A_973 = arith.constant 1 : i32
        %parallel_loop3A_974 = arith.addi %parallel_loop3A_972, %parallel_loop3A_973 : i32
        %parallel_loop3A_975 = arith.index_cast %parallel_loop3A_974 : i32 to index
        %parallel_loop3A_976 = arith.constant 48 : index
        %parallel_loop3A_977 = tpu.vector_load %arg9[%parallel_loop3A_975, %parallel_loop3A_976] {strides = array<i32>} : memref<128x128xf32, #tpu.memory_space<vmem>>, vector<16xf32>,
        tpu.vector_store %arg9[%parallel_loop3A_975, %parallel_loop3A_976], %parallel_loop3A_970 {strides = array<i32>} : memref<128x128xf32, #tpu.memory_space<vmem>>, vector<16xf32>,
        %parallel_loop3A_978 = arith.constant 4104 : i32
        %parallel_loop3A_979 = vector.broadcast %parallel_loop3A_978 : i32 to vector<16xi32>
        %parallel_loop3A_980 = arith.addi %parallel_loop3A_955, %parallel_loop3A_979 : vector<16xi32>
        %parallel_loop3A_981 = tpu.vector_load_idx %arg5[%parallel_loop3A_980] : memref<8208xf32, #tpu.memory_space<vmem>>[vector<16xi32>], vector<16xf32>,
        %parallel_loop3A_982 = arith.constant 4 : i32
        %parallel_loop3A_983 = arith.muli %parallel_loop3A_799, %parallel_loop3A_982 : i32
        %parallel_loop3A_984 = arith.constant 2 : i32
        %parallel_loop3A_985 = arith.addi %parallel_loop3A_983, %parallel_loop3A_984 : i32
        %parallel_loop3A_986 = arith.index_cast %parallel_loop3A_985 : i32 to index
        %parallel_loop3A_987 = arith.constant 48 : index
        %parallel_loop3A_988 = tpu.vector_load %arg9[%parallel_loop3A_986, %parallel_loop3A_987] {strides = array<i32>} : memref<128x128xf32, #tpu.memory_space<vmem>>, vector<16xf32>,
        tpu.vector_store %arg9[%parallel_loop3A_986, %parallel_loop3A_987], %parallel_loop3A_981 {strides = array<i32>} : memref<128x128xf32, #tpu.memory_space<vmem>>, vector<16xf32>,
        %parallel_loop3A_989 = arith.constant 6156 : i32
        %parallel_loop3A_990 = vector.broadcast %parallel_loop3A_989 : i32 to vector<16xi32>
        %parallel_loop3A_991 = arith.addi %parallel_loop3A_955, %parallel_loop3A_990 : vector<16xi32>
        %parallel_loop3A_992 = tpu.vector_load_idx %arg5[%parallel_loop3A_991] : memref<8208xf32, #tpu.memory_space<vmem>>[vector<16xi32>], vector<16xf32>,
        %parallel_loop3A_993 = arith.constant 4 : i32
        %parallel_loop3A_994 = arith.muli %parallel_loop3A_799, %parallel_loop3A_993 : i32
        %parallel_loop3A_995 = arith.constant 3 : i32
        %parallel_loop3A_996 = arith.addi %parallel_loop3A_994, %parallel_loop3A_995 : i32
        %parallel_loop3A_997 = arith.index_cast %parallel_loop3A_996 : i32 to index
        %parallel_loop3A_998 = arith.constant 48 : index
        %parallel_loop3A_999 = tpu.vector_load %arg9[%parallel_loop3A_997, %parallel_loop3A_998] {strides = array<i32>} : memref<128x128xf32, #tpu.memory_space<vmem>>, vector<16xf32>,
        tpu.vector_store %arg9[%parallel_loop3A_997, %parallel_loop3A_998], %parallel_loop3A_992 {strides = array<i32>} : memref<128x128xf32, #tpu.memory_space<vmem>>, vector<16xf32>,
        %parallel_loop3A_1000 = arith.index_cast %parallel_loop3A_799 : i32 to index
        %parallel_loop3A_1001 = arith.constant 64 : index
        %parallel_loop3A_1002 = tpu.vector_load %arg7[%parallel_loop3A_1000, %parallel_loop3A_1001] {strides = array<i32>} : memref<32x128xi32, #tpu.memory_space<vmem>>, vector<16xi32>,
        %parallel_loop3A_1003 = arith.constant 2048 : i32
        %parallel_loop3A_1004 = vector.broadcast %parallel_loop3A_1003 : i32 to vector<16xi32>
        %parallel_loop3A_1005 = arith.minsi %parallel_loop3A_1002, %parallel_loop3A_1004 : vector<16xi32>
        %parallel_loop3A_1006 = arith.constant 0 : i32
        %parallel_loop3A_1007 = vector.broadcast %parallel_loop3A_1006 : i32 to vector<16xi32>
        %parallel_loop3A_1008 = arith.addi %parallel_loop3A_1005, %parallel_loop3A_1007 : vector<16xi32>
        %parallel_loop3A_1009 = tpu.vector_load_idx %arg5[%parallel_loop3A_1008] : memref<8208xf32, #tpu.memory_space<vmem>>[vector<16xi32>], vector<16xf32>,
        %parallel_loop3A_1010 = arith.constant 4 : i32
        %parallel_loop3A_1011 = arith.muli %parallel_loop3A_799, %parallel_loop3A_1010 : i32
        %parallel_loop3A_1012 = arith.constant 0 : i32
        %parallel_loop3A_1013 = arith.addi %parallel_loop3A_1011, %parallel_loop3A_1012 : i32
        %parallel_loop3A_1014 = arith.index_cast %parallel_loop3A_1013 : i32 to index
        %parallel_loop3A_1015 = arith.constant 64 : index
        %parallel_loop3A_1016 = tpu.vector_load %arg9[%parallel_loop3A_1014, %parallel_loop3A_1015] {strides = array<i32>} : memref<128x128xf32, #tpu.memory_space<vmem>>, vector<16xf32>,
        tpu.vector_store %arg9[%parallel_loop3A_1014, %parallel_loop3A_1015], %parallel_loop3A_1009 {strides = array<i32>} : memref<128x128xf32, #tpu.memory_space<vmem>>, vector<16xf32>,
        %parallel_loop3A_1017 = arith.constant 2052 : i32
        %parallel_loop3A_1018 = vector.broadcast %parallel_loop3A_1017 : i32 to vector<16xi32>
        %parallel_loop3A_1019 = arith.addi %parallel_loop3A_1005, %parallel_loop3A_1018 : vector<16xi32>
        %parallel_loop3A_1020 = tpu.vector_load_idx %arg5[%parallel_loop3A_1019] : memref<8208xf32, #tpu.memory_space<vmem>>[vector<16xi32>], vector<16xf32>,
        %parallel_loop3A_1021 = arith.constant 4 : i32
        %parallel_loop3A_1022 = arith.muli %parallel_loop3A_799, %parallel_loop3A_1021 : i32
        %parallel_loop3A_1023 = arith.constant 1 : i32
        %parallel_loop3A_1024 = arith.addi %parallel_loop3A_1022, %parallel_loop3A_1023 : i32
        %parallel_loop3A_1025 = arith.index_cast %parallel_loop3A_1024 : i32 to index
        %parallel_loop3A_1026 = arith.constant 64 : index
        %parallel_loop3A_1027 = tpu.vector_load %arg9[%parallel_loop3A_1025, %parallel_loop3A_1026] {strides = array<i32>} : memref<128x128xf32, #tpu.memory_space<vmem>>, vector<16xf32>,
        tpu.vector_store %arg9[%parallel_loop3A_1025, %parallel_loop3A_1026], %parallel_loop3A_1020 {strides = array<i32>} : memref<128x128xf32, #tpu.memory_space<vmem>>, vector<16xf32>,
        %parallel_loop3A_1028 = arith.constant 4104 : i32
        %parallel_loop3A_1029 = vector.broadcast %parallel_loop3A_1028 : i32 to vector<16xi32>
        %parallel_loop3A_1030 = arith.addi %parallel_loop3A_1005, %parallel_loop3A_1029 : vector<16xi32>
        %parallel_loop3A_1031 = tpu.vector_load_idx %arg5[%parallel_loop3A_1030] : memref<8208xf32, #tpu.memory_space<vmem>>[vector<16xi32>], vector<16xf32>,
        %parallel_loop3A_1032 = arith.constant 4 : i32
        %parallel_loop3A_1033 = arith.muli %parallel_loop3A_799, %parallel_loop3A_1032 : i32
        %parallel_loop3A_1034 = arith.constant 2 : i32
        %parallel_loop3A_1035 = arith.addi %parallel_loop3A_1033, %parallel_loop3A_1034 : i32
        %parallel_loop3A_1036 = arith.index_cast %parallel_loop3A_1035 : i32 to index
        %parallel_loop3A_1037 = arith.constant 64 : index
        %parallel_loop3A_1038 = tpu.vector_load %arg9[%parallel_loop3A_1036, %parallel_loop3A_1037] {strides = array<i32>} : memref<128x128xf32, #tpu.memory_space<vmem>>, vector<16xf32>,
        tpu.vector_store %arg9[%parallel_loop3A_1036, %parallel_loop3A_1037], %parallel_loop3A_1031 {strides = array<i32>} : memref<128x128xf32, #tpu.memory_space<vmem>>, vector<16xf32>,
        %parallel_loop3A_1039 = arith.constant 6156 : i32
        %parallel_loop3A_1040 = vector.broadcast %parallel_loop3A_1039 : i32 to vector<16xi32>
        %parallel_loop3A_1041 = arith.addi %parallel_loop3A_1005, %parallel_loop3A_1040 : vector<16xi32>
        %parallel_loop3A_1042 = tpu.vector_load_idx %arg5[%parallel_loop3A_1041] : memref<8208xf32, #tpu.memory_space<vmem>>[vector<16xi32>], vector<16xf32>,
        %parallel_loop3A_1043 = arith.constant 4 : i32
        %parallel_loop3A_1044 = arith.muli %parallel_loop3A_799, %parallel_loop3A_1043 : i32
        %parallel_loop3A_1045 = arith.constant 3 : i32
        %parallel_loop3A_1046 = arith.addi %parallel_loop3A_1044, %parallel_loop3A_1045 : i32
        %parallel_loop3A_1047 = arith.index_cast %parallel_loop3A_1046 : i32 to index
        %parallel_loop3A_1048 = arith.constant 64 : index
        %parallel_loop3A_1049 = tpu.vector_load %arg9[%parallel_loop3A_1047, %parallel_loop3A_1048] {strides = array<i32>} : memref<128x128xf32, #tpu.memory_space<vmem>>, vector<16xf32>,
        tpu.vector_store %arg9[%parallel_loop3A_1047, %parallel_loop3A_1048], %parallel_loop3A_1042 {strides = array<i32>} : memref<128x128xf32, #tpu.memory_space<vmem>>, vector<16xf32>,
        %parallel_loop3A_1050 = arith.index_cast %parallel_loop3A_799 : i32 to index
        %parallel_loop3A_1051 = arith.constant 80 : index
        %parallel_loop3A_1052 = tpu.vector_load %arg7[%parallel_loop3A_1050, %parallel_loop3A_1051] {strides = array<i32>} : memref<32x128xi32, #tpu.memory_space<vmem>>, vector<16xi32>,
        %parallel_loop3A_1053 = arith.constant 2048 : i32
        %parallel_loop3A_1054 = vector.broadcast %parallel_loop3A_1053 : i32 to vector<16xi32>
        %parallel_loop3A_1055 = arith.minsi %parallel_loop3A_1052, %parallel_loop3A_1054 : vector<16xi32>
        %parallel_loop3A_1056 = arith.constant 0 : i32
        %parallel_loop3A_1057 = vector.broadcast %parallel_loop3A_1056 : i32 to vector<16xi32>
        %parallel_loop3A_1058 = arith.addi %parallel_loop3A_1055, %parallel_loop3A_1057 : vector<16xi32>
        %parallel_loop3A_1059 = tpu.vector_load_idx %arg5[%parallel_loop3A_1058] : memref<8208xf32, #tpu.memory_space<vmem>>[vector<16xi32>], vector<16xf32>,
        %parallel_loop3A_1060 = arith.constant 4 : i32
        %parallel_loop3A_1061 = arith.muli %parallel_loop3A_799, %parallel_loop3A_1060 : i32
        %parallel_loop3A_1062 = arith.constant 0 : i32
        %parallel_loop3A_1063 = arith.addi %parallel_loop3A_1061, %parallel_loop3A_1062 : i32
        %parallel_loop3A_1064 = arith.index_cast %parallel_loop3A_1063 : i32 to index
        %parallel_loop3A_1065 = arith.constant 80 : index
        %parallel_loop3A_1066 = tpu.vector_load %arg9[%parallel_loop3A_1064, %parallel_loop3A_1065] {strides = array<i32>} : memref<128x128xf32, #tpu.memory_space<vmem>>, vector<16xf32>,
        tpu.vector_store %arg9[%parallel_loop3A_1064, %parallel_loop3A_1065], %parallel_loop3A_1059 {strides = array<i32>} : memref<128x128xf32, #tpu.memory_space<vmem>>, vector<16xf32>,
        %parallel_loop3A_1067 = arith.constant 2052 : i32
        %parallel_loop3A_1068 = vector.broadcast %parallel_loop3A_1067 : i32 to vector<16xi32>
        %parallel_loop3A_1069 = arith.addi %parallel_loop3A_1055, %parallel_loop3A_1068 : vector<16xi32>
        %parallel_loop3A_1070 = tpu.vector_load_idx %arg5[%parallel_loop3A_1069] : memref<8208xf32, #tpu.memory_space<vmem>>[vector<16xi32>], vector<16xf32>,
        %parallel_loop3A_1071 = arith.constant 4 : i32
        %parallel_loop3A_1072 = arith.muli %parallel_loop3A_799, %parallel_loop3A_1071 : i32
        %parallel_loop3A_1073 = arith.constant 1 : i32
        %parallel_loop3A_1074 = arith.addi %parallel_loop3A_1072, %parallel_loop3A_1073 : i32
        %parallel_loop3A_1075 = arith.index_cast %parallel_loop3A_1074 : i32 to index
        %parallel_loop3A_1076 = arith.constant 80 : index
        %parallel_loop3A_1077 = tpu.vector_load %arg9[%parallel_loop3A_1075, %parallel_loop3A_1076] {strides = array<i32>} : memref<128x128xf32, #tpu.memory_space<vmem>>, vector<16xf32>,
        tpu.vector_store %arg9[%parallel_loop3A_1075, %parallel_loop3A_1076], %parallel_loop3A_1070 {strides = array<i32>} : memref<128x128xf32, #tpu.memory_space<vmem>>, vector<16xf32>,
        %parallel_loop3A_1078 = arith.constant 4104 : i32
        %parallel_loop3A_1079 = vector.broadcast %parallel_loop3A_1078 : i32 to vector<16xi32>
        %parallel_loop3A_1080 = arith.addi %parallel_loop3A_1055, %parallel_loop3A_1079 : vector<16xi32>
        %parallel_loop3A_1081 = tpu.vector_load_idx %arg5[%parallel_loop3A_1080] : memref<8208xf32, #tpu.memory_space<vmem>>[vector<16xi32>], vector<16xf32>,
        %parallel_loop3A_1082 = arith.constant 4 : i32
        %parallel_loop3A_1083 = arith.muli %parallel_loop3A_799, %parallel_loop3A_1082 : i32
        %parallel_loop3A_1084 = arith.constant 2 : i32
        %parallel_loop3A_1085 = arith.addi %parallel_loop3A_1083, %parallel_loop3A_1084 : i32
        %parallel_loop3A_1086 = arith.index_cast %parallel_loop3A_1085 : i32 to index
        %parallel_loop3A_1087 = arith.constant 80 : index
        %parallel_loop3A_1088 = tpu.vector_load %arg9[%parallel_loop3A_1086, %parallel_loop3A_1087] {strides = array<i32>} : memref<128x128xf32, #tpu.memory_space<vmem>>, vector<16xf32>,
        tpu.vector_store %arg9[%parallel_loop3A_1086, %parallel_loop3A_1087], %parallel_loop3A_1081 {strides = array<i32>} : memref<128x128xf32, #tpu.memory_space<vmem>>, vector<16xf32>,
        %parallel_loop3A_1089 = arith.constant 6156 : i32
        %parallel_loop3A_1090 = vector.broadcast %parallel_loop3A_1089 : i32 to vector<16xi32>
        %parallel_loop3A_1091 = arith.addi %parallel_loop3A_1055, %parallel_loop3A_1090 : vector<16xi32>
        %parallel_loop3A_1092 = tpu.vector_load_idx %arg5[%parallel_loop3A_1091] : memref<8208xf32, #tpu.memory_space<vmem>>[vector<16xi32>], vector<16xf32>,
        %parallel_loop3A_1093 = arith.constant 4 : i32
        %parallel_loop3A_1094 = arith.muli %parallel_loop3A_799, %parallel_loop3A_1093 : i32
        %parallel_loop3A_1095 = arith.constant 3 : i32
        %parallel_loop3A_1096 = arith.addi %parallel_loop3A_1094, %parallel_loop3A_1095 : i32
        %parallel_loop3A_1097 = arith.index_cast %parallel_loop3A_1096 : i32 to index
        %parallel_loop3A_1098 = arith.constant 80 : index
        %parallel_loop3A_1099 = tpu.vector_load %arg9[%parallel_loop3A_1097, %parallel_loop3A_1098] {strides = array<i32>} : memref<128x128xf32, #tpu.memory_space<vmem>>, vector<16xf32>,
        tpu.vector_store %arg9[%parallel_loop3A_1097, %parallel_loop3A_1098], %parallel_loop3A_1092 {strides = array<i32>} : memref<128x128xf32, #tpu.memory_space<vmem>>, vector<16xf32>,
        %parallel_loop3A_1100 = arith.index_cast %parallel_loop3A_799 : i32 to index
        %parallel_loop3A_1101 = arith.constant 96 : index
        %parallel_loop3A_1102 = tpu.vector_load %arg7[%parallel_loop3A_1100, %parallel_loop3A_1101] {strides = array<i32>} : memref<32x128xi32, #tpu.memory_space<vmem>>, vector<16xi32>,
        %parallel_loop3A_1103 = arith.constant 2048 : i32
        %parallel_loop3A_1104 = vector.broadcast %parallel_loop3A_1103 : i32 to vector<16xi32>
        %parallel_loop3A_1105 = arith.minsi %parallel_loop3A_1102, %parallel_loop3A_1104 : vector<16xi32>
        %parallel_loop3A_1106 = arith.constant 0 : i32
        %parallel_loop3A_1107 = vector.broadcast %parallel_loop3A_1106 : i32 to vector<16xi32>
        %parallel_loop3A_1108 = arith.addi %parallel_loop3A_1105, %parallel_loop3A_1107 : vector<16xi32>
        %parallel_loop3A_1109 = tpu.vector_load_idx %arg5[%parallel_loop3A_1108] : memref<8208xf32, #tpu.memory_space<vmem>>[vector<16xi32>], vector<16xf32>,
        %parallel_loop3A_1110 = arith.constant 4 : i32
        %parallel_loop3A_1111 = arith.muli %parallel_loop3A_799, %parallel_loop3A_1110 : i32
        %parallel_loop3A_1112 = arith.constant 0 : i32
        %parallel_loop3A_1113 = arith.addi %parallel_loop3A_1111, %parallel_loop3A_1112 : i32
        %parallel_loop3A_1114 = arith.index_cast %parallel_loop3A_1113 : i32 to index
        %parallel_loop3A_1115 = arith.constant 96 : index
        %parallel_loop3A_1116 = tpu.vector_load %arg9[%parallel_loop3A_1114, %parallel_loop3A_1115] {strides = array<i32>} : memref<128x128xf32, #tpu.memory_space<vmem>>, vector<16xf32>,
        tpu.vector_store %arg9[%parallel_loop3A_1114, %parallel_loop3A_1115], %parallel_loop3A_1109 {strides = array<i32>} : memref<128x128xf32, #tpu.memory_space<vmem>>, vector<16xf32>,
        %parallel_loop3A_1117 = arith.constant 2052 : i32
        %parallel_loop3A_1118 = vector.broadcast %parallel_loop3A_1117 : i32 to vector<16xi32>
        %parallel_loop3A_1119 = arith.addi %parallel_loop3A_1105, %parallel_loop3A_1118 : vector<16xi32>
        %parallel_loop3A_1120 = tpu.vector_load_idx %arg5[%parallel_loop3A_1119] : memref<8208xf32, #tpu.memory_space<vmem>>[vector<16xi32>], vector<16xf32>,
        %parallel_loop3A_1121 = arith.constant 4 : i32
        %parallel_loop3A_1122 = arith.muli %parallel_loop3A_799, %parallel_loop3A_1121 : i32
        %parallel_loop3A_1123 = arith.constant 1 : i32
        %parallel_loop3A_1124 = arith.addi %parallel_loop3A_1122, %parallel_loop3A_1123 : i32
        %parallel_loop3A_1125 = arith.index_cast %parallel_loop3A_1124 : i32 to index
        %parallel_loop3A_1126 = arith.constant 96 : index
        %parallel_loop3A_1127 = tpu.vector_load %arg9[%parallel_loop3A_1125, %parallel_loop3A_1126] {strides = array<i32>} : memref<128x128xf32, #tpu.memory_space<vmem>>, vector<16xf32>,
        tpu.vector_store %arg9[%parallel_loop3A_1125, %parallel_loop3A_1126], %parallel_loop3A_1120 {strides = array<i32>} : memref<128x128xf32, #tpu.memory_space<vmem>>, vector<16xf32>,
        %parallel_loop3A_1128 = arith.constant 4104 : i32
        %parallel_loop3A_1129 = vector.broadcast %parallel_loop3A_1128 : i32 to vector<16xi32>
        %parallel_loop3A_1130 = arith.addi %parallel_loop3A_1105, %parallel_loop3A_1129 : vector<16xi32>
        %parallel_loop3A_1131 = tpu.vector_load_idx %arg5[%parallel_loop3A_1130] : memref<8208xf32, #tpu.memory_space<vmem>>[vector<16xi32>], vector<16xf32>,
        %parallel_loop3A_1132 = arith.constant 4 : i32
        %parallel_loop3A_1133 = arith.muli %parallel_loop3A_799, %parallel_loop3A_1132 : i32
        %parallel_loop3A_1134 = arith.constant 2 : i32
        %parallel_loop3A_1135 = arith.addi %parallel_loop3A_1133, %parallel_loop3A_1134 : i32
        %parallel_loop3A_1136 = arith.index_cast %parallel_loop3A_1135 : i32 to index
        %parallel_loop3A_1137 = arith.constant 96 : index
        %parallel_loop3A_1138 = tpu.vector_load %arg9[%parallel_loop3A_1136, %parallel_loop3A_1137] {strides = array<i32>} : memref<128x128xf32, #tpu.memory_space<vmem>>, vector<16xf32>,
        tpu.vector_store %arg9[%parallel_loop3A_1136, %parallel_loop3A_1137], %parallel_loop3A_1131 {strides = array<i32>} : memref<128x128xf32, #tpu.memory_space<vmem>>, vector<16xf32>,
        %parallel_loop3A_1139 = arith.constant 6156 : i32
        %parallel_loop3A_1140 = vector.broadcast %parallel_loop3A_1139 : i32 to vector<16xi32>
        %parallel_loop3A_1141 = arith.addi %parallel_loop3A_1105, %parallel_loop3A_1140 : vector<16xi32>
        %parallel_loop3A_1142 = tpu.vector_load_idx %arg5[%parallel_loop3A_1141] : memref<8208xf32, #tpu.memory_space<vmem>>[vector<16xi32>], vector<16xf32>,
        %parallel_loop3A_1143 = arith.constant 4 : i32
        %parallel_loop3A_1144 = arith.muli %parallel_loop3A_799, %parallel_loop3A_1143 : i32
        %parallel_loop3A_1145 = arith.constant 3 : i32
        %parallel_loop3A_1146 = arith.addi %parallel_loop3A_1144, %parallel_loop3A_1145 : i32
        %parallel_loop3A_1147 = arith.index_cast %parallel_loop3A_1146 : i32 to index
        %parallel_loop3A_1148 = arith.constant 96 : index
        %parallel_loop3A_1149 = tpu.vector_load %arg9[%parallel_loop3A_1147, %parallel_loop3A_1148] {strides = array<i32>} : memref<128x128xf32, #tpu.memory_space<vmem>>, vector<16xf32>,
        tpu.vector_store %arg9[%parallel_loop3A_1147, %parallel_loop3A_1148], %parallel_loop3A_1142 {strides = array<i32>} : memref<128x128xf32, #tpu.memory_space<vmem>>, vector<16xf32>,
        %parallel_loop3A_1150 = arith.index_cast %parallel_loop3A_799 : i32 to index
        %parallel_loop3A_1151 = arith.constant 112 : index
        %parallel_loop3A_1152 = tpu.vector_load %arg7[%parallel_loop3A_1150, %parallel_loop3A_1151] {strides = array<i32>} : memref<32x128xi32, #tpu.memory_space<vmem>>, vector<16xi32>,
        %parallel_loop3A_1153 = arith.constant 2048 : i32
        %parallel_loop3A_1154 = vector.broadcast %parallel_loop3A_1153 : i32 to vector<16xi32>
        %parallel_loop3A_1155 = arith.minsi %parallel_loop3A_1152, %parallel_loop3A_1154 : vector<16xi32>
        %parallel_loop3A_1156 = arith.constant 0 : i32
        %parallel_loop3A_1157 = vector.broadcast %parallel_loop3A_1156 : i32 to vector<16xi32>
        %parallel_loop3A_1158 = arith.addi %parallel_loop3A_1155, %parallel_loop3A_1157 : vector<16xi32>
        %parallel_loop3A_1159 = tpu.vector_load_idx %arg5[%parallel_loop3A_1158] : memref<8208xf32, #tpu.memory_space<vmem>>[vector<16xi32>], vector<16xf32>,
        %parallel_loop3A_1160 = arith.constant 4 : i32
        %parallel_loop3A_1161 = arith.muli %parallel_loop3A_799, %parallel_loop3A_1160 : i32
        %parallel_loop3A_1162 = arith.constant 0 : i32
        %parallel_loop3A_1163 = arith.addi %parallel_loop3A_1161, %parallel_loop3A_1162 : i32
        %parallel_loop3A_1164 = arith.index_cast %parallel_loop3A_1163 : i32 to index
        %parallel_loop3A_1165 = arith.constant 112 : index
        %parallel_loop3A_1166 = tpu.vector_load %arg9[%parallel_loop3A_1164, %parallel_loop3A_1165] {strides = array<i32>} : memref<128x128xf32, #tpu.memory_space<vmem>>, vector<16xf32>,
        tpu.vector_store %arg9[%parallel_loop3A_1164, %parallel_loop3A_1165], %parallel_loop3A_1159 {strides = array<i32>} : memref<128x128xf32, #tpu.memory_space<vmem>>, vector<16xf32>,
        %parallel_loop3A_1167 = arith.constant 2052 : i32
        %parallel_loop3A_1168 = vector.broadcast %parallel_loop3A_1167 : i32 to vector<16xi32>
        %parallel_loop3A_1169 = arith.addi %parallel_loop3A_1155, %parallel_loop3A_1168 : vector<16xi32>
        %parallel_loop3A_1170 = tpu.vector_load_idx %arg5[%parallel_loop3A_1169] : memref<8208xf32, #tpu.memory_space<vmem>>[vector<16xi32>], vector<16xf32>,
        %parallel_loop3A_1171 = arith.constant 4 : i32
        %parallel_loop3A_1172 = arith.muli %parallel_loop3A_799, %parallel_loop3A_1171 : i32
        %parallel_loop3A_1173 = arith.constant 1 : i32
        %parallel_loop3A_1174 = arith.addi %parallel_loop3A_1172, %parallel_loop3A_1173 : i32
        %parallel_loop3A_1175 = arith.index_cast %parallel_loop3A_1174 : i32 to index
        %parallel_loop3A_1176 = arith.constant 112 : index
        %parallel_loop3A_1177 = tpu.vector_load %arg9[%parallel_loop3A_1175, %parallel_loop3A_1176] {strides = array<i32>} : memref<128x128xf32, #tpu.memory_space<vmem>>, vector<16xf32>,
        tpu.vector_store %arg9[%parallel_loop3A_1175, %parallel_loop3A_1176], %parallel_loop3A_1170 {strides = array<i32>} : memref<128x128xf32, #tpu.memory_space<vmem>>, vector<16xf32>,
        %parallel_loop3A_1178 = arith.constant 4104 : i32
        %parallel_loop3A_1179 = vector.broadcast %parallel_loop3A_1178 : i32 to vector<16xi32>
        %parallel_loop3A_1180 = arith.addi %parallel_loop3A_1155, %parallel_loop3A_1179 : vector<16xi32>
        %parallel_loop3A_1181 = tpu.vector_load_idx %arg5[%parallel_loop3A_1180] : memref<8208xf32, #tpu.memory_space<vmem>>[vector<16xi32>], vector<16xf32>,
        %parallel_loop3A_1182 = arith.constant 4 : i32
        %parallel_loop3A_1183 = arith.muli %parallel_loop3A_799, %parallel_loop3A_1182 : i32
        %parallel_loop3A_1184 = arith.constant 2 : i32
        %parallel_loop3A_1185 = arith.addi %parallel_loop3A_1183, %parallel_loop3A_1184 : i32
        %parallel_loop3A_1186 = arith.index_cast %parallel_loop3A_1185 : i32 to index
        %parallel_loop3A_1187 = arith.constant 112 : index
        %parallel_loop3A_1188 = tpu.vector_load %arg9[%parallel_loop3A_1186, %parallel_loop3A_1187] {strides = array<i32>} : memref<128x128xf32, #tpu.memory_space<vmem>>, vector<16xf32>,
        tpu.vector_store %arg9[%parallel_loop3A_1186, %parallel_loop3A_1187], %parallel_loop3A_1181 {strides = array<i32>} : memref<128x128xf32, #tpu.memory_space<vmem>>, vector<16xf32>,
        %parallel_loop3A_1189 = arith.constant 6156 : i32
        %parallel_loop3A_1190 = vector.broadcast %parallel_loop3A_1189 : i32 to vector<16xi32>
        %parallel_loop3A_1191 = arith.addi %parallel_loop3A_1155, %parallel_loop3A_1190 : vector<16xi32>
        %parallel_loop3A_1192 = tpu.vector_load_idx %arg5[%parallel_loop3A_1191] : memref<8208xf32, #tpu.memory_space<vmem>>[vector<16xi32>], vector<16xf32>,
        %parallel_loop3A_1193 = arith.constant 4 : i32
        %parallel_loop3A_1194 = arith.muli %parallel_loop3A_799, %parallel_loop3A_1193 : i32
        %parallel_loop3A_1195 = arith.constant 3 : i32
        %parallel_loop3A_1196 = arith.addi %parallel_loop3A_1194, %parallel_loop3A_1195 : i32
        %parallel_loop3A_1197 = arith.index_cast %parallel_loop3A_1196 : i32 to index
        %parallel_loop3A_1198 = arith.constant 112 : index
        %parallel_loop3A_1199 = tpu.vector_load %arg9[%parallel_loop3A_1197, %parallel_loop3A_1198] {strides = array<i32>} : memref<128x128xf32, #tpu.memory_space<vmem>>, vector<16xf32>,
        tpu.vector_store %arg9[%parallel_loop3A_1197, %parallel_loop3A_1198], %parallel_loop3A_1192 {strides = array<i32>} : memref<128x128xf32, #tpu.memory_space<vmem>>, vector<16xf32>,
      } {sc.loop_unroll_factor = 4 : i64, sc.parallel_access}
      %dma_start3A_697 = arith.constant 0 : i32
      %dma_start3A_698 = tpu.memref_slice %arg4[%mul3A_682, %dma_start3A_697] : memref<102400x128xf32, #tpu.memory_space<hbm>> -> memref<128x128xf32, #tpu.memory_space<hbm>>
      %dma_start3A_699 = arith.constant 0 : i32
      %dma_start3A_700 = tpu.memref_slice %arg4[%mul3A_682, %dma_start3A_699] : memref<102400x128xf32, #tpu.memory_space<hbm>> -> memref<128x128xf32, #tpu.memory_space<hbm>>
      tpu.enqueue_dma source(%arg9 : memref<128x128xf32, #tpu.memory_space<vmem>>) target(%dma_start3A_700 : memref<128x128xf32, #tpu.memory_space<hbm>>) target_semaphore(%arg13 : memref<!tpu.dma_semaphore, #tpu.memory_space<semaphore_mem>>)
      %add3A_701 = arith.constant 1 : i32
      %add3A_702 = arith.addi %add3A_395, %add3A_701 : i32
      %add3A_703 = arith.constant 2 : i32
      %add3A_704 = arith.addi %add3A_702, %add3A_703 : i32
      %min3A_705 = arith.minsi %add3A_704, %sub3A_5 : i32
      %jit3A_706 = arith.constant 4 : i32
      %div3A_707 = arith.divsi %min3A_705, %jit3A_706 : i32
      %sign3A_708 = arith.constant 0 : i32
      %sign3A_709 = arith.cmpi sgt, %min3A_705, %sign3A_708 : i32
      %sign3A_710 = arith.extui %sign3A_709 : i1 to i32
      %sign3A_711 = arith.constant 0 : i32
      %sign3A_712 = arith.cmpi slt, %min3A_705, %sign3A_711 : i32
      %sign3A_713 = arith.extui %sign3A_712 : i1 to i32
      %sign3A_714 = arith.subi %sign3A_710, %sign3A_713 : i32
      %sign3A_715 = arith.constant 0 : i32
      %sign3A_716 = arith.cmpi sgt, %jit3A_706, %sign3A_715 : i32
      %sign3A_717 = arith.extui %sign3A_716 : i1 to i32
      %sign3A_718 = arith.constant 0 : i32
      %sign3A_719 = arith.cmpi slt, %jit3A_706, %sign3A_718 : i32
      %sign3A_720 = arith.extui %sign3A_719 : i1 to i32
      %sign3A_721 = arith.subi %sign3A_717, %sign3A_720 : i32
      %ne3A_722 = arith.cmpi ne, %sign3A_714, %sign3A_721 : i32
      %rem3A_723 = arith.remsi %min3A_705, %jit3A_706 : i32
      %ne3A_724 = arith.constant 0 : i32
      %ne3A_725 = arith.cmpi ne, %rem3A_723, %ne3A_724 : i32
      %and3A_726 = arith.andi %ne3A_722, %ne3A_725 : i1
      %sub3A_727 = arith.constant 1 : i32
      %sub3A_728 = arith.subi %div3A_707, %sub3A_727 : i32
      %select_n3A_729 = arith.select %and3A_726, %sub3A_728, %div3A_707 : i32
      %jit3A_730 = arith.constant 4 : i32
      %eq3A_731 = arith.constant 0 : i32
      %eq3A_732 = arith.cmpi eq, %jit3A_730, %eq3A_731 : i32
      %jit3A_733 = arith.constant 1 : i32
      %select_n3A_734 = arith.select %eq3A_732, %jit3A_733, %jit3A_730 : i32
      %rem3A_735 = arith.remsi %min3A_705, %select_n3A_734 : i32
      %ne3A_736 = arith.constant 0 : i32
      %ne3A_737 = arith.cmpi ne, %rem3A_735, %ne3A_736 : i32
      %lt3A_738 = arith.constant 0 : i32
      %lt3A_739 = arith.cmpi slt, %rem3A_735, %lt3A_738 : i32
      %lt3A_740 = arith.constant 0 : i32
      %lt3A_741 = arith.cmpi slt, %select_n3A_734, %lt3A_740 : i32
      %ne3A_742 = arith.xori %lt3A_739, %lt3A_741 : i1
      %and3A_743 = arith.andi %ne3A_742, %ne3A_737 : i1
      %add3A_744 = arith.addi %rem3A_735, %select_n3A_734 : i32
      %select_n3A_745 = arith.select %and3A_743, %add3A_744, %rem3A_735 : i32
      %mul3A_746 = arith.constant 32 : i32
      %mul3A_747 = arith.muli %select_n3A_745, %mul3A_746 : i32
      %jit3A_748 = arith.constant 8 : i32
      %div3A_749 = arith.divsi %select_n3A_729, %jit3A_748 : i32
      %sign3A_750 = arith.constant 0 : i32
      %sign3A_751 = arith.cmpi sgt, %select_n3A_729, %sign3A_750 : i32
      %sign3A_752 = arith.extui %sign3A_751 : i1 to i32
      %sign3A_753 = arith.constant 0 : i32
      %sign3A_754 = arith.cmpi slt, %select_n3A_729, %sign3A_753 : i32
      %sign3A_755 = arith.extui %sign3A_754 : i1 to i32
      %sign3A_756 = arith.subi %sign3A_752, %sign3A_755 : i32
      %sign3A_757 = arith.constant 0 : i32
      %sign3A_758 = arith.cmpi sgt, %jit3A_748, %sign3A_757 : i32
      %sign3A_759 = arith.extui %sign3A_758 : i1 to i32
      %sign3A_760 = arith.constant 0 : i32
      %sign3A_761 = arith.cmpi slt, %jit3A_748, %sign3A_760 : i32
      %sign3A_762 = arith.extui %sign3A_761 : i1 to i32
      %sign3A_763 = arith.subi %sign3A_759, %sign3A_762 : i32
      %ne3A_764 = arith.cmpi ne, %sign3A_756, %sign3A_763 : i32
      %rem3A_765 = arith.remsi %select_n3A_729, %jit3A_748 : i32
      %ne3A_766 = arith.constant 0 : i32
      %ne3A_767 = arith.cmpi ne, %rem3A_765, %ne3A_766 : i32
      %and3A_768 = arith.andi %ne3A_764, %ne3A_767 : i1
      %sub3A_769 = arith.constant 1 : i32
      %sub3A_770 = arith.subi %div3A_749, %sub3A_769 : i32
      %select_n3A_771 = arith.select %and3A_768, %sub3A_770, %div3A_749 : i32
      %jit3A_772 = arith.constant 8 : i32
      %eq3A_773 = arith.constant 0 : i32
      %eq3A_774 = arith.cmpi eq, %jit3A_772, %eq3A_773 : i32
      %jit3A_775 = arith.constant 1 : i32
      %select_n3A_776 = arith.select %eq3A_774, %jit3A_775, %jit3A_772 : i32
      %rem3A_777 = arith.remsi %select_n3A_729, %select_n3A_776 : i32
      %ne3A_778 = arith.constant 0 : i32
      %ne3A_779 = arith.cmpi ne, %rem3A_777, %ne3A_778 : i32
      %lt3A_780 = arith.constant 0 : i32
      %lt3A_781 = arith.cmpi slt, %rem3A_777, %lt3A_780 : i32
      %lt3A_782 = arith.constant 0 : i32
      %lt3A_783 = arith.cmpi slt, %select_n3A_776, %lt3A_782 : i32
      %ne3A_784 = arith.xori %lt3A_781, %lt3A_783 : i1
      %and3A_785 = arith.andi %ne3A_784, %ne3A_779 : i1
      %add3A_786 = arith.addi %rem3A_777, %select_n3A_776 : i32
      %select_n3A_787 = arith.select %and3A_785, %add3A_786, %rem3A_777 : i32
      %mul3A_788 = arith.constant 32 : i32
      %mul3A_789 = arith.muli %min3A_705, %mul3A_788 : i32
      %mul3A_790 = arith.constant 4 : i32
      %mul3A_791 = arith.muli %mul3A_789, %mul3A_790 : i32
      %dma_start3A_792 = arith.constant 0 : i32
      %dma_start3A_793 = tpu.memref_slice %arg2[%select_n3A_771, %mul3A_747, %select_n3A_787, %dma_start3A_792] : memref<25x128x8x128xi32, #tpu.memory_space<hbm>> -> memref<1x32x1x128xi32, #tpu.memory_space<hbm>>
      %dma_start3A_794 = tpu.memref_squeeze %dma_start3A_793 : memref<1x32x1x128xi32, #tpu.memory_space<hbm>> -> memref<32x128xi32, #tpu.memory_space<hbm>>
      %dma_start3A_795 = arith.constant 0 : i32
      %dma_start3A_796 = tpu.memref_slice %arg2[%select_n3A_771, %mul3A_747, %select_n3A_787, %dma_start3A_795] : memref<25x128x8x128xi32, #tpu.memory_space<hbm>> -> memref<1x32x1x128xi32, #tpu.memory_space<hbm>>
      %dma_start3A_797 = tpu.memref_squeeze %dma_start3A_796 : memref<1x32x1x128xi32, #tpu.memory_space<hbm>> -> memref<32x128xi32, #tpu.memory_space<hbm>>
      tpu.enqueue_dma source(%dma_start3A_797 : memref<32x128xi32, #tpu.memory_space<hbm>>) target(%arg7 : memref<32x128xi32, #tpu.memory_space<vmem>>) target_semaphore(%arg11 : memref<!tpu.dma_semaphore, #tpu.memory_space<semaphore_mem>>)
      %scan3A_798 = arith.constant 0 : i32
      scf.yield %scan3A_798 : i32
    }
    %scan3A_189 = arith.constant 12 : i32
    %jit3A_190 = arith.constant 4 : i32
    %div3A_191 = arith.divsi %sub3A_5, %jit3A_190 : i32
    %sign3A_192 = arith.constant 0 : i32
    %sign3A_193 = arith.cmpi sgt, %sub3A_5, %sign3A_192 : i32
    %sign3A_194 = arith.extui %sign3A_193 : i1 to i32
    %sign3A_195 = arith.constant 0 : i32
    %sign3A_196 = arith.cmpi slt, %sub3A_5, %sign3A_195 : i32
    %sign3A_197 = arith.extui %sign3A_196 : i1 to i32
    %sign3A_198 = arith.subi %sign3A_194, %sign3A_197 : i32
    %sign3A_199 = arith.constant 0 : i32
    %sign3A_200 = arith.cmpi sgt, %jit3A_190, %sign3A_199 : i32
    %sign3A_201 = arith.extui %sign3A_200 : i1 to i32
    %sign3A_202 = arith.constant 0 : i32
    %sign3A_203 = arith.cmpi slt, %jit3A_190, %sign3A_202 : i32
    %sign3A_204 = arith.extui %sign3A_203 : i1 to i32
    %sign3A_205 = arith.subi %sign3A_201, %sign3A_204 : i32
    %ne3A_206 = arith.cmpi ne, %sign3A_198, %sign3A_205 : i32
    %rem3A_207 = arith.remsi %sub3A_5, %jit3A_190 : i32
    %ne3A_208 = arith.constant 0 : i32
    %ne3A_209 = arith.cmpi ne, %rem3A_207, %ne3A_208 : i32
    %and3A_210 = arith.andi %ne3A_206, %ne3A_209 : i1
    %sub3A_211 = arith.constant 1 : i32
    %sub3A_212 = arith.subi %div3A_191, %sub3A_211 : i32
    %select_n3A_213 = arith.select %and3A_210, %sub3A_212, %div3A_191 : i32
    %jit3A_214 = arith.constant 4 : i32
    %eq3A_215 = arith.constant 0 : i32
    %eq3A_216 = arith.cmpi eq, %jit3A_214, %eq3A_215 : i32
    %jit3A_217 = arith.constant 1 : i32
    %select_n3A_218 = arith.select %eq3A_216, %jit3A_217, %jit3A_214 : i32
    %rem3A_219 = arith.remsi %sub3A_5, %select_n3A_218 : i32
    %ne3A_220 = arith.constant 0 : i32
    %ne3A_221 = arith.cmpi ne, %rem3A_219, %ne3A_220 : i32
    %lt3A_222 = arith.constant 0 : i32
    %lt3A_223 = arith.cmpi slt, %rem3A_219, %lt3A_222 : i32
    %lt3A_224 = arith.constant 0 : i32
    %lt3A_225 = arith.cmpi slt, %select_n3A_218, %lt3A_224 : i32
    %ne3A_226 = arith.xori %lt3A_223, %lt3A_225 : i1
    %and3A_227 = arith.andi %ne3A_226, %ne3A_221 : i1
    %add3A_228 = arith.addi %rem3A_219, %select_n3A_218 : i32
    %select_n3A_229 = arith.select %and3A_227, %add3A_228, %rem3A_219 : i32
    %mul3A_230 = arith.constant 32 : i32
    %mul3A_231 = arith.muli %select_n3A_229, %mul3A_230 : i32
    %jit3A_232 = arith.constant 8 : i32
    %div3A_233 = arith.divsi %select_n3A_213, %jit3A_232 : i32
    %sign3A_234 = arith.constant 0 : i32
    %sign3A_235 = arith.cmpi sgt, %select_n3A_213, %sign3A_234 : i32
    %sign3A_236 = arith.extui %sign3A_235 : i1 to i32
    %sign3A_237 = arith.constant 0 : i32
    %sign3A_238 = arith.cmpi slt, %select_n3A_213, %sign3A_237 : i32
    %sign3A_239 = arith.extui %sign3A_238 : i1 to i32
    %sign3A_240 = arith.subi %sign3A_236, %sign3A_239 : i32
    %sign3A_241 = arith.constant 0 : i32
    %sign3A_242 = arith.cmpi sgt, %jit3A_232, %sign3A_241 : i32
    %sign3A_243 = arith.extui %sign3A_242 : i1 to i32
    %sign3A_244 = arith.constant 0 : i32
    %sign3A_245 = arith.cmpi slt, %jit3A_232, %sign3A_244 : i32
    %sign3A_246 = arith.extui %sign3A_245 : i1 to i32
    %sign3A_247 = arith.subi %sign3A_243, %sign3A_246 : i32
    %ne3A_248 = arith.cmpi ne, %sign3A_240, %sign3A_247 : i32
    %rem3A_249 = arith.remsi %select_n3A_213, %jit3A_232 : i32
    %ne3A_250 = arith.constant 0 : i32
    %ne3A_251 = arith.cmpi ne, %rem3A_249, %ne3A_250 : i32
    %and3A_252 = arith.andi %ne3A_248, %ne3A_251 : i1
    %sub3A_253 = arith.constant 1 : i32
    %sub3A_254 = arith.subi %div3A_233, %sub3A_253 : i32
    %select_n3A_255 = arith.select %and3A_252, %sub3A_254, %div3A_233 : i32
    %jit3A_256 = arith.constant 8 : i32
    %eq3A_257 = arith.constant 0 : i32
    %eq3A_258 = arith.cmpi eq, %jit3A_256, %eq3A_257 : i32
    %jit3A_259 = arith.constant 1 : i32
    %select_n3A_260 = arith.select %eq3A_258, %jit3A_259, %jit3A_256 : i32
    %rem3A_261 = arith.remsi %select_n3A_213, %select_n3A_260 : i32
    %ne3A_262 = arith.constant 0 : i32
    %ne3A_263 = arith.cmpi ne, %rem3A_261, %ne3A_262 : i32
    %lt3A_264 = arith.constant 0 : i32
    %lt3A_265 = arith.cmpi slt, %rem3A_261, %lt3A_264 : i32
    %lt3A_266 = arith.constant 0 : i32
    %lt3A_267 = arith.cmpi slt, %select_n3A_260, %lt3A_266 : i32
    %ne3A_268 = arith.xori %lt3A_265, %lt3A_267 : i1
    %and3A_269 = arith.andi %ne3A_268, %ne3A_263 : i1
    %add3A_270 = arith.addi %rem3A_261, %select_n3A_260 : i32
    %select_n3A_271 = arith.select %and3A_269, %add3A_270, %rem3A_261 : i32
    %mul3A_272 = arith.constant 32 : i32
    %mul3A_273 = arith.muli %sub3A_5, %mul3A_272 : i32
    %mul3A_274 = arith.constant 4 : i32
    %mul3A_275 = arith.muli %mul3A_273, %mul3A_274 : i32
    %dma_wait3A = arith.constant 0 : i32
    %dma_wait3A_276 = tpu.memref_slice %arg2[%select_n3A_255, %mul3A_231, %select_n3A_271, %dma_wait3A] : memref<25x128x8x128xi32, #tpu.memory_space<hbm>> -> memref<1x32x1x128xi32, #tpu.memory_space<hbm>>
    %dma_wait3A_277 = tpu.memref_squeeze %dma_wait3A_276 : memref<1x32x1x128xi32, #tpu.memory_space<hbm>> -> memref<32x128xi32, #tpu.memory_space<hbm>>
    %dma_wait3A_278 = arith.constant 0 : i32
    %dma_wait3A_279 = tpu.memref_slice %arg2[%select_n3A_255, %mul3A_231, %select_n3A_271, %dma_wait3A_278] : memref<25x128x8x128xi32, #tpu.memory_space<hbm>> -> memref<1x32x1x128xi32, #tpu.memory_space<hbm>>
    %dma_wait3A_280 = tpu.memref_squeeze %dma_wait3A_279 : memref<1x32x1x128xi32, #tpu.memory_space<hbm>> -> memref<32x128xi32, #tpu.memory_space<hbm>>
    tpu.wait_dma2 semaphore(%arg10 : memref<!tpu.dma_semaphore, #tpu.memory_space<semaphore_mem>>) src(%dma_wait3A_280 : memref<32x128xi32, #tpu.memory_space<hbm>>) dst(%arg6 : memref<32x128xi32, #tpu.memory_space<vmem>>)
    %dma_wait3A_281 = arith.constant 0 : i32
    %dma_wait3A_282 = tpu.memref_slice %arg4[%mul3A_275, %dma_wait3A_281] : memref<102400x128xf32, #tpu.memory_space<hbm>> -> memref<128x128xf32, #tpu.memory_space<hbm>>
    %dma_wait3A_283 = arith.constant 0 : i32
    %dma_wait3A_284 = tpu.memref_slice %arg4[%mul3A_275, %dma_wait3A_283] : memref<102400x128xf32, #tpu.memory_space<hbm>> -> memref<128x128xf32, #tpu.memory_space<hbm>>
    tpu.wait_dma2 semaphore(%arg12 : memref<!tpu.dma_semaphore, #tpu.memory_space<semaphore_mem>>) src(%arg8 : memref<128x128xf32, #tpu.memory_space<vmem>>) dst(%dma_wait3A_284 : memref<128x128xf32, #tpu.memory_space<hbm>>)
    %parallel_loop3A = arith.constant 0 : i32
    %parallel_loop3A_285 = arith.constant 32 : i32
    %parallel_loop3A_286 = arith.constant 1 : i32
    scf.for %parallel_loop3A_391 = %parallel_loop3A to %parallel_loop3A_285 step %parallel_loop3A_286  : i32 {
      %parallel_loop3A_392 = arith.index_cast %parallel_loop3A_391 : i32 to index
      %parallel_loop3A_393 = arith.constant 0 : index
      %parallel_loop3A_394 = tpu.vector_load %arg6[%parallel_loop3A_392, %parallel_loop3A_393] {strides = array<i32>} : memref<32x128xi32, #tpu.memory_space<vmem>>, vector<16xi32>,
      %parallel_loop3A_395 = arith.constant 2048 : i32
      %parallel_loop3A_396 = vector.broadcast %parallel_loop3A_395 : i32 to vector<16xi32>
      %parallel_loop3A_397 = arith.minsi %parallel_loop3A_394, %parallel_loop3A_396 : vector<16xi32>
      %parallel_loop3A_398 = arith.constant 0 : i32
      %parallel_loop3A_399 = vector.broadcast %parallel_loop3A_398 : i32 to vector<16xi32>
      %parallel_loop3A_400 = arith.addi %parallel_loop3A_397, %parallel_loop3A_399 : vector<16xi32>
      %parallel_loop3A_401 = tpu.vector_load_idx %arg5[%parallel_loop3A_400] : memref<8208xf32, #tpu.memory_space<vmem>>[vector<16xi32>], vector<16xf32>,
      %parallel_loop3A_402 = arith.constant 4 : i32
      %parallel_loop3A_403 = arith.muli %parallel_loop3A_391, %parallel_loop3A_402 : i32
      %parallel_loop3A_404 = arith.constant 0 : i32
      %parallel_loop3A_405 = arith.addi %parallel_loop3A_403, %parallel_loop3A_404 : i32
      %parallel_loop3A_406 = arith.index_cast %parallel_loop3A_405 : i32 to index
      %parallel_loop3A_407 = arith.constant 0 : index
      %parallel_loop3A_408 = tpu.vector_load %arg8[%parallel_loop3A_406, %parallel_loop3A_407] {strides = array<i32>} : memref<128x128xf32, #tpu.memory_space<vmem>>, vector<16xf32>,
      tpu.vector_store %arg8[%parallel_loop3A_406, %parallel_loop3A_407], %parallel_loop3A_401 {strides = array<i32>} : memref<128x128xf32, #tpu.memory_space<vmem>>, vector<16xf32>,
      %parallel_loop3A_409 = arith.constant 2052 : i32
      %parallel_loop3A_410 = vector.broadcast %parallel_loop3A_409 : i32 to vector<16xi32>
      %parallel_loop3A_411 = arith.addi %parallel_loop3A_397, %parallel_loop3A_410 : vector<16xi32>
      %parallel_loop3A_412 = tpu.vector_load_idx %arg5[%parallel_loop3A_411] : memref<8208xf32, #tpu.memory_space<vmem>>[vector<16xi32>], vector<16xf32>,
      %parallel_loop3A_413 = arith.constant 4 : i32
      %parallel_loop3A_414 = arith.muli %parallel_loop3A_391, %parallel_loop3A_413 : i32
      %parallel_loop3A_415 = arith.constant 1 : i32
      %parallel_loop3A_416 = arith.addi %parallel_loop3A_414, %parallel_loop3A_415 : i32
      %parallel_loop3A_417 = arith.index_cast %parallel_loop3A_416 : i32 to index
      %parallel_loop3A_418 = arith.constant 0 : index
      %parallel_loop3A_419 = tpu.vector_load %arg8[%parallel_loop3A_417, %parallel_loop3A_418] {strides = array<i32>} : memref<128x128xf32, #tpu.memory_space<vmem>>, vector<16xf32>,
      tpu.vector_store %arg8[%parallel_loop3A_417, %parallel_loop3A_418], %parallel_loop3A_412 {strides = array<i32>} : memref<128x128xf32, #tpu.memory_space<vmem>>, vector<16xf32>,
      %parallel_loop3A_420 = arith.constant 4104 : i32
      %parallel_loop3A_421 = vector.broadcast %parallel_loop3A_420 : i32 to vector<16xi32>
      %parallel_loop3A_422 = arith.addi %parallel_loop3A_397, %parallel_loop3A_421 : vector<16xi32>
      %parallel_loop3A_423 = tpu.vector_load_idx %arg5[%parallel_loop3A_422] : memref<8208xf32, #tpu.memory_space<vmem>>[vector<16xi32>], vector<16xf32>,
      %parallel_loop3A_424 = arith.constant 4 : i32
      %parallel_loop3A_425 = arith.muli %parallel_loop3A_391, %parallel_loop3A_424 : i32
      %parallel_loop3A_426 = arith.constant 2 : i32
      %parallel_loop3A_427 = arith.addi %parallel_loop3A_425, %parallel_loop3A_426 : i32
      %parallel_loop3A_428 = arith.index_cast %parallel_loop3A_427 : i32 to index
      %parallel_loop3A_429 = arith.constant 0 : index
      %parallel_loop3A_430 = tpu.vector_load %arg8[%parallel_loop3A_428, %parallel_loop3A_429] {strides = array<i32>} : memref<128x128xf32, #tpu.memory_space<vmem>>, vector<16xf32>,
      tpu.vector_store %arg8[%parallel_loop3A_428, %parallel_loop3A_429], %parallel_loop3A_423 {strides = array<i32>} : memref<128x128xf32, #tpu.memory_space<vmem>>, vector<16xf32>,
      %parallel_loop3A_431 = arith.constant 6156 : i32
      %parallel_loop3A_432 = vector.broadcast %parallel_loop3A_431 : i32 to vector<16xi32>
      %parallel_loop3A_433 = arith.addi %parallel_loop3A_397, %parallel_loop3A_432 : vector<16xi32>
      %parallel_loop3A_434 = tpu.vector_load_idx %arg5[%parallel_loop3A_433] : memref<8208xf32, #tpu.memory_space<vmem>>[vector<16xi32>], vector<16xf32>,
      %parallel_loop3A_435 = arith.constant 4 : i32
      %parallel_loop3A_436 = arith.muli %parallel_loop3A_391, %parallel_loop3A_435 : i32
      %parallel_loop3A_437 = arith.constant 3 : i32
      %parallel_loop3A_438 = arith.addi %parallel_loop3A_436, %parallel_loop3A_437 : i32
      %parallel_loop3A_439 = arith.index_cast %parallel_loop3A_438 : i32 to index
      %parallel_loop3A_440 = arith.constant 0 : index
      %parallel_loop3A_441 = tpu.vector_load %arg8[%parallel_loop3A_439, %parallel_loop3A_440] {strides = array<i32>} : memref<128x128xf32, #tpu.memory_space<vmem>>, vector<16xf32>,
      tpu.vector_store %arg8[%parallel_loop3A_439, %parallel_loop3A_440], %parallel_loop3A_434 {strides = array<i32>} : memref<128x128xf32, #tpu.memory_space<vmem>>, vector<16xf32>,
      %parallel_loop3A_442 = arith.index_cast %parallel_loop3A_391 : i32 to index
      %parallel_loop3A_443 = arith.constant 16 : index
      %parallel_loop3A_444 = tpu.vector_load %arg6[%parallel_loop3A_442, %parallel_loop3A_443] {strides = array<i32>} : memref<32x128xi32, #tpu.memory_space<vmem>>, vector<16xi32>,
      %parallel_loop3A_445 = arith.constant 2048 : i32
      %parallel_loop3A_446 = vector.broadcast %parallel_loop3A_445 : i32 to vector<16xi32>
      %parallel_loop3A_447 = arith.minsi %parallel_loop3A_444, %parallel_loop3A_446 : vector<16xi32>
      %parallel_loop3A_448 = arith.constant 0 : i32
      %parallel_loop3A_449 = vector.broadcast %parallel_loop3A_448 : i32 to vector<16xi32>
      %parallel_loop3A_450 = arith.addi %parallel_loop3A_447, %parallel_loop3A_449 : vector<16xi32>
      %parallel_loop3A_451 = tpu.vector_load_idx %arg5[%parallel_loop3A_450] : memref<8208xf32, #tpu.memory_space<vmem>>[vector<16xi32>], vector<16xf32>,
      %parallel_loop3A_452 = arith.constant 4 : i32
      %parallel_loop3A_453 = arith.muli %parallel_loop3A_391, %parallel_loop3A_452 : i32
      %parallel_loop3A_454 = arith.constant 0 : i32
      %parallel_loop3A_455 = arith.addi %parallel_loop3A_453, %parallel_loop3A_454 : i32
      %parallel_loop3A_456 = arith.index_cast %parallel_loop3A_455 : i32 to index
      %parallel_loop3A_457 = arith.constant 16 : index
      %parallel_loop3A_458 = tpu.vector_load %arg8[%parallel_loop3A_456, %parallel_loop3A_457] {strides = array<i32>} : memref<128x128xf32, #tpu.memory_space<vmem>>, vector<16xf32>,
      tpu.vector_store %arg8[%parallel_loop3A_456, %parallel_loop3A_457], %parallel_loop3A_451 {strides = array<i32>} : memref<128x128xf32, #tpu.memory_space<vmem>>, vector<16xf32>,
      %parallel_loop3A_459 = arith.constant 2052 : i32
      %parallel_loop3A_460 = vector.broadcast %parallel_loop3A_459 : i32 to vector<16xi32>
      %parallel_loop3A_461 = arith.addi %parallel_loop3A_447, %parallel_loop3A_460 : vector<16xi32>
      %parallel_loop3A_462 = tpu.vector_load_idx %arg5[%parallel_loop3A_461] : memref<8208xf32, #tpu.memory_space<vmem>>[vector<16xi32>], vector<16xf32>,
      %parallel_loop3A_463 = arith.constant 4 : i32
      %parallel_loop3A_464 = arith.muli %parallel_loop3A_391, %parallel_loop3A_463 : i32
      %parallel_loop3A_465 = arith.constant 1 : i32
      %parallel_loop3A_466 = arith.addi %parallel_loop3A_464, %parallel_loop3A_465 : i32
      %parallel_loop3A_467 = arith.index_cast %parallel_loop3A_466 : i32 to index
      %parallel_loop3A_468 = arith.constant 16 : index
      %parallel_loop3A_469 = tpu.vector_load %arg8[%parallel_loop3A_467, %parallel_loop3A_468] {strides = array<i32>} : memref<128x128xf32, #tpu.memory_space<vmem>>, vector<16xf32>,
      tpu.vector_store %arg8[%parallel_loop3A_467, %parallel_loop3A_468], %parallel_loop3A_462 {strides = array<i32>} : memref<128x128xf32, #tpu.memory_space<vmem>>, vector<16xf32>,
      %parallel_loop3A_470 = arith.constant 4104 : i32
      %parallel_loop3A_471 = vector.broadcast %parallel_loop3A_470 : i32 to vector<16xi32>
      %parallel_loop3A_472 = arith.addi %parallel_loop3A_447, %parallel_loop3A_471 : vector<16xi32>
      %parallel_loop3A_473 = tpu.vector_load_idx %arg5[%parallel_loop3A_472] : memref<8208xf32, #tpu.memory_space<vmem>>[vector<16xi32>], vector<16xf32>,
      %parallel_loop3A_474 = arith.constant 4 : i32
      %parallel_loop3A_475 = arith.muli %parallel_loop3A_391, %parallel_loop3A_474 : i32
      %parallel_loop3A_476 = arith.constant 2 : i32
      %parallel_loop3A_477 = arith.addi %parallel_loop3A_475, %parallel_loop3A_476 : i32
      %parallel_loop3A_478 = arith.index_cast %parallel_loop3A_477 : i32 to index
      %parallel_loop3A_479 = arith.constant 16 : index
      %parallel_loop3A_480 = tpu.vector_load %arg8[%parallel_loop3A_478, %parallel_loop3A_479] {strides = array<i32>} : memref<128x128xf32, #tpu.memory_space<vmem>>, vector<16xf32>,
      tpu.vector_store %arg8[%parallel_loop3A_478, %parallel_loop3A_479], %parallel_loop3A_473 {strides = array<i32>} : memref<128x128xf32, #tpu.memory_space<vmem>>, vector<16xf32>,
      %parallel_loop3A_481 = arith.constant 6156 : i32
      %parallel_loop3A_482 = vector.broadcast %parallel_loop3A_481 : i32 to vector<16xi32>
      %parallel_loop3A_483 = arith.addi %parallel_loop3A_447, %parallel_loop3A_482 : vector<16xi32>
      %parallel_loop3A_484 = tpu.vector_load_idx %arg5[%parallel_loop3A_483] : memref<8208xf32, #tpu.memory_space<vmem>>[vector<16xi32>], vector<16xf32>,
      %parallel_loop3A_485 = arith.constant 4 : i32
      %parallel_loop3A_486 = arith.muli %parallel_loop3A_391, %parallel_loop3A_485 : i32
      %parallel_loop3A_487 = arith.constant 3 : i32
      %parallel_loop3A_488 = arith.addi %parallel_loop3A_486, %parallel_loop3A_487 : i32
      %parallel_loop3A_489 = arith.index_cast %parallel_loop3A_488 : i32 to index
      %parallel_loop3A_490 = arith.constant 16 : index
      %parallel_loop3A_491 = tpu.vector_load %arg8[%parallel_loop3A_489, %parallel_loop3A_490] {strides = array<i32>} : memref<128x128xf32, #tpu.memory_space<vmem>>, vector<16xf32>,
      tpu.vector_store %arg8[%parallel_loop3A_489, %parallel_loop3A_490], %parallel_loop3A_484 {strides = array<i32>} : memref<128x128xf32, #tpu.memory_space<vmem>>, vector<16xf32>,
      %parallel_loop3A_492 = arith.index_cast %parallel_loop3A_391 : i32 to index
      %parallel_loop3A_493 = arith.constant 32 : index
      %parallel_loop3A_494 = tpu.vector_load %arg6[%parallel_loop3A_492, %parallel_loop3A_493] {strides = array<i32>} : memref<32x128xi32, #tpu.memory_space<vmem>>, vector<16xi32>,
      %parallel_loop3A_495 = arith.constant 2048 : i32
      %parallel_loop3A_496 = vector.broadcast %parallel_loop3A_495 : i32 to vector<16xi32>
      %parallel_loop3A_497 = arith.minsi %parallel_loop3A_494, %parallel_loop3A_496 : vector<16xi32>
      %parallel_loop3A_498 = arith.constant 0 : i32
      %parallel_loop3A_499 = vector.broadcast %parallel_loop3A_498 : i32 to vector<16xi32>
      %parallel_loop3A_500 = arith.addi %parallel_loop3A_497, %parallel_loop3A_499 : vector<16xi32>
      %parallel_loop3A_501 = tpu.vector_load_idx %arg5[%parallel_loop3A_500] : memref<8208xf32, #tpu.memory_space<vmem>>[vector<16xi32>], vector<16xf32>,
      %parallel_loop3A_502 = arith.constant 4 : i32
      %parallel_loop3A_503 = arith.muli %parallel_loop3A_391, %parallel_loop3A_502 : i32
      %parallel_loop3A_504 = arith.constant 0 : i32
      %parallel_loop3A_505 = arith.addi %parallel_loop3A_503, %parallel_loop3A_504 : i32
      %parallel_loop3A_506 = arith.index_cast %parallel_loop3A_505 : i32 to index
      %parallel_loop3A_507 = arith.constant 32 : index
      %parallel_loop3A_508 = tpu.vector_load %arg8[%parallel_loop3A_506, %parallel_loop3A_507] {strides = array<i32>} : memref<128x128xf32, #tpu.memory_space<vmem>>, vector<16xf32>,
      tpu.vector_store %arg8[%parallel_loop3A_506, %parallel_loop3A_507], %parallel_loop3A_501 {strides = array<i32>} : memref<128x128xf32, #tpu.memory_space<vmem>>, vector<16xf32>,
      %parallel_loop3A_509 = arith.constant 2052 : i32
      %parallel_loop3A_510 = vector.broadcast %parallel_loop3A_509 : i32 to vector<16xi32>
      %parallel_loop3A_511 = arith.addi %parallel_loop3A_497, %parallel_loop3A_510 : vector<16xi32>
      %parallel_loop3A_512 = tpu.vector_load_idx %arg5[%parallel_loop3A_511] : memref<8208xf32, #tpu.memory_space<vmem>>[vector<16xi32>], vector<16xf32>,
      %parallel_loop3A_513 = arith.constant 4 : i32
      %parallel_loop3A_514 = arith.muli %parallel_loop3A_391, %parallel_loop3A_513 : i32
      %parallel_loop3A_515 = arith.constant 1 : i32
      %parallel_loop3A_516 = arith.addi %parallel_loop3A_514, %parallel_loop3A_515 : i32
      %parallel_loop3A_517 = arith.index_cast %parallel_loop3A_516 : i32 to index
      %parallel_loop3A_518 = arith.constant 32 : index
      %parallel_loop3A_519 = tpu.vector_load %arg8[%parallel_loop3A_517, %parallel_loop3A_518] {strides = array<i32>} : memref<128x128xf32, #tpu.memory_space<vmem>>, vector<16xf32>,
      tpu.vector_store %arg8[%parallel_loop3A_517, %parallel_loop3A_518], %parallel_loop3A_512 {strides = array<i32>} : memref<128x128xf32, #tpu.memory_space<vmem>>, vector<16xf32>,
      %parallel_loop3A_520 = arith.constant 4104 : i32
      %parallel_loop3A_521 = vector.broadcast %parallel_loop3A_520 : i32 to vector<16xi32>
      %parallel_loop3A_522 = arith.addi %parallel_loop3A_497, %parallel_loop3A_521 : vector<16xi32>
      %parallel_loop3A_523 = tpu.vector_load_idx %arg5[%parallel_loop3A_522] : memref<8208xf32, #tpu.memory_space<vmem>>[vector<16xi32>], vector<16xf32>,
      %parallel_loop3A_524 = arith.constant 4 : i32
      %parallel_loop3A_525 = arith.muli %parallel_loop3A_391, %parallel_loop3A_524 : i32
      %parallel_loop3A_526 = arith.constant 2 : i32
      %parallel_loop3A_527 = arith.addi %parallel_loop3A_525, %parallel_loop3A_526 : i32
      %parallel_loop3A_528 = arith.index_cast %parallel_loop3A_527 : i32 to index
      %parallel_loop3A_529 = arith.constant 32 : index
      %parallel_loop3A_530 = tpu.vector_load %arg8[%parallel_loop3A_528, %parallel_loop3A_529] {strides = array<i32>} : memref<128x128xf32, #tpu.memory_space<vmem>>, vector<16xf32>,
      tpu.vector_store %arg8[%parallel_loop3A_528, %parallel_loop3A_529], %parallel_loop3A_523 {strides = array<i32>} : memref<128x128xf32, #tpu.memory_space<vmem>>, vector<16xf32>,
      %parallel_loop3A_531 = arith.constant 6156 : i32
      %parallel_loop3A_532 = vector.broadcast %parallel_loop3A_531 : i32 to vector<16xi32>
      %parallel_loop3A_533 = arith.addi %parallel_loop3A_497, %parallel_loop3A_532 : vector<16xi32>
      %parallel_loop3A_534 = tpu.vector_load_idx %arg5[%parallel_loop3A_533] : memref<8208xf32, #tpu.memory_space<vmem>>[vector<16xi32>], vector<16xf32>,
      %parallel_loop3A_535 = arith.constant 4 : i32
      %parallel_loop3A_536 = arith.muli %parallel_loop3A_391, %parallel_loop3A_535 : i32
      %parallel_loop3A_537 = arith.constant 3 : i32
      %parallel_loop3A_538 = arith.addi %parallel_loop3A_536, %parallel_loop3A_537 : i32
      %parallel_loop3A_539 = arith.index_cast %parallel_loop3A_538 : i32 to index
      %parallel_loop3A_540 = arith.constant 32 : index
      %parallel_loop3A_541 = tpu.vector_load %arg8[%parallel_loop3A_539, %parallel_loop3A_540] {strides = array<i32>} : memref<128x128xf32, #tpu.memory_space<vmem>>, vector<16xf32>,
      tpu.vector_store %arg8[%parallel_loop3A_539, %parallel_loop3A_540], %parallel_loop3A_534 {strides = array<i32>} : memref<128x128xf32, #tpu.memory_space<vmem>>, vector<16xf32>,
      %parallel_loop3A_542 = arith.index_cast %parallel_loop3A_391 : i32 to index
      %parallel_loop3A_543 = arith.constant 48 : index
      %parallel_loop3A_544 = tpu.vector_load %arg6[%parallel_loop3A_542, %parallel_loop3A_543] {strides = array<i32>} : memref<32x128xi32, #tpu.memory_space<vmem>>, vector<16xi32>,
      %parallel_loop3A_545 = arith.constant 2048 : i32
      %parallel_loop3A_546 = vector.broadcast %parallel_loop3A_545 : i32 to vector<16xi32>
      %parallel_loop3A_547 = arith.minsi %parallel_loop3A_544, %parallel_loop3A_546 : vector<16xi32>
      %parallel_loop3A_548 = arith.constant 0 : i32
      %parallel_loop3A_549 = vector.broadcast %parallel_loop3A_548 : i32 to vector<16xi32>
      %parallel_loop3A_550 = arith.addi %parallel_loop3A_547, %parallel_loop3A_549 : vector<16xi32>
      %parallel_loop3A_551 = tpu.vector_load_idx %arg5[%parallel_loop3A_550] : memref<8208xf32, #tpu.memory_space<vmem>>[vector<16xi32>], vector<16xf32>,
      %parallel_loop3A_552 = arith.constant 4 : i32
      %parallel_loop3A_553 = arith.muli %parallel_loop3A_391, %parallel_loop3A_552 : i32
      %parallel_loop3A_554 = arith.constant 0 : i32
      %parallel_loop3A_555 = arith.addi %parallel_loop3A_553, %parallel_loop3A_554 : i32
      %parallel_loop3A_556 = arith.index_cast %parallel_loop3A_555 : i32 to index
      %parallel_loop3A_557 = arith.constant 48 : index
      %parallel_loop3A_558 = tpu.vector_load %arg8[%parallel_loop3A_556, %parallel_loop3A_557] {strides = array<i32>} : memref<128x128xf32, #tpu.memory_space<vmem>>, vector<16xf32>,
      tpu.vector_store %arg8[%parallel_loop3A_556, %parallel_loop3A_557], %parallel_loop3A_551 {strides = array<i32>} : memref<128x128xf32, #tpu.memory_space<vmem>>, vector<16xf32>,
      %parallel_loop3A_559 = arith.constant 2052 : i32
      %parallel_loop3A_560 = vector.broadcast %parallel_loop3A_559 : i32 to vector<16xi32>
      %parallel_loop3A_561 = arith.addi %parallel_loop3A_547, %parallel_loop3A_560 : vector<16xi32>
      %parallel_loop3A_562 = tpu.vector_load_idx %arg5[%parallel_loop3A_561] : memref<8208xf32, #tpu.memory_space<vmem>>[vector<16xi32>], vector<16xf32>,
      %parallel_loop3A_563 = arith.constant 4 : i32
      %parallel_loop3A_564 = arith.muli %parallel_loop3A_391, %parallel_loop3A_563 : i32
      %parallel_loop3A_565 = arith.constant 1 : i32
      %parallel_loop3A_566 = arith.addi %parallel_loop3A_564, %parallel_loop3A_565 : i32
      %parallel_loop3A_567 = arith.index_cast %parallel_loop3A_566 : i32 to index
      %parallel_loop3A_568 = arith.constant 48 : index
      %parallel_loop3A_569 = tpu.vector_load %arg8[%parallel_loop3A_567, %parallel_loop3A_568] {strides = array<i32>} : memref<128x128xf32, #tpu.memory_space<vmem>>, vector<16xf32>,
      tpu.vector_store %arg8[%parallel_loop3A_567, %parallel_loop3A_568], %parallel_loop3A_562 {strides = array<i32>} : memref<128x128xf32, #tpu.memory_space<vmem>>, vector<16xf32>,
      %parallel_loop3A_570 = arith.constant 4104 : i32
      %parallel_loop3A_571 = vector.broadcast %parallel_loop3A_570 : i32 to vector<16xi32>
      %parallel_loop3A_572 = arith.addi %parallel_loop3A_547, %parallel_loop3A_571 : vector<16xi32>
      %parallel_loop3A_573 = tpu.vector_load_idx %arg5[%parallel_loop3A_572] : memref<8208xf32, #tpu.memory_space<vmem>>[vector<16xi32>], vector<16xf32>,
      %parallel_loop3A_574 = arith.constant 4 : i32
      %parallel_loop3A_575 = arith.muli %parallel_loop3A_391, %parallel_loop3A_574 : i32
      %parallel_loop3A_576 = arith.constant 2 : i32
      %parallel_loop3A_577 = arith.addi %parallel_loop3A_575, %parallel_loop3A_576 : i32
      %parallel_loop3A_578 = arith.index_cast %parallel_loop3A_577 : i32 to index
      %parallel_loop3A_579 = arith.constant 48 : index
      %parallel_loop3A_580 = tpu.vector_load %arg8[%parallel_loop3A_578, %parallel_loop3A_579] {strides = array<i32>} : memref<128x128xf32, #tpu.memory_space<vmem>>, vector<16xf32>,
      tpu.vector_store %arg8[%parallel_loop3A_578, %parallel_loop3A_579], %parallel_loop3A_573 {strides = array<i32>} : memref<128x128xf32, #tpu.memory_space<vmem>>, vector<16xf32>,
      %parallel_loop3A_581 = arith.constant 6156 : i32
      %parallel_loop3A_582 = vector.broadcast %parallel_loop3A_581 : i32 to vector<16xi32>
      %parallel_loop3A_583 = arith.addi %parallel_loop3A_547, %parallel_loop3A_582 : vector<16xi32>
      %parallel_loop3A_584 = tpu.vector_load_idx %arg5[%parallel_loop3A_583] : memref<8208xf32, #tpu.memory_space<vmem>>[vector<16xi32>], vector<16xf32>,
      %parallel_loop3A_585 = arith.constant 4 : i32
      %parallel_loop3A_586 = arith.muli %parallel_loop3A_391, %parallel_loop3A_585 : i32
      %parallel_loop3A_587 = arith.constant 3 : i32
      %parallel_loop3A_588 = arith.addi %parallel_loop3A_586, %parallel_loop3A_587 : i32
      %parallel_loop3A_589 = arith.index_cast %parallel_loop3A_588 : i32 to index
      %parallel_loop3A_590 = arith.constant 48 : index
      %parallel_loop3A_591 = tpu.vector_load %arg8[%parallel_loop3A_589, %parallel_loop3A_590] {strides = array<i32>} : memref<128x128xf32, #tpu.memory_space<vmem>>, vector<16xf32>,
      tpu.vector_store %arg8[%parallel_loop3A_589, %parallel_loop3A_590], %parallel_loop3A_584 {strides = array<i32>} : memref<128x128xf32, #tpu.memory_space<vmem>>, vector<16xf32>,
      %parallel_loop3A_592 = arith.index_cast %parallel_loop3A_391 : i32 to index
      %parallel_loop3A_593 = arith.constant 64 : index
      %parallel_loop3A_594 = tpu.vector_load %arg6[%parallel_loop3A_592, %parallel_loop3A_593] {strides = array<i32>} : memref<32x128xi32, #tpu.memory_space<vmem>>, vector<16xi32>,
      %parallel_loop3A_595 = arith.constant 2048 : i32
      %parallel_loop3A_596 = vector.broadcast %parallel_loop3A_595 : i32 to vector<16xi32>
      %parallel_loop3A_597 = arith.minsi %parallel_loop3A_594, %parallel_loop3A_596 : vector<16xi32>
      %parallel_loop3A_598 = arith.constant 0 : i32
      %parallel_loop3A_599 = vector.broadcast %parallel_loop3A_598 : i32 to vector<16xi32>
      %parallel_loop3A_600 = arith.addi %parallel_loop3A_597, %parallel_loop3A_599 : vector<16xi32>
      %parallel_loop3A_601 = tpu.vector_load_idx %arg5[%parallel_loop3A_600] : memref<8208xf32, #tpu.memory_space<vmem>>[vector<16xi32>], vector<16xf32>,
      %parallel_loop3A_602 = arith.constant 4 : i32
      %parallel_loop3A_603 = arith.muli %parallel_loop3A_391, %parallel_loop3A_602 : i32
      %parallel_loop3A_604 = arith.constant 0 : i32
      %parallel_loop3A_605 = arith.addi %parallel_loop3A_603, %parallel_loop3A_604 : i32
      %parallel_loop3A_606 = arith.index_cast %parallel_loop3A_605 : i32 to index
      %parallel_loop3A_607 = arith.constant 64 : index
      %parallel_loop3A_608 = tpu.vector_load %arg8[%parallel_loop3A_606, %parallel_loop3A_607] {strides = array<i32>} : memref<128x128xf32, #tpu.memory_space<vmem>>, vector<16xf32>,
      tpu.vector_store %arg8[%parallel_loop3A_606, %parallel_loop3A_607], %parallel_loop3A_601 {strides = array<i32>} : memref<128x128xf32, #tpu.memory_space<vmem>>, vector<16xf32>,
      %parallel_loop3A_609 = arith.constant 2052 : i32
      %parallel_loop3A_610 = vector.broadcast %parallel_loop3A_609 : i32 to vector<16xi32>
      %parallel_loop3A_611 = arith.addi %parallel_loop3A_597, %parallel_loop3A_610 : vector<16xi32>
      %parallel_loop3A_612 = tpu.vector_load_idx %arg5[%parallel_loop3A_611] : memref<8208xf32, #tpu.memory_space<vmem>>[vector<16xi32>], vector<16xf32>,
      %parallel_loop3A_613 = arith.constant 4 : i32
      %parallel_loop3A_614 = arith.muli %parallel_loop3A_391, %parallel_loop3A_613 : i32
      %parallel_loop3A_615 = arith.constant 1 : i32
      %parallel_loop3A_616 = arith.addi %parallel_loop3A_614, %parallel_loop3A_615 : i32
      %parallel_loop3A_617 = arith.index_cast %parallel_loop3A_616 : i32 to index
      %parallel_loop3A_618 = arith.constant 64 : index
      %parallel_loop3A_619 = tpu.vector_load %arg8[%parallel_loop3A_617, %parallel_loop3A_618] {strides = array<i32>} : memref<128x128xf32, #tpu.memory_space<vmem>>, vector<16xf32>,
      tpu.vector_store %arg8[%parallel_loop3A_617, %parallel_loop3A_618], %parallel_loop3A_612 {strides = array<i32>} : memref<128x128xf32, #tpu.memory_space<vmem>>, vector<16xf32>,
      %parallel_loop3A_620 = arith.constant 4104 : i32
      %parallel_loop3A_621 = vector.broadcast %parallel_loop3A_620 : i32 to vector<16xi32>
      %parallel_loop3A_622 = arith.addi %parallel_loop3A_597, %parallel_loop3A_621 : vector<16xi32>
      %parallel_loop3A_623 = tpu.vector_load_idx %arg5[%parallel_loop3A_622] : memref<8208xf32, #tpu.memory_space<vmem>>[vector<16xi32>], vector<16xf32>,
      %parallel_loop3A_624 = arith.constant 4 : i32
      %parallel_loop3A_625 = arith.muli %parallel_loop3A_391, %parallel_loop3A_624 : i32
      %parallel_loop3A_626 = arith.constant 2 : i32
      %parallel_loop3A_627 = arith.addi %parallel_loop3A_625, %parallel_loop3A_626 : i32
      %parallel_loop3A_628 = arith.index_cast %parallel_loop3A_627 : i32 to index
      %parallel_loop3A_629 = arith.constant 64 : index
      %parallel_loop3A_630 = tpu.vector_load %arg8[%parallel_loop3A_628, %parallel_loop3A_629] {strides = array<i32>} : memref<128x128xf32, #tpu.memory_space<vmem>>, vector<16xf32>,
      tpu.vector_store %arg8[%parallel_loop3A_628, %parallel_loop3A_629], %parallel_loop3A_623 {strides = array<i32>} : memref<128x128xf32, #tpu.memory_space<vmem>>, vector<16xf32>,
      %parallel_loop3A_631 = arith.constant 6156 : i32
      %parallel_loop3A_632 = vector.broadcast %parallel_loop3A_631 : i32 to vector<16xi32>
      %parallel_loop3A_633 = arith.addi %parallel_loop3A_597, %parallel_loop3A_632 : vector<16xi32>
      %parallel_loop3A_634 = tpu.vector_load_idx %arg5[%parallel_loop3A_633] : memref<8208xf32, #tpu.memory_space<vmem>>[vector<16xi32>], vector<16xf32>,
      %parallel_loop3A_635 = arith.constant 4 : i32
      %parallel_loop3A_636 = arith.muli %parallel_loop3A_391, %parallel_loop3A_635 : i32
      %parallel_loop3A_637 = arith.constant 3 : i32
      %parallel_loop3A_638 = arith.addi %parallel_loop3A_636, %parallel_loop3A_637 : i32
      %parallel_loop3A_639 = arith.index_cast %parallel_loop3A_638 : i32 to index
      %parallel_loop3A_640 = arith.constant 64 : index
      %parallel_loop3A_641 = tpu.vector_load %arg8[%parallel_loop3A_639, %parallel_loop3A_640] {strides = array<i32>} : memref<128x128xf32, #tpu.memory_space<vmem>>, vector<16xf32>,
      tpu.vector_store %arg8[%parallel_loop3A_639, %parallel_loop3A_640], %parallel_loop3A_634 {strides = array<i32>} : memref<128x128xf32, #tpu.memory_space<vmem>>, vector<16xf32>,
      %parallel_loop3A_642 = arith.index_cast %parallel_loop3A_391 : i32 to index
      %parallel_loop3A_643 = arith.constant 80 : index
      %parallel_loop3A_644 = tpu.vector_load %arg6[%parallel_loop3A_642, %parallel_loop3A_643] {strides = array<i32>} : memref<32x128xi32, #tpu.memory_space<vmem>>, vector<16xi32>,
      %parallel_loop3A_645 = arith.constant 2048 : i32
      %parallel_loop3A_646 = vector.broadcast %parallel_loop3A_645 : i32 to vector<16xi32>
      %parallel_loop3A_647 = arith.minsi %parallel_loop3A_644, %parallel_loop3A_646 : vector<16xi32>
      %parallel_loop3A_648 = arith.constant 0 : i32
      %parallel_loop3A_649 = vector.broadcast %parallel_loop3A_648 : i32 to vector<16xi32>
      %parallel_loop3A_650 = arith.addi %parallel_loop3A_647, %parallel_loop3A_649 : vector<16xi32>
      %parallel_loop3A_651 = tpu.vector_load_idx %arg5[%parallel_loop3A_650] : memref<8208xf32, #tpu.memory_space<vmem>>[vector<16xi32>], vector<16xf32>,
      %parallel_loop3A_652 = arith.constant 4 : i32
      %parallel_loop3A_653 = arith.muli %parallel_loop3A_391, %parallel_loop3A_652 : i32
      %parallel_loop3A_654 = arith.constant 0 : i32
      %parallel_loop3A_655 = arith.addi %parallel_loop3A_653, %parallel_loop3A_654 : i32
      %parallel_loop3A_656 = arith.index_cast %parallel_loop3A_655 : i32 to index
      %parallel_loop3A_657 = arith.constant 80 : index
      %parallel_loop3A_658 = tpu.vector_load %arg8[%parallel_loop3A_656, %parallel_loop3A_657] {strides = array<i32>} : memref<128x128xf32, #tpu.memory_space<vmem>>, vector<16xf32>,
      tpu.vector_store %arg8[%parallel_loop3A_656, %parallel_loop3A_657], %parallel_loop3A_651 {strides = array<i32>} : memref<128x128xf32, #tpu.memory_space<vmem>>, vector<16xf32>,
      %parallel_loop3A_659 = arith.constant 2052 : i32
      %parallel_loop3A_660 = vector.broadcast %parallel_loop3A_659 : i32 to vector<16xi32>
      %parallel_loop3A_661 = arith.addi %parallel_loop3A_647, %parallel_loop3A_660 : vector<16xi32>
      %parallel_loop3A_662 = tpu.vector_load_idx %arg5[%parallel_loop3A_661] : memref<8208xf32, #tpu.memory_space<vmem>>[vector<16xi32>], vector<16xf32>,
      %parallel_loop3A_663 = arith.constant 4 : i32
      %parallel_loop3A_664 = arith.muli %parallel_loop3A_391, %parallel_loop3A_663 : i32
      %parallel_loop3A_665 = arith.constant 1 : i32
      %parallel_loop3A_666 = arith.addi %parallel_loop3A_664, %parallel_loop3A_665 : i32
      %parallel_loop3A_667 = arith.index_cast %parallel_loop3A_666 : i32 to index
      %parallel_loop3A_668 = arith.constant 80 : index
      %parallel_loop3A_669 = tpu.vector_load %arg8[%parallel_loop3A_667, %parallel_loop3A_668] {strides = array<i32>} : memref<128x128xf32, #tpu.memory_space<vmem>>, vector<16xf32>,
      tpu.vector_store %arg8[%parallel_loop3A_667, %parallel_loop3A_668], %parallel_loop3A_662 {strides = array<i32>} : memref<128x128xf32, #tpu.memory_space<vmem>>, vector<16xf32>,
      %parallel_loop3A_670 = arith.constant 4104 : i32
      %parallel_loop3A_671 = vector.broadcast %parallel_loop3A_670 : i32 to vector<16xi32>
      %parallel_loop3A_672 = arith.addi %parallel_loop3A_647, %parallel_loop3A_671 : vector<16xi32>
      %parallel_loop3A_673 = tpu.vector_load_idx %arg5[%parallel_loop3A_672] : memref<8208xf32, #tpu.memory_space<vmem>>[vector<16xi32>], vector<16xf32>,
      %parallel_loop3A_674 = arith.constant 4 : i32
      %parallel_loop3A_675 = arith.muli %parallel_loop3A_391, %parallel_loop3A_674 : i32
      %parallel_loop3A_676 = arith.constant 2 : i32
      %parallel_loop3A_677 = arith.addi %parallel_loop3A_675, %parallel_loop3A_676 : i32
      %parallel_loop3A_678 = arith.index_cast %parallel_loop3A_677 : i32 to index
      %parallel_loop3A_679 = arith.constant 80 : index
      %parallel_loop3A_680 = tpu.vector_load %arg8[%parallel_loop3A_678, %parallel_loop3A_679] {strides = array<i32>} : memref<128x128xf32, #tpu.memory_space<vmem>>, vector<16xf32>,
      tpu.vector_store %arg8[%parallel_loop3A_678, %parallel_loop3A_679], %parallel_loop3A_673 {strides = array<i32>} : memref<128x128xf32, #tpu.memory_space<vmem>>, vector<16xf32>,
      %parallel_loop3A_681 = arith.constant 6156 : i32
      %parallel_loop3A_682 = vector.broadcast %parallel_loop3A_681 : i32 to vector<16xi32>
      %parallel_loop3A_683 = arith.addi %parallel_loop3A_647, %parallel_loop3A_682 : vector<16xi32>
      %parallel_loop3A_684 = tpu.vector_load_idx %arg5[%parallel_loop3A_683] : memref<8208xf32, #tpu.memory_space<vmem>>[vector<16xi32>], vector<16xf32>,
      %parallel_loop3A_685 = arith.constant 4 : i32
      %parallel_loop3A_686 = arith.muli %parallel_loop3A_391, %parallel_loop3A_685 : i32
      %parallel_loop3A_687 = arith.constant 3 : i32
      %parallel_loop3A_688 = arith.addi %parallel_loop3A_686, %parallel_loop3A_687 : i32
      %parallel_loop3A_689 = arith.index_cast %parallel_loop3A_688 : i32 to index
      %parallel_loop3A_690 = arith.constant 80 : index
      %parallel_loop3A_691 = tpu.vector_load %arg8[%parallel_loop3A_689, %parallel_loop3A_690] {strides = array<i32>} : memref<128x128xf32, #tpu.memory_space<vmem>>, vector<16xf32>,
      tpu.vector_store %arg8[%parallel_loop3A_689, %parallel_loop3A_690], %parallel_loop3A_684 {strides = array<i32>} : memref<128x128xf32, #tpu.memory_space<vmem>>, vector<16xf32>,
      %parallel_loop3A_692 = arith.index_cast %parallel_loop3A_391 : i32 to index
      %parallel_loop3A_693 = arith.constant 96 : index
      %parallel_loop3A_694 = tpu.vector_load %arg6[%parallel_loop3A_692, %parallel_loop3A_693] {strides = array<i32>} : memref<32x128xi32, #tpu.memory_space<vmem>>, vector<16xi32>,
      %parallel_loop3A_695 = arith.constant 2048 : i32
      %parallel_loop3A_696 = vector.broadcast %parallel_loop3A_695 : i32 to vector<16xi32>
      %parallel_loop3A_697 = arith.minsi %parallel_loop3A_694, %parallel_loop3A_696 : vector<16xi32>
      %parallel_loop3A_698 = arith.constant 0 : i32
      %parallel_loop3A_699 = vector.broadcast %parallel_loop3A_698 : i32 to vector<16xi32>
      %parallel_loop3A_700 = arith.addi %parallel_loop3A_697, %parallel_loop3A_699 : vector<16xi32>
      %parallel_loop3A_701 = tpu.vector_load_idx %arg5[%parallel_loop3A_700] : memref<8208xf32, #tpu.memory_space<vmem>>[vector<16xi32>], vector<16xf32>,
      %parallel_loop3A_702 = arith.constant 4 : i32
      %parallel_loop3A_703 = arith.muli %parallel_loop3A_391, %parallel_loop3A_702 : i32
      %parallel_loop3A_704 = arith.constant 0 : i32
      %parallel_loop3A_705 = arith.addi %parallel_loop3A_703, %parallel_loop3A_704 : i32
      %parallel_loop3A_706 = arith.index_cast %parallel_loop3A_705 : i32 to index
      %parallel_loop3A_707 = arith.constant 96 : index
      %parallel_loop3A_708 = tpu.vector_load %arg8[%parallel_loop3A_706, %parallel_loop3A_707] {strides = array<i32>} : memref<128x128xf32, #tpu.memory_space<vmem>>, vector<16xf32>,
      tpu.vector_store %arg8[%parallel_loop3A_706, %parallel_loop3A_707], %parallel_loop3A_701 {strides = array<i32>} : memref<128x128xf32, #tpu.memory_space<vmem>>, vector<16xf32>,
      %parallel_loop3A_709 = arith.constant 2052 : i32
      %parallel_loop3A_710 = vector.broadcast %parallel_loop3A_709 : i32 to vector<16xi32>
      %parallel_loop3A_711 = arith.addi %parallel_loop3A_697, %parallel_loop3A_710 : vector<16xi32>
      %parallel_loop3A_712 = tpu.vector_load_idx %arg5[%parallel_loop3A_711] : memref<8208xf32, #tpu.memory_space<vmem>>[vector<16xi32>], vector<16xf32>,
      %parallel_loop3A_713 = arith.constant 4 : i32
      %parallel_loop3A_714 = arith.muli %parallel_loop3A_391, %parallel_loop3A_713 : i32
      %parallel_loop3A_715 = arith.constant 1 : i32
      %parallel_loop3A_716 = arith.addi %parallel_loop3A_714, %parallel_loop3A_715 : i32
      %parallel_loop3A_717 = arith.index_cast %parallel_loop3A_716 : i32 to index
      %parallel_loop3A_718 = arith.constant 96 : index
      %parallel_loop3A_719 = tpu.vector_load %arg8[%parallel_loop3A_717, %parallel_loop3A_718] {strides = array<i32>} : memref<128x128xf32, #tpu.memory_space<vmem>>, vector<16xf32>,
      tpu.vector_store %arg8[%parallel_loop3A_717, %parallel_loop3A_718], %parallel_loop3A_712 {strides = array<i32>} : memref<128x128xf32, #tpu.memory_space<vmem>>, vector<16xf32>,
      %parallel_loop3A_720 = arith.constant 4104 : i32
      %parallel_loop3A_721 = vector.broadcast %parallel_loop3A_720 : i32 to vector<16xi32>
      %parallel_loop3A_722 = arith.addi %parallel_loop3A_697, %parallel_loop3A_721 : vector<16xi32>
      %parallel_loop3A_723 = tpu.vector_load_idx %arg5[%parallel_loop3A_722] : memref<8208xf32, #tpu.memory_space<vmem>>[vector<16xi32>], vector<16xf32>,
      %parallel_loop3A_724 = arith.constant 4 : i32
      %parallel_loop3A_725 = arith.muli %parallel_loop3A_391, %parallel_loop3A_724 : i32
      %parallel_loop3A_726 = arith.constant 2 : i32
      %parallel_loop3A_727 = arith.addi %parallel_loop3A_725, %parallel_loop3A_726 : i32
      %parallel_loop3A_728 = arith.index_cast %parallel_loop3A_727 : i32 to index
      %parallel_loop3A_729 = arith.constant 96 : index
      %parallel_loop3A_730 = tpu.vector_load %arg8[%parallel_loop3A_728, %parallel_loop3A_729] {strides = array<i32>} : memref<128x128xf32, #tpu.memory_space<vmem>>, vector<16xf32>,
      tpu.vector_store %arg8[%parallel_loop3A_728, %parallel_loop3A_729], %parallel_loop3A_723 {strides = array<i32>} : memref<128x128xf32, #tpu.memory_space<vmem>>, vector<16xf32>,
      %parallel_loop3A_731 = arith.constant 6156 : i32
      %parallel_loop3A_732 = vector.broadcast %parallel_loop3A_731 : i32 to vector<16xi32>
      %parallel_loop3A_733 = arith.addi %parallel_loop3A_697, %parallel_loop3A_732 : vector<16xi32>
      %parallel_loop3A_734 = tpu.vector_load_idx %arg5[%parallel_loop3A_733] : memref<8208xf32, #tpu.memory_space<vmem>>[vector<16xi32>], vector<16xf32>,
      %parallel_loop3A_735 = arith.constant 4 : i32
      %parallel_loop3A_736 = arith.muli %parallel_loop3A_391, %parallel_loop3A_735 : i32
      %parallel_loop3A_737 = arith.constant 3 : i32
      %parallel_loop3A_738 = arith.addi %parallel_loop3A_736, %parallel_loop3A_737 : i32
      %parallel_loop3A_739 = arith.index_cast %parallel_loop3A_738 : i32 to index
      %parallel_loop3A_740 = arith.constant 96 : index
      %parallel_loop3A_741 = tpu.vector_load %arg8[%parallel_loop3A_739, %parallel_loop3A_740] {strides = array<i32>} : memref<128x128xf32, #tpu.memory_space<vmem>>, vector<16xf32>,
      tpu.vector_store %arg8[%parallel_loop3A_739, %parallel_loop3A_740], %parallel_loop3A_734 {strides = array<i32>} : memref<128x128xf32, #tpu.memory_space<vmem>>, vector<16xf32>,
      %parallel_loop3A_742 = arith.index_cast %parallel_loop3A_391 : i32 to index
      %parallel_loop3A_743 = arith.constant 112 : index
      %parallel_loop3A_744 = tpu.vector_load %arg6[%parallel_loop3A_742, %parallel_loop3A_743] {strides = array<i32>} : memref<32x128xi32, #tpu.memory_space<vmem>>, vector<16xi32>,
      %parallel_loop3A_745 = arith.constant 2048 : i32
      %parallel_loop3A_746 = vector.broadcast %parallel_loop3A_745 : i32 to vector<16xi32>
      %parallel_loop3A_747 = arith.minsi %parallel_loop3A_744, %parallel_loop3A_746 : vector<16xi32>
      %parallel_loop3A_748 = arith.constant 0 : i32
      %parallel_loop3A_749 = vector.broadcast %parallel_loop3A_748 : i32 to vector<16xi32>
      %parallel_loop3A_750 = arith.addi %parallel_loop3A_747, %parallel_loop3A_749 : vector<16xi32>
      %parallel_loop3A_751 = tpu.vector_load_idx %arg5[%parallel_loop3A_750] : memref<8208xf32, #tpu.memory_space<vmem>>[vector<16xi32>], vector<16xf32>,
      %parallel_loop3A_752 = arith.constant 4 : i32
      %parallel_loop3A_753 = arith.muli %parallel_loop3A_391, %parallel_loop3A_752 : i32
      %parallel_loop3A_754 = arith.constant 0 : i32
      %parallel_loop3A_755 = arith.addi %parallel_loop3A_753, %parallel_loop3A_754 : i32
      %parallel_loop3A_756 = arith.index_cast %parallel_loop3A_755 : i32 to index
      %parallel_loop3A_757 = arith.constant 112 : index
      %parallel_loop3A_758 = tpu.vector_load %arg8[%parallel_loop3A_756, %parallel_loop3A_757] {strides = array<i32>} : memref<128x128xf32, #tpu.memory_space<vmem>>, vector<16xf32>,
      tpu.vector_store %arg8[%parallel_loop3A_756, %parallel_loop3A_757], %parallel_loop3A_751 {strides = array<i32>} : memref<128x128xf32, #tpu.memory_space<vmem>>, vector<16xf32>,
      %parallel_loop3A_759 = arith.constant 2052 : i32
      %parallel_loop3A_760 = vector.broadcast %parallel_loop3A_759 : i32 to vector<16xi32>
      %parallel_loop3A_761 = arith.addi %parallel_loop3A_747, %parallel_loop3A_760 : vector<16xi32>
      %parallel_loop3A_762 = tpu.vector_load_idx %arg5[%parallel_loop3A_761] : memref<8208xf32, #tpu.memory_space<vmem>>[vector<16xi32>], vector<16xf32>,
      %parallel_loop3A_763 = arith.constant 4 : i32
      %parallel_loop3A_764 = arith.muli %parallel_loop3A_391, %parallel_loop3A_763 : i32
      %parallel_loop3A_765 = arith.constant 1 : i32
      %parallel_loop3A_766 = arith.addi %parallel_loop3A_764, %parallel_loop3A_765 : i32
      %parallel_loop3A_767 = arith.index_cast %parallel_loop3A_766 : i32 to index
      %parallel_loop3A_768 = arith.constant 112 : index
      %parallel_loop3A_769 = tpu.vector_load %arg8[%parallel_loop3A_767, %parallel_loop3A_768] {strides = array<i32>} : memref<128x128xf32, #tpu.memory_space<vmem>>, vector<16xf32>,
      tpu.vector_store %arg8[%parallel_loop3A_767, %parallel_loop3A_768], %parallel_loop3A_762 {strides = array<i32>} : memref<128x128xf32, #tpu.memory_space<vmem>>, vector<16xf32>,
      %parallel_loop3A_770 = arith.constant 4104 : i32
      %parallel_loop3A_771 = vector.broadcast %parallel_loop3A_770 : i32 to vector<16xi32>
      %parallel_loop3A_772 = arith.addi %parallel_loop3A_747, %parallel_loop3A_771 : vector<16xi32>
      %parallel_loop3A_773 = tpu.vector_load_idx %arg5[%parallel_loop3A_772] : memref<8208xf32, #tpu.memory_space<vmem>>[vector<16xi32>], vector<16xf32>,
      %parallel_loop3A_774 = arith.constant 4 : i32
      %parallel_loop3A_775 = arith.muli %parallel_loop3A_391, %parallel_loop3A_774 : i32
      %parallel_loop3A_776 = arith.constant 2 : i32
      %parallel_loop3A_777 = arith.addi %parallel_loop3A_775, %parallel_loop3A_776 : i32
      %parallel_loop3A_778 = arith.index_cast %parallel_loop3A_777 : i32 to index
      %parallel_loop3A_779 = arith.constant 112 : index
      %parallel_loop3A_780 = tpu.vector_load %arg8[%parallel_loop3A_778, %parallel_loop3A_779] {strides = array<i32>} : memref<128x128xf32, #tpu.memory_space<vmem>>, vector<16xf32>,
      tpu.vector_store %arg8[%parallel_loop3A_778, %parallel_loop3A_779], %parallel_loop3A_773 {strides = array<i32>} : memref<128x128xf32, #tpu.memory_space<vmem>>, vector<16xf32>,
      %parallel_loop3A_781 = arith.constant 6156 : i32
      %parallel_loop3A_782 = vector.broadcast %parallel_loop3A_781 : i32 to vector<16xi32>
      %parallel_loop3A_783 = arith.addi %parallel_loop3A_747, %parallel_loop3A_782 : vector<16xi32>
      %parallel_loop3A_784 = tpu.vector_load_idx %arg5[%parallel_loop3A_783] : memref<8208xf32, #tpu.memory_space<vmem>>[vector<16xi32>], vector<16xf32>,
      %parallel_loop3A_785 = arith.constant 4 : i32
      %parallel_loop3A_786 = arith.muli %parallel_loop3A_391, %parallel_loop3A_785 : i32
      %parallel_loop3A_787 = arith.constant 3 : i32
      %parallel_loop3A_788 = arith.addi %parallel_loop3A_786, %parallel_loop3A_787 : i32
      %parallel_loop3A_789 = arith.index_cast %parallel_loop3A_788 : i32 to index
      %parallel_loop3A_790 = arith.constant 112 : index
      %parallel_loop3A_791 = tpu.vector_load %arg8[%parallel_loop3A_789, %parallel_loop3A_790] {strides = array<i32>} : memref<128x128xf32, #tpu.memory_space<vmem>>, vector<16xf32>,
      tpu.vector_store %arg8[%parallel_loop3A_789, %parallel_loop3A_790], %parallel_loop3A_784 {strides = array<i32>} : memref<128x128xf32, #tpu.memory_space<vmem>>, vector<16xf32>,
    } {sc.loop_unroll_factor = 4 : i64, sc.parallel_access}
    %dma_start3A_287 = arith.constant 0 : i32
    %dma_start3A_288 = tpu.memref_slice %arg4[%mul3A_275, %dma_start3A_287] : memref<102400x128xf32, #tpu.memory_space<hbm>> -> memref<128x128xf32, #tpu.memory_space<hbm>>
    %dma_start3A_289 = arith.constant 0 : i32
    %dma_start3A_290 = tpu.memref_slice %arg4[%mul3A_275, %dma_start3A_289] : memref<102400x128xf32, #tpu.memory_space<hbm>> -> memref<128x128xf32, #tpu.memory_space<hbm>>
    tpu.enqueue_dma source(%arg8 : memref<128x128xf32, #tpu.memory_space<vmem>>) target(%dma_start3A_290 : memref<128x128xf32, #tpu.memory_space<hbm>>) target_semaphore(%arg12 : memref<!tpu.dma_semaphore, #tpu.memory_space<semaphore_mem>>)
    %dma_wait3A_291 = arith.constant 0 : i32
    %dma_wait3A_292 = tpu.memref_slice %arg4[%mul3A_275, %dma_wait3A_291] : memref<102400x128xf32, #tpu.memory_space<hbm>> -> memref<128x128xf32, #tpu.memory_space<hbm>>
    %dma_wait3A_293 = arith.constant 0 : i32
    %dma_wait3A_294 = tpu.memref_slice %arg4[%mul3A_275, %dma_wait3A_293] : memref<102400x128xf32, #tpu.memory_space<hbm>> -> memref<128x128xf32, #tpu.memory_space<hbm>>
    tpu.wait_dma2 semaphore(%arg12 : memref<!tpu.dma_semaphore, #tpu.memory_space<semaphore_mem>>) src(%arg8 : memref<128x128xf32, #tpu.memory_space<vmem>>) dst(%dma_wait3A_294 : memref<128x128xf32, #tpu.memory_space<hbm>>)
    %dma_wait3A_295 = arith.constant 0 : i32
    %dma_wait3A_296 = tpu.memref_slice %arg4[%mul3A_275, %dma_wait3A_295] : memref<102400x128xf32, #tpu.memory_space<hbm>> -> memref<128x128xf32, #tpu.memory_space<hbm>>
    %dma_wait3A_297 = arith.constant 0 : i32
    %dma_wait3A_298 = tpu.memref_slice %arg4[%mul3A_275, %dma_wait3A_297] : memref<102400x128xf32, #tpu.memory_space<hbm>> -> memref<128x128xf32, #tpu.memory_space<hbm>>
    tpu.wait_dma2 semaphore(%arg13 : memref<!tpu.dma_semaphore, #tpu.memory_space<semaphore_mem>>) src(%arg9 : memref<128x128xf32, #tpu.memory_space<vmem>>) dst(%dma_wait3A_298 : memref<128x128xf32, #tpu.memory_space<hbm>>)
    %jit3A_299 = arith.constant 4 : i32
    %div3A_300 = arith.divsi %sub3A_5, %jit3A_299 : i32
    %sign3A_301 = arith.constant 0 : i32
    %sign3A_302 = arith.cmpi sgt, %sub3A_5, %sign3A_301 : i32
    %sign3A_303 = arith.extui %sign3A_302 : i1 to i32
    %sign3A_304 = arith.constant 0 : i32
    %sign3A_305 = arith.cmpi slt, %sub3A_5, %sign3A_304 : i32
    %sign3A_306 = arith.extui %sign3A_305 : i1 to i32
    %sign3A_307 = arith.subi %sign3A_303, %sign3A_306 : i32
    %sign3A_308 = arith.constant 0 : i32
    %sign3A_309 = arith.cmpi sgt, %jit3A_299, %sign3A_308 : i32
    %sign3A_310 = arith.extui %sign3A_309 : i1 to i32
    %sign3A_311 = arith.constant 0 : i32
    %sign3A_312 = arith.cmpi slt, %jit3A_299, %sign3A_311 : i32
    %sign3A_313 = arith.extui %sign3A_312 : i1 to i32
    %sign3A_314 = arith.subi %sign3A_310, %sign3A_313 : i32
    %ne3A_315 = arith.cmpi ne, %sign3A_307, %sign3A_314 : i32
    %rem3A_316 = arith.remsi %sub3A_5, %jit3A_299 : i32
    %ne3A_317 = arith.constant 0 : i32
    %ne3A_318 = arith.cmpi ne, %rem3A_316, %ne3A_317 : i32
    %and3A_319 = arith.andi %ne3A_315, %ne3A_318 : i1
    %sub3A_320 = arith.constant 1 : i32
    %sub3A_321 = arith.subi %div3A_300, %sub3A_320 : i32
    %select_n3A_322 = arith.select %and3A_319, %sub3A_321, %div3A_300 : i32
    %jit3A_323 = arith.constant 4 : i32
    %eq3A_324 = arith.constant 0 : i32
    %eq3A_325 = arith.cmpi eq, %jit3A_323, %eq3A_324 : i32
    %jit3A_326 = arith.constant 1 : i32
    %select_n3A_327 = arith.select %eq3A_325, %jit3A_326, %jit3A_323 : i32
    %rem3A_328 = arith.remsi %sub3A_5, %select_n3A_327 : i32
    %ne3A_329 = arith.constant 0 : i32
    %ne3A_330 = arith.cmpi ne, %rem3A_328, %ne3A_329 : i32
    %lt3A_331 = arith.constant 0 : i32
    %lt3A_332 = arith.cmpi slt, %rem3A_328, %lt3A_331 : i32
    %lt3A_333 = arith.constant 0 : i32
    %lt3A_334 = arith.cmpi slt, %select_n3A_327, %lt3A_333 : i32
    %ne3A_335 = arith.xori %lt3A_332, %lt3A_334 : i1
    %and3A_336 = arith.andi %ne3A_335, %ne3A_330 : i1
    %add3A_337 = arith.addi %rem3A_328, %select_n3A_327 : i32
    %select_n3A_338 = arith.select %and3A_336, %add3A_337, %rem3A_328 : i32
    %mul3A_339 = arith.constant 32 : i32
    %mul3A_340 = arith.muli %select_n3A_338, %mul3A_339 : i32
    %jit3A_341 = arith.constant 8 : i32
    %div3A_342 = arith.divsi %select_n3A_322, %jit3A_341 : i32
    %sign3A_343 = arith.constant 0 : i32
    %sign3A_344 = arith.cmpi sgt, %select_n3A_322, %sign3A_343 : i32
    %sign3A_345 = arith.extui %sign3A_344 : i1 to i32
    %sign3A_346 = arith.constant 0 : i32
    %sign3A_347 = arith.cmpi slt, %select_n3A_322, %sign3A_346 : i32
    %sign3A_348 = arith.extui %sign3A_347 : i1 to i32
    %sign3A_349 = arith.subi %sign3A_345, %sign3A_348 : i32
    %sign3A_350 = arith.constant 0 : i32
    %sign3A_351 = arith.cmpi sgt, %jit3A_341, %sign3A_350 : i32
    %sign3A_352 = arith.extui %sign3A_351 : i1 to i32
    %sign3A_353 = arith.constant 0 : i32
    %sign3A_354 = arith.cmpi slt, %jit3A_341, %sign3A_353 : i32
    %sign3A_355 = arith.extui %sign3A_354 : i1 to i32
    %sign3A_356 = arith.subi %sign3A_352, %sign3A_355 : i32
    %ne3A_357 = arith.cmpi ne, %sign3A_349, %sign3A_356 : i32
    %rem3A_358 = arith.remsi %select_n3A_322, %jit3A_341 : i32
    %ne3A_359 = arith.constant 0 : i32
    %ne3A_360 = arith.cmpi ne, %rem3A_358, %ne3A_359 : i32
    %and3A_361 = arith.andi %ne3A_357, %ne3A_360 : i1
    %sub3A_362 = arith.constant 1 : i32
    %sub3A_363 = arith.subi %div3A_342, %sub3A_362 : i32
    %select_n3A_364 = arith.select %and3A_361, %sub3A_363, %div3A_342 : i32
    %jit3A_365 = arith.constant 8 : i32
    %eq3A_366 = arith.constant 0 : i32
    %eq3A_367 = arith.cmpi eq, %jit3A_365, %eq3A_366 : i32
    %jit3A_368 = arith.constant 1 : i32
    %select_n3A_369 = arith.select %eq3A_367, %jit3A_368, %jit3A_365 : i32
    %rem3A_370 = arith.remsi %select_n3A_322, %select_n3A_369 : i32
    %ne3A_371 = arith.constant 0 : i32
    %ne3A_372 = arith.cmpi ne, %rem3A_370, %ne3A_371 : i32
    %lt3A_373 = arith.constant 0 : i32
    %lt3A_374 = arith.cmpi slt, %rem3A_370, %lt3A_373 : i32
    %lt3A_375 = arith.constant 0 : i32
    %lt3A_376 = arith.cmpi slt, %select_n3A_369, %lt3A_375 : i32
    %ne3A_377 = arith.xori %lt3A_374, %lt3A_376 : i1
    %and3A_378 = arith.andi %ne3A_377, %ne3A_372 : i1
    %add3A_379 = arith.addi %rem3A_370, %select_n3A_369 : i32
    %select_n3A_380 = arith.select %and3A_378, %add3A_379, %rem3A_370 : i32
    %mul3A_381 = arith.constant 32 : i32
    %mul3A_382 = arith.muli %sub3A_5, %mul3A_381 : i32
    %mul3A_383 = arith.constant 4 : i32
    %mul3A_384 = arith.muli %mul3A_382, %mul3A_383 : i32
    %dma_wait3A_385 = arith.constant 0 : i32
    %dma_wait3A_386 = tpu.memref_slice %arg2[%select_n3A_364, %mul3A_340, %select_n3A_380, %dma_wait3A_385] : memref<25x128x8x128xi32, #tpu.memory_space<hbm>> -> memref<1x32x1x128xi32, #tpu.memory_space<hbm>>
    %dma_wait3A_387 = tpu.memref_squeeze %dma_wait3A_386 : memref<1x32x1x128xi32, #tpu.memory_space<hbm>> -> memref<32x128xi32, #tpu.memory_space<hbm>>
    %dma_wait3A_388 = arith.constant 0 : i32
    %dma_wait3A_389 = tpu.memref_slice %arg2[%select_n3A_364, %mul3A_340, %select_n3A_380, %dma_wait3A_388] : memref<25x128x8x128xi32, #tpu.memory_space<hbm>> -> memref<1x32x1x128xi32, #tpu.memory_space<hbm>>
    %dma_wait3A_390 = tpu.memref_squeeze %dma_wait3A_389 : memref<1x32x1x128xi32, #tpu.memory_space<hbm>> -> memref<32x128xi32, #tpu.memory_space<hbm>>
    tpu.wait_dma2 semaphore(%arg11 : memref<!tpu.dma_semaphore, #tpu.memory_space<semaphore_mem>>) src(%dma_wait3A_390 : memref<32x128xi32, #tpu.memory_space<hbm>>) dst(%arg7 : memref<32x128xi32, #tpu.memory_space<vmem>>)
    return
  }
}

</mosaic_0001>

<sc_bundles>
// kernel: kernel.3.cloned.1.call-start
scs
__scs_entry_jumppad:
0x0: {  	(pc) =	sbr.rel $0x88, $3  }
0x1: {  	(tag) =	ssettag $0x0;
	lr =	simm.s32 $0x1  }
0x2: {  	[smem:$0x3F9F] =	sst lr;
	_ =	strace $0xD0000000  }
0x3: {  	_ = 	snop  }
0x4: {  	_ = 	snop  }
0x5: {  	_ = 	snop  }
0x6: {  	_ = 	snop  }
0x7: {  	_ = 	snop  }
__scs_overlays_trampoline_lowered:
0x8: {  	[smem:$0x3FAE] =	sst s0  }
0x9: {  	[smem:$0x3FAF] =	sst s1  }
0xa: {  	[smem:$0x3FB0] =	sst s2  }
0xb: {  	[smem:$0x3FB1] =	sst s3  }
0xc: {  	[smem:$0x3FB2] =	sst s4  }
0xd: {  	[smem:$0x3FB3] =	sst s5  }
0xe: {  	[smem:$0x3FB4] =	sst s6  }
0xf: {  	[smem:$0x3FB5] =	sst s7  }
0x10: {  	[smem:$0x3FB6] =	sst s8  }
0x11: {  	[smem:$0x3FB7] =	sst s9;
	s0 =	simm.s32 @!p0 $0x0  }
0x12: {  	s1 =	sld [smem:$0x3F9D];
	s0 =	simm.s32 @p0 $0x1  }
0x13: {  	[smem:$0x3FB8] =	sst s0;
	s0 =	simm.s32 @!p1 $0x0  }
0x14: {  	s2 =	sld [smem:$0x3F9C];
	s0 =	simm.s32 @p1 $0x1  }
0x15: {  	[smem:$0x3FB9] =	sst s0;
	s0 =	simm.s32 @!p2 $0x0  }
0x16: {  	s3 =	sld [smem:$0x3FDB];
	s0 =	simm.s32 @p2 $0x1  }
0x17: {  	s4 =	simm.s32 $0x1BF5;
	[smem:$0x3FBB] =	sst s0  }
0x18: {  	s0 =	sld [smem:$0x3F9E];
	_ =	swait.ge [sflag:s4], $0x0  }
0x19: {  	s7 =	sld [smem:$0x3F9F]  }
0x1a: {  	s8 =	sadd.s32 $0xFFFFE003, lr  }
0x1b: {  	s9 =	sadd.s32 $0xFFFFFEF7, lr;
	s5 =	simm.s32 $0xFFFFFFFF;
	p2 =	slt.u32 s8, $0xFFFFF086  }
0x1c: {  	p1 =	slt.u32 s9, $0xF7A;
	s5 =	simm.s32 @!p2 $0x0  }
0x1d: {  	s5 =	simm.s32 @p1 $0x1;
	p0 =	seq.s32 s7, s2  }
0x1e: {  	s7 =	smul.u32 @!p0 $0xF7A, s2;
	p2 =	seq.s32 @!p0 s5, $0x0  }
0x1f: {  	s9 =	smul.u32 $0xF7A, s1;
	s8 =	simm.s32 @!p0 $0x1BF5;
	p2 =	por !p2, p0  }
0x20: {  	[sflag:s8] =	ssyncset.s32 @!p0 $0xFFFFF086;
	s6 =	sadd.s32 @!p0 s3, s7;
	s7 =	simm.s32 @!p0 $0x108  }
0x21: {  	s3 =	sadd.s32 s3, s9;
	s6 =	sadd.s32 @!p0 $0x88, s6;
	s7 =	simm.s32 @p2 $0x1082  }
0x22: {  	[simem:s7], [sflag:s8] =	dma.local @!p0 [hbm:s6], $0xF7A  }
0x23: {  	s9 =	sor.u32 $0xD0000000, s2;
	s6 =	simm.s32 $0x108;
	_ =	swait.ge @!p0 [sflag:s8], $0x0  }
0x24: {  	s3 =	sadd.s32 $0x88, s3;
	s6 =	simm.s32 @!p1 $0x1082;
	[sflag:s4] =	ssyncset.s32 $0xFFFFF086  }
0x25: {  	[simem:s6], [sflag:s4] =	dma.local [hbm:s3], $0xF7A  }
0x26: {  	[smem:$0x3F9F] =	sst s1;
	(tag) =	ssettag s2;
	_ =	strace s9  }
0x27: {  	s1 =	sld [smem:$0x3FAF]  }
0x28: {  	s2 =	sld [smem:$0x3FB0]  }
0x29: {  	s4 =	sld [smem:$0x3FB2]  }
0x2a: {  	p0 =	seq.s32 s5, $0x0;
	s5 =	sld [smem:$0x3FB3]  }
0x2b: {  	s6 =	sld [smem:$0x3FB4]  }
0x2c: {  	s7 =	sld [smem:$0x3FB5]  }
0x2d: {  	s3 =	simm.s32 $0x108;
	s8 =	sld [smem:$0x3FB6]  }
0x2e: {  	s3 =	simm.s32 @!p0 $0x1082;
	s9 =	sld [smem:$0x3FB7]  }
0x2f: {  	lr =	sadd.s32 s0, s3;
	s0 =	sld [smem:$0x3FAE]  }
0x30: {  	s3 =	sld [smem:$0x3FB1]  }
0x31: {  	[smem:$0x3FBA] =	sst s10  }
0x32: {  	s10 =	sld [smem:$0x3FB8];
	_ =	sdelay $0x3  }
0x33: {  	p0 =	seq.s32 s10, $0x1;
	s10 =	sld [smem:$0x3FBA];
	_ =	sdelay $0x3  }
0x34: {  	[smem:$0x3FBA] =	sst s10  }
0x35: {  	s10 =	sld [smem:$0x3FB9];
	_ =	sdelay $0x3  }
0x36: {  	p1 =	seq.s32 s10, $0x1;
	s10 =	sld [smem:$0x3FBA];
	_ =	sdelay $0x3  }
0x37: {  	[smem:$0x3FBA] =	sst s10  }
0x38: {  	s10 =	sld [smem:$0x3FBB]  }
0x39: {  	_ = 	snop;
	(pc) =	sbr.ind lr, $3  }
0x3a: {  	_ = 	snop  }
0x3b: {  	_ = 	snop  }
0x3c: {  	p2 =	seq.s32 s10, $0x1;
	s10 =	sld [smem:$0x3FBA]  }
0x3d: {  	_ =	shalt  }
0x3e: {  	_ =	shalt  }
0x3f: {  	_ =	shalt  }
0x40: {  	_ =	shalt  }
0x41: {  	_ =	shalt  }
0x42: {  	_ =	shalt  }
0x43: {  	_ =	shalt  }
0x44: {  	_ =	shalt  }
0x45: {  	_ =	shalt  }
0x46: {  	_ =	shalt  }
0x47: {  	_ =	shalt  }
0x48: {  	_ =	shalt  }
0x49: {  	_ =	shalt  }
0x4a: {  	_ =	shalt  }
0x4b: {  	_ =	shalt  }
0x4c: {  	_ =	shalt  }
0x4d: {  	_ =	shalt  }
0x4e: {  	_ =	shalt  }
0x4f: {  	_ =	shalt  }
0x50: {  	_ =	shalt  }
0x51: {  	_ =	shalt  }
0x52: {  	_ =	shalt  }
0x53: {  	_ =	shalt  }
0x54: {  	_ =	shalt  }
0x55: {  	_ =	shalt  }
0x56: {  	_ =	shalt  }
0x57: {  	_ =	shalt  }
0x58: {  	_ =	shalt  }
0x59: {  	_ =	shalt  }
0x5a: {  	_ =	shalt  }
0x5b: {  	_ =	shalt  }
0x5c: {  	_ =	shalt  }
0x5d: {  	_ =	shalt  }
0x5e: {  	_ =	shalt  }
0x5f: {  	_ =	shalt  }
0x60: {  	_ =	shalt  }
0x61: {  	_ =	shalt  }
0x62: {  	_ =	shalt  }
0x63: {  	_ =	shalt  }
0x64: {  	_ =	shalt  }
0x65: {  	_ =	shalt  }
0x66: {  	_ =	shalt  }
0x67: {  	_ =	shalt  }
0x68: {  	_ =	shalt  }
0x69: {  	_ =	shalt  }
0x6a: {  	_ =	shalt  }
0x6b: {  	_ =	shalt  }
0x6c: {  	_ =	shalt  }
0x6d: {  	_ =	shalt  }
0x6e: {  	_ =	shalt  }
0x6f: {  	_ =	shalt  }
0x70: {  	_ =	shalt  }
0x71: {  	_ =	shalt  }
0x72: {  	_ =	shalt  }
0x73: {  	_ =	shalt  }
0x74: {  	_ =	shalt  }
0x75: {  	_ =	shalt  }
0x76: {  	_ =	shalt  }
0x77: {  	_ =	shalt  }
0x78: {  	_ =	shalt  }
0x79: {  	_ =	shalt  }
0x7a: {  	_ =	shalt  }
0x7b: {  	_ =	shalt  }
0x7c: {  	_ =	shalt  }
0x7d: {  	_ =	shalt  }
0x7e: {  	_ =	shalt  }
0x7f: {  	_ =	shalt  }
0x80: {  	_ =	shalt  }
0x81: {  	_ =	shalt  }
0x82: {  	_ =	shalt  }
0x83: {  	_ =	shalt  }
0x84: {  	_ =	shalt  }
0x85: {  	_ =	shalt  }
0x86: {  	_ =	shalt  }
0x87: {  	_ =	shalt  }
.Lfunc_end0:
.L_simem_size_0:
called_computation_lowered:
.L_overlay_start_0:
0x88: {  	s2 =	sld [smem:$0x3FD9]  }
0x89: {  	s3 =	sld [smem:$0x3FFE];
	_ =	sdelay $0x1  }
0x8a: {  	s1 =	srdreg.scid  }
0x8b: {  	s0 =	sand.u32 $0x1, s1  }
0x8c: {  	s17 =	sshll.u32 s0, $0xA;
	s2 =	sadd.s32 s3, s2  }
0x8d: {  	s2 =	sadd.s32 s2, s17  }
0x8e: {  	[smem:$0x3FC6] =	sst s2  }
0x8f: {  	_ = 	snop  }
0x90: {  	s2 =	sld [smem:$0x3FC9]  }
0x91: {  	s18 =	sld [smem:$0x3FD0];
	(tm) =	ssettm $0x1  }
0x92: {  	s4 =	sld [smem:$0x3FFB];
	_ =	sdelay $0x3  }
0x93: {  	_ =	strace s4  }
0x94: {  	s4 =	sld [smem:$0x3FFC];
	_ =	sdelay $0x3  }
0x95: {  	_ =	strace s4  }
0x96: {  	s4 =	sld [smem:$0x3FFD];
	_ =	sdelay $0x3  }
0x97: {  	_ =	strace s4  }
0x98: {  	_ =	strace $0x8FFFFFFF  }
0x99: {  	s19 =	sld [smem:$0x3FDB];
	_ =	sdelay $0x1  }
0x9a: {  	s5 =	simm.s32 $_scs_section_size  }
0x9b: {  	s6 =	simm.s32 $_size__tile_overlayer_lowered;
	s7 =	simm.s32 $_tile_overlayer_lowered  }
0x9c: {  	s22 =	simm.s32 $0x1BFF;
	s21 =	sshll.u32 s7, $0x1;
	s4 =	sadd.s32 s5, s19  }
0x9d: {  	s8 =	simm.s32 $0x0;
	s20 =	sshll.u32 s6, $0x1;
	s6 =	sadd.s32 s21, s4  }
0x9e: {  	[timem:s8], [sflag:s22] =	dma.local [hbm:s6], s20  }
0x9f: {  	_ =	swait.ge [sflag:s22], s20  }
0xa0: {  	s5 =	ssub.s32 $0x0, s20;
	[sflag:s22] =	ssyncset.done $0x0  }
0xa1: {  	[sflag:s22] =	ssyncadd.s32 s5;
	_ =	sdelay $0x1  }
0xa2: {  	s23 =	simm.s32 $0x1B8B  }
0xa3: {  	_ =	swait.ge [sflag:s23], $0x1  }
0xa4: {  	[sflag:s23] =	ssyncset.done $0x0  }
0xa5: {  	s25 =	simm.s32 $0x1B8E;
	s24 =	sld [smem:$0x3FFE];
	[sflag:s23] =	ssyncadd.s32 $0xFFFFFFFF  }
0xa6: {  	s26 =	simm.s32 $execute0_lowered;
	[smem:$0x3FD2] =	sst s25  }
0xa7: {  	s6 =	sshll.u32 s26, $0x1;
	_ =	strace $0x80000046;
	[dreg:$0x1] =	wrdreg $0xFFFFFFFF  }
0xa8: {  	s28 =	simm.s32 $_size_execute0_lowered;
	s4 =	sadd.s32 s4, s6;
	[dreg:$0x0] =	wrdreg $0x0  }
0xa9: {  	s6 =	sshll.u32 s28, $0x1;
	[dreg:$0x2] =	wrdreg s4  }
0xaa: {  	[dreg:$0x3] =	wrdreg s6  }
0xab: {  	[dreg:$0x4] =	wrdreg $0xC0  }
0xac: {  	_ =	task [dreg:s8], $0x5FFFF  }
0xad: {  	[dreg:$0x1] =	wrdreg $0xFFFFFFFF  }
0xae: {  	[dreg:$0x0] =	wrdreg $0x60  }
0xaf: {  	[dreg:$0x2] =	wrdreg s2  }
0xb0: {  	[dreg:$0x3] =	wrdreg s24  }
0xb1: {  	[dreg:$0x4] =	wrdreg s18  }
0xb2: {  	[dreg:$0x5] =	wrdreg $0x9  }
0xb3: {  	_ =	task.clear_ibuf [dreg:s8], $0x6FFFF;
	_ =	strace $0x90000046  }
0xb4: {  	s29 =	simm.s32 $0x9;
	_ =	strace $0x80000048  }
0xb5: {  	_ =	swait.ge [sflag:s29], $0x1  }
0xb6: {  	[sflag:s29] =	ssyncadd.s32 $0xFFFFFFFF  }
0xb7: {  	_ =	strace $0x90000048  }
0xb8: {  	_ =	sfence  }
0xb9: {  	s30 =	sld [smem:$0x0];
	_ =	sdelay $0x2  }
0xba: {  	s31 =	sshll.u32 s1, $0xD;
	s1 =	sshrl.u32 s1, $0x2  }
0xbb: {  	s3 =	sand.u32 $0x4000, s31;
	s1 =	sadd.s32 s1, s30  }
0xbc: {  	s0 =	sor.u32 s3, s0;
	s1 =	sshll.u32 s1, $0x11  }
0xbd: {  	s0 =	sor.u32 s1, s0  }
0xbe: {  	s0 =	sadd.s32 $0x8F2B, s0  }
0xbf: {  	[sflag:s0] =	ssyncadd.remote.s32 $0x1  }
0xc0: {  	_ =	sfence.sel $0xFFFF  }
0xc1: {  	[dreg:$0x0] =	wrdreg $0xFFFFFFFF;
	(pc) =	sbr.abs _section_cstart, $3  }
0xc2: {  	[dreg:$0x1] =	wrdreg $0xFFFFFFFF  }
0xc3: {  	_ =	task.clear_ibuf [dreg:s8], $0x2FFFF;
	_ =	strace $0x9FFFFFFF  }
0xc4: {  	(tm) =	ssettm $0x7FFFFFFF  }
0xc5: {  	_ =	shalt  }
tec
execute0_lowered:
.L_overlay_start_1:
0x0: {  	(tag) =	ssettag $0x1  }
0x1: {  	s1 =	rddreg [dreg:$0x0]  }
0x2: {  	s0 =	rddreg [dreg:$0x1]  }
0x3: {  	s3 =	rddreg [dreg:$0x2]  }
0x4: {  	s4 =	simm.s32 $0x0;
	s2 =	srdreg.scid;
	s5 =	stileid.u32  }
0x5: {  	s13 =	simm.s32 $0x5;
	s14 =	simm.s32 $0x80;
	s15 =	simm.s32 $0x400  }
0x6: {  	s16 =	simm.s32 $0x2080;
	s17 =	simm.s32 $0x3080;
	s18 =	simm.s32 $0x1  }
0x7: {  	s19 =	simm.s32 $0x4080;
	s20 =	simm.s32 $0x2;
	s21 =	simm.s32 $0x8080  }
0x8: {  	s22 =	simm.s32 $0x3;
	s2 =	sand.u32 $0x1, s2;
	s5 =	sshll.u32 s5, $0x1  }
0x9: {  	[smem:$0x7FF] =	sst s4;
	s0 =	sadd.s32 $0x400, s0;
	s5 =	sor.u32 s2, s5  }
0xa: {  	s10 =	sadd.s32 $0x800, s3;
	_ =	strace $0x80000047;
	s24 =	smul.u32 $0x19000, s5  }
0xb: {  	[dreg:$0x4] =	wrdreg s0;
	s23 =	ssub.s32 $0x2, s2;
	s9 =	smul.u32 $0x320, s5  }
0xc: {  	s7 =	sshrl.u32 s23, $0x1;
	s8 =	sshll.u32 s5, $0xF;
	s6 =	smul.u32 $0x19, s5  }
0xd: {  	s25 =	sand.u32 $0x18000, s8;
	s0 =	ssub.s32 s23, s7;
	s23 =	simm.s32 $0x4  }
0xe: {  	s2 =	sand.u32 $0x3E0000, s24;
	s26 =	sand.u32 $0x380, s9;
	s7 =	sadd.s32 $0x18, s6  }
0xf: {  	s28 =	sadd.s32 $0x1, s6;
	s12 =	smax.u32 s0, $0x1;
	s24 =	simm.s32 $0x0  }
0x10: {  	s2 =	sor.u32 s25, s2;
	s29 =	sshll.u32 s28, $0x9;
	s30 =	sshll.u32 s28, $0xC  }
0x11: {  	s5 =	sshll.u32 s28, $0x2;
	s31 =	sshll.u32 s7, $0xB;
	s2 =	sor.u32 s26, s2  }
0x12: {  	s8 =	sand.u32 $0xFC000, s29;
	s9 =	sand.u32 $0x3000, s30;
	s5 =	sand.u32 $0x70, s5  }
0x13: {  	s2 =	sshrl.u32 s2, $0x3;
	s9 =	sor.u32 s9, s8;
	s5 =	sadd.s32 s1, s5  }
0x14: {  	s11 =	sadd.s32 s3, s31;
	s8 =	sadd.s32 s1, s2;
	s9 =	sadd.s32 s9, s5  }
.LBB2_1:
0x15: {  	s0 =	rddreg [dreg:$0x4]  }
0x16: {  	[tilespmem:s4], [sflag:$0x5] =	stream.linear.gather [hbm4b:s0+s4], $0x2080, $0x38;
	[tilespmem:$0xC080] =	vst v63  }
0x17: {  	_ =	swait.ge [sflag:s13], $0x2080  }
0x18: {  	[sflag:s13] =	ssyncset.done $0x0  }
0x19: {  	[sflag:s13] =	ssyncadd.s32 $0xFFFFDF80  }
0x1a: {  	[tilespmem:s16], [sflag:$0x1] =	stream.strided.gather [hbm4b:s8+s14], $0x1000, s15, s14, $0x38;
	[tilespmem:$0xC080] =	vst v63  }
0x1b: {  	s25 =	simm.s32 $0x0  }
0x1c: {  	[tilespmem:s17], [sflag:$0x2] =	stream.strided.gather [hbm4b:s9+s14], $0x1000, s15, s14, $0x38;
	[tilespmem:$0xC080] =	vst v63  }
.LBB2_2:
0x1d: {  	_ =	swait.ge [sflag:s18], $0x1000  }
0x1e: {  	p0 =	seq.s32 s25, $0x0;
	[sflag:s18] =	ssyncset.done $0x0  }
0x1f: {  	s0 =	simm.s32 @!p0 $0x3;
	[sflag:s18] =	ssyncadd.s32 $0xFFFFF000  }
0x20: {  	_ =	swait.ge @!p0 [sflag:s0], $0x4000  }
0x21: {  	[sflag:s0] =	ssyncset.done @!p0 $0x0  }
0x22: {  	s2 =	simm.s32 $0x2180;
	[sflag:s0] =	ssyncadd.s32 @!p0 $0xFFFFC000  }
0x23: {  	v0 =	vld [tilespmem:s2+$0x80]  }
0x24: {  	v1 =	vld [tilespmem:s2+$0xFFFFFF80]  }
0x25: {  	v2 =	vld [tilespmem:s2+$0x0];
	_ =	sdelay $0x2  }
0x26: {  	vm0 =	vlt.s32 v0, $0x800  }
0x27: {  	vm1 =	vlt.s32 v1, $0x800;
	v0 =	vnsel vm0, $0x800, v0  }
0x28: {  	v1 =	vnsel vm1, $0x800, v1;
	vm0 =	vlt.s32 v2, $0x800  }
0x29: {  	v2 =	vnsel vm0, $0x800, v2;
	_ =	sdelay $0x1  }
0x2a: {  	v3 =	vld [tilespmem:s2+$0xFFFFFF00]  }
0x2b: {  	v4 =	vld.idx.msk [tilespmem:v0+s4+$0x0], $0xffff  }
0x2c: {  	v6 =	vadd.s32 $0x804, v0;
	v5 =	vld.idx.msk [tilespmem:v1+s4+$0x0], $0xffff  }
0x2d: {  	v7 =	vadd.s32 $0x804, v1;
	v8 =	vld.idx.msk [tilespmem:v2+s4+$0x0], $0xffff  }
0x2e: {  	v9 =	vadd.s32 $0x804, v2  }
0x2f: {  	s28 =	simm.s32 $0x4480;
	vm0 =	vlt.s32 v3, $0x800  }
0x30: {  	v3 =	vnsel vm0, $0x800, v3;
	[tilespmem:s28+$0x200] =	vst v4  }
0x31: {  	[tilespmem:s28+$0xFFFFFE00] =	vst v5;
	v5 =	vld.idx.msk [tilespmem:v6+s4+$0x0], $0xffff  }
0x32: {  	v6 =	vld.idx.msk [tilespmem:v7+s4+$0x0], $0xffff;
	[tilespmem:s28+$0x0] =	vst v8;
	v7 =	vadd.s32 $0x1008, v0  }
0x33: {  	v8 =	vadd.s32 $0x1008, v1;
	v9 =	vld.idx.msk [tilespmem:v9+s4+$0x0], $0xffff  }
0x34: {  	v11 =	vadd.s32 $0x1008, v2  }
0x35: {  	v10 =	vld.idx.msk [tilespmem:v3+s4+$0x0], $0xffff  }
0x36: {  	v4 =	vadd.s32 $0x804, v3;
	[tilespmem:s28+$0x280] =	vst v5  }
0x37: {  	[tilespmem:s28+$0xFFFFFE80] =	vst v6;
	v6 =	vld.idx.msk [tilespmem:v7+s4+$0x0], $0xffff  }
0x38: {  	v0 =	vadd.s32 $0x180C, v0;
	v7 =	vld.idx.msk [tilespmem:v8+s4+$0x0], $0xffff;
	[tilespmem:s28+$0x80] =	vst v9  }
0x39: {  	v1 =	vadd.s32 $0x180C, v1;
	v8 =	vld.idx.msk [tilespmem:v11+s4+$0x0], $0xffff  }
0x3a: {  	v2 =	vadd.s32 $0x180C, v2;
	[tilespmem:s28+$0xFFFFFC00] =	vst v10  }
0x3b: {  	v4 =	vld.idx.msk [tilespmem:v4+s4+$0x0], $0xffff  }
0x3c: {  	v5 =	vadd.s32 $0x1008, v3;
	[tilespmem:s28+$0x300] =	vst v6  }
0x3d: {  	[tilespmem:s28+$0xFFFFFF00] =	vst v7;
	v0 =	vld.idx.msk [tilespmem:v0+s4+$0x0], $0xffff  }
0x3e: {  	v1 =	vld.idx.msk [tilespmem:v1+s4+$0x0], $0xffff;
	[tilespmem:s28+$0x100] =	vst v8  }
0x3f: {  	v2 =	vld.idx.msk [tilespmem:v2+s4+$0x0], $0xffff  }
0x40: {  	[tilespmem:s28+$0xFFFFFC80] =	vst v4  }
0x41: {  	v4 =	vld.idx.msk [tilespmem:v5+s4+$0x0], $0xffff  }
0x42: {  	v3 =	vadd.s32 $0x180C, v3;
	[tilespmem:s28+$0x380] =	vst v0  }
0x43: {  	[tilespmem:s28+$0xFFFFFF80] =	vst v1;
	v0 =	vld [tilespmem:s2+$0x90]  }
0x44: {  	v1 =	vld [tilespmem:s2+$0xFFFFFF90];
	[tilespmem:s28+$0x180] =	vst v2  }
0x45: {  	v2 =	vld [tilespmem:s2+$0x10]  }
0x46: {  	[tilespmem:s28+$0xFFFFFD00] =	vst v4  }
0x47: {  	v3 =	vld.idx.msk [tilespmem:v3+s4+$0x0], $0xffff  }
0x48: {  	vm0 =	vlt.s32 v0, $0x800  }
0x49: {  	vm1 =	vlt.s32 v1, $0x800;
	v0 =	vnsel vm0, $0x800, v0  }
0x4a: {  	v1 =	vnsel vm1, $0x800, v1;
	vm0 =	vlt.s32 v2, $0x800  }
0x4b: {  	v2 =	vnsel vm0, $0x800, v2  }
0x4c: {  	[tilespmem:s28+$0xFFFFFD80] =	vst v3  }
0x4d: {  	v3 =	vld [tilespmem:s2+$0xFFFFFF10]  }
0x4e: {  	v4 =	vld.idx.msk [tilespmem:v0+s4+$0x0], $0xffff  }
0x4f: {  	v6 =	vadd.s32 $0x804, v0;
	v5 =	vld.idx.msk [tilespmem:v1+s4+$0x0], $0xffff  }
0x50: {  	v7 =	vadd.s32 $0x804, v1;
	v8 =	vld.idx.msk [tilespmem:v2+s4+$0x0], $0xffff  }
0x51: {  	v9 =	vadd.s32 $0x804, v2  }
0x52: {  	vm0 =	vlt.s32 v3, $0x800  }
0x53: {  	v3 =	vnsel vm0, $0x800, v3;
	[tilespmem:s28+$0x210] =	vst v4  }
0x54: {  	[tilespmem:s28+$0xFFFFFE10] =	vst v5;
	v5 =	vld.idx.msk [tilespmem:v6+s4+$0x0], $0xffff  }
0x55: {  	v6 =	vld.idx.msk [tilespmem:v7+s4+$0x0], $0xffff;
	[tilespmem:s28+$0x10] =	vst v8;
	v7 =	vadd.s32 $0x1008, v0  }
0x56: {  	v8 =	vadd.s32 $0x1008, v1;
	v9 =	vld.idx.msk [tilespmem:v9+s4+$0x0], $0xffff  }
0x57: {  	v11 =	vadd.s32 $0x1008, v2  }
0x58: {  	v10 =	vld.idx.msk [tilespmem:v3+s4+$0x0], $0xffff  }
0x59: {  	v4 =	vadd.s32 $0x804, v3;
	[tilespmem:s28+$0x290] =	vst v5  }
0x5a: {  	[tilespmem:s28+$0xFFFFFE90] =	vst v6;
	v6 =	vld.idx.msk [tilespmem:v7+s4+$0x0], $0xffff  }
0x5b: {  	v0 =	vadd.s32 $0x180C, v0;
	v7 =	vld.idx.msk [tilespmem:v8+s4+$0x0], $0xffff;
	[tilespmem:s28+$0x90] =	vst v9  }
0x5c: {  	v1 =	vadd.s32 $0x180C, v1;
	v8 =	vld.idx.msk [tilespmem:v11+s4+$0x0], $0xffff  }
0x5d: {  	v2 =	vadd.s32 $0x180C, v2;
	[tilespmem:s28+$0xFFFFFC10] =	vst v10  }
0x5e: {  	v4 =	vld.idx.msk [tilespmem:v4+s4+$0x0], $0xffff  }
0x5f: {  	v5 =	vadd.s32 $0x1008, v3;
	[tilespmem:s28+$0x310] =	vst v6  }
0x60: {  	[tilespmem:s28+$0xFFFFFF10] =	vst v7;
	v0 =	vld.idx.msk [tilespmem:v0+s4+$0x0], $0xffff  }
0x61: {  	v1 =	vld.idx.msk [tilespmem:v1+s4+$0x0], $0xffff;
	[tilespmem:s28+$0x110] =	vst v8  }
0x62: {  	v2 =	vld.idx.msk [tilespmem:v2+s4+$0x0], $0xffff  }
0x63: {  	[tilespmem:s28+$0xFFFFFC90] =	vst v4  }
0x64: {  	v4 =	vld.idx.msk [tilespmem:v5+s4+$0x0], $0xffff  }
0x65: {  	v3 =	vadd.s32 $0x180C, v3;
	[tilespmem:s28+$0x390] =	vst v0  }
0x66: {  	[tilespmem:s28+$0xFFFFFF90] =	vst v1;
	v0 =	vld [tilespmem:s2+$0xA0]  }
0x67: {  	v1 =	vld [tilespmem:s2+$0xFFFFFFA0];
	[tilespmem:s28+$0x190] =	vst v2  }
0x68: {  	v2 =	vld [tilespmem:s2+$0x20]  }
0x69: {  	[tilespmem:s28+$0xFFFFFD10] =	vst v4  }
0x6a: {  	v3 =	vld.idx.msk [tilespmem:v3+s4+$0x0], $0xffff  }
0x6b: {  	vm0 =	vlt.s32 v0, $0x800  }
0x6c: {  	vm1 =	vlt.s32 v1, $0x800;
	v0 =	vnsel vm0, $0x800, v0  }
0x6d: {  	v1 =	vnsel vm1, $0x800, v1;
	vm0 =	vlt.s32 v2, $0x800  }
0x6e: {  	v2 =	vnsel vm0, $0x800, v2  }
0x6f: {  	[tilespmem:s28+$0xFFFFFD90] =	vst v3  }
0x70: {  	v3 =	vld [tilespmem:s2+$0xFFFFFF20]  }
0x71: {  	v4 =	vld.idx.msk [tilespmem:v0+s4+$0x0], $0xffff  }
0x72: {  	v6 =	vadd.s32 $0x804, v0;
	v5 =	vld.idx.msk [tilespmem:v1+s4+$0x0], $0xffff  }
0x73: {  	v7 =	vadd.s32 $0x804, v1;
	v8 =	vld.idx.msk [tilespmem:v2+s4+$0x0], $0xffff  }
0x74: {  	v9 =	vadd.s32 $0x804, v2  }
0x75: {  	vm0 =	vlt.s32 v3, $0x800  }
0x76: {  	v3 =	vnsel vm0, $0x800, v3;
	[tilespmem:s28+$0x220] =	vst v4  }
0x77: {  	[tilespmem:s28+$0xFFFFFE20] =	vst v5;
	v5 =	vld.idx.msk [tilespmem:v6+s4+$0x0], $0xffff  }
0x78: {  	v6 =	vld.idx.msk [tilespmem:v7+s4+$0x0], $0xffff;
	[tilespmem:s28+$0x20] =	vst v8;
	v7 =	vadd.s32 $0x1008, v0  }
0x79: {  	v8 =	vadd.s32 $0x1008, v1;
	v9 =	vld.idx.msk [tilespmem:v9+s4+$0x0], $0xffff  }
0x7a: {  	v11 =	vadd.s32 $0x1008, v2  }
0x7b: {  	v10 =	vld.idx.msk [tilespmem:v3+s4+$0x0], $0xffff  }
0x7c: {  	v4 =	vadd.s32 $0x804, v3;
	[tilespmem:s28+$0x2A0] =	vst v5  }
0x7d: {  	[tilespmem:s28+$0xFFFFFEA0] =	vst v6;
	v6 =	vld.idx.msk [tilespmem:v7+s4+$0x0], $0xffff  }
0x7e: {  	v0 =	vadd.s32 $0x180C, v0;
	v7 =	vld.idx.msk [tilespmem:v8+s4+$0x0], $0xffff;
	[tilespmem:s28+$0xA0] =	vst v9  }
0x7f: {  	v1 =	vadd.s32 $0x180C, v1;
	v8 =	vld.idx.msk [tilespmem:v11+s4+$0x0], $0xffff  }
0x80: {  	v2 =	vadd.s32 $0x180C, v2;
	[tilespmem:s28+$0xFFFFFC20] =	vst v10  }
0x81: {  	v4 =	vld.idx.msk [tilespmem:v4+s4+$0x0], $0xffff  }
0x82: {  	v5 =	vadd.s32 $0x1008, v3;
	[tilespmem:s28+$0x320] =	vst v6  }
0x83: {  	[tilespmem:s28+$0xFFFFFF20] =	vst v7;
	v0 =	vld.idx.msk [tilespmem:v0+s4+$0x0], $0xffff  }
0x84: {  	v1 =	vld.idx.msk [tilespmem:v1+s4+$0x0], $0xffff;
	[tilespmem:s28+$0x120] =	vst v8  }
0x85: {  	v2 =	vld.idx.msk [tilespmem:v2+s4+$0x0], $0xffff  }
0x86: {  	[tilespmem:s28+$0xFFFFFCA0] =	vst v4  }
0x87: {  	v4 =	vld.idx.msk [tilespmem:v5+s4+$0x0], $0xffff  }
0x88: {  	v3 =	vadd.s32 $0x180C, v3;
	[tilespmem:s28+$0x3A0] =	vst v0  }
0x89: {  	[tilespmem:s28+$0xFFFFFFA0] =	vst v1;
	v0 =	vld [tilespmem:s2+$0xB0]  }
0x8a: {  	v1 =	vld [tilespmem:s2+$0xFFFFFFB0];
	[tilespmem:s28+$0x1A0] =	vst v2  }
0x8b: {  	v2 =	vld [tilespmem:s2+$0x30]  }
0x8c: {  	[tilespmem:s28+$0xFFFFFD20] =	vst v4  }
0x8d: {  	v3 =	vld.idx.msk [tilespmem:v3+s4+$0x0], $0xffff  }
0x8e: {  	vm0 =	vlt.s32 v0, $0x800  }
0x8f: {  	vm1 =	vlt.s32 v1, $0x800;
	v0 =	vnsel vm0, $0x800, v0  }
0x90: {  	v1 =	vnsel vm1, $0x800, v1;
	vm0 =	vlt.s32 v2, $0x800  }
0x91: {  	v2 =	vnsel vm0, $0x800, v2  }
0x92: {  	[tilespmem:s28+$0xFFFFFDA0] =	vst v3  }
0x93: {  	v3 =	vld [tilespmem:s2+$0xFFFFFF30]  }
0x94: {  	v4 =	vld.idx.msk [tilespmem:v0+s4+$0x0], $0xffff  }
0x95: {  	v6 =	vadd.s32 $0x804, v0;
	v5 =	vld.idx.msk [tilespmem:v1+s4+$0x0], $0xffff  }
0x96: {  	v7 =	vadd.s32 $0x804, v1;
	v8 =	vld.idx.msk [tilespmem:v2+s4+$0x0], $0xffff  }
0x97: {  	v9 =	vadd.s32 $0x804, v2  }
0x98: {  	vm0 =	vlt.s32 v3, $0x800  }
0x99: {  	v3 =	vnsel vm0, $0x800, v3;
	[tilespmem:s28+$0x230] =	vst v4  }
0x9a: {  	[tilespmem:s28+$0xFFFFFE30] =	vst v5;
	v5 =	vld.idx.msk [tilespmem:v6+s4+$0x0], $0xffff  }
0x9b: {  	v6 =	vld.idx.msk [tilespmem:v7+s4+$0x0], $0xffff;
	[tilespmem:s28+$0x30] =	vst v8;
	v7 =	vadd.s32 $0x1008, v0  }
0x9c: {  	v8 =	vadd.s32 $0x1008, v1;
	v9 =	vld.idx.msk [tilespmem:v9+s4+$0x0], $0xffff  }
0x9d: {  	v11 =	vadd.s32 $0x1008, v2  }
0x9e: {  	v10 =	vld.idx.msk [tilespmem:v3+s4+$0x0], $0xffff  }
0x9f: {  	v4 =	vadd.s32 $0x804, v3;
	[tilespmem:s28+$0x2B0] =	vst v5  }
0xa0: {  	[tilespmem:s28+$0xFFFFFEB0] =	vst v6;
	v6 =	vld.idx.msk [tilespmem:v7+s4+$0x0], $0xffff  }
0xa1: {  	v0 =	vadd.s32 $0x180C, v0;
	v7 =	vld.idx.msk [tilespmem:v8+s4+$0x0], $0xffff;
	[tilespmem:s28+$0xB0] =	vst v9  }
0xa2: {  	v1 =	vadd.s32 $0x180C, v1;
	v8 =	vld.idx.msk [tilespmem:v11+s4+$0x0], $0xffff  }
0xa3: {  	v2 =	vadd.s32 $0x180C, v2;
	[tilespmem:s28+$0xFFFFFC30] =	vst v10  }
0xa4: {  	v4 =	vld.idx.msk [tilespmem:v4+s4+$0x0], $0xffff  }
0xa5: {  	v5 =	vadd.s32 $0x1008, v3;
	[tilespmem:s28+$0x330] =	vst v6  }
0xa6: {  	[tilespmem:s28+$0xFFFFFF30] =	vst v7;
	v0 =	vld.idx.msk [tilespmem:v0+s4+$0x0], $0xffff  }
0xa7: {  	v1 =	vld.idx.msk [tilespmem:v1+s4+$0x0], $0xffff;
	[tilespmem:s28+$0x130] =	vst v8  }
0xa8: {  	v2 =	vld.idx.msk [tilespmem:v2+s4+$0x0], $0xffff  }
0xa9: {  	[tilespmem:s28+$0xFFFFFCB0] =	vst v4  }
0xaa: {  	s5 =	simm.s32 $0x2380;
	v4 =	vld.idx.msk [tilespmem:v5+s4+$0x0], $0xffff  }
0xab: {  	v3 =	vadd.s32 $0x180C, v3;
	v5 =	vld [tilespmem:s5+$0xFFFFFF80];
	[tilespmem:s28+$0x3B0] =	vst v0  }
0xac: {  	[tilespmem:s28+$0xFFFFFFB0] =	vst v1;
	v0 =	vld [tilespmem:s2+$0xC0]  }
0xad: {  	v1 =	vld [tilespmem:s2+$0xFFFFFFC0];
	[tilespmem:s28+$0x1B0] =	vst v2  }
0xae: {  	v2 =	vld [tilespmem:s2+$0x40]  }
0xaf: {  	[tilespmem:s28+$0xFFFFFD30] =	vst v4;
	v4 =	vld [tilespmem:s5+$0x80]  }
0xb0: {  	v3 =	vld.idx.msk [tilespmem:v3+s4+$0x0], $0xffff  }
0xb1: {  	v6 =	vld [tilespmem:s5+$0x0];
	vm0 =	vlt.s32 v0, $0x800  }
0xb2: {  	v7 =	vld [tilespmem:s5+$0xFFFFFF00];
	vm1 =	vlt.s32 v1, $0x800;
	v0 =	vnsel vm0, $0x800, v0  }
0xb3: {  	v1 =	vnsel vm1, $0x800, v1;
	vm0 =	vlt.s32 v2, $0x800  }
0xb4: {  	vm1 =	vlt.s32 v5, $0x800;
	v2 =	vnsel vm0, $0x800, v2  }
0xb5: {  	[tilespmem:s28+$0xFFFFFDB0] =	vst v3;
	vm0 =	vlt.s32 v4, $0x800;
	v5 =	vnsel vm1, $0x800, v5  }
0xb6: {  	v3 =	vnsel vm0, $0x800, v4;
	v4 =	vld [tilespmem:s2+$0xFFFFFF40];
	vm0 =	vlt.s32 v6, $0x800  }
0xb7: {  	v6 =	vnsel vm0, $0x800, v6;
	vm0 =	vlt.s32 v7, $0x800;
	v8 =	vld.idx.msk [tilespmem:v0+s4+$0x0], $0xffff  }
0xb8: {  	v7 =	vnsel vm0, $0x800, v7;
	v9 =	vld.idx.msk [tilespmem:v1+s4+$0x0], $0xffff  }
0xb9: {  	v10 =	vadd.s32 $0x804, v0;
	v11 =	vld.idx.msk [tilespmem:v2+s4+$0x0], $0xffff  }
0xba: {  	v12 =	vadd.s32 $0x804, v1;
	v15 =	vld.idx.msk [tilespmem:v5+s4+$0x0], $0xffff  }
0xbb: {  	v14 =	vadd.s32 $0x804, v2;
	v13 =	vld.idx.msk [tilespmem:v3+s4+$0x0], $0xffff  }
0xbc: {  	v17 =	vadd.s32 $0x804, v3;
	v16 =	vld.idx.msk [tilespmem:v6+s4+$0x0], $0xffff;
	[tilespmem:s28+$0x240] =	vst v8  }
0xbd: {  	v18 =	vadd.s32 $0x804, v6;
	[tilespmem:s28+$0xFFFFFE40] =	vst v9;
	v9 =	vld.idx.msk [tilespmem:v7+s4+$0x0], $0xffff  }
0xbe: {  	v8 =	vadd.s32 $0x804, v5;
	v10 =	vld.idx.msk [tilespmem:v10+s4+$0x0], $0xffff  }
0xbf: {  	s29 =	simm.s32 $0x4C80;
	v19 =	vadd.s32 $0x804, v7;
	vm0 =	vlt.s32 v4, $0x800;
	[tilespmem:s28+$0x40] =	vst v11;
	v11 =	vld.idx.msk [tilespmem:v12+s4+$0x0], $0xffff  }
0xc0: {  	v4 =	vnsel vm0, $0x800, v4;
	[tilespmem:s29+$0x200] =	vst v13;
	v49 =	vld.idx.msk [tilespmem:v14+s4+$0x0], $0xffff  }
0xc1: {  	v48 =	vadd.s32 $0x1008, v0;
	v50 =	vld.idx.msk [tilespmem:v17+s4+$0x0], $0xffff;
	[tilespmem:s29+$0x0] =	vst v16  }
0xc2: {  	v51 =	vadd.s32 $0x1008, v1;
	[tilespmem:s29+$0xFFFFFE00] =	vst v15;
	v16 =	vld.idx.msk [tilespmem:v18+s4+$0x0], $0xffff  }
0xc3: {  	v52 =	vadd.s32 $0x1008, v3;
	v8 =	vld.idx.msk [tilespmem:v8+s4+$0x0], $0xffff;
	[tilespmem:s29+$0xFFFFFC00] =	vst v9  }
0xc4: {  	v53 =	vadd.s32 $0x1008, v6;
	[tilespmem:s28+$0x2C0] =	vst v10;
	v54 =	vld.idx.msk [tilespmem:v19+s4+$0x0], $0xffff  }
0xc5: {  	v10 =	vadd.s32 $0x1008, v5;
	[tilespmem:s28+$0xFFFFFEC0] =	vst v11;
	v11 =	vld.idx.msk [tilespmem:v4+s4+$0x0], $0xffff  }
0xc6: {  	v55 =	vadd.s32 $0x1008, v7;
	v9 =	vld.idx.msk [tilespmem:v48+s4+$0x0], $0xffff;
	[tilespmem:s29+$0x280] =	vst v50  }
0xc7: {  	v57 =	vadd.s32 $0x804, v4;
	v56 =	vld.idx.msk [tilespmem:v51+s4+$0x0], $0xffff;
	[tilespmem:s29+$0x80] =	vst v16  }
0xc8: {  	v0 =	vadd.s32 $0x180C, v0;
	[tilespmem:s29+$0xFFFFFE80] =	vst v8;
	v8 =	vld.idx.msk [tilespmem:v52+s4+$0x0], $0xffff  }
0xc9: {  	v58 =	vadd.s32 $0x1008, v2;
	v12 =	vld.idx.msk [tilespmem:v53+s4+$0x0], $0xffff;
	[tilespmem:s29+$0xFFFFFC80] =	vst v54  }
0xca: {  	v3 =	vadd.s32 $0x180C, v3;
	v10 =	vld.idx.msk [tilespmem:v10+s4+$0x0], $0xffff;
	[tilespmem:s28+$0xFFFFFC40] =	vst v11  }
0xcb: {  	v5 =	vadd.s32 $0x180C, v5;
	[tilespmem:s28+$0x340] =	vst v9;
	v9 =	vld.idx.msk [tilespmem:v55+s4+$0x0], $0xffff  }
0xcc: {  	v6 =	vadd.s32 $0x180C, v6;
	[tilespmem:s28+$0xC0] =	vst v49;
	v11 =	vld.idx.msk [tilespmem:v57+s4+$0x0], $0xffff  }
0xcd: {  	v1 =	vadd.s32 $0x180C, v1;
	[tilespmem:s28+$0xFFFFFF40] =	vst v56;
	v0 =	vld.idx.msk [tilespmem:v0+s4+$0x0], $0xffff  }
0xce: {  	v7 =	vadd.s32 $0x180C, v7;
	[tilespmem:s29+$0x300] =	vst v8;
	v8 =	vld.idx.msk [tilespmem:v58+s4+$0x0], $0xffff  }
0xcf: {  	[tilespmem:s29+$0xFFFFFF00] =	vst v10;
	v3 =	vld.idx.msk [tilespmem:v3+s4+$0x0], $0xffff  }
0xd0: {  	[tilespmem:s29+$0x100] =	vst v12;
	v10 =	vadd.s32 $0x1008, v4;
	v5 =	vld.idx.msk [tilespmem:v5+s4+$0x0], $0xffff  }
0xd1: {  	v6 =	vld.idx.msk [tilespmem:v6+s4+$0x0], $0xffff  }
0xd2: {  	v2 =	vadd.s32 $0x180C, v2;
	[tilespmem:s29+$0xFFFFFD00] =	vst v9;
	v1 =	vld.idx.msk [tilespmem:v1+s4+$0x0], $0xffff  }
0xd3: {  	[tilespmem:s28+$0x3C0] =	vst v0;
	v7 =	vld.idx.msk [tilespmem:v7+s4+$0x0], $0xffff  }
0xd4: {  	[tilespmem:s28+$0xFFFFFCC0] =	vst v11;
	v0 =	vld [tilespmem:s2+$0xD0]  }
0xd5: {  	v9 =	vld.idx.msk [tilespmem:v10+s4+$0x0], $0xffff;
	[tilespmem:s29+$0x380] =	vst v3  }
0xd6: {  	[tilespmem:s28+$0x140] =	vst v8;
	v3 =	vld [tilespmem:s5+$0x90]  }
0xd7: {  	v4 =	vadd.s32 $0x180C, v4;
	v2 =	vld.idx.msk [tilespmem:v2+s4+$0x0], $0xffff;
	[tilespmem:s29+$0xFFFFFF80] =	vst v5  }
0xd8: {  	[tilespmem:s29+$0x180] =	vst v6;
	v5 =	vld [tilespmem:s5+$0xFFFFFF90]  }
0xd9: {  	v6 =	vld [tilespmem:s5+$0x10];
	[tilespmem:s29+$0xFFFFFD80] =	vst v7  }
0xda: {  	[tilespmem:s28+$0xFFFFFFC0] =	vst v1;
	vm0 =	vlt.s32 v0, $0x800;
	v7 =	vld [tilespmem:s5+$0xFFFFFF10]  }
0xdb: {  	v8 =	vld [tilespmem:s2+$0xFFFFFFD0];
	v0 =	vnsel vm0, $0x800, v0;
	[tilespmem:s28+$0xFFFFFD40] =	vst v9;
	vm0 =	vlt.s32 v3, $0x800  }
0xdc: {  	v4 =	vld.idx.msk [tilespmem:v4+s4+$0x0], $0xffff;
	v3 =	vnsel vm0, $0x800, v3  }
0xdd: {  	vm1 =	vlt.s32 v5, $0x800  }
0xde: {  	[tilespmem:s28+$0x1C0] =	vst v2;
	vm0 =	vlt.s32 v6, $0x800;
	v5 =	vnsel vm1, $0x800, v5  }
0xdf: {  	v9 =	vld [tilespmem:s2+$0x50];
	v6 =	vnsel vm0, $0x800, v6;
	vm0 =	vlt.s32 v7, $0x800  }
0xe0: {  	v1 =	vld.idx.msk [tilespmem:v0+s4+$0x0], $0xffff;
	v7 =	vnsel vm0, $0x800, v7  }
0xe1: {  	v2 =	vadd.s32 $0x804, v0;
	vm0 =	vlt.s32 v8, $0x800;
	[tilespmem:s28+$0xFFFFFDC0] =	vst v4;
	v10 =	vld.idx.msk [tilespmem:v3+s4+$0x0], $0xffff  }
0xe2: {  	v8 =	vnsel vm0, $0x800, v8;
	v20 =	vld [tilespmem:s2+$0xFFFFFF50]  }
0xe3: {  	v59 =	vadd.s32 $0x804, v3;
	v11 =	vld.idx.msk [tilespmem:v5+s4+$0x0], $0xffff  }
0xe4: {  	v60 =	vadd.s32 $0x804, v5;
	v61 =	vld.idx.msk [tilespmem:v6+s4+$0x0], $0xffff  }
0xe5: {  	[tilespmem:s28+$0x250] =	vst v1;
	v1 =	vadd.s32 $0x804, v6;
	v4 =	vld.idx.msk [tilespmem:v7+s4+$0x0], $0xffff  }
0xe6: {  	v63 =	vadd.s32 $0x804, v7;
	v2 =	vld.idx.msk [tilespmem:v2+s4+$0x0], $0xffff  }
0xe7: {  	v62 =	vadd.s32 $0x1008, v0;
	vm0 =	vlt.s32 v9, $0x800;
	v24 =	vld.idx.msk [tilespmem:v8+s4+$0x0], $0xffff;
	[tilespmem:s29+$0x210] =	vst v10  }
0xe8: {  	v9 =	vnsel vm0, $0x800, v9;
	vm0 =	vlt.s32 v20, $0x800;
	[tilespmem:s29+$0xFFFFFE10] =	vst v11;
	v10 =	vld.idx.msk [tilespmem:v59+s4+$0x0], $0xffff  }
0xe9: {  	[tilespmem:s29+$0x10] =	vst v61;
	v17 =	vnsel vm0, $0x800, v20;
	v11 =	vld.idx.msk [tilespmem:v60+s4+$0x0], $0xffff  }
0xea: {  	v21 =	vadd.s32 $0x1008, v3;
	v1 =	vld.idx.msk [tilespmem:v1+s4+$0x0], $0xffff;
	[tilespmem:s29+$0xFFFFFC10] =	vst v4  }
0xeb: {  	[tilespmem:s28+$0x2D0] =	vst v2;
	v2 =	vadd.s32 $0x1008, v5;
	v23 =	vld.idx.msk [tilespmem:v63+s4+$0x0], $0xffff  }
0xec: {  	v22 =	vadd.s32 $0x1008, v6;
	v4 =	vld.idx.msk [tilespmem:v62+s4+$0x0], $0xffff  }
0xed: {  	v25 =	vadd.s32 $0x1008, v7;
	[tilespmem:s29+$0x290] =	vst v10;
	v10 =	vld.idx.msk [tilespmem:v9+s4+$0x0], $0xffff  }
0xee: {  	v0 =	vadd.s32 $0x180C, v0;
	v27 =	vld.idx.msk [tilespmem:v17+s4+$0x0], $0xffff;
	[tilespmem:s29+$0xFFFFFE90] =	vst v11  }
0xef: {  	v26 =	vadd.s32 $0x804, v8;
	v11 =	vld.idx.msk [tilespmem:v21+s4+$0x0], $0xffff;
	[tilespmem:s29+$0x90] =	vst v1  }
0xf0: {  	v3 =	vadd.s32 $0x180C, v3;
	v2 =	vld.idx.msk [tilespmem:v2+s4+$0x0], $0xffff;
	[tilespmem:s29+$0xFFFFFC90] =	vst v23  }
0xf1: {  	v1 =	vld.idx.msk [tilespmem:v22+s4+$0x0], $0xffff;
	[tilespmem:s28+$0x350] =	vst v4;
	v4 =	vadd.s32 $0x180C, v5  }
0xf2: {  	v5 =	vadd.s32 $0x180C, v6;
	v6 =	vld.idx.msk [tilespmem:v25+s4+$0x0], $0xffff  }
0xf3: {  	v7 =	vadd.s32 $0x180C, v7;
	[tilespmem:s28+$0xFFFFFE50] =	vst v24;
	v0 =	vld.idx.msk [tilespmem:v0+s4+$0x0], $0xffff  }
0xf4: {  	v28 =	vadd.s32 $0x804, v17;
	[tilespmem:s29+$0x310] =	vst v11;
	v11 =	vld.idx.msk [tilespmem:v26+s4+$0x0], $0xffff  }
0xf5: {  	[tilespmem:s29+$0xFFFFFF10] =	vst v2;
	v2 =	vld.idx.msk [tilespmem:v3+s4+$0x0], $0xffff  }
0xf6: {  	v3 =	vadd.s32 $0x804, v9;
	[tilespmem:s29+$0x110] =	vst v1;
	v4 =	vld.idx.msk [tilespmem:v4+s4+$0x0], $0xffff  }
0xf7: {  	v1 =	vld.idx.msk [tilespmem:v5+s4+$0x0], $0xffff;
	[tilespmem:s29+$0xFFFFFD10] =	vst v6  }
0xf8: {  	[tilespmem:s28+$0xFFFFFC50] =	vst v27;
	v5 =	vld.idx.msk [tilespmem:v7+s4+$0x0], $0xffff  }
0xf9: {  	[tilespmem:s28+$0x3D0] =	vst v0;
	v7 =	vld.idx.msk [tilespmem:v28+s4+$0x0], $0xffff  }
0xfa: {  	[tilespmem:s28+$0x50] =	vst v10;
	v6 =	vadd.s32 $0x1008, v8;
	v0 =	vld [tilespmem:s2+$0xE0]  }
0xfb: {  	[tilespmem:s29+$0x390] =	vst v2;
	v2 =	vld.idx.msk [tilespmem:v3+s4+$0x0], $0xffff  }
0xfc: {  	[tilespmem:s29+$0xFFFFFF90] =	vst v4;
	v3 =	vld [tilespmem:s5+$0xA0]  }
0xfd: {  	[tilespmem:s29+$0x190] =	vst v1;
	v4 =	vld [tilespmem:s5+$0xFFFFFFA0]  }
0xfe: {  	[tilespmem:s28+$0xFFFFFED0] =	vst v11;
	v1 =	vadd.s32 $0x1008, v17;
	v10 =	vld [tilespmem:s5+$0x20]  }
0xff: {  	[tilespmem:s29+$0xFFFFFD90] =	vst v5;
	v5 =	vld.idx.msk [tilespmem:v6+s4+$0x0], $0xffff;
	v6 =	vadd.s32 $0x1008, v9  }
0x100: {  	v8 =	vadd.s32 $0x180C, v8;
	vm0 =	vlt.s32 v0, $0x800;
	v11 =	vld [tilespmem:s5+$0xFFFFFF20]  }
0x101: {  	v0 =	vnsel vm0, $0x800, v0;
	vm0 =	vlt.s32 v3, $0x800  }
0x102: {  	[tilespmem:s28+$0xFFFFFCD0] =	vst v7;
	vm1 =	vlt.s32 v4, $0x800;
	v3 =	vnsel vm0, $0x800, v3  }
0x103: {  	[tilespmem:s28+$0xD0] =	vst v2;
	v1 =	vld.idx.msk [tilespmem:v1+s4+$0x0], $0xffff;
	vm0 =	vlt.s32 v10, $0x800;
	v4 =	vnsel vm1, $0x800, v4  }
0x104: {  	v6 =	vld.idx.msk [tilespmem:v6+s4+$0x0], $0xffff;
	[tilespmem:s28+$0xFFFFFF50] =	vst v5;
	v7 =	vnsel vm0, $0x800, v10  }
0x105: {  	v9 =	vadd.s32 $0x180C, v9;
	vm0 =	vlt.s32 v11, $0x800;
	v8 =	vld.idx.msk [tilespmem:v8+s4+$0x0], $0xffff  }
0x106: {  	v2 =	vld.idx.msk [tilespmem:v0+s4+$0x0], $0xffff;
	v10 =	vnsel vm0, $0x800, v11  }
0x107: {  	v5 =	vadd.s32 $0x804, v0;
	v29 =	vld.idx.msk [tilespmem:v3+s4+$0x0], $0xffff  }
0x108: {  	v11 =	vadd.s32 $0x180C, v17;
	v30 =	vld.idx.msk [tilespmem:v4+s4+$0x0], $0xffff  }
0x109: {  	[tilespmem:s28+$0x150] =	vst v6;
	v31 =	vld.idx.msk [tilespmem:v7+s4+$0x0], $0xffff  }
0x10a: {  	v32 =	vadd.s32 $0x804, v3;
	[tilespmem:s28+$0xFFFFFD50] =	vst v1;
	v9 =	vld.idx.msk [tilespmem:v9+s4+$0x0], $0xffff  }
0x10b: {  	[tilespmem:s28+$0x260] =	vst v2;
	v2 =	vadd.s32 $0x804, v4;
	v1 =	vld.idx.msk [tilespmem:v10+s4+$0x0], $0xffff  }
0x10c: {  	v33 =	vadd.s32 $0x804, v7;
	v5 =	vld.idx.msk [tilespmem:v5+s4+$0x0], $0xffff  }
0x10d: {  	[tilespmem:s28+$0xFFFFFFD0] =	vst v8;
	v6 =	vld.idx.msk [tilespmem:v11+s4+$0x0], $0xffff;
	v11 =	vadd.s32 $0x1008, v0  }
0x10e: {  	v34 =	vadd.s32 $0x804, v10;
	v38 =	vld [tilespmem:s2+$0xFFFFFFE0];
	[tilespmem:s29+$0x220] =	vst v29  }
0x10f: {  	[tilespmem:s29+$0xFFFFFE20] =	vst v30;
	v12 =	vld.idx.msk [tilespmem:v32+s4+$0x0], $0xffff  }
0x110: {  	v36 =	vadd.s32 $0x1008, v3;
	[tilespmem:s29+$0x20] =	vst v31;
	v2 =	vld.idx.msk [tilespmem:v2+s4+$0x0], $0xffff  }
0x111: {  	v35 =	vld.idx.msk [tilespmem:v33+s4+$0x0], $0xffff;
	[tilespmem:s28+$0x2E0] =	vst v5;
	v5 =	vadd.s32 $0x1008, v4  }
0x112: {  	[tilespmem:s29+$0xFFFFFC20] =	vst v1;
	v1 =	vld.idx.msk [tilespmem:v11+s4+$0x0], $0xffff;
	v11 =	vadd.s32 $0x1008, v7  }
0x113: {  	v0 =	vadd.s32 $0x180C, v0;
	[tilespmem:s28+$0xFFFFFDD0] =	vst v6;
	v37 =	vld.idx.msk [tilespmem:v34+s4+$0x0], $0xffff  }
0x114: {  	v8 =	vadd.s32 $0x1008, v10;
	v6 =	vld [tilespmem:s2+$0xFFFFFF60];
	[tilespmem:s29+$0x2A0] =	vst v12  }
0x115: {  	[tilespmem:s29+$0xFFFFFEA0] =	vst v2;
	v2 =	vld.idx.msk [tilespmem:v36+s4+$0x0], $0xffff  }
0x116: {  	v3 =	vadd.s32 $0x180C, v3;
	[tilespmem:s29+$0xA0] =	vst v35;
	v5 =	vld.idx.msk [tilespmem:v5+s4+$0x0], $0xffff  }
0x117: {  	v4 =	vadd.s32 $0x180C, v4;
	v11 =	vld.idx.msk [tilespmem:v11+s4+$0x0], $0xffff;
	[tilespmem:s28+$0x360] =	vst v1  }
0x118: {  	[tilespmem:s29+$0xFFFFFCA0] =	vst v37;
	v1 =	vadd.s32 $0x180C, v7;
	v0 =	vld.idx.msk [tilespmem:v0+s4+$0x0], $0xffff  }
0x119: {  	[tilespmem:s28+$0x1D0] =	vst v9;
	v7 =	vld.idx.msk [tilespmem:v8+s4+$0x0], $0xffff  }
0x11a: {  	v9 =	vld [tilespmem:s2+$0x60];
	vm0 =	vlt.s32 v6, $0x800;
	v8 =	vadd.s32 $0x180C, v10;
	[tilespmem:s29+$0x320] =	vst v2  }
0x11b: {  	v2 =	vnsel vm0, $0x800, v6;
	[tilespmem:s29+$0xFFFFFF20] =	vst v5;
	v3 =	vld.idx.msk [tilespmem:v3+s4+$0x0], $0xffff  }
0x11c: {  	v4 =	vld.idx.msk [tilespmem:v4+s4+$0x0], $0xffff;
	[tilespmem:s29+$0x120] =	vst v11  }
0x11d: {  	v1 =	vld.idx.msk [tilespmem:v1+s4+$0x0], $0xffff;
	[tilespmem:s28+$0x3E0] =	vst v0  }
0x11e: {  	vm0 =	vlt.s32 v38, $0x800;
	[tilespmem:s29+$0xFFFFFD20] =	vst v7;
	v0 =	vld [tilespmem:s2+$0xF0]  }
0x11f: {  	v5 =	vnsel vm0, $0x800, v38;
	vm0 =	vlt.s32 v9, $0x800;
	v6 =	vld.idx.msk [tilespmem:v8+s4+$0x0], $0xffff  }
0x120: {  	v7 =	vnsel vm0, $0x800, v9;
	v8 =	vld.idx.msk [tilespmem:v2+s4+$0x0], $0xffff;
	[tilespmem:s29+$0x3A0] =	vst v3  }
0x121: {  	[tilespmem:s29+$0xFFFFFFA0] =	vst v4;
	v4 =	vld [tilespmem:s5+$0xB0]  }
0x122: {  	v9 =	vld [tilespmem:s5+$0xFFFFFFB0];
	[tilespmem:s29+$0x1A0] =	vst v1  }
0x123: {  	v1 =	vadd.s32 $0x804, v2;
	vm0 =	vlt.s32 v0, $0x800;
	v10 =	vld [tilespmem:s5+$0x30]  }
0x124: {  	v3 =	vld.idx.msk [tilespmem:v5+s4+$0x0], $0xffff;
	v0 =	vnsel vm0, $0x800, v0  }
0x125: {  	v11 =	vadd.s32 $0x804, v5;
	[tilespmem:s29+$0xFFFFFDA0] =	vst v6;
	v6 =	vld.idx.msk [tilespmem:v7+s4+$0x0], $0xffff  }
0x126: {  	v40 =	vadd.s32 $0x804, v7;
	v39 =	vld [tilespmem:s5+$0xFFFFFF30];
	vm0 =	vlt.s32 v4, $0x800  }
0x127: {  	[tilespmem:s28+$0xFFFFFC60] =	vst v8;
	vm1 =	vlt.s32 v9, $0x800;
	v4 =	vnsel vm0, $0x800, v4  }
0x128: {  	v1 =	vld.idx.msk [tilespmem:v1+s4+$0x0], $0xffff;
	v8 =	vnsel vm1, $0x800, v9;
	vm0 =	vlt.s32 v10, $0x800  }
0x129: {  	[tilespmem:s28+$0xFFFFFE60] =	vst v3;
	v3 =	vld.idx.msk [tilespmem:v0+s4+$0x0], $0xffff;
	v9 =	vnsel vm0, $0x800, v10  }
0x12a: {  	v42 =	vadd.s32 $0x1008, v2;
	[tilespmem:s28+$0x60] =	vst v6;
	v10 =	vld.idx.msk [tilespmem:v11+s4+$0x0], $0xffff  }
0x12b: {  	v6 =	vadd.s32 $0x804, v0;
	v41 =	vld.idx.msk [tilespmem:v40+s4+$0x0], $0xffff;
	vm0 =	vlt.s32 v39, $0x800  }
0x12c: {  	v11 =	vnsel vm0, $0x800, v39;
	v43 =	vld.idx.msk [tilespmem:v4+s4+$0x0], $0xffff  }
0x12d: {  	v44 =	vadd.s32 $0x1008, v5;
	[tilespmem:s28+$0xFFFFFCE0] =	vst v1;
	v45 =	vld.idx.msk [tilespmem:v8+s4+$0x0], $0xffff  }
0x12e: {  	v47 =	vadd.s32 $0x804, v4;
	v46 =	vld.idx.msk [tilespmem:v9+s4+$0x0], $0xffff;
	[tilespmem:s28+$0x270] =	vst v3  }
0x12f: {  	v3 =	vadd.s32 $0x804, v8;
	[tilespmem:s28+$0xFFFFFEE0] =	vst v10;
	v10 =	vld.idx.msk [tilespmem:v42+s4+$0x0], $0xffff  }
0x130: {  	v51 =	vadd.s32 $0x1008, v7;
	v6 =	vld.idx.msk [tilespmem:v6+s4+$0x0], $0xffff  }
0x131: {  	v48 =	vadd.s32 $0x804, v9;
	[tilespmem:s28+$0xE0] =	vst v41;
	v1 =	vld.idx.msk [tilespmem:v11+s4+$0x0], $0xffff  }
0x132: {  	v2 =	vadd.s32 $0x180C, v2;
	v50 =	vld.idx.msk [tilespmem:v44+s4+$0x0], $0xffff;
	[tilespmem:s29+$0x230] =	vst v43  }
0x133: {  	v49 =	vadd.s32 $0x1008, v0;
	[tilespmem:s29+$0xFFFFFE30] =	vst v45;
	v52 =	vld.idx.msk [tilespmem:v47+s4+$0x0], $0xffff  }
0x134: {  	v20 =	vadd.s32 $0x804, v11;
	v3 =	vld.idx.msk [tilespmem:v3+s4+$0x0], $0xffff;
	[tilespmem:s29+$0x30] =	vst v46  }
0x135: {  	v5 =	vadd.s32 $0x180C, v5;
	[tilespmem:s28+$0xFFFFFD60] =	vst v10;
	v10 =	vld.idx.msk [tilespmem:v51+s4+$0x0], $0xffff  }
0x136: {  	v53 =	vadd.s32 $0x1008, v4;
	v17 =	vld.idx.msk [tilespmem:v48+s4+$0x0], $0xffff;
	[tilespmem:s28+$0x2F0] =	vst v6  }
0x137: {  	v6 =	vadd.s32 $0x1008, v8;
	[tilespmem:s29+$0xFFFFFC30] =	vst v1;
	v2 =	vld.idx.msk [tilespmem:v2+s4+$0x0], $0xffff  }
0x138: {  	v54 =	vadd.s32 $0x1008, v9;
	[tilespmem:s28+$0xFFFFFF60] =	vst v50;
	v1 =	vld.idx.msk [tilespmem:v49+s4+$0x0], $0xffff  }
0x139: {  	v0 =	vadd.s32 $0x180C, v0;
	v55 =	vld.idx.msk [tilespmem:v20+s4+$0x0], $0xffff;
	[tilespmem:s29+$0x2B0] =	vst v52  }
0x13a: {  	v5 =	vld.idx.msk [tilespmem:v5+s4+$0x0], $0xffff;
	[tilespmem:s29+$0xFFFFFEB0] =	vst v3  }
0x13b: {  	v56 =	vadd.s32 $0x1008, v11;
	v3 =	vld.idx.msk [tilespmem:v53+s4+$0x0], $0xffff;
	[tilespmem:s28+$0x160] =	vst v10  }
0x13c: {  	v4 =	vadd.s32 $0x180C, v4;
	v6 =	vld.idx.msk [tilespmem:v6+s4+$0x0], $0xffff;
	[tilespmem:s29+$0xB0] =	vst v17  }
0x13d: {  	v8 =	vadd.s32 $0x180C, v8;
	v13 =	vld.idx.msk [tilespmem:v54+s4+$0x0], $0xffff;
	[tilespmem:s28+$0x370] =	vst v1  }
0x13e: {  	[tilespmem:s28+$0xFFFFFDE0] =	vst v2;
	v1 =	vld.idx.msk [tilespmem:v0+s4+$0x0], $0xffff;
	v0 =	vadd.s32 $0x180C, v9  }
0x13f: {  	v7 =	vadd.s32 $0x180C, v7;
	[tilespmem:s29+$0xFFFFFCB0] =	vst v55;
	v2 =	vld [tilespmem:s2+$0xFFFFFF70]  }
0x140: {  	v9 =	vld.idx.msk [tilespmem:v56+s4+$0x0], $0xffff;
	[tilespmem:s29+$0x330] =	vst v3  }
0x141: {  	v10 =	vadd.s32 $0x180C, v11;
	[tilespmem:s29+$0xFFFFFF30] =	vst v6;
	v4 =	vld.idx.msk [tilespmem:v4+s4+$0x0], $0xffff  }
0x142: {  	v6 =	vld.idx.msk [tilespmem:v8+s4+$0x0], $0xffff;
	[tilespmem:s29+$0x130] =	vst v13  }
0x143: {  	v0 =	vld.idx.msk [tilespmem:v0+s4+$0x0], $0xffff  }
0x144: {  	[tilespmem:s28+$0xFFFFFFE0] =	vst v5;
	v3 =	vld.idx.msk [tilespmem:v7+s4+$0x0], $0xffff  }
0x145: {  	v5 =	vld [tilespmem:s2+$0xFFFFFFF0];
	[tilespmem:s29+$0xFFFFFD30] =	vst v9  }
0x146: {  	v7 =	vld.idx.msk [tilespmem:v10+s4+$0x0], $0xffff;
	[tilespmem:s29+$0x3B0] =	vst v4  }
0x147: {  	[tilespmem:s29+$0xFFFFFFB0] =	vst v6;
	v4 =	vld [tilespmem:s5+$0xC0]  }
0x148: {  	v6 =	vld [tilespmem:s5+$0xFFFFFFC0];
	[tilespmem:s29+$0x1B0] =	vst v0  }
0x149: {  	vm0 =	vlt.s32 v2, $0x800;
	[tilespmem:s28+$0x1E0] =	vst v3;
	v0 =	vld [tilespmem:s5+$0x40]  }
0x14a: {  	s31 =	simm.s32 $0x2580;
	v2 =	vnsel vm0, $0x800, v2;
	vm0 =	vlt.s32 v5, $0x800;
	v8 =	vld [tilespmem:s2+$0x70]  }
0x14b: {  	v9 =	vld [tilespmem:s31+$0x80];
	v3 =	vnsel vm0, $0x800, v5  }
0x14c: {  	v5 =	vld [tilespmem:s31+$0xFFFFFF80];
	vm0 =	vlt.s32 v4, $0x800  }
0x14d: {  	v10 =	vld [tilespmem:s31+$0x0];
	vm1 =	vlt.s32 v6, $0x800;
	v4 =	vnsel vm0, $0x800, v4  }
0x14e: {  	[tilespmem:s29+$0xFFFFFDB0] =	vst v7;
	v7 =	vld [tilespmem:s31+$0xFFFFFF00];
	v6 =	vnsel vm1, $0x800, v6;
	vm0 =	vlt.s32 v0, $0x800  }
0x14f: {  	v11 =	vld [tilespmem:s5+$0xFFFFFF40];
	vm1 =	vlt.s32 v8, $0x800;
	v57 =	vnsel vm0, $0x800, v0  }
0x150: {  	v58 =	vld.idx.msk [tilespmem:v3+s4+$0x0], $0xffff;
	v0 =	vnsel vm1, $0x800, v8;
	vm0 =	vlt.s32 v9, $0x800  }
0x151: {  	v8 =	vld.idx.msk [tilespmem:v2+s4+$0x0], $0xffff;
	vm1 =	vlt.s32 v5, $0x800;
	v9 =	vnsel vm0, $0x800, v9  }
0x152: {  	v5 =	vnsel vm1, $0x800, v5;
	vm0 =	vlt.s32 v10, $0x800;
	v59 =	vld.idx.msk [tilespmem:v4+s4+$0x0], $0xffff  }
0x153: {  	v10 =	vnsel vm0, $0x800, v10;
	vm0 =	vlt.s32 v7, $0x800;
	v60 =	vld.idx.msk [tilespmem:v6+s4+$0x0], $0xffff  }
0x154: {  	v7 =	vnsel vm0, $0x800, v7;
	v61 =	vld.idx.msk [tilespmem:v57+s4+$0x0], $0xffff  }
0x155: {  	v62 =	vadd.s32 $0x804, v4;
	vm0 =	vlt.s32 v11, $0x800;
	v18 =	vld.idx.msk [tilespmem:v0+s4+$0x0], $0xffff  }
0x156: {  	v11 =	vnsel vm0, $0x800, v11;
	v28 =	vld.idx.msk [tilespmem:v9+s4+$0x0], $0xffff  }
0x157: {  	v63 =	vadd.s32 $0x804, v6;
	v22 =	vld.idx.msk [tilespmem:v5+s4+$0x0], $0xffff  }
0x158: {  	v21 =	vadd.s32 $0x804, v57;
	v23 =	vld.idx.msk [tilespmem:v10+s4+$0x0], $0xffff  }
0x159: {  	v24 =	vadd.s32 $0x804, v9;
	[tilespmem:s29+$0x240] =	vst v59;
	v30 =	vld.idx.msk [tilespmem:v7+s4+$0x0], $0xffff  }
0x15a: {  	v29 =	vadd.s32 $0x804, v5;
	v17 =	vld.idx.msk [tilespmem:v62+s4+$0x0], $0xffff;
	[tilespmem:s29+$0xFFFFFE40] =	vst v60  }
0x15b: {  	s30 =	simm.s32 $0x5480;
	v25 =	vadd.s32 $0x804, v10;
	v41 =	vld.idx.msk [tilespmem:v11+s4+$0x0], $0xffff;
	[tilespmem:s29+$0x40] =	vst v61  }
0x15c: {  	v26 =	vadd.s32 $0x804, v7;
	v31 =	vld.idx.msk [tilespmem:v63+s4+$0x0], $0xffff;
	[tilespmem:s30+$0x200] =	vst v28  }
0x15d: {  	v32 =	vadd.s32 $0x1008, v4;
	v33 =	vld.idx.msk [tilespmem:v21+s4+$0x0], $0xffff;
	[tilespmem:s30+$0xFFFFFE00] =	vst v22  }
0x15e: {  	v44 =	vadd.s32 $0x804, v11;
	v34 =	vld.idx.msk [tilespmem:v24+s4+$0x0], $0xffff;
	[tilespmem:s30+$0x0] =	vst v23  }
0x15f: {  	v35 =	vadd.s32 $0x1008, v6;
	v14 =	vld.idx.msk [tilespmem:v29+s4+$0x0], $0xffff;
	[tilespmem:s30+$0xFFFFFC00] =	vst v30  }
0x160: {  	v46 =	vadd.s32 $0x1008, v57;
	v23 =	vld.idx.msk [tilespmem:v25+s4+$0x0], $0xffff;
	[tilespmem:s29+$0x2C0] =	vst v17  }
0x161: {  	v36 =	vadd.s32 $0x1008, v9;
	v40 =	vld.idx.msk [tilespmem:v26+s4+$0x0], $0xffff;
	[tilespmem:s29+$0xFFFFFC40] =	vst v41  }
0x162: {  	v37 =	vadd.s32 $0x1008, v5;
	v38 =	vld.idx.msk [tilespmem:v32+s4+$0x0], $0xffff;
	[tilespmem:s29+$0xFFFFFEC0] =	vst v31  }
0x163: {  	v39 =	vadd.s32 $0x1008, v10;
	v16 =	vld.idx.msk [tilespmem:v44+s4+$0x0], $0xffff;
	[tilespmem:s29+$0xC0] =	vst v33  }
0x164: {  	v42 =	vadd.s32 $0x1008, v7;
	v43 =	vld.idx.msk [tilespmem:v35+s4+$0x0], $0xffff;
	[tilespmem:s30+$0x280] =	vst v34  }
0x165: {  	v4 =	vadd.s32 $0x180C, v4;
	[tilespmem:s30+$0xFFFFFE80] =	vst v14;
	v48 =	vld.idx.msk [tilespmem:v46+s4+$0x0], $0xffff  }
0x166: {  	v49 =	vadd.s32 $0x1008, v11;
	v45 =	vld.idx.msk [tilespmem:v36+s4+$0x0], $0xffff;
	[tilespmem:s30+$0x80] =	vst v23  }
0x167: {  	v9 =	vadd.s32 $0x180C, v9;
	v17 =	vld.idx.msk [tilespmem:v37+s4+$0x0], $0xffff;
	[tilespmem:s30+$0xFFFFFC80] =	vst v40  }
0x168: {  	v5 =	vadd.s32 $0x180C, v5;
	v19 =	vld.idx.msk [tilespmem:v39+s4+$0x0], $0xffff;
	[tilespmem:s29+$0x340] =	vst v38  }
0x169: {  	v10 =	vadd.s32 $0x180C, v10;
	v47 =	vld.idx.msk [tilespmem:v42+s4+$0x0], $0xffff;
	[tilespmem:s29+$0xFFFFFCC0] =	vst v16  }
0x16a: {  	v7 =	vadd.s32 $0x180C, v7;
	v4 =	vld.idx.msk [tilespmem:v4+s4+$0x0], $0xffff;
	[tilespmem:s29+$0xFFFFFF40] =	vst v43  }
0x16b: {  	v50 =	vld.idx.msk [tilespmem:v49+s4+$0x0], $0xffff;
	[tilespmem:s30+$0x300] =	vst v45  }
0x16c: {  	v6 =	vadd.s32 $0x180C, v6;
	[tilespmem:s30+$0xFFFFFF00] =	vst v17;
	v9 =	vld.idx.msk [tilespmem:v9+s4+$0x0], $0xffff  }
0x16d: {  	v5 =	vld.idx.msk [tilespmem:v5+s4+$0x0], $0xffff;
	[tilespmem:s30+$0x100] =	vst v19  }
0x16e: {  	v10 =	vld.idx.msk [tilespmem:v10+s4+$0x0], $0xffff;
	[tilespmem:s30+$0xFFFFFD00] =	vst v47  }
0x16f: {  	v12 =	vadd.s32 $0x180C, v57;
	[tilespmem:s29+$0x3C0] =	vst v4;
	v7 =	vld.idx.msk [tilespmem:v7+s4+$0x0], $0xffff  }
0x170: {  	[tilespmem:s29+$0x140] =	vst v48;
	v4 =	vld [tilespmem:s5+$0xD0]  }
0x171: {  	v6 =	vld.idx.msk [tilespmem:v6+s4+$0x0], $0xffff;
	[tilespmem:s30+$0x380] =	vst v9  }
0x172: {  	v9 =	vadd.s32 $0x180C, v11;
	[tilespmem:s30+$0xFFFFFF80] =	vst v5;
	v5 =	vld [tilespmem:s31+$0x90]  }
0x173: {  	v11 =	vld [tilespmem:s31+$0xFFFFFF90];
	[tilespmem:s30+$0x180] =	vst v10  }
0x174: {  	v52 =	vadd.s32 $0x804, v3;
	[tilespmem:s30+$0xFFFFFD80] =	vst v7;
	v7 =	vld.idx.msk [tilespmem:v12+s4+$0x0], $0xffff  }
0x175: {  	v10 =	vld [tilespmem:s31+$0x10];
	vm0 =	vlt.s32 v4, $0x800  }
0x176: {  	[tilespmem:s29+$0xFFFFFD40] =	vst v50;
	v53 =	vld [tilespmem:s31+$0xFFFFFF10];
	v51 =	vnsel vm0, $0x800, v4  }
0x177: {  	[tilespmem:s29+$0xFFFFFFC0] =	vst v6;
	v4 =	vadd.s32 $0x804, v2;
	v9 =	vld.idx.msk [tilespmem:v9+s4+$0x0], $0xffff  }
0x178: {  	[tilespmem:s28+$0xFFFFFE70] =	vst v58;
	v6 =	vld [tilespmem:s5+$0xFFFFFFD0];
	vm0 =	vlt.s32 v5, $0x800  }
0x179: {  	vm1 =	vlt.s32 v11, $0x800;
	v5 =	vnsel vm0, $0x800, v5;
	[tilespmem:s29+$0x1C0] =	vst v7;
	v7 =	vld.idx.msk [tilespmem:v52+s4+$0x0], $0xffff  }
0x17a: {  	[tilespmem:s28+$0xFFFFFC70] =	vst v8;
	v8 =	vnsel vm1, $0x800, v11;
	vm0 =	vlt.s32 v10, $0x800;
	v56 =	vld [tilespmem:s5+$0x50]  }
0x17b: {  	v10 =	vnsel vm0, $0x800, v10;
	vm0 =	vlt.s32 v53, $0x800;
	v11 =	vld.idx.msk [tilespmem:v51+s4+$0x0], $0xffff  }
0x17c: {  	v54 =	vld.idx.msk [tilespmem:v4+s4+$0x0], $0xffff;
	v55 =	vnsel vm0, $0x800, v53;
	[tilespmem:s29+$0xFFFFFDC0] =	vst v9  }
0x17d: {  	v50 =	vadd.s32 $0x1008, v3;
	v28 =	vld [tilespmem:s5+$0xFFFFFF50]  }
0x17e: {  	v4 =	vadd.s32 $0x804, v51;
	v57 =	vld.idx.msk [tilespmem:v5+s4+$0x0], $0xffff  }
0x17f: {  	v58 =	vadd.s32 $0x804, v0;
	vm0 =	vlt.s32 v6, $0x800;
	v59 =	vld.idx.msk [tilespmem:v8+s4+$0x0], $0xffff  }
0x180: {  	v6 =	vnsel vm0, $0x800, v6;
	[tilespmem:s28+$0xFFFFFEF0] =	vst v7;
	v60 =	vld.idx.msk [tilespmem:v10+s4+$0x0], $0xffff  }
0x181: {  	v61 =	vadd.s32 $0x804, v5;
	[tilespmem:s29+$0x250] =	vst v11;
	v9 =	vld.idx.msk [tilespmem:v55+s4+$0x0], $0xffff  }
0x182: {  	v11 =	vadd.s32 $0x804, v8;
	[tilespmem:s28+$0xFFFFFCF0] =	vst v54;
	v54 =	vld.idx.msk [tilespmem:v50+s4+$0x0], $0xffff  }
0x183: {  	[tilespmem:s28+$0x70] =	vst v18;
	v63 =	vadd.s32 $0x804, v10;
	vm0 =	vlt.s32 v56, $0x800;
	v62 =	vld.idx.msk [tilespmem:v4+s4+$0x0], $0xffff  }
0x184: {  	v15 =	vnsel vm0, $0x800, v56;
	v4 =	vld.idx.msk [tilespmem:v58+s4+$0x0], $0xffff  }
0x185: {  	v30 =	vadd.s32 $0x804, v55;
	v36 =	vld.idx.msk [tilespmem:v6+s4+$0x0], $0xffff;
	[tilespmem:s30+$0x210] =	vst v57  }
0x186: {  	v3 =	vadd.s32 $0x180C, v3;
	[tilespmem:s30+$0xFFFFFE10] =	vst v59;
	v16 =	vld.idx.msk [tilespmem:v61+s4+$0x0], $0xffff  }
0x187: {  	v29 =	vadd.s32 $0x1008, v51;
	vm0 =	vlt.s32 v28, $0x800;
	[tilespmem:s30+$0x10] =	vst v60;
	v11 =	vld.idx.msk [tilespmem:v11+s4+$0x0], $0xffff  }
0x188: {  	v18 =	vnsel vm0, $0x800, v28;
	v31 =	vld.idx.msk [tilespmem:v63+s4+$0x0], $0xffff  }
0x189: {  	v32 =	vadd.s32 $0x1008, v5;
	[tilespmem:s30+$0xFFFFFC10] =	vst v9;
	v38 =	vld.idx.msk [tilespmem:v15+s4+$0x0], $0xffff  }
0x18a: {  	v33 =	vadd.s32 $0x1008, v8;
	[tilespmem:s28+$0xFFFFFF70] =	vst v54;
	v35 =	vld.idx.msk [tilespmem:v30+s4+$0x0], $0xffff  }
0x18b: {  	v34 =	vadd.s32 $0x1008, v10;
	[tilespmem:s29+$0x2D0] =	vst v62;
	v3 =	vld.idx.msk [tilespmem:v3+s4+$0x0], $0xffff  }
0x18c: {  	v37 =	vadd.s32 $0x1008, v55;
	[tilespmem:s29+$0xFFFFFE50] =	vst v36;
	v9 =	vld.idx.msk [tilespmem:v29+s4+$0x0], $0xffff  }
0x18d: {  	v14 =	vadd.s32 $0x180C, v51;
	v41 =	vld.idx.msk [tilespmem:v18+s4+$0x0], $0xffff;
	[tilespmem:s30+$0x290] =	vst v16  }
0x18e: {  	v42 =	vadd.s32 $0x804, v18;
	[tilespmem:s30+$0xFFFFFE90] =	vst v11;
	v11 =	vld.idx.msk [tilespmem:v32+s4+$0x0], $0xffff  }
0x18f: {  	v39 =	vadd.s32 $0x804, v6;
	[tilespmem:s30+$0x90] =	vst v31;
	v20 =	vld.idx.msk [tilespmem:v33+s4+$0x0], $0xffff  }
0x190: {  	v5 =	vadd.s32 $0x180C, v5;
	v17 =	vld.idx.msk [tilespmem:v34+s4+$0x0], $0xffff;
	[tilespmem:s30+$0xFFFFFC90] =	vst v35  }
0x191: {  	v8 =	vadd.s32 $0x180C, v8;
	[tilespmem:s29+$0x350] =	vst v9;
	v40 =	vld.idx.msk [tilespmem:v37+s4+$0x0], $0xffff  }
0x192: {  	v10 =	vadd.s32 $0x180C, v10;
	v9 =	vld.idx.msk [tilespmem:v14+s4+$0x0], $0xffff;
	[tilespmem:s29+$0xFFFFFC50] =	vst v41  }
0x193: {  	v12 =	vadd.s32 $0x180C, v55;
	[tilespmem:s29+$0x50] =	vst v38;
	v45 =	vld.idx.msk [tilespmem:v42+s4+$0x0], $0xffff  }
0x194: {  	[tilespmem:s30+$0x310] =	vst v11;
	v11 =	vld.idx.msk [tilespmem:v39+s4+$0x0], $0xffff  }
0x195: {  	v44 =	vadd.s32 $0x1008, v6;
	[tilespmem:s30+$0xFFFFFF10] =	vst v20;
	v5 =	vld.idx.msk [tilespmem:v5+s4+$0x0], $0xffff  }
0x196: {  	[tilespmem:s30+$0x110] =	vst v17;
	v8 =	vld.idx.msk [tilespmem:v8+s4+$0x0], $0xffff  }
0x197: {  	v43 =	vadd.s32 $0x804, v15;
	v10 =	vld.idx.msk [tilespmem:v10+s4+$0x0], $0xffff;
	[tilespmem:s30+$0xFFFFFD10] =	vst v40  }
0x198: {  	[tilespmem:s29+$0x3D0] =	vst v9;
	v12 =	vld.idx.msk [tilespmem:v12+s4+$0x0], $0xffff  }
0x199: {  	v9 =	vld [tilespmem:s5+$0xE0];
	[tilespmem:s29+$0xFFFFFED0] =	vst v11  }
0x19a: {  	v46 =	vadd.s32 $0x1008, v18;
	[tilespmem:s30+$0x390] =	vst v5;
	v49 =	vld.idx.msk [tilespmem:v44+s4+$0x0], $0xffff  }
0x19b: {  	[tilespmem:s30+$0xFFFFFF90] =	vst v8;
	v8 =	vld [tilespmem:s31+$0xA0]  }
0x19c: {  	v6 =	vadd.s32 $0x180C, v6;
	v5 =	vld.idx.msk [tilespmem:v43+s4+$0x0], $0xffff  }
0x19d: {  	v47 =	vadd.s32 $0x1008, v15;
	[tilespmem:s30+$0x190] =	vst v10;
	v48 =	vld [tilespmem:s31+$0xFFFFFFA0]  }
0x19e: {  	v33 =	vadd.s32 $0x1008, v0;
	[tilespmem:s29+$0xFFFFFCD0] =	vst v45;
	v10 =	vld [tilespmem:s31+$0x20]  }
0x19f: {  	v11 =	vadd.s32 $0x1008, v2;
	v16 =	vld.idx.msk [tilespmem:v46+s4+$0x0], $0xffff;
	[tilespmem:s30+$0xFFFFFD90] =	vst v12;
	vm0 =	vlt.s32 v9, $0x800  }
0x1a0: {  	v51 =	vld [tilespmem:s31+$0xFFFFFF20];
	v9 =	vnsel vm0, $0x800, v9;
	[tilespmem:s29+$0xFFFFFF50] =	vst v49;
	vm0 =	vlt.s32 v8, $0x800  }
0x1a1: {  	[tilespmem:s29+$0xD0] =	vst v5;
	v6 =	vld.idx.msk [tilespmem:v6+s4+$0x0], $0xffff;
	v5 =	vnsel vm0, $0x800, v8  }
0x1a2: {  	[tilespmem:s28+$0xF0] =	vst v4;
	v18 =	vadd.s32 $0x180C, v18;
	v8 =	vld.idx.msk [tilespmem:v47+s4+$0x0], $0xffff  }
0x1a3: {  	v34 =	vld.idx.msk [tilespmem:v33+s4+$0x0], $0xffff;
	vm1 =	vlt.s32 v48, $0x800;
	vm0 =	vlt.s32 v10, $0x800  }
0x1a4: {  	v52 =	vnsel vm1, $0x800, v48;
	v7 =	vnsel vm0, $0x800, v10;
	v10 =	vld.idx.msk [tilespmem:v11+s4+$0x0], $0xffff  }
0x1a5: {  	[tilespmem:s29+$0xFFFFFD50] =	vst v16;
	vm0 =	vlt.s32 v51, $0x800;
	v53 =	vld.idx.msk [tilespmem:v9+s4+$0x0], $0xffff  }
0x1a6: {  	v55 =	vnsel vm0, $0x800, v51;
	[tilespmem:s29+$0xFFFFFFD0] =	vst v6;
	v56 =	vld.idx.msk [tilespmem:v5+s4+$0x0], $0xffff  }
0x1a7: {  	v11 =	vadd.s32 $0x804, v9;
	[tilespmem:s29+$0x150] =	vst v8;
	v8 =	vld.idx.msk [tilespmem:v18+s4+$0x0], $0xffff  }
0x1a8: {  	v15 =	vadd.s32 $0x180C, v15;
	v31 =	vld [tilespmem:s5+$0xFFFFFFE0]  }
0x1a9: {  	v58 =	vadd.s32 $0x804, v5;
	v20 =	vld.idx.msk [tilespmem:v52+s4+$0x0], $0xffff  }
0x1aa: {  	v57 =	vld.idx.msk [tilespmem:v7+s4+$0x0], $0xffff  }
0x1ab: {  	v59 =	vadd.s32 $0x804, v52;
	[tilespmem:s29+$0x260] =	vst v53;
	v61 =	vld.idx.msk [tilespmem:v55+s4+$0x0], $0xffff  }
0x1ac: {  	v60 =	vadd.s32 $0x804, v7;
	v11 =	vld.idx.msk [tilespmem:v11+s4+$0x0], $0xffff;
	[tilespmem:s30+$0x220] =	vst v56  }
0x1ad: {  	v63 =	vadd.s32 $0x804, v55;
	v15 =	vld.idx.msk [tilespmem:v15+s4+$0x0], $0xffff;
	[tilespmem:s29+$0xFFFFFDD0] =	vst v8  }
0x1ae: {  	v62 =	vadd.s32 $0x1008, v9;
	[tilespmem:s30+$0xFFFFFE20] =	vst v20;
	v19 =	vld.idx.msk [tilespmem:v58+s4+$0x0], $0xffff  }
0x1af: {  	[tilespmem:s30+$0x20] =	vst v57;
	v6 =	vld [tilespmem:s5+$0xFFFFFF60]  }
0x1b0: {  	v27 =	vadd.s32 $0x1008, v5;
	v17 =	vld.idx.msk [tilespmem:v59+s4+$0x0], $0xffff;
	[tilespmem:s30+$0xFFFFFC20] =	vst v61  }
0x1b1: {  	v26 =	vld.idx.msk [tilespmem:v60+s4+$0x0], $0xffff;
	[tilespmem:s29+$0x2E0] =	vst v11;
	v11 =	vadd.s32 $0x1008, v52  }
0x1b2: {  	v29 =	vadd.s32 $0x1008, v7;
	v30 =	vld.idx.msk [tilespmem:v63+s4+$0x0], $0xffff  }
0x1b3: {  	v8 =	vadd.s32 $0x180C, v9;
	v9 =	vadd.s32 $0x1008, v55;
	[tilespmem:s29+$0x1D0] =	vst v15;
	v28 =	vld.idx.msk [tilespmem:v62+s4+$0x0], $0xffff  }
0x1b4: {  	v4 =	vld [tilespmem:s5+$0x60];
	[tilespmem:s30+$0x2A0] =	vst v19;
	vm0 =	vlt.s32 v6, $0x800  }
0x1b5: {  	[tilespmem:s30+$0xFFFFFEA0] =	vst v17;
	v32 =	vld.idx.msk [tilespmem:v27+s4+$0x0], $0xffff;
	v6 =	vnsel vm0, $0x800, v6  }
0x1b6: {  	v5 =	vadd.s32 $0x180C, v5;
	[tilespmem:s30+$0xA0] =	vst v26;
	v11 =	vld.idx.msk [tilespmem:v11+s4+$0x0], $0xffff  }
0x1b7: {  	v13 =	vadd.s32 $0x180C, v52;
	v18 =	vld.idx.msk [tilespmem:v29+s4+$0x0], $0xffff;
	[tilespmem:s30+$0xFFFFFCA0] =	vst v30  }
0x1b8: {  	v7 =	vadd.s32 $0x180C, v7;
	[tilespmem:s29+$0x360] =	vst v28;
	v9 =	vld.idx.msk [tilespmem:v9+s4+$0x0], $0xffff  }
0x1b9: {  	v14 =	vadd.s32 $0x180C, v55;
	v8 =	vld.idx.msk [tilespmem:v8+s4+$0x0], $0xffff  }
0x1ba: {  	vm0 =	vlt.s32 v31, $0x800;
	[tilespmem:s30+$0x320] =	vst v32;
	v35 =	vld.idx.msk [tilespmem:v6+s4+$0x0], $0xffff  }
0x1bb: {  	[tilespmem:s30+$0xFFFFFF20] =	vst v11;
	v5 =	vld.idx.msk [tilespmem:v5+s4+$0x0], $0xffff;
	v11 =	vnsel vm0, $0x800, v31  }
0x1bc: {  	[tilespmem:s30+$0x120] =	vst v18;
	v13 =	vld.idx.msk [tilespmem:v13+s4+$0x0], $0xffff  }
0x1bd: {  	v36 =	vadd.s32 $0x804, v6;
	v7 =	vld.idx.msk [tilespmem:v7+s4+$0x0], $0xffff;
	[tilespmem:s30+$0xFFFFFD20] =	vst v9  }
0x1be: {  	vm0 =	vlt.s32 v4, $0x800;
	[tilespmem:s29+$0x3E0] =	vst v8;
	v9 =	vld.idx.msk [tilespmem:v14+s4+$0x0], $0xffff  }
0x1bf: {  	v4 =	vnsel vm0, $0x800, v4;
	v8 =	vld [tilespmem:s5+$0xF0]  }
0x1c0: {  	[tilespmem:s30+$0x3A0] =	vst v5;
	v5 =	vld.idx.msk [tilespmem:v11+s4+$0x0], $0xffff  }
0x1c1: {  	[tilespmem:s29+$0xFFFFFC60] =	vst v35;
	v37 =	vld [tilespmem:s31+$0xB0]  }
0x1c2: {  	v38 =	vadd.s32 $0x804, v11;
	v16 =	vld.idx.msk [tilespmem:v36+s4+$0x0], $0xffff;
	[tilespmem:s30+$0xFFFFFFA0] =	vst v13  }
0x1c3: {  	v45 =	vadd.s32 $0x1008, v6;
	[tilespmem:s30+$0x1A0] =	vst v7;
	v39 =	vld [tilespmem:s31+$0xFFFFFFB0]  }
0x1c4: {  	v2 =	vadd.s32 $0x180C, v2;
	[tilespmem:s30+$0xFFFFFDA0] =	vst v9;
	v9 =	vld.idx.msk [tilespmem:v4+s4+$0x0], $0xffff  }
0x1c5: {  	[tilespmem:s28+$0xFFFFFFF0] =	vst v3;
	v41 =	vadd.s32 $0x804, v4;
	v7 =	vld [tilespmem:s31+$0x30];
	vm0 =	vlt.s32 v8, $0x800  }
0x1c6: {  	v40 =	vld [tilespmem:s31+$0xFFFFFF30];
	v8 =	vnsel vm0, $0x800, v8;
	[tilespmem:s29+$0xFFFFFE60] =	vst v5;
	vm0 =	vlt.s32 v37, $0x800  }
0x1c7: {  	[tilespmem:s29+$0xFFFFFCE0] =	vst v16;
	v42 =	vld.idx.msk [tilespmem:v38+s4+$0x0], $0xffff;
	v5 =	vnsel vm0, $0x800, v37  }
0x1c8: {  	[tilespmem:s28+$0xFFFFFD70] =	vst v10;
	v47 =	vadd.s32 $0x1008, v11;
	v3 =	vld.idx.msk [tilespmem:v45+s4+$0x0], $0xffff  }
0x1c9: {  	v2 =	vld.idx.msk [tilespmem:v2+s4+$0x0], $0xffff;
	v6 =	vadd.s32 $0x180C, v6;
	vm1 =	vlt.s32 v39, $0x800;
	[tilespmem:s29+$0x60] =	vst v9  }
0x1ca: {  	vm0 =	vlt.s32 v7, $0x800;
	v10 =	vnsel vm1, $0x800, v39;
	v44 =	vld.idx.msk [tilespmem:v41+s4+$0x0], $0xffff  }
0x1cb: {  	[tilespmem:s28+$0x3F0] =	vst v1;
	v7 =	vnsel vm0, $0x800, v7;
	vm0 =	vlt.s32 v40, $0x800;
	v43 =	vld.idx.msk [tilespmem:v8+s4+$0x0], $0xffff  }
0x1cc: {  	v1 =	vnsel vm0, $0x800, v40;
	[tilespmem:s29+$0xFFFFFEE0] =	vst v42;
	v46 =	vld.idx.msk [tilespmem:v5+s4+$0x0], $0xffff  }
0x1cd: {  	v9 =	vadd.s32 $0x804, v8;
	[tilespmem:s29+$0xFFFFFD60] =	vst v3;
	v55 =	vld.idx.msk [tilespmem:v47+s4+$0x0], $0xffff  }
0x1ce: {  	v56 =	vadd.s32 $0x1008, v4;
	v6 =	vld.idx.msk [tilespmem:v6+s4+$0x0], $0xffff  }
0x1cf: {  	[tilespmem:s28+$0xFFFFFDF0] =	vst v2;
	v50 =	vadd.s32 $0x804, v5;
	v48 =	vld.idx.msk [tilespmem:v10+s4+$0x0], $0xffff  }
0x1d0: {  	v49 =	vld.idx.msk [tilespmem:v7+s4+$0x0], $0xffff;
	[tilespmem:s29+$0xE0] =	vst v44  }
0x1d1: {  	v51 =	vadd.s32 $0x804, v10;
	[tilespmem:s29+$0x270] =	vst v43;
	v2 =	vld.idx.msk [tilespmem:v1+s4+$0x0], $0xffff  }
0x1d2: {  	v52 =	vadd.s32 $0x804, v7;
	v9 =	vld.idx.msk [tilespmem:v9+s4+$0x0], $0xffff;
	[tilespmem:s30+$0x230] =	vst v46  }
0x1d3: {  	v53 =	vadd.s32 $0x1008, v8;
	v3 =	vld.idx.msk [tilespmem:v56+s4+$0x0], $0xffff;
	[tilespmem:s29+$0xFFFFFF60] =	vst v55  }
0x1d4: {  	v54 =	vadd.s32 $0x804, v1;
	[tilespmem:s29+$0xFFFFFDE0] =	vst v6;
	v57 =	vld.idx.msk [tilespmem:v50+s4+$0x0], $0xffff  }
0x1d5: {  	v11 =	vadd.s32 $0x180C, v11;
	[tilespmem:s30+$0xFFFFFE30] =	vst v48;
	v62 =	vld [tilespmem:s5+$0xFFFFFF70]  }
0x1d6: {  	v58 =	vadd.s32 $0x1008, v5;
	[tilespmem:s30+$0x30] =	vst v49;
	v17 =	vld.idx.msk [tilespmem:v51+s4+$0x0], $0xffff  }
0x1d7: {  	v13 =	vld.idx.msk [tilespmem:v52+s4+$0x0], $0xffff;
	[tilespmem:s29+$0x2F0] =	vst v9;
	v9 =	vadd.s32 $0x1008, v10  }
0x1d8: {  	v59 =	vadd.s32 $0x1008, v7;
	[tilespmem:s30+$0xFFFFFC30] =	vst v2;
	v2 =	vld.idx.msk [tilespmem:v53+s4+$0x0], $0xffff  }
0x1d9: {  	v4 =	vadd.s32 $0x180C, v4;
	[tilespmem:s29+$0x160] =	vst v3;
	v60 =	vld.idx.msk [tilespmem:v54+s4+$0x0], $0xffff  }
0x1da: {  	v61 =	vadd.s32 $0x1008, v1;
	v3 =	vld.idx.msk [tilespmem:v11+s4+$0x0], $0xffff;
	[tilespmem:s30+$0x2B0] =	vst v57  }
0x1db: {  	[tilespmem:s30+$0xFFFFFEB0] =	vst v17;
	v16 =	vld.idx.msk [tilespmem:v58+s4+$0x0], $0xffff  }
0x1dc: {  	v5 =	vadd.s32 $0x180C, v5;
	[tilespmem:s30+$0xB0] =	vst v13;
	v9 =	vld.idx.msk [tilespmem:v9+s4+$0x0], $0xffff  }
0x1dd: {  	v13 =	vld.idx.msk [tilespmem:v59+s4+$0x0], $0xffff;
	[tilespmem:s29+$0x370] =	vst v2;
	v2 =	vadd.s32 $0x180C, v10  }
0x1de: {  	v7 =	vadd.s32 $0x180C, v7;
	v4 =	vld.idx.msk [tilespmem:v4+s4+$0x0], $0xffff;
	[tilespmem:s30+$0xFFFFFCB0] =	vst v60  }
0x1df: {  	v8 =	vadd.s32 $0x180C, v8;
	[tilespmem:s29+$0xFFFFFFE0] =	vst v3;
	v10 =	vld.idx.msk [tilespmem:v61+s4+$0x0], $0xffff  }
0x1e0: {  	v1 =	vadd.s32 $0x180C, v1;
	v6 =	vld [tilespmem:s5+$0xFFFFFFF0];
	[tilespmem:s30+$0x330] =	vst v16  }
0x1e1: {  	[tilespmem:s30+$0xFFFFFF30] =	vst v9;
	v5 =	vld.idx.msk [tilespmem:v5+s4+$0x0], $0xffff  }
0x1e2: {  	[tilespmem:s30+$0x130] =	vst v13;
	v2 =	vld.idx.msk [tilespmem:v2+s4+$0x0], $0xffff  }
0x1e3: {  	[tilespmem:s28+$0x170] =	vst v34;
	v11 =	vld.idx.msk [tilespmem:v7+s4+$0x0], $0xffff  }
0x1e4: {  	v8 =	vld.idx.msk [tilespmem:v8+s4+$0x0], $0xffff;
	[tilespmem:s30+$0xFFFFFD30] =	vst v10  }
0x1e5: {  	v63 =	vadd.s32 $0x180C, v0;
	[tilespmem:s29+$0x1E0] =	vst v4;
	v1 =	vld.idx.msk [tilespmem:v1+s4+$0x0], $0xffff  }
0x1e6: {  	[tilespmem:s30+$0x3B0] =	vst v5;
	v5 =	vld [tilespmem:s5+$0x70]  }
0x1e7: {  	[tilespmem:s30+$0xFFFFFFB0] =	vst v2;
	v7 =	vld [tilespmem:s31+$0xC0]  }
0x1e8: {  	vm0 =	vlt.s32 v62, $0x800;
	[tilespmem:s30+$0x1B0] =	vst v11;
	v9 =	vld [tilespmem:s31+$0xFFFFFFC0]  }
0x1e9: {  	s26 =	sshll.u32 s25, $0x1;
	v3 =	vnsel vm0, $0x800, v62;
	[tilespmem:s29+$0x3F0] =	vst v8;
	v10 =	vld [tilespmem:s31+$0x40]  }
0x1ea: {  	s26 =	sadd.s32 s6, s26;
	s0 =	simm.s32 $0x8;
	s2 =	simm.s32 $0x2780;
	v4 =	vadd.s32 $0x804, v3;
	v0 =	vadd.s32 $0x1008, v3;
	vm0 =	vlt.s32 v6, $0x800;
	[tilespmem:s30+$0xFFFFFDB0] =	vst v1;
	v1 =	vld.idx.msk [tilespmem:v63+s4+$0x0], $0xffff  }
.LBB2_3:
0x1eb: {  	v11 =	vld [tilespmem:s2+$0x80];
	s0 =	sadd.s32 $0x4, s0;
	v2 =	vadd.s32 $0x180C, v3;
	v12 =	vnsel vm0, $0x800, v6;
	vm0 =	vlt.s32 v5, $0x800  }
0x1ec: {  	v13 =	vld [tilespmem:s2+$0xFFFFFF80];
	p1 =	slt.u32 s0, $0x1C;
	vm1 =	vlt.s32 v7, $0x800;
	v8 =	vadd.s32 $0x804, v12;
	v14 =	vnsel vm0, $0x800, v5  }
0x1ed: {  	v5 =	vld [tilespmem:s2+$0x0];
	vm0 =	vlt.s32 v9, $0x800;
	v15 =	vnsel vm1, $0x800, v7;
	v7 =	vadd.s32 $0x804, v14  }
0x1ee: {  	v6 =	vadd.s32 $0x1008, v12;
	v16 =	vld [tilespmem:s2+$0xFFFFFF00];
	v17 =	vnsel vm0, $0x800, v9;
	vm0 =	vlt.s32 v10, $0x800  }
0x1ef: {  	v18 =	vld [tilespmem:s31+$0xFFFFFF40];
	v19 =	vadd.s32 $0x804, v17;
	v20 =	vadd.s32 $0x1008, v17;
	v10 =	vnsel vm0, $0x800, v10  }
0x1f0: {  	vm0 =	vlt.s32 v11, $0x800;
	v21 =	vadd.s32 $0x804, v10;
	v22 =	vadd.s32 $0x1008, v10;
	v3 =	vld.idx.msk [tilespmem:v3+s4+$0x0], $0xffff;
	[tilespmem:s28+$0x1F0] =	vst v1;
	s28 =	smov.u32 s29;
	s29 =	smov.u32 s30  }
0x1f1: {  	v23 =	vadd.s32 $0x180C, v17;
	vm1 =	vlt.s32 v13, $0x800;
	v11 =	vnsel vm0, $0x800, v11;
	v1 =	vld.idx.msk [tilespmem:v12+s4+$0x0], $0xffff  }
0x1f2: {  	v9 =	vadd.s32 $0x180C, v10;
	v13 =	vnsel vm1, $0x800, v13;
	vm0 =	vlt.s32 v5, $0x800;
	v24 =	vld.idx.msk [tilespmem:v15+s4+$0x0], $0xffff  }
0x1f3: {  	vm1 =	vlt.s32 v16, $0x800;
	v25 =	vadd.s32 $0x804, v13;
	v26 =	vnsel vm0, $0x800, v5;
	v17 =	vld.idx.msk [tilespmem:v17+s4+$0x0], $0xffff  }
0x1f4: {  	v28 =	vadd.s32 $0x804, v15;
	v16 =	vnsel vm1, $0x800, v16;
	v27 =	vadd.s32 $0x804, v26;
	v10 =	vld.idx.msk [tilespmem:v10+s4+$0x0], $0xffff  }
0x1f5: {  	v31 =	vadd.s32 $0x1008, v13;
	v29 =	vadd.s32 $0x804, v16;
	v30 =	vadd.s32 $0x1008, v16;
	v32 =	vld.idx.msk [tilespmem:v14+s4+$0x0], $0xffff  }
0x1f6: {  	v34 =	vadd.s32 $0x180C, v13;
	v35 =	vadd.s32 $0x1008, v26;
	v33 =	vadd.s32 $0x180C, v16;
	v36 =	vld.idx.msk [tilespmem:v11+s4+$0x0], $0xffff;
	[tilespmem:s28+$0xFFFFFC70] =	vst v3  }
0x1f7: {  	v5 =	vadd.s32 $0x1008, v14;
	v37 =	vadd.s32 $0x180C, v26;
	vm0 =	vlt.s32 v18, $0x800;
	v13 =	vld.idx.msk [tilespmem:v13+s4+$0x0], $0xffff;
	[tilespmem:s28+$0xFFFFFE70] =	vst v1  }
0x1f8: {  	v38 =	vadd.s32 $0x804, v11;
	v18 =	vnsel vm0, $0x800, v18;
	v3 =	vadd.s32 $0x180C, v12;
	v26 =	vld.idx.msk [tilespmem:v26+s4+$0x0], $0xffff;
	[tilespmem:s30+$0x240] =	vst v24  }
0x1f9: {  	v12 =	vadd.s32 $0x804, v18;
	v39 =	vadd.s32 $0x180C, v18;
	v24 =	vadd.s32 $0x1008, v18;
	[tilespmem:s30+$0xFFFFFE40] =	vst v17;
	v17 =	vld.idx.msk [tilespmem:v28+s4+$0x0], $0xffff  }
0x1fa: {  	v1 =	vadd.s32 $0x180C, v14;
	v16 =	vld.idx.msk [tilespmem:v16+s4+$0x0], $0xffff;
	[tilespmem:s30+$0x40] =	vst v10  }
0x1fb: {  	v14 =	vadd.s32 $0x1008, v15;
	s30 =	sadd.s32 $0x800, s30;
	v10 =	vld.idx.msk [tilespmem:v19+s4+$0x0], $0xffff;
	[tilespmem:s28+$0x70] =	vst v32  }
0x1fc: {  	[tilespmem:s30+$0x200] =	vst v36;
	v19 =	vld.idx.msk [tilespmem:v21+s4+$0x0], $0xffff  }
0x1fd: {  	[tilespmem:s30+$0xFFFFFE00] =	vst v13;
	v13 =	vld.idx.msk [tilespmem:v38+s4+$0x0], $0xffff  }
0x1fe: {  	v21 =	vld.idx.msk [tilespmem:v25+s4+$0x0], $0xffff;
	[tilespmem:s30+$0x0] =	vst v26  }
0x1ff: {  	v26 =	vadd.s32 $0x1008, v11;
	v25 =	vld.idx.msk [tilespmem:v27+s4+$0x0], $0xffff;
	[tilespmem:s29+$0x2C0] =	vst v17  }
0x200: {  	[tilespmem:s30+$0xFFFFFC00] =	vst v16;
	v14 =	vld.idx.msk [tilespmem:v14+s4+$0x0], $0xffff  }
0x201: {  	v16 =	vld.idx.msk [tilespmem:v29+s4+$0x0], $0xffff;
	[tilespmem:s29+$0xFFFFFEC0] =	vst v10  }
0x202: {  	v15 =	vadd.s32 $0x180C, v15;
	v10 =	vld.idx.msk [tilespmem:v18+s4+$0x0], $0xffff;
	[tilespmem:s29+$0xC0] =	vst v19  }
0x203: {  	[tilespmem:s30+$0x280] =	vst v13;
	v13 =	vld.idx.msk [tilespmem:v20+s4+$0x0], $0xffff  }
0x204: {  	[tilespmem:s30+$0xFFFFFE80] =	vst v21;
	v17 =	vld.idx.msk [tilespmem:v26+s4+$0x0], $0xffff  }
0x205: {  	v18 =	vld.idx.msk [tilespmem:v31+s4+$0x0], $0xffff;
	[tilespmem:s30+$0x80] =	vst v25  }
0x206: {  	v11 =	vadd.s32 $0x180C, v11;
	v19 =	vld.idx.msk [tilespmem:v35+s4+$0x0], $0xffff;
	[tilespmem:s29+$0x340] =	vst v14  }
0x207: {  	[tilespmem:s30+$0xFFFFFC80] =	vst v16;
	v14 =	vld.idx.msk [tilespmem:v15+s4+$0x0], $0xffff  }
0x208: {  	v15 =	vld.idx.msk [tilespmem:v30+s4+$0x0], $0xffff;
	[tilespmem:s29+$0xFFFFFC40] =	vst v10  }
0x209: {  	v10 =	vld.idx.msk [tilespmem:v12+s4+$0x0], $0xffff;
	[tilespmem:s29+$0xFFFFFF40] =	vst v13  }
0x20a: {  	[tilespmem:s30+$0x300] =	vst v17;
	v12 =	vld.idx.msk [tilespmem:v22+s4+$0x0], $0xffff  }
0x20b: {  	[tilespmem:s30+$0xFFFFFF00] =	vst v18;
	v11 =	vld.idx.msk [tilespmem:v11+s4+$0x0], $0xffff  }
0x20c: {  	v13 =	vld.idx.msk [tilespmem:v34+s4+$0x0], $0xffff;
	[tilespmem:s30+$0x100] =	vst v19  }
0x20d: {  	v16 =	vld.idx.msk [tilespmem:v37+s4+$0x0], $0xffff;
	[tilespmem:s29+$0x3C0] =	vst v14  }
0x20e: {  	[tilespmem:s30+$0xFFFFFD00] =	vst v15;
	v14 =	vld [tilespmem:s31+$0xD0]  }
0x20f: {  	v15 =	vld.idx.msk [tilespmem:v33+s4+$0x0], $0xffff;
	[tilespmem:s29+$0xFFFFFCC0] =	vst v10  }
0x210: {  	v10 =	vld.idx.msk [tilespmem:v24+s4+$0x0], $0xffff;
	[tilespmem:s29+$0x140] =	vst v12  }
0x211: {  	[tilespmem:s30+$0x380] =	vst v11;
	v11 =	vld.idx.msk [tilespmem:v23+s4+$0x0], $0xffff  }
0x212: {  	[tilespmem:s30+$0xFFFFFF80] =	vst v13;
	v12 =	vld [tilespmem:s2+$0x90]  }
0x213: {  	v13 =	vld [tilespmem:s2+$0xFFFFFF90];
	[tilespmem:s30+$0x180] =	vst v16;
	vm0 =	vlt.s32 v14, $0x800  }
0x214: {  	v16 =	vld [tilespmem:s2+$0x10];
	v14 =	vnsel vm0, $0x800, v14  }
0x215: {  	[tilespmem:s30+$0xFFFFFD80] =	vst v15;
	v9 =	vld.idx.msk [tilespmem:v9+s4+$0x0], $0xffff  }
0x216: {  	v15 =	vld [tilespmem:s2+$0xFFFFFF10];
	[tilespmem:s29+$0xFFFFFD40] =	vst v10  }
0x217: {  	vm0 =	vlt.s32 v12, $0x800;
	v10 =	vld.idx.msk [tilespmem:v39+s4+$0x0], $0xffff;
	[tilespmem:s29+$0xFFFFFFC0] =	vst v11  }
0x218: {  	vm1 =	vlt.s32 v13, $0x800;
	v11 =	vnsel vm0, $0x800, v12;
	v12 =	vld [tilespmem:s31+$0xFFFFFFD0]  }
0x219: {  	v13 =	vnsel vm1, $0x800, v13;
	vm0 =	vlt.s32 v16, $0x800;
	v17 =	vld.idx.msk [tilespmem:v14+s4+$0x0], $0xffff  }
0x21a: {  	v18 =	vadd.s32 $0x804, v13;
	v19 =	vadd.s32 $0x1008, v13;
	v16 =	vnsel vm0, $0x800, v16;
	v4 =	vld.idx.msk [tilespmem:v4+s4+$0x0], $0xffff  }
0x21b: {  	vm0 =	vlt.s32 v15, $0x800;
	v20 =	vadd.s32 $0x804, v16;
	[tilespmem:s29+$0x1C0] =	vst v9;
	v9 =	vadd.s32 $0x804, v14;
	v21 =	vld.idx.msk [tilespmem:v8+s4+$0x0], $0xffff  }
0x21c: {  	v22 =	vadd.s32 $0x180C, v13;
	v23 =	vadd.s32 $0x1008, v16;
	v15 =	vnsel vm0, $0x800, v15;
	v24 =	vld [tilespmem:s31+$0x50]  }
0x21d: {  	v25 =	vadd.s32 $0x804, v15;
	v26 =	vadd.s32 $0x1008, v15;
	v27 =	vadd.s32 $0x180C, v15;
	v28 =	vld.idx.msk [tilespmem:v11+s4+$0x0], $0xffff;
	[tilespmem:s29+$0xFFFFFDC0] =	vst v10  }
0x21e: {  	vm0 =	vlt.s32 v12, $0x800;
	v10 =	vld.idx.msk [tilespmem:v13+s4+$0x0], $0xffff;
	v13 =	vadd.s32 $0x180C, v16  }
0x21f: {  	v29 =	vadd.s32 $0x804, v11;
	v12 =	vnsel vm0, $0x800, v12;
	v16 =	vld.idx.msk [tilespmem:v16+s4+$0x0], $0xffff;
	[tilespmem:s29+$0x250] =	vst v17  }
0x220: {  	v17 =	vadd.s32 $0x804, v12;
	v30 =	vadd.s32 $0x1008, v12;
	v8 =	vadd.s32 $0x180C, v12;
	v9 =	vld.idx.msk [tilespmem:v9+s4+$0x0], $0xffff;
	[tilespmem:s28+$0xFFFFFCF0] =	vst v4  }
0x221: {  	v15 =	vld.idx.msk [tilespmem:v15+s4+$0x0], $0xffff;
	vm0 =	vlt.s32 v24, $0x800;
	[tilespmem:s28+$0xFFFFFEF0] =	vst v21  }
0x222: {  	v31 =	vadd.s32 $0x1008, v14;
	v21 =	vld [tilespmem:s31+$0xFFFFFF50];
	v24 =	vnsel vm0, $0x800, v24  }
0x223: {  	[tilespmem:s30+$0x210] =	vst v28;
	v28 =	vadd.s32 $0x804, v24;
	v32 =	vadd.s32 $0x1008, v24;
	v4 =	vadd.s32 $0x180C, v24;
	v7 =	vld.idx.msk [tilespmem:v7+s4+$0x0], $0xffff  }
0x224: {  	[tilespmem:s30+$0xFFFFFE10] =	vst v10;
	v10 =	vld.idx.msk [tilespmem:v29+s4+$0x0], $0xffff  }
0x225: {  	v18 =	vld.idx.msk [tilespmem:v18+s4+$0x0], $0xffff;
	[tilespmem:s30+$0x10] =	vst v16  }
0x226: {  	v16 =	vld.idx.msk [tilespmem:v20+s4+$0x0], $0xffff;
	v20 =	vadd.s32 $0x1008, v11;
	[tilespmem:s29+$0x2D0] =	vst v9  }
0x227: {  	[tilespmem:s30+$0xFFFFFC10] =	vst v15;
	vm0 =	vlt.s32 v21, $0x800;
	v9 =	vld.idx.msk [tilespmem:v31+s4+$0x0], $0xffff  }
0x228: {  	v15 =	vld.idx.msk [tilespmem:v25+s4+$0x0], $0xffff;
	v21 =	vnsel vm0, $0x800, v21  }
0x229: {  	v14 =	vadd.s32 $0x180C, v14;
	v25 =	vadd.s32 $0x804, v21;
	v29 =	vadd.s32 $0x1008, v21;
	v12 =	vld.idx.msk [tilespmem:v12+s4+$0x0], $0xffff;
	[tilespmem:s28+$0xF0] =	vst v7  }
0x22a: {  	v7 =	vadd.s32 $0x180C, v21;
	[tilespmem:s30+$0x290] =	vst v10;
	v10 =	vld.idx.msk [tilespmem:v24+s4+$0x0], $0xffff  }
0x22b: {  	[tilespmem:s30+$0xFFFFFE90] =	vst v18;
	v18 =	vld.idx.msk [tilespmem:v20+s4+$0x0], $0xffff  }
0x22c: {  	v19 =	vld.idx.msk [tilespmem:v19+s4+$0x0], $0xffff;
	[tilespmem:s30+$0x90] =	vst v16  }
0x22d: {  	v11 =	vadd.s32 $0x180C, v11;
	v16 =	vld.idx.msk [tilespmem:v23+s4+$0x0], $0xffff;
	[tilespmem:s29+$0x350] =	vst v9  }
0x22e: {  	[tilespmem:s30+$0xFFFFFC90] =	vst v15;
	v9 =	vld.idx.msk [tilespmem:v14+s4+$0x0], $0xffff  }
0x22f: {  	v14 =	vld.idx.msk [tilespmem:v26+s4+$0x0], $0xffff;
	[tilespmem:s29+$0xFFFFFE50] =	vst v12  }
0x230: {  	v12 =	vld.idx.msk [tilespmem:v21+s4+$0x0], $0xffff;
	[tilespmem:s29+$0x50] =	vst v10  }
0x231: {  	[tilespmem:s30+$0x310] =	vst v18;
	v10 =	vld.idx.msk [tilespmem:v17+s4+$0x0], $0xffff  }
0x232: {  	[tilespmem:s30+$0xFFFFFF10] =	vst v19;
	v11 =	vld.idx.msk [tilespmem:v11+s4+$0x0], $0xffff  }
0x233: {  	v15 =	vld.idx.msk [tilespmem:v22+s4+$0x0], $0xffff;
	[tilespmem:s30+$0x110] =	vst v16  }
0x234: {  	v13 =	vld.idx.msk [tilespmem:v13+s4+$0x0], $0xffff;
	[tilespmem:s29+$0x3D0] =	vst v9  }
0x235: {  	[tilespmem:s30+$0xFFFFFD10] =	vst v14;
	v9 =	vld [tilespmem:s31+$0xE0]  }
0x236: {  	v14 =	vld.idx.msk [tilespmem:v27+s4+$0x0], $0xffff;
	[tilespmem:s29+$0xFFFFFC50] =	vst v12  }
0x237: {  	v12 =	vld.idx.msk [tilespmem:v25+s4+$0x0], $0xffff;
	[tilespmem:s29+$0xFFFFFED0] =	vst v10  }
0x238: {  	[tilespmem:s30+$0x390] =	vst v11;
	v10 =	vld.idx.msk [tilespmem:v28+s4+$0x0], $0xffff  }
0x239: {  	[tilespmem:s30+$0xFFFFFF90] =	vst v15;
	v11 =	vld [tilespmem:s2+$0xA0]  }
0x23a: {  	v15 =	vld [tilespmem:s2+$0xFFFFFFA0];
	[tilespmem:s30+$0x190] =	vst v13;
	vm0 =	vlt.s32 v9, $0x800  }
0x23b: {  	v13 =	vld [tilespmem:s2+$0x20];
	v9 =	vnsel vm0, $0x800, v9  }
0x23c: {  	[tilespmem:s30+$0xFFFFFD90] =	vst v14;
	v14 =	vld.idx.msk [tilespmem:v30+s4+$0x0], $0xffff  }
0x23d: {  	v16 =	vld [tilespmem:s2+$0xFFFFFF20];
	[tilespmem:s29+$0xFFFFFCD0] =	vst v12  }
0x23e: {  	vm0 =	vlt.s32 v11, $0x800;
	v12 =	vld.idx.msk [tilespmem:v29+s4+$0x0], $0xffff;
	[tilespmem:s29+$0xD0] =	vst v10  }
0x23f: {  	vm1 =	vlt.s32 v15, $0x800;
	v10 =	vnsel vm0, $0x800, v11;
	v11 =	vld.idx.msk [tilespmem:v32+s4+$0x0], $0xffff  }
0x240: {  	v15 =	vnsel vm1, $0x800, v15;
	vm0 =	vlt.s32 v13, $0x800;
	v17 =	vld.idx.msk [tilespmem:v9+s4+$0x0], $0xffff  }
0x241: {  	v18 =	vadd.s32 $0x804, v15;
	v19 =	vadd.s32 $0x1008, v15;
	v13 =	vnsel vm0, $0x800, v13;
	v0 =	vld.idx.msk [tilespmem:v0+s4+$0x0], $0xffff  }
0x242: {  	vm0 =	vlt.s32 v16, $0x800;
	v20 =	vadd.s32 $0x804, v13;
	[tilespmem:s29+$0xFFFFFF50] =	vst v14;
	v14 =	vadd.s32 $0x804, v9;
	v6 =	vld.idx.msk [tilespmem:v6+s4+$0x0], $0xffff  }
0x243: {  	v21 =	vadd.s32 $0x180C, v15;
	v22 =	vadd.s32 $0x1008, v13;
	v16 =	vnsel vm0, $0x800, v16;
	v8 =	vld.idx.msk [tilespmem:v8+s4+$0x0], $0xffff  }
0x244: {  	v23 =	vadd.s32 $0x804, v16;
	v24 =	vadd.s32 $0x1008, v16;
	v25 =	vadd.s32 $0x180C, v16;
	v26 =	vld.idx.msk [tilespmem:v10+s4+$0x0], $0xffff;
	[tilespmem:s29+$0xFFFFFD50] =	vst v12  }
0x245: {  	v12 =	vld.idx.msk [tilespmem:v15+s4+$0x0], $0xffff;
	v15 =	vadd.s32 $0x180C, v13;
	[tilespmem:s29+$0x150] =	vst v11  }
0x246: {  	v11 =	vld.idx.msk [tilespmem:v13+s4+$0x0], $0xffff;
	v13 =	vadd.s32 $0x804, v10;
	[tilespmem:s29+$0x260] =	vst v17  }
0x247: {  	v14 =	vld.idx.msk [tilespmem:v14+s4+$0x0], $0xffff;
	[tilespmem:s28+$0xFFFFFD70] =	vst v0  }
0x248: {  	v0 =	vld.idx.msk [tilespmem:v16+s4+$0x0], $0xffff;
	[tilespmem:s28+$0xFFFFFF70] =	vst v6  }
0x249: {  	v6 =	vld.idx.msk [tilespmem:v7+s4+$0x0], $0xffff;
	[tilespmem:s29+$0xFFFFFFD0] =	vst v8;
	v7 =	vadd.s32 $0x1008, v9  }
0x24a: {  	[tilespmem:s30+$0x220] =	vst v26;
	v4 =	vld.idx.msk [tilespmem:v4+s4+$0x0], $0xffff  }
0x24b: {  	[tilespmem:s30+$0xFFFFFE20] =	vst v12;
	v8 =	vld.idx.msk [tilespmem:v13+s4+$0x0], $0xffff  }
0x24c: {  	v12 =	vld.idx.msk [tilespmem:v18+s4+$0x0], $0xffff;
	[tilespmem:s30+$0x20] =	vst v11  }
0x24d: {  	v13 =	vadd.s32 $0x1008, v10;
	v11 =	vld.idx.msk [tilespmem:v20+s4+$0x0], $0xffff;
	[tilespmem:s29+$0x2E0] =	vst v14  }
0x24e: {  	[tilespmem:s30+$0xFFFFFC20] =	vst v0;
	v0 =	vld.idx.msk [tilespmem:v7+s4+$0x0], $0xffff  }
0x24f: {  	v7 =	vld.idx.msk [tilespmem:v23+s4+$0x0], $0xffff;
	[tilespmem:s29+$0xFFFFFDD0] =	vst v6  }
0x250: {  	v6 =	vld [tilespmem:s31+$0xFFFFFF60];
	[tilespmem:s29+$0x1D0] =	vst v4;
	v4 =	vadd.s32 $0x180C, v9  }
0x251: {  	[tilespmem:s30+$0x2A0] =	vst v8;
	v8 =	vld [tilespmem:s31+$0xFFFFFFE0]  }
0x252: {  	[tilespmem:s30+$0xFFFFFEA0] =	vst v12;
	v9 =	vld.idx.msk [tilespmem:v13+s4+$0x0], $0xffff  }
0x253: {  	v12 =	vld.idx.msk [tilespmem:v19+s4+$0x0], $0xffff;
	[tilespmem:s30+$0xA0] =	vst v11  }
0x254: {  	v10 =	vadd.s32 $0x180C, v10;
	v11 =	vld.idx.msk [tilespmem:v22+s4+$0x0], $0xffff;
	[tilespmem:s29+$0x360] =	vst v0  }
0x255: {  	[tilespmem:s30+$0xFFFFFCA0] =	vst v7;
	vm0 =	vlt.s32 v6, $0x800;
	v4 =	vld.idx.msk [tilespmem:v4+s4+$0x0], $0xffff  }
0x256: {  	v7 =	vld.idx.msk [tilespmem:v24+s4+$0x0], $0xffff;
	v6 =	vnsel vm0, $0x800, v6;
	vm0 =	vlt.s32 v8, $0x800  }
0x257: {  	v13 =	vadd.s32 $0x804, v6;
	v14 =	vadd.s32 $0x1008, v6;
	v8 =	vnsel vm0, $0x800, v8;
	v16 =	vld [tilespmem:s31+$0x60]  }
0x258: {  	[tilespmem:s30+$0x320] =	vst v9;
	v9 =	vadd.s32 $0x180C, v6;
	v17 =	vadd.s32 $0x804, v8;
	v18 =	vadd.s32 $0x1008, v8;
	v5 =	vld.idx.msk [tilespmem:v5+s4+$0x0], $0xffff  }
0x259: {  	v0 =	vadd.s32 $0x180C, v8;
	[tilespmem:s30+$0xFFFFFF20] =	vst v12;
	v10 =	vld.idx.msk [tilespmem:v10+s4+$0x0], $0xffff  }
0x25a: {  	v12 =	vld.idx.msk [tilespmem:v21+s4+$0x0], $0xffff;
	[tilespmem:s30+$0x120] =	vst v11  }
0x25b: {  	v11 =	vld.idx.msk [tilespmem:v15+s4+$0x0], $0xffff;
	[tilespmem:s29+$0x3E0] =	vst v4  }
0x25c: {  	[tilespmem:s30+$0xFFFFFD20] =	vst v7;
	vm0 =	vlt.s32 v16, $0x800;
	v4 =	vld [tilespmem:s31+$0xF0]  }
0x25d: {  	v7 =	vld.idx.msk [tilespmem:v25+s4+$0x0], $0xffff;
	v15 =	vnsel vm0, $0x800, v16  }
0x25e: {  	v6 =	vld.idx.msk [tilespmem:v6+s4+$0x0], $0xffff;
	v16 =	vadd.s32 $0x804, v15;
	v19 =	vadd.s32 $0x1008, v15;
	v20 =	vadd.s32 $0x180C, v15;
	[tilespmem:s28+$0x170] =	vst v5  }
0x25f: {  	[tilespmem:s30+$0x3A0] =	vst v10;
	v5 =	vld.idx.msk [tilespmem:v8+s4+$0x0], $0xffff  }
0x260: {  	[tilespmem:s30+$0xFFFFFFA0] =	vst v12;
	v8 =	vld [tilespmem:s2+$0xB0]  }
0x261: {  	v10 =	vld [tilespmem:s2+$0xFFFFFFB0];
	[tilespmem:s30+$0x1A0] =	vst v11;
	vm0 =	vlt.s32 v4, $0x800  }
0x262: {  	v11 =	vld [tilespmem:s2+$0x30];
	v4 =	vnsel vm0, $0x800, v4  }
0x263: {  	[tilespmem:s30+$0xFFFFFDA0] =	vst v7;
	v7 =	vld.idx.msk [tilespmem:v15+s4+$0x0], $0xffff  }
0x264: {  	v12 =	vld [tilespmem:s2+$0xFFFFFF30];
	[tilespmem:s29+$0xFFFFFC60] =	vst v6  }
0x265: {  	vm0 =	vlt.s32 v8, $0x800;
	v6 =	vld.idx.msk [tilespmem:v13+s4+$0x0], $0xffff;
	[tilespmem:s29+$0xFFFFFE60] =	vst v5  }
0x266: {  	vm1 =	vlt.s32 v10, $0x800;
	v5 =	vnsel vm0, $0x800, v8;
	v8 =	vld.idx.msk [tilespmem:v17+s4+$0x0], $0xffff  }
0x267: {  	v10 =	vnsel vm1, $0x800, v10;
	vm0 =	vlt.s32 v11, $0x800;
	v13 =	vld.idx.msk [tilespmem:v4+s4+$0x0], $0xffff  }
0x268: {  	v15 =	vadd.s32 $0x804, v10;
	v17 =	vadd.s32 $0x1008, v10;
	v11 =	vnsel vm0, $0x800, v11;
	v2 =	vld.idx.msk [tilespmem:v2+s4+$0x0], $0xffff  }
0x269: {  	vm0 =	vlt.s32 v12, $0x800;
	v21 =	vadd.s32 $0x804, v11;
	[tilespmem:s29+$0x60] =	vst v7;
	v7 =	vadd.s32 $0x804, v4;
	v3 =	vld.idx.msk [tilespmem:v3+s4+$0x0], $0xffff  }
0x26a: {  	v22 =	vadd.s32 $0x180C, v10;
	v23 =	vadd.s32 $0x1008, v11;
	v12 =	vnsel vm0, $0x800, v12;
	v16 =	vld.idx.msk [tilespmem:v16+s4+$0x0], $0xffff  }
0x26b: {  	v24 =	vadd.s32 $0x804, v12;
	v25 =	vadd.s32 $0x1008, v12;
	v26 =	vadd.s32 $0x180C, v12;
	v27 =	vld.idx.msk [tilespmem:v5+s4+$0x0], $0xffff;
	[tilespmem:s29+$0xFFFFFCE0] =	vst v6  }
0x26c: {  	v6 =	vld.idx.msk [tilespmem:v10+s4+$0x0], $0xffff;
	v10 =	vadd.s32 $0x180C, v11;
	[tilespmem:s29+$0xFFFFFEE0] =	vst v8  }
0x26d: {  	v8 =	vld.idx.msk [tilespmem:v11+s4+$0x0], $0xffff;
	v11 =	vadd.s32 $0x804, v5;
	[tilespmem:s29+$0x270] =	vst v13  }
0x26e: {  	v7 =	vld.idx.msk [tilespmem:v7+s4+$0x0], $0xffff;
	[tilespmem:s28+$0xFFFFFDF0] =	vst v2  }
0x26f: {  	v2 =	vld.idx.msk [tilespmem:v12+s4+$0x0], $0xffff;
	[tilespmem:s28+$0xFFFFFFF0] =	vst v3  }
0x270: {  	v12 =	vadd.s32 $0x1008, v4;
	v3 =	vld.idx.msk [tilespmem:v14+s4+$0x0], $0xffff;
	[tilespmem:s29+$0xE0] =	vst v16  }
0x271: {  	[tilespmem:s30+$0x230] =	vst v27;
	v13 =	vld.idx.msk [tilespmem:v18+s4+$0x0], $0xffff  }
0x272: {  	[tilespmem:s30+$0xFFFFFE30] =	vst v6;
	v6 =	vld.idx.msk [tilespmem:v11+s4+$0x0], $0xffff  }
0x273: {  	v11 =	vld.idx.msk [tilespmem:v15+s4+$0x0], $0xffff;
	[tilespmem:s30+$0x30] =	vst v8  }
0x274: {  	v14 =	vadd.s32 $0x1008, v5;
	v8 =	vld.idx.msk [tilespmem:v21+s4+$0x0], $0xffff;
	[tilespmem:s29+$0x2F0] =	vst v7  }
0x275: {  	[tilespmem:s30+$0xFFFFFC30] =	vst v2;
	v2 =	vld.idx.msk [tilespmem:v12+s4+$0x0], $0xffff  }
0x276: {  	v7 =	vld.idx.msk [tilespmem:v24+s4+$0x0], $0xffff;
	[tilespmem:s29+$0xFFFFFD60] =	vst v3  }
0x277: {  	v4 =	vadd.s32 $0x180C, v4;
	[tilespmem:s29+$0xFFFFFF60] =	vst v13;
	v3 =	vld.idx.msk [tilespmem:v19+s4+$0x0], $0xffff  }
0x278: {  	[tilespmem:s30+$0x2B0] =	vst v6;
	v6 =	vld.idx.msk [tilespmem:v9+s4+$0x0], $0xffff  }
0x279: {  	[tilespmem:s30+$0xFFFFFEB0] =	vst v11;
	v9 =	vld.idx.msk [tilespmem:v14+s4+$0x0], $0xffff  }
0x27a: {  	v11 =	vld.idx.msk [tilespmem:v17+s4+$0x0], $0xffff;
	[tilespmem:s30+$0xB0] =	vst v8  }
0x27b: {  	v5 =	vadd.s32 $0x180C, v5;
	v8 =	vld.idx.msk [tilespmem:v23+s4+$0x0], $0xffff;
	[tilespmem:s29+$0x370] =	vst v2  }
0x27c: {  	[tilespmem:s30+$0xFFFFFCB0] =	vst v7;
	v2 =	vld.idx.msk [tilespmem:v4+s4+$0x0], $0xffff  }
0x27d: {  	v4 =	vld.idx.msk [tilespmem:v25+s4+$0x0], $0xffff;
	[tilespmem:s29+$0x160] =	vst v3  }
0x27e: {  	[tilespmem:s29+$0xFFFFFDE0] =	vst v6;
	v0 =	vld.idx.msk [tilespmem:v0+s4+$0x0], $0xffff  }
0x27f: {  	[tilespmem:s30+$0x330] =	vst v9;
	v3 =	vld.idx.msk [tilespmem:v20+s4+$0x0], $0xffff  }
0x280: {  	[tilespmem:s30+$0xFFFFFF30] =	vst v11;
	v5 =	vld.idx.msk [tilespmem:v5+s4+$0x0], $0xffff  }
0x281: {  	v7 =	vld.idx.msk [tilespmem:v22+s4+$0x0], $0xffff;
	[tilespmem:s30+$0x130] =	vst v8  }
0x282: {  	v8 =	vld.idx.msk [tilespmem:v10+s4+$0x0], $0xffff;
	[tilespmem:s29+$0x3F0] =	vst v2  }
0x283: {  	[tilespmem:s30+$0xFFFFFD30] =	vst v4;
	v2 =	vld [tilespmem:s31+$0xFFFFFF70]  }
0x284: {  	v4 =	vld.idx.msk [tilespmem:v26+s4+$0x0], $0xffff;
	[tilespmem:s29+$0xFFFFFFE0] =	vst v0  }
0x285: {  	v6 =	vld [tilespmem:s31+$0xFFFFFFF0];
	[tilespmem:s29+$0x1E0] =	vst v3  }
.Ltmp0:
0x286: {  	[tilespmem:s30+$0x3B0] =	vst v5;
	v5 =	vld [tilespmem:s31+$0x70];
	s31 =	smov.u32 s2;
	(pc) =	sbr.rel @p1 .LBB2_3-.Ltmp0, $4  }
0x287: {  	[tilespmem:s30+$0xFFFFFFB0] =	vst v7;
	v7 =	vld [tilespmem:s2+$0xC0]  }
0x288: {  	v9 =	vld [tilespmem:s2+$0xFFFFFFC0];
	[tilespmem:s30+$0x1B0] =	vst v8;
	vm0 =	vlt.s32 v2, $0x800  }
0x289: {  	v10 =	vld [tilespmem:s2+$0x40];
	v3 =	vnsel vm0, $0x800, v2  }
0x28a: {  	s2 =	sadd.s32 $0x200, s2;
	[tilespmem:s30+$0xFFFFFDB0] =	vst v4;
	v4 =	vadd.s32 $0x804, v3;
	v0 =	vadd.s32 $0x1008, v3;
	vm0 =	vlt.s32 v6, $0x800;
	v1 =	vld.idx.msk [tilespmem:v1+s4+$0x0], $0xffff  }
0x28b: {  	v2 =	vld [tilespmem:s31+$0xFFFFFF40];
	_ =	sdelay $0x2  }
0x28c: {  	vm1 =	vlt.s32 v7, $0x800  }
0x28d: {  	v7 =	vnsel vm1, $0x800, v7  }
0x28e: {  	vm1 =	vlt.s32 v2, $0x800  }
0x28f: {  	v2 =	vnsel vm1, $0x800, v2;
	vm1 =	vlt.s32 v9, $0x800  }
0x290: {  	v8 =	vnsel vm1, $0x800, v9;
	vm1 =	vlt.s32 v10, $0x800  }
0x291: {  	v9 =	vnsel vm1, $0x800, v10  }
0x292: {  	v10 =	vld.idx.msk [tilespmem:v7+s4+$0x0], $0xffff  }
0x293: {  	v11 =	vadd.s32 $0x804, v7  }
0x294: {  	v12 =	vld.idx.msk [tilespmem:v2+s4+$0x0], $0xffff  }
0x295: {  	v14 =	vadd.s32 $0x804, v2;
	v13 =	vld.idx.msk [tilespmem:v8+s4+$0x0], $0xffff  }
0x296: {  	v15 =	vadd.s32 $0x804, v8;
	v16 =	vld.idx.msk [tilespmem:v9+s4+$0x0], $0xffff  }
0x297: {  	v17 =	vadd.s32 $0x804, v9;
	[tilespmem:s30+$0x240] =	vst v10  }
0x298: {  	v10 =	vld.idx.msk [tilespmem:v11+s4+$0x0], $0xffff  }
0x299: {  	v11 =	vadd.s32 $0x1008, v7;
	[tilespmem:s30+$0xFFFFFC40] =	vst v12  }
0x29a: {  	[tilespmem:s30+$0xFFFFFE40] =	vst v13;
	v12 =	vld.idx.msk [tilespmem:v14+s4+$0x0], $0xffff  }
0x29b: {  	v51 =	vadd.s32 $0x1008, v2;
	[tilespmem:s30+$0x40] =	vst v16;
	v52 =	vld.idx.msk [tilespmem:v15+s4+$0x0], $0xffff  }
0x29c: {  	v53 =	vadd.s32 $0x1008, v8;
	v16 =	vld.idx.msk [tilespmem:v17+s4+$0x0], $0xffff  }
0x29d: {  	v54 =	vadd.s32 $0x1008, v9;
	[tilespmem:s30+$0x2C0] =	vst v10  }
0x29e: {  	v10 =	vld.idx.msk [tilespmem:v11+s4+$0x0], $0xffff  }
0x29f: {  	v7 =	vadd.s32 $0x180C, v7;
	[tilespmem:s30+$0xFFFFFCC0] =	vst v12  }
0x2a0: {  	[tilespmem:s30+$0xFFFFFEC0] =	vst v52;
	v11 =	vld.idx.msk [tilespmem:v51+s4+$0x0], $0xffff  }
0x2a1: {  	v2 =	vadd.s32 $0x180C, v2;
	[tilespmem:s30+$0xC0] =	vst v16;
	v55 =	vld.idx.msk [tilespmem:v53+s4+$0x0], $0xffff  }
0x2a2: {  	v8 =	vadd.s32 $0x180C, v8;
	v56 =	vld.idx.msk [tilespmem:v54+s4+$0x0], $0xffff  }
0x2a3: {  	v9 =	vadd.s32 $0x180C, v9;
	[tilespmem:s30+$0x340] =	vst v10  }
0x2a4: {  	v7 =	vld.idx.msk [tilespmem:v7+s4+$0x0], $0xffff  }
0x2a5: {  	[tilespmem:s30+$0xFFFFFD40] =	vst v11  }
0x2a6: {  	[tilespmem:s30+$0xFFFFFF40] =	vst v55;
	v2 =	vld.idx.msk [tilespmem:v2+s4+$0x0], $0xffff  }
0x2a7: {  	[tilespmem:s30+$0x140] =	vst v56;
	v8 =	vld.idx.msk [tilespmem:v8+s4+$0x0], $0xffff  }
0x2a8: {  	v9 =	vld.idx.msk [tilespmem:v9+s4+$0x0], $0xffff  }
0x2a9: {  	[tilespmem:s30+$0x3C0] =	vst v7  }
0x2aa: {  	v7 =	vld [tilespmem:s31+$0xD0]  }
0x2ab: {  	[tilespmem:s30+$0xFFFFFDC0] =	vst v2  }
0x2ac: {  	[tilespmem:s30+$0xFFFFFFC0] =	vst v8;
	v2 =	vld [tilespmem:s31+$0xFFFFFF50]  }
0x2ad: {  	v8 =	vld [tilespmem:s31+$0xFFFFFFD0];
	[tilespmem:s30+$0x1C0] =	vst v9  }
0x2ae: {  	v9 =	vld [tilespmem:s31+$0x50]  }
0x2af: {  	vm1 =	vlt.s32 v7, $0x800  }
0x2b0: {  	v7 =	vnsel vm1, $0x800, v7  }
0x2b1: {  	vm1 =	vlt.s32 v2, $0x800  }
0x2b2: {  	v2 =	vnsel vm1, $0x800, v2;
	vm1 =	vlt.s32 v8, $0x800  }
0x2b3: {  	v8 =	vnsel vm1, $0x800, v8;
	vm1 =	vlt.s32 v9, $0x800  }
0x2b4: {  	v9 =	vnsel vm1, $0x800, v9  }
0x2b5: {  	v10 =	vld.idx.msk [tilespmem:v7+s4+$0x0], $0xffff  }
0x2b6: {  	v11 =	vadd.s32 $0x804, v7  }
0x2b7: {  	v57 =	vld.idx.msk [tilespmem:v2+s4+$0x0], $0xffff  }
0x2b8: {  	v58 =	vadd.s32 $0x804, v2;
	v14 =	vld.idx.msk [tilespmem:v8+s4+$0x0], $0xffff  }
0x2b9: {  	v59 =	vadd.s32 $0x804, v8;
	v16 =	vld.idx.msk [tilespmem:v9+s4+$0x0], $0xffff  }
0x2ba: {  	[tilespmem:s30+$0x250] =	vst v10;
	v10 =	vadd.s32 $0x804, v9  }
0x2bb: {  	v11 =	vld.idx.msk [tilespmem:v11+s4+$0x0], $0xffff  }
0x2bc: {  	v60 =	vadd.s32 $0x1008, v7;
	[tilespmem:s30+$0xFFFFFC50] =	vst v57  }
0x2bd: {  	[tilespmem:s30+$0xFFFFFE50] =	vst v14;
	v12 =	vld.idx.msk [tilespmem:v58+s4+$0x0], $0xffff  }
0x2be: {  	v61 =	vadd.s32 $0x1008, v2;
	[tilespmem:s30+$0x50] =	vst v16;
	v14 =	vld.idx.msk [tilespmem:v59+s4+$0x0], $0xffff  }
0x2bf: {  	v62 =	vadd.s32 $0x1008, v8;
	v10 =	vld.idx.msk [tilespmem:v10+s4+$0x0], $0xffff  }
0x2c0: {  	v63 =	vadd.s32 $0x1008, v9;
	[tilespmem:s30+$0x2D0] =	vst v11  }
0x2c1: {  	v11 =	vld.idx.msk [tilespmem:v60+s4+$0x0], $0xffff  }
0x2c2: {  	v7 =	vadd.s32 $0x180C, v7;
	[tilespmem:s30+$0xFFFFFCD0] =	vst v12  }
0x2c3: {  	[tilespmem:s30+$0xFFFFFED0] =	vst v14;
	v12 =	vld.idx.msk [tilespmem:v61+s4+$0x0], $0xffff  }
0x2c4: {  	v2 =	vadd.s32 $0x180C, v2;
	v19 =	vld.idx.msk [tilespmem:v62+s4+$0x0], $0xffff;
	[tilespmem:s30+$0xD0] =	vst v10  }
0x2c5: {  	v8 =	vadd.s32 $0x180C, v8;
	v10 =	vld.idx.msk [tilespmem:v63+s4+$0x0], $0xffff  }
0x2c6: {  	v9 =	vadd.s32 $0x180C, v9;
	[tilespmem:s30+$0x350] =	vst v11  }
0x2c7: {  	v7 =	vld.idx.msk [tilespmem:v7+s4+$0x0], $0xffff  }
0x2c8: {  	[tilespmem:s30+$0xFFFFFD50] =	vst v12  }
0x2c9: {  	[tilespmem:s30+$0xFFFFFF50] =	vst v19;
	v2 =	vld.idx.msk [tilespmem:v2+s4+$0x0], $0xffff  }
0x2ca: {  	v8 =	vld.idx.msk [tilespmem:v8+s4+$0x0], $0xffff;
	[tilespmem:s30+$0x150] =	vst v10  }
0x2cb: {  	v9 =	vld.idx.msk [tilespmem:v9+s4+$0x0], $0xffff  }
0x2cc: {  	[tilespmem:s30+$0x3D0] =	vst v7  }
0x2cd: {  	v7 =	vld [tilespmem:s31+$0xE0]  }
0x2ce: {  	[tilespmem:s30+$0xFFFFFDD0] =	vst v2  }
0x2cf: {  	[tilespmem:s30+$0xFFFFFFD0] =	vst v8;
	v2 =	vld [tilespmem:s31+$0xFFFFFF60]  }
0x2d0: {  	[tilespmem:s30+$0x1D0] =	vst v9;
	v8 =	vld [tilespmem:s31+$0xFFFFFFE0]  }
0x2d1: {  	v9 =	vld [tilespmem:s31+$0x60]  }
0x2d2: {  	vm1 =	vlt.s32 v7, $0x800  }
0x2d3: {  	v7 =	vnsel vm1, $0x800, v7  }
0x2d4: {  	vm1 =	vlt.s32 v2, $0x800  }
0x2d5: {  	v2 =	vnsel vm1, $0x800, v2;
	vm1 =	vlt.s32 v8, $0x800  }
0x2d6: {  	v8 =	vnsel vm1, $0x800, v8;
	vm1 =	vlt.s32 v9, $0x800  }
0x2d7: {  	v9 =	vnsel vm1, $0x800, v9  }
0x2d8: {  	v10 =	vld.idx.msk [tilespmem:v7+s4+$0x0], $0xffff  }
0x2d9: {  	v11 =	vadd.s32 $0x804, v7  }
0x2da: {  	v12 =	vld.idx.msk [tilespmem:v2+s4+$0x0], $0xffff  }
0x2db: {  	v20 =	vadd.s32 $0x804, v2;
	v14 =	vld.idx.msk [tilespmem:v8+s4+$0x0], $0xffff  }
0x2dc: {  	v21 =	vadd.s32 $0x804, v8;
	v22 =	vld.idx.msk [tilespmem:v9+s4+$0x0], $0xffff  }
0x2dd: {  	[tilespmem:s30+$0x260] =	vst v10;
	v10 =	vadd.s32 $0x804, v9  }
0x2de: {  	v11 =	vld.idx.msk [tilespmem:v11+s4+$0x0], $0xffff  }
0x2df: {  	v23 =	vadd.s32 $0x1008, v7;
	[tilespmem:s30+$0xFFFFFC60] =	vst v12  }
0x2e0: {  	v12 =	vld.idx.msk [tilespmem:v20+s4+$0x0], $0xffff;
	[tilespmem:s30+$0xFFFFFE60] =	vst v14  }
0x2e1: {  	v24 =	vadd.s32 $0x1008, v2;
	v14 =	vld.idx.msk [tilespmem:v21+s4+$0x0], $0xffff;
	[tilespmem:s30+$0x60] =	vst v22  }
0x2e2: {  	v25 =	vadd.s32 $0x1008, v8;
	v10 =	vld.idx.msk [tilespmem:v10+s4+$0x0], $0xffff  }
0x2e3: {  	[tilespmem:s30+$0x2E0] =	vst v11;
	v11 =	vadd.s32 $0x1008, v9  }
0x2e4: {  	v26 =	vld.idx.msk [tilespmem:v23+s4+$0x0], $0xffff  }
0x2e5: {  	v7 =	vadd.s32 $0x180C, v7;
	[tilespmem:s30+$0xFFFFFCE0] =	vst v12  }
0x2e6: {  	[tilespmem:s30+$0xFFFFFEE0] =	vst v14;
	v12 =	vld.idx.msk [tilespmem:v24+s4+$0x0], $0xffff  }
0x2e7: {  	v2 =	vadd.s32 $0x180C, v2;
	[tilespmem:s30+$0xE0] =	vst v10;
	v10 =	vld.idx.msk [tilespmem:v25+s4+$0x0], $0xffff  }
0x2e8: {  	v8 =	vadd.s32 $0x180C, v8;
	v11 =	vld.idx.msk [tilespmem:v11+s4+$0x0], $0xffff  }
0x2e9: {  	v9 =	vadd.s32 $0x180C, v9;
	[tilespmem:s30+$0x360] =	vst v26  }
0x2ea: {  	v7 =	vld.idx.msk [tilespmem:v7+s4+$0x0], $0xffff  }
0x2eb: {  	[tilespmem:s30+$0xFFFFFD60] =	vst v12  }
0x2ec: {  	v6 =	vnsel vm0, $0x800, v6;
	[tilespmem:s30+$0xFFFFFF60] =	vst v10;
	v2 =	vld.idx.msk [tilespmem:v2+s4+$0x0], $0xffff  }
0x2ed: {  	[tilespmem:s30+$0x160] =	vst v11;
	v8 =	vld.idx.msk [tilespmem:v8+s4+$0x0], $0xffff  }
0x2ee: {  	v9 =	vld.idx.msk [tilespmem:v9+s4+$0x0], $0xffff  }
0x2ef: {  	v10 =	vld.idx.msk [tilespmem:v3+s4+$0x0], $0xffff;
	[tilespmem:s30+$0x3E0] =	vst v7  }
0x2f0: {  	vm0 =	vlt.s32 v5, $0x800;
	v7 =	vld [tilespmem:s31+$0xF0]  }
0x2f1: {  	v5 =	vnsel vm0, $0x800, v5;
	v11 =	vld.idx.msk [tilespmem:v6+s4+$0x0], $0xffff;
	[tilespmem:s30+$0xFFFFFDE0] =	vst v2  }
0x2f2: {  	v2 =	vld [tilespmem:s31+$0xFFFFFF70];
	[tilespmem:s30+$0xFFFFFFE0] =	vst v8  }
0x2f3: {  	v8 =	vld [tilespmem:s31+$0xFFFFFFF0];
	[tilespmem:s30+$0x1E0] =	vst v9  }
0x2f4: {  	v9 =	vld [tilespmem:s31+$0x70]  }
0x2f5: {  	v27 =	vadd.s32 $0x804, v6;
	vm0 =	vlt.s32 v7, $0x800  }
0x2f6: {  	v28 =	vld.idx.msk [tilespmem:v5+s4+$0x0], $0xffff;
	v7 =	vnsel vm0, $0x800, v7  }
0x2f7: {  	v29 =	vadd.s32 $0x804, v5;
	vm0 =	vlt.s32 v2, $0x800  }
0x2f8: {  	[tilespmem:s29+$0xFFFFFC70] =	vst v10;
	v2 =	vnsel vm0, $0x800, v2;
	vm0 =	vlt.s32 v8, $0x800  }
0x2f9: {  	[tilespmem:s29+$0xFFFFFE70] =	vst v11;
	v4 =	vld.idx.msk [tilespmem:v4+s4+$0x0], $0xffff;
	v8 =	vnsel vm0, $0x800, v8;
	vm0 =	vlt.s32 v9, $0x800  }
0x2fa: {  	v10 =	vld.idx.msk [tilespmem:v27+s4+$0x0], $0xffff;
	v9 =	vnsel vm0, $0x800, v9  }
0x2fb: {  	[tilespmem:s29+$0x70] =	vst v28;
	v11 =	vld.idx.msk [tilespmem:v7+s4+$0x0], $0xffff  }
0x2fc: {  	v30 =	vld.idx.msk [tilespmem:v29+s4+$0x0], $0xffff;
	v31 =	vadd.s32 $0x804, v7  }
0x2fd: {  	v35 =	vadd.s32 $0x1008, v5;
	[tilespmem:s28+$0x1F0] =	vst v1;
	v1 =	vld.idx.msk [tilespmem:v2+s4+$0x0], $0xffff  }
0x2fe: {  	[tilespmem:s29+$0xFFFFFCF0] =	vst v4;
	v4 =	vadd.s32 $0x804, v2;
	v33 =	vld.idx.msk [tilespmem:v8+s4+$0x0], $0xffff  }
0x2ff: {  	[tilespmem:s29+$0xFFFFFEF0] =	vst v10;
	v10 =	vadd.s32 $0x804, v8;
	v34 =	vld.idx.msk [tilespmem:v9+s4+$0x0], $0xffff  }
0x300: {  	v0 =	vld.idx.msk [tilespmem:v0+s4+$0x0], $0xffff;
	[tilespmem:s30+$0x270] =	vst v11;
	v11 =	vadd.s32 $0x804, v9  }
0x301: {  	v32 =	vadd.s32 $0x1008, v6;
	[tilespmem:s29+$0xF0] =	vst v30;
	v36 =	vld.idx.msk [tilespmem:v31+s4+$0x0], $0xffff  }
0x302: {  	v39 =	vld.idx.msk [tilespmem:v35+s4+$0x0], $0xffff;
	v38 =	vadd.s32 $0x1008, v7;
	[tilespmem:s30+$0xFFFFFC70] =	vst v1  }
0x303: {  	v1 =	vadd.s32 $0x180C, v3;
	[tilespmem:s30+$0xFFFFFE70] =	vst v33;
	v3 =	vld.idx.msk [tilespmem:v4+s4+$0x0], $0xffff  }
0x304: {  	v4 =	vadd.s32 $0x1008, v2;
	[tilespmem:s30+$0x70] =	vst v34;
	v10 =	vld.idx.msk [tilespmem:v10+s4+$0x0], $0xffff  }
0x305: {  	[tilespmem:s29+$0xFFFFFD70] =	vst v0;
	v0 =	vadd.s32 $0x1008, v8;
	v11 =	vld.idx.msk [tilespmem:v11+s4+$0x0], $0xffff  }
0x306: {  	v37 =	vld.idx.msk [tilespmem:v32+s4+$0x0], $0xffff;
	v40 =	vadd.s32 $0x1008, v9;
	[tilespmem:s30+$0x2F0] =	vst v36  }
0x307: {  	[tilespmem:s29+$0x170] =	vst v39;
	v6 =	vadd.s32 $0x180C, v6;
	v41 =	vld.idx.msk [tilespmem:v38+s4+$0x0], $0xffff  }
0x308: {  	v7 =	vadd.s32 $0x180C, v7;
	v1 =	vld.idx.msk [tilespmem:v1+s4+$0x0], $0xffff;
	[tilespmem:s30+$0xFFFFFCF0] =	vst v3  }
0x309: {  	v3 =	vadd.s32 $0x180C, v5;
	[tilespmem:s30+$0xFFFFFEF0] =	vst v10;
	v4 =	vld.idx.msk [tilespmem:v4+s4+$0x0], $0xffff  }
0x30a: {  	v2 =	vadd.s32 $0x180C, v2;
	[tilespmem:s30+$0xF0] =	vst v11;
	v0 =	vld.idx.msk [tilespmem:v0+s4+$0x0], $0xffff  }
0x30b: {  	[tilespmem:s29+$0xFFFFFF70] =	vst v37;
	v5 =	vadd.s32 $0x180C, v8;
	v8 =	vld.idx.msk [tilespmem:v40+s4+$0x0], $0xffff  }
0x30c: {  	v6 =	vld.idx.msk [tilespmem:v6+s4+$0x0], $0xffff;
	v9 =	vadd.s32 $0x180C, v9;
	[tilespmem:s30+$0x370] =	vst v41  }
0x30d: {  	[tilespmem:s29+$0xFFFFFDF0] =	vst v1;
	v1 =	vld.idx.msk [tilespmem:v7+s4+$0x0], $0xffff  }
0x30e: {  	v3 =	vld.idx.msk [tilespmem:v3+s4+$0x0], $0xffff;
	[tilespmem:s30+$0xFFFFFD70] =	vst v4  }
0x30f: {  	[tilespmem:s30+$0xFFFFFF70] =	vst v0;
	v0 =	vld.idx.msk [tilespmem:v2+s4+$0x0], $0xffff  }
0x310: {  	[tilespmem:s30+$0x170] =	vst v8;
	v2 =	vld.idx.msk [tilespmem:v5+s4+$0x0], $0xffff  }
0x311: {  	[tilespmem:s29+$0xFFFFFFF0] =	vst v6;
	v4 =	vld.idx.msk [tilespmem:v9+s4+$0x0], $0xffff  }
0x312: {  	[tilespmem:s30+$0x3F0] =	vst v1  }
0x313: {  	[tilespmem:s29+$0x1F0] =	vst v3  }
0x314: {  	[tilespmem:s30+$0xFFFFFDF0] =	vst v0  }
0x315: {  	s28 =	sshll.u32 s26, $0xB;
	[tilespmem:s30+$0xFFFFFFF0] =	vst v2  }
0x316: {  	s0 =	sadd.s32 s3, s28;
	[tilespmem:s30+$0x1F0] =	vst v4  }
0x317: {  	[hbm4b:s0+s4] =	stream.linear.scatter [tilespmem:s19], [sflag:$0x3], $0x4000, $0x38;
	[tilespmem:$0xC080] =	vst v63  }
0x318: {  	s0 =	sadd.s32 $0x2, s26  }
0x319: {  	s2 =	sshll.u32 s0, $0x9;
	s5 =	sshll.u32 s0, $0xC;
	s0 =	sshll.u32 s0, $0x2  }
0x31a: {  	s2 =	sand.u32 $0xFFFC000, s2;
	s5 =	sand.u32 $0x3000, s5;
	s0 =	sand.u32 $0x70, s0  }
0x31b: {  	s2 =	sor.u32 s5, s2;
	s0 =	sadd.s32 s1, s0  }
0x31c: {  	s0 =	sadd.s32 s2, s0  }
0x31d: {  	[tilespmem:s16], [sflag:$0x1] =	stream.strided.gather [hbm4b:s0+s14], $0x1000, s15, s14, $0x38;
	[tilespmem:$0xC080] =	vst v63  }
0x31e: {  	_ =	swait.ge [sflag:s20], $0x1000  }
0x31f: {  	[sflag:s20] =	ssyncset.done $0x0  }
0x320: {  	s0 =	simm.s32 @!p0 $0x4;
	[sflag:s20] =	ssyncadd.s32 $0xFFFFF000  }
0x321: {  	_ =	swait.ge @!p0 [sflag:s0], $0x4000  }
0x322: {  	[sflag:s0] =	ssyncset.done @!p0 $0x0  }
0x323: {  	s2 =	simm.s32 $0x3180;
	[sflag:s0] =	ssyncadd.s32 @!p0 $0xFFFFC000  }
0x324: {  	v0 =	vld [tilespmem:s2+$0x80]  }
0x325: {  	v1 =	vld [tilespmem:s2+$0xFFFFFF80]  }
0x326: {  	v2 =	vld [tilespmem:s2+$0x0];
	_ =	sdelay $0x2  }
0x327: {  	vm0 =	vlt.s32 v0, $0x800  }
0x328: {  	vm1 =	vlt.s32 v1, $0x800;
	v0 =	vnsel vm0, $0x800, v0  }
0x329: {  	v1 =	vnsel vm1, $0x800, v1;
	vm0 =	vlt.s32 v2, $0x800  }
0x32a: {  	v2 =	vnsel vm0, $0x800, v2;
	_ =	sdelay $0x1  }
0x32b: {  	v3 =	vld [tilespmem:s2+$0xFFFFFF00]  }
0x32c: {  	v4 =	vld.idx.msk [tilespmem:v0+s4+$0x0], $0xffff  }
0x32d: {  	v6 =	vadd.s32 $0x804, v0;
	v5 =	vld.idx.msk [tilespmem:v1+s4+$0x0], $0xffff  }
0x32e: {  	v7 =	vadd.s32 $0x804, v1;
	v8 =	vld.idx.msk [tilespmem:v2+s4+$0x0], $0xffff  }
0x32f: {  	v9 =	vadd.s32 $0x804, v2  }
0x330: {  	s29 =	simm.s32 $0x8480;
	vm0 =	vlt.s32 v3, $0x800  }
0x331: {  	v3 =	vnsel vm0, $0x800, v3;
	[tilespmem:s29+$0x200] =	vst v4  }
0x332: {  	[tilespmem:s29+$0xFFFFFE00] =	vst v5;
	v5 =	vld.idx.msk [tilespmem:v6+s4+$0x0], $0xffff  }
0x333: {  	v6 =	vld.idx.msk [tilespmem:v7+s4+$0x0], $0xffff;
	[tilespmem:s29+$0x0] =	vst v8;
	v7 =	vadd.s32 $0x1008, v0  }
0x334: {  	v8 =	vadd.s32 $0x1008, v1;
	v9 =	vld.idx.msk [tilespmem:v9+s4+$0x0], $0xffff  }
0x335: {  	v11 =	vadd.s32 $0x1008, v2  }
0x336: {  	v10 =	vld.idx.msk [tilespmem:v3+s4+$0x0], $0xffff  }
0x337: {  	v4 =	vadd.s32 $0x804, v3;
	[tilespmem:s29+$0x280] =	vst v5  }
0x338: {  	[tilespmem:s29+$0xFFFFFE80] =	vst v6;
	v6 =	vld.idx.msk [tilespmem:v7+s4+$0x0], $0xffff  }
0x339: {  	v0 =	vadd.s32 $0x180C, v0;
	v7 =	vld.idx.msk [tilespmem:v8+s4+$0x0], $0xffff;
	[tilespmem:s29+$0x80] =	vst v9  }
0x33a: {  	v1 =	vadd.s32 $0x180C, v1;
	v8 =	vld.idx.msk [tilespmem:v11+s4+$0x0], $0xffff  }
0x33b: {  	v2 =	vadd.s32 $0x180C, v2;
	[tilespmem:s29+$0xFFFFFC00] =	vst v10  }
0x33c: {  	v4 =	vld.idx.msk [tilespmem:v4+s4+$0x0], $0xffff  }
0x33d: {  	v5 =	vadd.s32 $0x1008, v3;
	[tilespmem:s29+$0x300] =	vst v6  }
0x33e: {  	[tilespmem:s29+$0xFFFFFF00] =	vst v7;
	v0 =	vld.idx.msk [tilespmem:v0+s4+$0x0], $0xffff  }
0x33f: {  	v1 =	vld.idx.msk [tilespmem:v1+s4+$0x0], $0xffff;
	[tilespmem:s29+$0x100] =	vst v8  }
0x340: {  	v2 =	vld.idx.msk [tilespmem:v2+s4+$0x0], $0xffff  }
0x341: {  	[tilespmem:s29+$0xFFFFFC80] =	vst v4  }
0x342: {  	v4 =	vld.idx.msk [tilespmem:v5+s4+$0x0], $0xffff  }
0x343: {  	v3 =	vadd.s32 $0x180C, v3;
	[tilespmem:s29+$0x380] =	vst v0  }
0x344: {  	[tilespmem:s29+$0xFFFFFF80] =	vst v1;
	v0 =	vld [tilespmem:s2+$0x90]  }
0x345: {  	v1 =	vld [tilespmem:s2+$0xFFFFFF90];
	[tilespmem:s29+$0x180] =	vst v2  }
0x346: {  	v2 =	vld [tilespmem:s2+$0x10]  }
0x347: {  	[tilespmem:s29+$0xFFFFFD00] =	vst v4  }
0x348: {  	v3 =	vld.idx.msk [tilespmem:v3+s4+$0x0], $0xffff  }
0x349: {  	vm0 =	vlt.s32 v0, $0x800  }
0x34a: {  	vm1 =	vlt.s32 v1, $0x800;
	v0 =	vnsel vm0, $0x800, v0  }
0x34b: {  	v1 =	vnsel vm1, $0x800, v1;
	vm0 =	vlt.s32 v2, $0x800  }
0x34c: {  	v2 =	vnsel vm0, $0x800, v2  }
0x34d: {  	[tilespmem:s29+$0xFFFFFD80] =	vst v3  }
0x34e: {  	v3 =	vld [tilespmem:s2+$0xFFFFFF10]  }
0x34f: {  	v4 =	vld.idx.msk [tilespmem:v0+s4+$0x0], $0xffff  }
0x350: {  	v6 =	vadd.s32 $0x804, v0;
	v5 =	vld.idx.msk [tilespmem:v1+s4+$0x0], $0xffff  }
0x351: {  	v7 =	vadd.s32 $0x804, v1;
	v8 =	vld.idx.msk [tilespmem:v2+s4+$0x0], $0xffff  }
0x352: {  	v9 =	vadd.s32 $0x804, v2  }
0x353: {  	vm0 =	vlt.s32 v3, $0x800  }
0x354: {  	v3 =	vnsel vm0, $0x800, v3;
	[tilespmem:s29+$0x210] =	vst v4  }
0x355: {  	[tilespmem:s29+$0xFFFFFE10] =	vst v5;
	v5 =	vld.idx.msk [tilespmem:v6+s4+$0x0], $0xffff  }
0x356: {  	v6 =	vld.idx.msk [tilespmem:v7+s4+$0x0], $0xffff;
	[tilespmem:s29+$0x10] =	vst v8;
	v7 =	vadd.s32 $0x1008, v0  }
0x357: {  	v8 =	vadd.s32 $0x1008, v1;
	v9 =	vld.idx.msk [tilespmem:v9+s4+$0x0], $0xffff  }
0x358: {  	v11 =	vadd.s32 $0x1008, v2  }
0x359: {  	v10 =	vld.idx.msk [tilespmem:v3+s4+$0x0], $0xffff  }
0x35a: {  	v4 =	vadd.s32 $0x804, v3;
	[tilespmem:s29+$0x290] =	vst v5  }
0x35b: {  	[tilespmem:s29+$0xFFFFFE90] =	vst v6;
	v6 =	vld.idx.msk [tilespmem:v7+s4+$0x0], $0xffff  }
0x35c: {  	v0 =	vadd.s32 $0x180C, v0;
	v7 =	vld.idx.msk [tilespmem:v8+s4+$0x0], $0xffff;
	[tilespmem:s29+$0x90] =	vst v9  }
0x35d: {  	v1 =	vadd.s32 $0x180C, v1;
	v8 =	vld.idx.msk [tilespmem:v11+s4+$0x0], $0xffff  }
0x35e: {  	v2 =	vadd.s32 $0x180C, v2;
	[tilespmem:s29+$0xFFFFFC10] =	vst v10  }
0x35f: {  	v4 =	vld.idx.msk [tilespmem:v4+s4+$0x0], $0xffff  }
0x360: {  	v5 =	vadd.s32 $0x1008, v3;
	[tilespmem:s29+$0x310] =	vst v6  }
0x361: {  	[tilespmem:s29+$0xFFFFFF10] =	vst v7;
	v0 =	vld.idx.msk [tilespmem:v0+s4+$0x0], $0xffff  }
0x362: {  	v1 =	vld.idx.msk [tilespmem:v1+s4+$0x0], $0xffff;
	[tilespmem:s29+$0x110] =	vst v8  }
0x363: {  	v2 =	vld.idx.msk [tilespmem:v2+s4+$0x0], $0xffff  }
0x364: {  	[tilespmem:s29+$0xFFFFFC90] =	vst v4  }
0x365: {  	v4 =	vld.idx.msk [tilespmem:v5+s4+$0x0], $0xffff  }
0x366: {  	v3 =	vadd.s32 $0x180C, v3;
	[tilespmem:s29+$0x390] =	vst v0  }
0x367: {  	[tilespmem:s29+$0xFFFFFF90] =	vst v1;
	v0 =	vld [tilespmem:s2+$0xA0]  }
0x368: {  	v1 =	vld [tilespmem:s2+$0xFFFFFFA0];
	[tilespmem:s29+$0x190] =	vst v2  }
0x369: {  	v2 =	vld [tilespmem:s2+$0x20]  }
0x36a: {  	[tilespmem:s29+$0xFFFFFD10] =	vst v4  }
0x36b: {  	v3 =	vld.idx.msk [tilespmem:v3+s4+$0x0], $0xffff  }
0x36c: {  	vm0 =	vlt.s32 v0, $0x800  }
0x36d: {  	vm1 =	vlt.s32 v1, $0x800;
	v0 =	vnsel vm0, $0x800, v0  }
0x36e: {  	v1 =	vnsel vm1, $0x800, v1;
	vm0 =	vlt.s32 v2, $0x800  }
0x36f: {  	v2 =	vnsel vm0, $0x800, v2  }
0x370: {  	[tilespmem:s29+$0xFFFFFD90] =	vst v3  }
0x371: {  	v3 =	vld [tilespmem:s2+$0xFFFFFF20]  }
0x372: {  	v4 =	vld.idx.msk [tilespmem:v0+s4+$0x0], $0xffff  }
0x373: {  	v6 =	vadd.s32 $0x804, v0;
	v5 =	vld.idx.msk [tilespmem:v1+s4+$0x0], $0xffff  }
0x374: {  	v7 =	vadd.s32 $0x804, v1;
	v8 =	vld.idx.msk [tilespmem:v2+s4+$0x0], $0xffff  }
0x375: {  	v9 =	vadd.s32 $0x804, v2  }
0x376: {  	vm0 =	vlt.s32 v3, $0x800  }
0x377: {  	v3 =	vnsel vm0, $0x800, v3;
	[tilespmem:s29+$0x220] =	vst v4  }
0x378: {  	[tilespmem:s29+$0xFFFFFE20] =	vst v5;
	v5 =	vld.idx.msk [tilespmem:v6+s4+$0x0], $0xffff  }
0x379: {  	v6 =	vld.idx.msk [tilespmem:v7+s4+$0x0], $0xffff;
	[tilespmem:s29+$0x20] =	vst v8;
	v7 =	vadd.s32 $0x1008, v0  }
0x37a: {  	v8 =	vadd.s32 $0x1008, v1;
	v9 =	vld.idx.msk [tilespmem:v9+s4+$0x0], $0xffff  }
0x37b: {  	v11 =	vadd.s32 $0x1008, v2  }
0x37c: {  	v10 =	vld.idx.msk [tilespmem:v3+s4+$0x0], $0xffff  }
0x37d: {  	v4 =	vadd.s32 $0x804, v3;
	[tilespmem:s29+$0x2A0] =	vst v5  }
0x37e: {  	[tilespmem:s29+$0xFFFFFEA0] =	vst v6;
	v6 =	vld.idx.msk [tilespmem:v7+s4+$0x0], $0xffff  }
0x37f: {  	v0 =	vadd.s32 $0x180C, v0;
	v7 =	vld.idx.msk [tilespmem:v8+s4+$0x0], $0xffff;
	[tilespmem:s29+$0xA0] =	vst v9  }
0x380: {  	v1 =	vadd.s32 $0x180C, v1;
	v8 =	vld.idx.msk [tilespmem:v11+s4+$0x0], $0xffff  }
0x381: {  	v2 =	vadd.s32 $0x180C, v2;
	[tilespmem:s29+$0xFFFFFC20] =	vst v10  }
0x382: {  	v4 =	vld.idx.msk [tilespmem:v4+s4+$0x0], $0xffff  }
0x383: {  	v5 =	vadd.s32 $0x1008, v3;
	[tilespmem:s29+$0x320] =	vst v6  }
0x384: {  	[tilespmem:s29+$0xFFFFFF20] =	vst v7;
	v0 =	vld.idx.msk [tilespmem:v0+s4+$0x0], $0xffff  }
0x385: {  	v1 =	vld.idx.msk [tilespmem:v1+s4+$0x0], $0xffff;
	[tilespmem:s29+$0x120] =	vst v8  }
0x386: {  	v2 =	vld.idx.msk [tilespmem:v2+s4+$0x0], $0xffff  }
0x387: {  	[tilespmem:s29+$0xFFFFFCA0] =	vst v4  }
0x388: {  	v4 =	vld.idx.msk [tilespmem:v5+s4+$0x0], $0xffff  }
0x389: {  	v3 =	vadd.s32 $0x180C, v3;
	[tilespmem:s29+$0x3A0] =	vst v0  }
0x38a: {  	[tilespmem:s29+$0xFFFFFFA0] =	vst v1;
	v0 =	vld [tilespmem:s2+$0xB0]  }
0x38b: {  	v1 =	vld [tilespmem:s2+$0xFFFFFFB0];
	[tilespmem:s29+$0x1A0] =	vst v2  }
0x38c: {  	v2 =	vld [tilespmem:s2+$0x30]  }
0x38d: {  	[tilespmem:s29+$0xFFFFFD20] =	vst v4  }
0x38e: {  	v3 =	vld.idx.msk [tilespmem:v3+s4+$0x0], $0xffff  }
0x38f: {  	vm0 =	vlt.s32 v0, $0x800  }
0x390: {  	vm1 =	vlt.s32 v1, $0x800;
	v0 =	vnsel vm0, $0x800, v0  }
0x391: {  	v1 =	vnsel vm1, $0x800, v1;
	vm0 =	vlt.s32 v2, $0x800  }
0x392: {  	v2 =	vnsel vm0, $0x800, v2  }
0x393: {  	[tilespmem:s29+$0xFFFFFDA0] =	vst v3  }
0x394: {  	v3 =	vld [tilespmem:s2+$0xFFFFFF30]  }
0x395: {  	v4 =	vld.idx.msk [tilespmem:v0+s4+$0x0], $0xffff  }
0x396: {  	v6 =	vadd.s32 $0x804, v0;
	v5 =	vld.idx.msk [tilespmem:v1+s4+$0x0], $0xffff  }
0x397: {  	v7 =	vadd.s32 $0x804, v1;
	v8 =	vld.idx.msk [tilespmem:v2+s4+$0x0], $0xffff  }
0x398: {  	v9 =	vadd.s32 $0x804, v2  }
0x399: {  	vm0 =	vlt.s32 v3, $0x800  }
0x39a: {  	v3 =	vnsel vm0, $0x800, v3;
	[tilespmem:s29+$0x230] =	vst v4  }
0x39b: {  	[tilespmem:s29+$0xFFFFFE30] =	vst v5;
	v5 =	vld.idx.msk [tilespmem:v6+s4+$0x0], $0xffff  }
0x39c: {  	v6 =	vld.idx.msk [tilespmem:v7+s4+$0x0], $0xffff;
	[tilespmem:s29+$0x30] =	vst v8;
	v7 =	vadd.s32 $0x1008, v0  }
0x39d: {  	v8 =	vadd.s32 $0x1008, v1;
	v9 =	vld.idx.msk [tilespmem:v9+s4+$0x0], $0xffff  }
0x39e: {  	v11 =	vadd.s32 $0x1008, v2  }
0x39f: {  	v10 =	vld.idx.msk [tilespmem:v3+s4+$0x0], $0xffff  }
0x3a0: {  	v4 =	vadd.s32 $0x804, v3;
	[tilespmem:s29+$0x2B0] =	vst v5  }
0x3a1: {  	[tilespmem:s29+$0xFFFFFEB0] =	vst v6;
	v6 =	vld.idx.msk [tilespmem:v7+s4+$0x0], $0xffff  }
0x3a2: {  	v0 =	vadd.s32 $0x180C, v0;
	v7 =	vld.idx.msk [tilespmem:v8+s4+$0x0], $0xffff;
	[tilespmem:s29+$0xB0] =	vst v9  }
0x3a3: {  	v1 =	vadd.s32 $0x180C, v1;
	v8 =	vld.idx.msk [tilespmem:v11+s4+$0x0], $0xffff  }
0x3a4: {  	v2 =	vadd.s32 $0x180C, v2;
	[tilespmem:s29+$0xFFFFFC30] =	vst v10  }
0x3a5: {  	v4 =	vld.idx.msk [tilespmem:v4+s4+$0x0], $0xffff  }
0x3a6: {  	v5 =	vadd.s32 $0x1008, v3;
	[tilespmem:s29+$0x330] =	vst v6  }
0x3a7: {  	[tilespmem:s29+$0xFFFFFF30] =	vst v7;
	v0 =	vld.idx.msk [tilespmem:v0+s4+$0x0], $0xffff  }
0x3a8: {  	v1 =	vld.idx.msk [tilespmem:v1+s4+$0x0], $0xffff;
	[tilespmem:s29+$0x130] =	vst v8  }
0x3a9: {  	v2 =	vld.idx.msk [tilespmem:v2+s4+$0x0], $0xffff  }
0x3aa: {  	[tilespmem:s29+$0xFFFFFCB0] =	vst v4  }
0x3ab: {  	s5 =	simm.s32 $0x3380;
	v4 =	vld.idx.msk [tilespmem:v5+s4+$0x0], $0xffff  }
0x3ac: {  	v3 =	vadd.s32 $0x180C, v3;
	v5 =	vld [tilespmem:s5+$0xFFFFFF80];
	[tilespmem:s29+$0x3B0] =	vst v0  }
0x3ad: {  	[tilespmem:s29+$0xFFFFFFB0] =	vst v1;
	v0 =	vld [tilespmem:s2+$0xC0]  }
0x3ae: {  	v1 =	vld [tilespmem:s2+$0xFFFFFFC0];
	[tilespmem:s29+$0x1B0] =	vst v2  }
0x3af: {  	v2 =	vld [tilespmem:s2+$0x40]  }
0x3b0: {  	[tilespmem:s29+$0xFFFFFD30] =	vst v4;
	v4 =	vld [tilespmem:s5+$0x80]  }
0x3b1: {  	v3 =	vld.idx.msk [tilespmem:v3+s4+$0x0], $0xffff  }
0x3b2: {  	v6 =	vld [tilespmem:s5+$0x0];
	vm0 =	vlt.s32 v0, $0x800  }
0x3b3: {  	v7 =	vld [tilespmem:s5+$0xFFFFFF00];
	vm1 =	vlt.s32 v1, $0x800;
	v0 =	vnsel vm0, $0x800, v0  }
0x3b4: {  	v1 =	vnsel vm1, $0x800, v1;
	vm0 =	vlt.s32 v2, $0x800  }
0x3b5: {  	vm1 =	vlt.s32 v5, $0x800;
	v2 =	vnsel vm0, $0x800, v2  }
0x3b6: {  	[tilespmem:s29+$0xFFFFFDB0] =	vst v3;
	vm0 =	vlt.s32 v4, $0x800;
	v5 =	vnsel vm1, $0x800, v5  }
0x3b7: {  	v3 =	vnsel vm0, $0x800, v4;
	v4 =	vld [tilespmem:s2+$0xFFFFFF40];
	vm0 =	vlt.s32 v6, $0x800  }
0x3b8: {  	v6 =	vnsel vm0, $0x800, v6;
	vm0 =	vlt.s32 v7, $0x800;
	v8 =	vld.idx.msk [tilespmem:v0+s4+$0x0], $0xffff  }
0x3b9: {  	v7 =	vnsel vm0, $0x800, v7;
	v9 =	vld.idx.msk [tilespmem:v1+s4+$0x0], $0xffff  }
0x3ba: {  	v10 =	vadd.s32 $0x804, v0;
	v11 =	vld.idx.msk [tilespmem:v2+s4+$0x0], $0xffff  }
0x3bb: {  	v42 =	vadd.s32 $0x804, v1;
	v45 =	vld.idx.msk [tilespmem:v5+s4+$0x0], $0xffff  }
0x3bc: {  	v44 =	vadd.s32 $0x804, v2;
	v43 =	vld.idx.msk [tilespmem:v3+s4+$0x0], $0xffff  }
0x3bd: {  	v47 =	vadd.s32 $0x804, v3;
	v46 =	vld.idx.msk [tilespmem:v6+s4+$0x0], $0xffff;
	[tilespmem:s29+$0x240] =	vst v8  }
0x3be: {  	v18 =	vadd.s32 $0x804, v6;
	[tilespmem:s29+$0xFFFFFE40] =	vst v9;
	v9 =	vld.idx.msk [tilespmem:v7+s4+$0x0], $0xffff  }
0x3bf: {  	v8 =	vadd.s32 $0x804, v5;
	v10 =	vld.idx.msk [tilespmem:v10+s4+$0x0], $0xffff  }
0x3c0: {  	s30 =	simm.s32 $0x8C80;
	v19 =	vadd.s32 $0x804, v7;
	vm0 =	vlt.s32 v4, $0x800;
	[tilespmem:s29+$0x40] =	vst v11;
	v11 =	vld.idx.msk [tilespmem:v42+s4+$0x0], $0xffff  }
0x3c1: {  	v4 =	vnsel vm0, $0x800, v4;
	[tilespmem:s30+$0x200] =	vst v43;
	v49 =	vld.idx.msk [tilespmem:v44+s4+$0x0], $0xffff  }
0x3c2: {  	v48 =	vadd.s32 $0x1008, v0;
	v50 =	vld.idx.msk [tilespmem:v47+s4+$0x0], $0xffff;
	[tilespmem:s30+$0x0] =	vst v46  }
0x3c3: {  	v51 =	vadd.s32 $0x1008, v1;
	[tilespmem:s30+$0xFFFFFE00] =	vst v45;
	v16 =	vld.idx.msk [tilespmem:v18+s4+$0x0], $0xffff  }
0x3c4: {  	v52 =	vadd.s32 $0x1008, v3;
	v8 =	vld.idx.msk [tilespmem:v8+s4+$0x0], $0xffff;
	[tilespmem:s30+$0xFFFFFC00] =	vst v9  }
0x3c5: {  	v53 =	vadd.s32 $0x1008, v6;
	[tilespmem:s29+$0x2C0] =	vst v10;
	v54 =	vld.idx.msk [tilespmem:v19+s4+$0x0], $0xffff  }
0x3c6: {  	v10 =	vadd.s32 $0x1008, v5;
	[tilespmem:s29+$0xFFFFFEC0] =	vst v11;
	v11 =	vld.idx.msk [tilespmem:v4+s4+$0x0], $0xffff  }
0x3c7: {  	v55 =	vadd.s32 $0x1008, v7;
	v9 =	vld.idx.msk [tilespmem:v48+s4+$0x0], $0xffff;
	[tilespmem:s30+$0x280] =	vst v50  }
0x3c8: {  	v57 =	vadd.s32 $0x804, v4;
	v56 =	vld.idx.msk [tilespmem:v51+s4+$0x0], $0xffff;
	[tilespmem:s30+$0x80] =	vst v16  }
0x3c9: {  	v0 =	vadd.s32 $0x180C, v0;
	[tilespmem:s30+$0xFFFFFE80] =	vst v8;
	v8 =	vld.idx.msk [tilespmem:v52+s4+$0x0], $0xffff  }
0x3ca: {  	v58 =	vadd.s32 $0x1008, v2;
	v12 =	vld.idx.msk [tilespmem:v53+s4+$0x0], $0xffff;
	[tilespmem:s30+$0xFFFFFC80] =	vst v54  }
0x3cb: {  	v3 =	vadd.s32 $0x180C, v3;
	v10 =	vld.idx.msk [tilespmem:v10+s4+$0x0], $0xffff;
	[tilespmem:s29+$0xFFFFFC40] =	vst v11  }
0x3cc: {  	v5 =	vadd.s32 $0x180C, v5;
	[tilespmem:s29+$0x340] =	vst v9;
	v9 =	vld.idx.msk [tilespmem:v55+s4+$0x0], $0xffff  }
0x3cd: {  	v6 =	vadd.s32 $0x180C, v6;
	[tilespmem:s29+$0xC0] =	vst v49;
	v11 =	vld.idx.msk [tilespmem:v57+s4+$0x0], $0xffff  }
0x3ce: {  	v1 =	vadd.s32 $0x180C, v1;
	[tilespmem:s29+$0xFFFFFF40] =	vst v56;
	v0 =	vld.idx.msk [tilespmem:v0+s4+$0x0], $0xffff  }
0x3cf: {  	v7 =	vadd.s32 $0x180C, v7;
	[tilespmem:s30+$0x300] =	vst v8;
	v8 =	vld.idx.msk [tilespmem:v58+s4+$0x0], $0xffff  }
0x3d0: {  	[tilespmem:s30+$0xFFFFFF00] =	vst v10;
	v3 =	vld.idx.msk [tilespmem:v3+s4+$0x0], $0xffff  }
0x3d1: {  	[tilespmem:s30+$0x100] =	vst v12;
	v10 =	vadd.s32 $0x1008, v4;
	v5 =	vld.idx.msk [tilespmem:v5+s4+$0x0], $0xffff  }
0x3d2: {  	v6 =	vld.idx.msk [tilespmem:v6+s4+$0x0], $0xffff  }
0x3d3: {  	v2 =	vadd.s32 $0x180C, v2;
	[tilespmem:s30+$0xFFFFFD00] =	vst v9;
	v1 =	vld.idx.msk [tilespmem:v1+s4+$0x0], $0xffff  }
0x3d4: {  	[tilespmem:s29+$0x3C0] =	vst v0;
	v7 =	vld.idx.msk [tilespmem:v7+s4+$0x0], $0xffff  }
0x3d5: {  	[tilespmem:s29+$0xFFFFFCC0] =	vst v11;
	v0 =	vld [tilespmem:s2+$0xD0]  }
0x3d6: {  	v9 =	vld.idx.msk [tilespmem:v10+s4+$0x0], $0xffff;
	[tilespmem:s30+$0x380] =	vst v3  }
0x3d7: {  	[tilespmem:s29+$0x140] =	vst v8;
	v3 =	vld [tilespmem:s5+$0x90]  }
0x3d8: {  	v4 =	vadd.s32 $0x180C, v4;
	v2 =	vld.idx.msk [tilespmem:v2+s4+$0x0], $0xffff;
	[tilespmem:s30+$0xFFFFFF80] =	vst v5  }
0x3d9: {  	[tilespmem:s30+$0x180] =	vst v6;
	v5 =	vld [tilespmem:s5+$0xFFFFFF90]  }
0x3da: {  	v6 =	vld [tilespmem:s5+$0x10];
	[tilespmem:s30+$0xFFFFFD80] =	vst v7  }
0x3db: {  	[tilespmem:s29+$0xFFFFFFC0] =	vst v1;
	vm0 =	vlt.s32 v0, $0x800;
	v7 =	vld [tilespmem:s5+$0xFFFFFF10]  }
0x3dc: {  	v8 =	vld [tilespmem:s2+$0xFFFFFFD0];
	v0 =	vnsel vm0, $0x800, v0;
	[tilespmem:s29+$0xFFFFFD40] =	vst v9;
	vm0 =	vlt.s32 v3, $0x800  }
0x3dd: {  	v4 =	vld.idx.msk [tilespmem:v4+s4+$0x0], $0xffff;
	v3 =	vnsel vm0, $0x800, v3  }
0x3de: {  	vm1 =	vlt.s32 v5, $0x800  }
0x3df: {  	[tilespmem:s29+$0x1C0] =	vst v2;
	vm0 =	vlt.s32 v6, $0x800;
	v5 =	vnsel vm1, $0x800, v5  }
0x3e0: {  	v9 =	vld [tilespmem:s2+$0x50];
	v6 =	vnsel vm0, $0x800, v6;
	vm0 =	vlt.s32 v7, $0x800  }
0x3e1: {  	v1 =	vld.idx.msk [tilespmem:v0+s4+$0x0], $0xffff;
	v7 =	vnsel vm0, $0x800, v7  }
0x3e2: {  	v2 =	vadd.s32 $0x804, v0;
	vm0 =	vlt.s32 v8, $0x800;
	[tilespmem:s29+$0xFFFFFDC0] =	vst v4;
	v10 =	vld.idx.msk [tilespmem:v3+s4+$0x0], $0xffff  }
0x3e3: {  	v8 =	vnsel vm0, $0x800, v8;
	v20 =	vld [tilespmem:s2+$0xFFFFFF50]  }
0x3e4: {  	v59 =	vadd.s32 $0x804, v3;
	v11 =	vld.idx.msk [tilespmem:v5+s4+$0x0], $0xffff  }
0x3e5: {  	v60 =	vadd.s32 $0x804, v5;
	v61 =	vld.idx.msk [tilespmem:v6+s4+$0x0], $0xffff  }
0x3e6: {  	[tilespmem:s29+$0x250] =	vst v1;
	v1 =	vadd.s32 $0x804, v6;
	v4 =	vld.idx.msk [tilespmem:v7+s4+$0x0], $0xffff  }
0x3e7: {  	v63 =	vadd.s32 $0x804, v7;
	v2 =	vld.idx.msk [tilespmem:v2+s4+$0x0], $0xffff  }
0x3e8: {  	v62 =	vadd.s32 $0x1008, v0;
	vm0 =	vlt.s32 v9, $0x800;
	v24 =	vld.idx.msk [tilespmem:v8+s4+$0x0], $0xffff;
	[tilespmem:s30+$0x210] =	vst v10  }
0x3e9: {  	v9 =	vnsel vm0, $0x800, v9;
	vm0 =	vlt.s32 v20, $0x800;
	[tilespmem:s30+$0xFFFFFE10] =	vst v11;
	v10 =	vld.idx.msk [tilespmem:v59+s4+$0x0], $0xffff  }
0x3ea: {  	[tilespmem:s30+$0x10] =	vst v61;
	v17 =	vnsel vm0, $0x800, v20;
	v11 =	vld.idx.msk [tilespmem:v60+s4+$0x0], $0xffff  }
0x3eb: {  	v21 =	vadd.s32 $0x1008, v3;
	v1 =	vld.idx.msk [tilespmem:v1+s4+$0x0], $0xffff;
	[tilespmem:s30+$0xFFFFFC10] =	vst v4  }
0x3ec: {  	[tilespmem:s29+$0x2D0] =	vst v2;
	v2 =	vadd.s32 $0x1008, v5;
	v23 =	vld.idx.msk [tilespmem:v63+s4+$0x0], $0xffff  }
0x3ed: {  	v22 =	vadd.s32 $0x1008, v6;
	v4 =	vld.idx.msk [tilespmem:v62+s4+$0x0], $0xffff  }
0x3ee: {  	v25 =	vadd.s32 $0x1008, v7;
	[tilespmem:s30+$0x290] =	vst v10;
	v10 =	vld.idx.msk [tilespmem:v9+s4+$0x0], $0xffff  }
0x3ef: {  	v0 =	vadd.s32 $0x180C, v0;
	v27 =	vld.idx.msk [tilespmem:v17+s4+$0x0], $0xffff;
	[tilespmem:s30+$0xFFFFFE90] =	vst v11  }
0x3f0: {  	v26 =	vadd.s32 $0x804, v8;
	v11 =	vld.idx.msk [tilespmem:v21+s4+$0x0], $0xffff;
	[tilespmem:s30+$0x90] =	vst v1  }
0x3f1: {  	v3 =	vadd.s32 $0x180C, v3;
	v2 =	vld.idx.msk [tilespmem:v2+s4+$0x0], $0xffff;
	[tilespmem:s30+$0xFFFFFC90] =	vst v23  }
0x3f2: {  	v1 =	vld.idx.msk [tilespmem:v22+s4+$0x0], $0xffff;
	[tilespmem:s29+$0x350] =	vst v4;
	v4 =	vadd.s32 $0x180C, v5  }
0x3f3: {  	v5 =	vadd.s32 $0x180C, v6;
	v6 =	vld.idx.msk [tilespmem:v25+s4+$0x0], $0xffff  }
0x3f4: {  	v7 =	vadd.s32 $0x180C, v7;
	[tilespmem:s29+$0xFFFFFE50] =	vst v24;
	v0 =	vld.idx.msk [tilespmem:v0+s4+$0x0], $0xffff  }
0x3f5: {  	v28 =	vadd.s32 $0x804, v17;
	[tilespmem:s30+$0x310] =	vst v11;
	v11 =	vld.idx.msk [tilespmem:v26+s4+$0x0], $0xffff  }
0x3f6: {  	[tilespmem:s30+$0xFFFFFF10] =	vst v2;
	v2 =	vld.idx.msk [tilespmem:v3+s4+$0x0], $0xffff  }
0x3f7: {  	v3 =	vadd.s32 $0x804, v9;
	[tilespmem:s30+$0x110] =	vst v1;
	v4 =	vld.idx.msk [tilespmem:v4+s4+$0x0], $0xffff  }
0x3f8: {  	v1 =	vld.idx.msk [tilespmem:v5+s4+$0x0], $0xffff;
	[tilespmem:s30+$0xFFFFFD10] =	vst v6  }
0x3f9: {  	[tilespmem:s29+$0xFFFFFC50] =	vst v27;
	v5 =	vld.idx.msk [tilespmem:v7+s4+$0x0], $0xffff  }
0x3fa: {  	[tilespmem:s29+$0x3D0] =	vst v0;
	v7 =	vld.idx.msk [tilespmem:v28+s4+$0x0], $0xffff  }
0x3fb: {  	[tilespmem:s29+$0x50] =	vst v10;
	v6 =	vadd.s32 $0x1008, v8;
	v0 =	vld [tilespmem:s2+$0xE0]  }
0x3fc: {  	[tilespmem:s30+$0x390] =	vst v2;
	v2 =	vld.idx.msk [tilespmem:v3+s4+$0x0], $0xffff  }
0x3fd: {  	[tilespmem:s30+$0xFFFFFF90] =	vst v4;
	v3 =	vld [tilespmem:s5+$0xA0]  }
0x3fe: {  	[tilespmem:s30+$0x190] =	vst v1;
	v4 =	vld [tilespmem:s5+$0xFFFFFFA0]  }
0x3ff: {  	[tilespmem:s29+$0xFFFFFED0] =	vst v11;
	v1 =	vadd.s32 $0x1008, v17;
	v10 =	vld [tilespmem:s5+$0x20]  }
0x400: {  	[tilespmem:s30+$0xFFFFFD90] =	vst v5;
	v5 =	vld.idx.msk [tilespmem:v6+s4+$0x0], $0xffff;
	v6 =	vadd.s32 $0x1008, v9  }
0x401: {  	v8 =	vadd.s32 $0x180C, v8;
	vm0 =	vlt.s32 v0, $0x800;
	v11 =	vld [tilespmem:s5+$0xFFFFFF20]  }
0x402: {  	v0 =	vnsel vm0, $0x800, v0;
	vm0 =	vlt.s32 v3, $0x800  }
0x403: {  	[tilespmem:s29+$0xFFFFFCD0] =	vst v7;
	vm1 =	vlt.s32 v4, $0x800;
	v3 =	vnsel vm0, $0x800, v3  }
0x404: {  	[tilespmem:s29+$0xD0] =	vst v2;
	v1 =	vld.idx.msk [tilespmem:v1+s4+$0x0], $0xffff;
	vm0 =	vlt.s32 v10, $0x800;
	v4 =	vnsel vm1, $0x800, v4  }
0x405: {  	v6 =	vld.idx.msk [tilespmem:v6+s4+$0x0], $0xffff;
	[tilespmem:s29+$0xFFFFFF50] =	vst v5;
	v7 =	vnsel vm0, $0x800, v10  }
0x406: {  	v9 =	vadd.s32 $0x180C, v9;
	vm0 =	vlt.s32 v11, $0x800;
	v8 =	vld.idx.msk [tilespmem:v8+s4+$0x0], $0xffff  }
0x407: {  	v2 =	vld.idx.msk [tilespmem:v0+s4+$0x0], $0xffff;
	v10 =	vnsel vm0, $0x800, v11  }
0x408: {  	v5 =	vadd.s32 $0x804, v0;
	v29 =	vld.idx.msk [tilespmem:v3+s4+$0x0], $0xffff  }
0x409: {  	v11 =	vadd.s32 $0x180C, v17;
	v30 =	vld.idx.msk [tilespmem:v4+s4+$0x0], $0xffff  }
0x40a: {  	[tilespmem:s29+$0x150] =	vst v6;
	v31 =	vld.idx.msk [tilespmem:v7+s4+$0x0], $0xffff  }
0x40b: {  	v32 =	vadd.s32 $0x804, v3;
	[tilespmem:s29+$0xFFFFFD50] =	vst v1;
	v9 =	vld.idx.msk [tilespmem:v9+s4+$0x0], $0xffff  }
0x40c: {  	[tilespmem:s29+$0x260] =	vst v2;
	v2 =	vadd.s32 $0x804, v4;
	v1 =	vld.idx.msk [tilespmem:v10+s4+$0x0], $0xffff  }
0x40d: {  	v33 =	vadd.s32 $0x804, v7;
	v5 =	vld.idx.msk [tilespmem:v5+s4+$0x0], $0xffff  }
0x40e: {  	[tilespmem:s29+$0xFFFFFFD0] =	vst v8;
	v6 =	vld.idx.msk [tilespmem:v11+s4+$0x0], $0xffff;
	v11 =	vadd.s32 $0x1008, v0  }
0x40f: {  	v34 =	vadd.s32 $0x804, v10;
	v38 =	vld [tilespmem:s2+$0xFFFFFFE0];
	[tilespmem:s30+$0x220] =	vst v29  }
0x410: {  	[tilespmem:s30+$0xFFFFFE20] =	vst v30;
	v12 =	vld.idx.msk [tilespmem:v32+s4+$0x0], $0xffff  }
0x411: {  	v36 =	vadd.s32 $0x1008, v3;
	[tilespmem:s30+$0x20] =	vst v31;
	v2 =	vld.idx.msk [tilespmem:v2+s4+$0x0], $0xffff  }
0x412: {  	v35 =	vld.idx.msk [tilespmem:v33+s4+$0x0], $0xffff;
	[tilespmem:s29+$0x2E0] =	vst v5;
	v5 =	vadd.s32 $0x1008, v4  }
0x413: {  	[tilespmem:s30+$0xFFFFFC20] =	vst v1;
	v1 =	vld.idx.msk [tilespmem:v11+s4+$0x0], $0xffff;
	v11 =	vadd.s32 $0x1008, v7  }
0x414: {  	v0 =	vadd.s32 $0x180C, v0;
	[tilespmem:s29+$0xFFFFFDD0] =	vst v6;
	v37 =	vld.idx.msk [tilespmem:v34+s4+$0x0], $0xffff  }
0x415: {  	v8 =	vadd.s32 $0x1008, v10;
	v6 =	vld [tilespmem:s2+$0xFFFFFF60];
	[tilespmem:s30+$0x2A0] =	vst v12  }
0x416: {  	[tilespmem:s30+$0xFFFFFEA0] =	vst v2;
	v2 =	vld.idx.msk [tilespmem:v36+s4+$0x0], $0xffff  }
0x417: {  	v3 =	vadd.s32 $0x180C, v3;
	[tilespmem:s30+$0xA0] =	vst v35;
	v5 =	vld.idx.msk [tilespmem:v5+s4+$0x0], $0xffff  }
0x418: {  	v4 =	vadd.s32 $0x180C, v4;
	v11 =	vld.idx.msk [tilespmem:v11+s4+$0x0], $0xffff;
	[tilespmem:s29+$0x360] =	vst v1  }
0x419: {  	[tilespmem:s30+$0xFFFFFCA0] =	vst v37;
	v1 =	vadd.s32 $0x180C, v7;
	v0 =	vld.idx.msk [tilespmem:v0+s4+$0x0], $0xffff  }
0x41a: {  	[tilespmem:s29+$0x1D0] =	vst v9;
	v7 =	vld.idx.msk [tilespmem:v8+s4+$0x0], $0xffff  }
0x41b: {  	v9 =	vld [tilespmem:s2+$0x60];
	vm0 =	vlt.s32 v6, $0x800;
	v8 =	vadd.s32 $0x180C, v10;
	[tilespmem:s30+$0x320] =	vst v2  }
0x41c: {  	v2 =	vnsel vm0, $0x800, v6;
	[tilespmem:s30+$0xFFFFFF20] =	vst v5;
	v3 =	vld.idx.msk [tilespmem:v3+s4+$0x0], $0xffff  }
0x41d: {  	v4 =	vld.idx.msk [tilespmem:v4+s4+$0x0], $0xffff;
	[tilespmem:s30+$0x120] =	vst v11  }
0x41e: {  	v1 =	vld.idx.msk [tilespmem:v1+s4+$0x0], $0xffff;
	[tilespmem:s29+$0x3E0] =	vst v0  }
0x41f: {  	vm0 =	vlt.s32 v38, $0x800;
	[tilespmem:s30+$0xFFFFFD20] =	vst v7;
	v0 =	vld [tilespmem:s2+$0xF0]  }
0x420: {  	v5 =	vnsel vm0, $0x800, v38;
	vm0 =	vlt.s32 v9, $0x800;
	v6 =	vld.idx.msk [tilespmem:v8+s4+$0x0], $0xffff  }
0x421: {  	v7 =	vnsel vm0, $0x800, v9;
	v8 =	vld.idx.msk [tilespmem:v2+s4+$0x0], $0xffff;
	[tilespmem:s30+$0x3A0] =	vst v3  }
0x422: {  	[tilespmem:s30+$0xFFFFFFA0] =	vst v4;
	v4 =	vld [tilespmem:s5+$0xB0]  }
0x423: {  	v9 =	vld [tilespmem:s5+$0xFFFFFFB0];
	[tilespmem:s30+$0x1A0] =	vst v1  }
0x424: {  	v1 =	vadd.s32 $0x804, v2;
	vm0 =	vlt.s32 v0, $0x800;
	v10 =	vld [tilespmem:s5+$0x30]  }
0x425: {  	v3 =	vld.idx.msk [tilespmem:v5+s4+$0x0], $0xffff;
	v0 =	vnsel vm0, $0x800, v0  }
0x426: {  	v11 =	vadd.s32 $0x804, v5;
	[tilespmem:s30+$0xFFFFFDA0] =	vst v6;
	v6 =	vld.idx.msk [tilespmem:v7+s4+$0x0], $0xffff  }
0x427: {  	v40 =	vadd.s32 $0x804, v7;
	v39 =	vld [tilespmem:s5+$0xFFFFFF30];
	vm0 =	vlt.s32 v4, $0x800  }
0x428: {  	[tilespmem:s29+$0xFFFFFC60] =	vst v8;
	vm1 =	vlt.s32 v9, $0x800;
	v4 =	vnsel vm0, $0x800, v4  }
0x429: {  	v1 =	vld.idx.msk [tilespmem:v1+s4+$0x0], $0xffff;
	v8 =	vnsel vm1, $0x800, v9;
	vm0 =	vlt.s32 v10, $0x800  }
0x42a: {  	[tilespmem:s29+$0xFFFFFE60] =	vst v3;
	v3 =	vld.idx.msk [tilespmem:v0+s4+$0x0], $0xffff;
	v9 =	vnsel vm0, $0x800, v10  }
0x42b: {  	v42 =	vadd.s32 $0x1008, v2;
	[tilespmem:s29+$0x60] =	vst v6;
	v10 =	vld.idx.msk [tilespmem:v11+s4+$0x0], $0xffff  }
0x42c: {  	v6 =	vadd.s32 $0x804, v0;
	v41 =	vld.idx.msk [tilespmem:v40+s4+$0x0], $0xffff;
	vm0 =	vlt.s32 v39, $0x800  }
0x42d: {  	v11 =	vnsel vm0, $0x800, v39;
	v43 =	vld.idx.msk [tilespmem:v4+s4+$0x0], $0xffff  }
0x42e: {  	v44 =	vadd.s32 $0x1008, v5;
	[tilespmem:s29+$0xFFFFFCE0] =	vst v1;
	v45 =	vld.idx.msk [tilespmem:v8+s4+$0x0], $0xffff  }
0x42f: {  	v47 =	vadd.s32 $0x804, v4;
	v46 =	vld.idx.msk [tilespmem:v9+s4+$0x0], $0xffff;
	[tilespmem:s29+$0x270] =	vst v3  }
0x430: {  	v3 =	vadd.s32 $0x804, v8;
	[tilespmem:s29+$0xFFFFFEE0] =	vst v10;
	v10 =	vld.idx.msk [tilespmem:v42+s4+$0x0], $0xffff  }
0x431: {  	v51 =	vadd.s32 $0x1008, v7;
	v6 =	vld.idx.msk [tilespmem:v6+s4+$0x0], $0xffff  }
0x432: {  	v48 =	vadd.s32 $0x804, v9;
	[tilespmem:s29+$0xE0] =	vst v41;
	v1 =	vld.idx.msk [tilespmem:v11+s4+$0x0], $0xffff  }
0x433: {  	v2 =	vadd.s32 $0x180C, v2;
	v50 =	vld.idx.msk [tilespmem:v44+s4+$0x0], $0xffff;
	[tilespmem:s30+$0x230] =	vst v43  }
0x434: {  	v49 =	vadd.s32 $0x1008, v0;
	[tilespmem:s30+$0xFFFFFE30] =	vst v45;
	v52 =	vld.idx.msk [tilespmem:v47+s4+$0x0], $0xffff  }
0x435: {  	v20 =	vadd.s32 $0x804, v11;
	v3 =	vld.idx.msk [tilespmem:v3+s4+$0x0], $0xffff;
	[tilespmem:s30+$0x30] =	vst v46  }
0x436: {  	v5 =	vadd.s32 $0x180C, v5;
	[tilespmem:s29+$0xFFFFFD60] =	vst v10;
	v10 =	vld.idx.msk [tilespmem:v51+s4+$0x0], $0xffff  }
0x437: {  	v53 =	vadd.s32 $0x1008, v4;
	v17 =	vld.idx.msk [tilespmem:v48+s4+$0x0], $0xffff;
	[tilespmem:s29+$0x2F0] =	vst v6  }
0x438: {  	v6 =	vadd.s32 $0x1008, v8;
	[tilespmem:s30+$0xFFFFFC30] =	vst v1;
	v2 =	vld.idx.msk [tilespmem:v2+s4+$0x0], $0xffff  }
0x439: {  	v54 =	vadd.s32 $0x1008, v9;
	[tilespmem:s29+$0xFFFFFF60] =	vst v50;
	v1 =	vld.idx.msk [tilespmem:v49+s4+$0x0], $0xffff  }
0x43a: {  	v0 =	vadd.s32 $0x180C, v0;
	v55 =	vld.idx.msk [tilespmem:v20+s4+$0x0], $0xffff;
	[tilespmem:s30+$0x2B0] =	vst v52  }
0x43b: {  	v5 =	vld.idx.msk [tilespmem:v5+s4+$0x0], $0xffff;
	[tilespmem:s30+$0xFFFFFEB0] =	vst v3  }
0x43c: {  	v56 =	vadd.s32 $0x1008, v11;
	v3 =	vld.idx.msk [tilespmem:v53+s4+$0x0], $0xffff;
	[tilespmem:s29+$0x160] =	vst v10  }
0x43d: {  	v4 =	vadd.s32 $0x180C, v4;
	v6 =	vld.idx.msk [tilespmem:v6+s4+$0x0], $0xffff;
	[tilespmem:s30+$0xB0] =	vst v17  }
0x43e: {  	v8 =	vadd.s32 $0x180C, v8;
	v13 =	vld.idx.msk [tilespmem:v54+s4+$0x0], $0xffff;
	[tilespmem:s29+$0x370] =	vst v1  }
0x43f: {  	[tilespmem:s29+$0xFFFFFDE0] =	vst v2;
	v1 =	vld.idx.msk [tilespmem:v0+s4+$0x0], $0xffff;
	v0 =	vadd.s32 $0x180C, v9  }
0x440: {  	v7 =	vadd.s32 $0x180C, v7;
	[tilespmem:s30+$0xFFFFFCB0] =	vst v55;
	v2 =	vld [tilespmem:s2+$0xFFFFFF70]  }
0x441: {  	v9 =	vld.idx.msk [tilespmem:v56+s4+$0x0], $0xffff;
	[tilespmem:s30+$0x330] =	vst v3  }
0x442: {  	v10 =	vadd.s32 $0x180C, v11;
	[tilespmem:s30+$0xFFFFFF30] =	vst v6;
	v4 =	vld.idx.msk [tilespmem:v4+s4+$0x0], $0xffff  }
0x443: {  	v6 =	vld.idx.msk [tilespmem:v8+s4+$0x0], $0xffff;
	[tilespmem:s30+$0x130] =	vst v13  }
0x444: {  	v0 =	vld.idx.msk [tilespmem:v0+s4+$0x0], $0xffff  }
0x445: {  	[tilespmem:s29+$0xFFFFFFE0] =	vst v5;
	v3 =	vld.idx.msk [tilespmem:v7+s4+$0x0], $0xffff  }
0x446: {  	v5 =	vld [tilespmem:s2+$0xFFFFFFF0];
	[tilespmem:s30+$0xFFFFFD30] =	vst v9  }
0x447: {  	v7 =	vld.idx.msk [tilespmem:v10+s4+$0x0], $0xffff;
	[tilespmem:s30+$0x3B0] =	vst v4  }
0x448: {  	[tilespmem:s30+$0xFFFFFFB0] =	vst v6;
	v4 =	vld [tilespmem:s5+$0xC0]  }
0x449: {  	v6 =	vld [tilespmem:s5+$0xFFFFFFC0];
	[tilespmem:s30+$0x1B0] =	vst v0  }
0x44a: {  	vm0 =	vlt.s32 v2, $0x800;
	[tilespmem:s29+$0x1E0] =	vst v3;
	v0 =	vld [tilespmem:s5+$0x40]  }
0x44b: {  	s0 =	simm.s32 $0x3580;
	v2 =	vnsel vm0, $0x800, v2;
	vm0 =	vlt.s32 v5, $0x800;
	v8 =	vld [tilespmem:s2+$0x70]  }
0x44c: {  	v9 =	vld [tilespmem:s0+$0x80];
	v3 =	vnsel vm0, $0x800, v5  }
0x44d: {  	v5 =	vld [tilespmem:s0+$0xFFFFFF80];
	vm0 =	vlt.s32 v4, $0x800  }
0x44e: {  	v10 =	vld [tilespmem:s0+$0x0];
	vm1 =	vlt.s32 v6, $0x800;
	v4 =	vnsel vm0, $0x800, v4  }
0x44f: {  	[tilespmem:s30+$0xFFFFFDB0] =	vst v7;
	v7 =	vld [tilespmem:s0+$0xFFFFFF00];
	v6 =	vnsel vm1, $0x800, v6;
	vm0 =	vlt.s32 v0, $0x800  }
0x450: {  	v11 =	vld [tilespmem:s5+$0xFFFFFF40];
	vm1 =	vlt.s32 v8, $0x800;
	v57 =	vnsel vm0, $0x800, v0  }
0x451: {  	v58 =	vld.idx.msk [tilespmem:v3+s4+$0x0], $0xffff;
	v0 =	vnsel vm1, $0x800, v8;
	vm0 =	vlt.s32 v9, $0x800  }
0x452: {  	v8 =	vld.idx.msk [tilespmem:v2+s4+$0x0], $0xffff;
	vm1 =	vlt.s32 v5, $0x800;
	v9 =	vnsel vm0, $0x800, v9  }
0x453: {  	v5 =	vnsel vm1, $0x800, v5;
	vm0 =	vlt.s32 v10, $0x800;
	v59 =	vld.idx.msk [tilespmem:v4+s4+$0x0], $0xffff  }
0x454: {  	v10 =	vnsel vm0, $0x800, v10;
	vm0 =	vlt.s32 v7, $0x800;
	v60 =	vld.idx.msk [tilespmem:v6+s4+$0x0], $0xffff  }
0x455: {  	v7 =	vnsel vm0, $0x800, v7;
	v61 =	vld.idx.msk [tilespmem:v57+s4+$0x0], $0xffff  }
0x456: {  	v62 =	vadd.s32 $0x804, v4;
	vm0 =	vlt.s32 v11, $0x800;
	v18 =	vld.idx.msk [tilespmem:v0+s4+$0x0], $0xffff  }
0x457: {  	v11 =	vnsel vm0, $0x800, v11;
	v28 =	vld.idx.msk [tilespmem:v9+s4+$0x0], $0xffff  }
0x458: {  	v63 =	vadd.s32 $0x804, v6;
	v22 =	vld.idx.msk [tilespmem:v5+s4+$0x0], $0xffff  }
0x459: {  	v21 =	vadd.s32 $0x804, v57;
	v23 =	vld.idx.msk [tilespmem:v10+s4+$0x0], $0xffff  }
0x45a: {  	v24 =	vadd.s32 $0x804, v9;
	[tilespmem:s30+$0x240] =	vst v59;
	v30 =	vld.idx.msk [tilespmem:v7+s4+$0x0], $0xffff  }
0x45b: {  	v29 =	vadd.s32 $0x804, v5;
	v17 =	vld.idx.msk [tilespmem:v62+s4+$0x0], $0xffff;
	[tilespmem:s30+$0xFFFFFE40] =	vst v60  }
0x45c: {  	s31 =	simm.s32 $0x9480;
	v25 =	vadd.s32 $0x804, v10;
	v41 =	vld.idx.msk [tilespmem:v11+s4+$0x0], $0xffff;
	[tilespmem:s30+$0x40] =	vst v61  }
0x45d: {  	v26 =	vadd.s32 $0x804, v7;
	v31 =	vld.idx.msk [tilespmem:v63+s4+$0x0], $0xffff;
	[tilespmem:s31+$0x200] =	vst v28  }
0x45e: {  	v32 =	vadd.s32 $0x1008, v4;
	v33 =	vld.idx.msk [tilespmem:v21+s4+$0x0], $0xffff;
	[tilespmem:s31+$0xFFFFFE00] =	vst v22  }
0x45f: {  	v44 =	vadd.s32 $0x804, v11;
	v34 =	vld.idx.msk [tilespmem:v24+s4+$0x0], $0xffff;
	[tilespmem:s31+$0x0] =	vst v23  }
0x460: {  	v35 =	vadd.s32 $0x1008, v6;
	v14 =	vld.idx.msk [tilespmem:v29+s4+$0x0], $0xffff;
	[tilespmem:s31+$0xFFFFFC00] =	vst v30  }
0x461: {  	v46 =	vadd.s32 $0x1008, v57;
	v23 =	vld.idx.msk [tilespmem:v25+s4+$0x0], $0xffff;
	[tilespmem:s30+$0x2C0] =	vst v17  }
0x462: {  	v36 =	vadd.s32 $0x1008, v9;
	v40 =	vld.idx.msk [tilespmem:v26+s4+$0x0], $0xffff;
	[tilespmem:s30+$0xFFFFFC40] =	vst v41  }
0x463: {  	v37 =	vadd.s32 $0x1008, v5;
	v38 =	vld.idx.msk [tilespmem:v32+s4+$0x0], $0xffff;
	[tilespmem:s30+$0xFFFFFEC0] =	vst v31  }
0x464: {  	v39 =	vadd.s32 $0x1008, v10;
	v16 =	vld.idx.msk [tilespmem:v44+s4+$0x0], $0xffff;
	[tilespmem:s30+$0xC0] =	vst v33  }
0x465: {  	v42 =	vadd.s32 $0x1008, v7;
	v43 =	vld.idx.msk [tilespmem:v35+s4+$0x0], $0xffff;
	[tilespmem:s31+$0x280] =	vst v34  }
0x466: {  	v4 =	vadd.s32 $0x180C, v4;
	[tilespmem:s31+$0xFFFFFE80] =	vst v14;
	v48 =	vld.idx.msk [tilespmem:v46+s4+$0x0], $0xffff  }
0x467: {  	v49 =	vadd.s32 $0x1008, v11;
	v45 =	vld.idx.msk [tilespmem:v36+s4+$0x0], $0xffff;
	[tilespmem:s31+$0x80] =	vst v23  }
0x468: {  	v9 =	vadd.s32 $0x180C, v9;
	v17 =	vld.idx.msk [tilespmem:v37+s4+$0x0], $0xffff;
	[tilespmem:s31+$0xFFFFFC80] =	vst v40  }
0x469: {  	v5 =	vadd.s32 $0x180C, v5;
	v19 =	vld.idx.msk [tilespmem:v39+s4+$0x0], $0xffff;
	[tilespmem:s30+$0x340] =	vst v38  }
0x46a: {  	v10 =	vadd.s32 $0x180C, v10;
	v47 =	vld.idx.msk [tilespmem:v42+s4+$0x0], $0xffff;
	[tilespmem:s30+$0xFFFFFCC0] =	vst v16  }
0x46b: {  	v7 =	vadd.s32 $0x180C, v7;
	v4 =	vld.idx.msk [tilespmem:v4+s4+$0x0], $0xffff;
	[tilespmem:s30+$0xFFFFFF40] =	vst v43  }
0x46c: {  	v50 =	vld.idx.msk [tilespmem:v49+s4+$0x0], $0xffff;
	[tilespmem:s31+$0x300] =	vst v45  }
0x46d: {  	v6 =	vadd.s32 $0x180C, v6;
	[tilespmem:s31+$0xFFFFFF00] =	vst v17;
	v9 =	vld.idx.msk [tilespmem:v9+s4+$0x0], $0xffff  }
0x46e: {  	v5 =	vld.idx.msk [tilespmem:v5+s4+$0x0], $0xffff;
	[tilespmem:s31+$0x100] =	vst v19  }
0x46f: {  	v10 =	vld.idx.msk [tilespmem:v10+s4+$0x0], $0xffff;
	[tilespmem:s31+$0xFFFFFD00] =	vst v47  }
0x470: {  	v12 =	vadd.s32 $0x180C, v57;
	[tilespmem:s30+$0x3C0] =	vst v4;
	v7 =	vld.idx.msk [tilespmem:v7+s4+$0x0], $0xffff  }
0x471: {  	[tilespmem:s30+$0x140] =	vst v48;
	v4 =	vld [tilespmem:s5+$0xD0]  }
0x472: {  	v6 =	vld.idx.msk [tilespmem:v6+s4+$0x0], $0xffff;
	[tilespmem:s31+$0x380] =	vst v9  }
0x473: {  	v9 =	vadd.s32 $0x180C, v11;
	[tilespmem:s31+$0xFFFFFF80] =	vst v5;
	v5 =	vld [tilespmem:s0+$0x90]  }
0x474: {  	v11 =	vld [tilespmem:s0+$0xFFFFFF90];
	[tilespmem:s31+$0x180] =	vst v10  }
0x475: {  	v52 =	vadd.s32 $0x804, v3;
	[tilespmem:s31+$0xFFFFFD80] =	vst v7;
	v7 =	vld.idx.msk [tilespmem:v12+s4+$0x0], $0xffff  }
0x476: {  	v10 =	vld [tilespmem:s0+$0x10];
	vm0 =	vlt.s32 v4, $0x800  }
0x477: {  	[tilespmem:s30+$0xFFFFFD40] =	vst v50;
	v53 =	vld [tilespmem:s0+$0xFFFFFF10];
	v51 =	vnsel vm0, $0x800, v4  }
0x478: {  	[tilespmem:s30+$0xFFFFFFC0] =	vst v6;
	v4 =	vadd.s32 $0x804, v2;
	v9 =	vld.idx.msk [tilespmem:v9+s4+$0x0], $0xffff  }
0x479: {  	[tilespmem:s29+$0xFFFFFE70] =	vst v58;
	v6 =	vld [tilespmem:s5+$0xFFFFFFD0];
	vm0 =	vlt.s32 v5, $0x800  }
0x47a: {  	vm1 =	vlt.s32 v11, $0x800;
	v5 =	vnsel vm0, $0x800, v5;
	[tilespmem:s30+$0x1C0] =	vst v7;
	v7 =	vld.idx.msk [tilespmem:v52+s4+$0x0], $0xffff  }
0x47b: {  	[tilespmem:s29+$0xFFFFFC70] =	vst v8;
	v8 =	vnsel vm1, $0x800, v11;
	vm0 =	vlt.s32 v10, $0x800;
	v56 =	vld [tilespmem:s5+$0x50]  }
0x47c: {  	v10 =	vnsel vm0, $0x800, v10;
	vm0 =	vlt.s32 v53, $0x800;
	v11 =	vld.idx.msk [tilespmem:v51+s4+$0x0], $0xffff  }
0x47d: {  	v54 =	vld.idx.msk [tilespmem:v4+s4+$0x0], $0xffff;
	v55 =	vnsel vm0, $0x800, v53;
	[tilespmem:s30+$0xFFFFFDC0] =	vst v9  }
0x47e: {  	v50 =	vadd.s32 $0x1008, v3;
	v28 =	vld [tilespmem:s5+$0xFFFFFF50]  }
0x47f: {  	v4 =	vadd.s32 $0x804, v51;
	v57 =	vld.idx.msk [tilespmem:v5+s4+$0x0], $0xffff  }
0x480: {  	v58 =	vadd.s32 $0x804, v0;
	vm0 =	vlt.s32 v6, $0x800;
	v59 =	vld.idx.msk [tilespmem:v8+s4+$0x0], $0xffff  }
0x481: {  	v6 =	vnsel vm0, $0x800, v6;
	[tilespmem:s29+$0xFFFFFEF0] =	vst v7;
	v60 =	vld.idx.msk [tilespmem:v10+s4+$0x0], $0xffff  }
0x482: {  	v61 =	vadd.s32 $0x804, v5;
	[tilespmem:s30+$0x250] =	vst v11;
	v9 =	vld.idx.msk [tilespmem:v55+s4+$0x0], $0xffff  }
0x483: {  	v11 =	vadd.s32 $0x804, v8;
	[tilespmem:s29+$0xFFFFFCF0] =	vst v54;
	v54 =	vld.idx.msk [tilespmem:v50+s4+$0x0], $0xffff  }
0x484: {  	[tilespmem:s29+$0x70] =	vst v18;
	v63 =	vadd.s32 $0x804, v10;
	vm0 =	vlt.s32 v56, $0x800;
	v62 =	vld.idx.msk [tilespmem:v4+s4+$0x0], $0xffff  }
0x485: {  	v15 =	vnsel vm0, $0x800, v56;
	v4 =	vld.idx.msk [tilespmem:v58+s4+$0x0], $0xffff  }
0x486: {  	v30 =	vadd.s32 $0x804, v55;
	v36 =	vld.idx.msk [tilespmem:v6+s4+$0x0], $0xffff;
	[tilespmem:s31+$0x210] =	vst v57  }
0x487: {  	v3 =	vadd.s32 $0x180C, v3;
	[tilespmem:s31+$0xFFFFFE10] =	vst v59;
	v16 =	vld.idx.msk [tilespmem:v61+s4+$0x0], $0xffff  }
0x488: {  	v29 =	vadd.s32 $0x1008, v51;
	vm0 =	vlt.s32 v28, $0x800;
	[tilespmem:s31+$0x10] =	vst v60;
	v11 =	vld.idx.msk [tilespmem:v11+s4+$0x0], $0xffff  }
0x489: {  	v18 =	vnsel vm0, $0x800, v28;
	v31 =	vld.idx.msk [tilespmem:v63+s4+$0x0], $0xffff  }
0x48a: {  	v32 =	vadd.s32 $0x1008, v5;
	[tilespmem:s31+$0xFFFFFC10] =	vst v9;
	v38 =	vld.idx.msk [tilespmem:v15+s4+$0x0], $0xffff  }
0x48b: {  	v33 =	vadd.s32 $0x1008, v8;
	[tilespmem:s29+$0xFFFFFF70] =	vst v54;
	v35 =	vld.idx.msk [tilespmem:v30+s4+$0x0], $0xffff  }
0x48c: {  	v34 =	vadd.s32 $0x1008, v10;
	[tilespmem:s30+$0x2D0] =	vst v62;
	v3 =	vld.idx.msk [tilespmem:v3+s4+$0x0], $0xffff  }
0x48d: {  	v37 =	vadd.s32 $0x1008, v55;
	[tilespmem:s30+$0xFFFFFE50] =	vst v36;
	v9 =	vld.idx.msk [tilespmem:v29+s4+$0x0], $0xffff  }
0x48e: {  	v14 =	vadd.s32 $0x180C, v51;
	v41 =	vld.idx.msk [tilespmem:v18+s4+$0x0], $0xffff;
	[tilespmem:s31+$0x290] =	vst v16  }
0x48f: {  	v42 =	vadd.s32 $0x804, v18;
	[tilespmem:s31+$0xFFFFFE90] =	vst v11;
	v11 =	vld.idx.msk [tilespmem:v32+s4+$0x0], $0xffff  }
0x490: {  	v39 =	vadd.s32 $0x804, v6;
	[tilespmem:s31+$0x90] =	vst v31;
	v20 =	vld.idx.msk [tilespmem:v33+s4+$0x0], $0xffff  }
0x491: {  	v5 =	vadd.s32 $0x180C, v5;
	v17 =	vld.idx.msk [tilespmem:v34+s4+$0x0], $0xffff;
	[tilespmem:s31+$0xFFFFFC90] =	vst v35  }
0x492: {  	v8 =	vadd.s32 $0x180C, v8;
	[tilespmem:s30+$0x350] =	vst v9;
	v40 =	vld.idx.msk [tilespmem:v37+s4+$0x0], $0xffff  }
0x493: {  	v10 =	vadd.s32 $0x180C, v10;
	v9 =	vld.idx.msk [tilespmem:v14+s4+$0x0], $0xffff;
	[tilespmem:s30+$0xFFFFFC50] =	vst v41  }
0x494: {  	v12 =	vadd.s32 $0x180C, v55;
	[tilespmem:s30+$0x50] =	vst v38;
	v45 =	vld.idx.msk [tilespmem:v42+s4+$0x0], $0xffff  }
0x495: {  	[tilespmem:s31+$0x310] =	vst v11;
	v11 =	vld.idx.msk [tilespmem:v39+s4+$0x0], $0xffff  }
0x496: {  	v44 =	vadd.s32 $0x1008, v6;
	[tilespmem:s31+$0xFFFFFF10] =	vst v20;
	v5 =	vld.idx.msk [tilespmem:v5+s4+$0x0], $0xffff  }
0x497: {  	[tilespmem:s31+$0x110] =	vst v17;
	v8 =	vld.idx.msk [tilespmem:v8+s4+$0x0], $0xffff  }
0x498: {  	v43 =	vadd.s32 $0x804, v15;
	v10 =	vld.idx.msk [tilespmem:v10+s4+$0x0], $0xffff;
	[tilespmem:s31+$0xFFFFFD10] =	vst v40  }
0x499: {  	[tilespmem:s30+$0x3D0] =	vst v9;
	v12 =	vld.idx.msk [tilespmem:v12+s4+$0x0], $0xffff  }
0x49a: {  	v9 =	vld [tilespmem:s5+$0xE0];
	[tilespmem:s30+$0xFFFFFED0] =	vst v11  }
0x49b: {  	v46 =	vadd.s32 $0x1008, v18;
	[tilespmem:s31+$0x390] =	vst v5;
	v49 =	vld.idx.msk [tilespmem:v44+s4+$0x0], $0xffff  }
0x49c: {  	[tilespmem:s31+$0xFFFFFF90] =	vst v8;
	v8 =	vld [tilespmem:s0+$0xA0]  }
0x49d: {  	v6 =	vadd.s32 $0x180C, v6;
	v5 =	vld.idx.msk [tilespmem:v43+s4+$0x0], $0xffff  }
0x49e: {  	v47 =	vadd.s32 $0x1008, v15;
	[tilespmem:s31+$0x190] =	vst v10;
	v48 =	vld [tilespmem:s0+$0xFFFFFFA0]  }
0x49f: {  	v34 =	vadd.s32 $0x1008, v0;
	[tilespmem:s30+$0xFFFFFCD0] =	vst v45;
	v10 =	vld [tilespmem:s0+$0x20]  }
0x4a0: {  	v11 =	vadd.s32 $0x1008, v2;
	v16 =	vld.idx.msk [tilespmem:v46+s4+$0x0], $0xffff;
	[tilespmem:s31+$0xFFFFFD90] =	vst v12;
	vm0 =	vlt.s32 v9, $0x800  }
0x4a1: {  	v51 =	vld [tilespmem:s0+$0xFFFFFF20];
	v9 =	vnsel vm0, $0x800, v9;
	[tilespmem:s30+$0xFFFFFF50] =	vst v49;
	vm0 =	vlt.s32 v8, $0x800  }
0x4a2: {  	[tilespmem:s30+$0xD0] =	vst v5;
	v6 =	vld.idx.msk [tilespmem:v6+s4+$0x0], $0xffff;
	v5 =	vnsel vm0, $0x800, v8  }
0x4a3: {  	[tilespmem:s29+$0xF0] =	vst v4;
	v18 =	vadd.s32 $0x180C, v18;
	v8 =	vld.idx.msk [tilespmem:v47+s4+$0x0], $0xffff  }
0x4a4: {  	v35 =	vld.idx.msk [tilespmem:v34+s4+$0x0], $0xffff;
	vm1 =	vlt.s32 v48, $0x800;
	vm0 =	vlt.s32 v10, $0x800  }
0x4a5: {  	v52 =	vnsel vm1, $0x800, v48;
	v7 =	vnsel vm0, $0x800, v10;
	v10 =	vld.idx.msk [tilespmem:v11+s4+$0x0], $0xffff  }
0x4a6: {  	[tilespmem:s30+$0xFFFFFD50] =	vst v16;
	vm0 =	vlt.s32 v51, $0x800;
	v53 =	vld.idx.msk [tilespmem:v9+s4+$0x0], $0xffff  }
0x4a7: {  	v55 =	vnsel vm0, $0x800, v51;
	[tilespmem:s30+$0xFFFFFFD0] =	vst v6;
	v56 =	vld.idx.msk [tilespmem:v5+s4+$0x0], $0xffff  }
0x4a8: {  	v11 =	vadd.s32 $0x804, v9;
	[tilespmem:s30+$0x150] =	vst v8;
	v8 =	vld.idx.msk [tilespmem:v18+s4+$0x0], $0xffff  }
0x4a9: {  	v15 =	vadd.s32 $0x180C, v15;
	v32 =	vld [tilespmem:s5+$0xFFFFFFE0]  }
0x4aa: {  	v58 =	vadd.s32 $0x804, v5;
	v20 =	vld.idx.msk [tilespmem:v52+s4+$0x0], $0xffff  }
0x4ab: {  	v57 =	vld.idx.msk [tilespmem:v7+s4+$0x0], $0xffff  }
0x4ac: {  	v59 =	vadd.s32 $0x804, v52;
	[tilespmem:s30+$0x260] =	vst v53;
	v61 =	vld.idx.msk [tilespmem:v55+s4+$0x0], $0xffff  }
0x4ad: {  	v60 =	vadd.s32 $0x804, v7;
	v11 =	vld.idx.msk [tilespmem:v11+s4+$0x0], $0xffff;
	[tilespmem:s31+$0x220] =	vst v56  }
0x4ae: {  	v63 =	vadd.s32 $0x804, v55;
	v15 =	vld.idx.msk [tilespmem:v15+s4+$0x0], $0xffff;
	[tilespmem:s30+$0xFFFFFDD0] =	vst v8  }
0x4af: {  	v62 =	vadd.s32 $0x1008, v9;
	[tilespmem:s31+$0xFFFFFE20] =	vst v20;
	v19 =	vld.idx.msk [tilespmem:v58+s4+$0x0], $0xffff  }
0x4b0: {  	[tilespmem:s31+$0x20] =	vst v57;
	v6 =	vld [tilespmem:s5+$0xFFFFFF60]  }
0x4b1: {  	v28 =	vadd.s32 $0x1008, v5;
	v17 =	vld.idx.msk [tilespmem:v59+s4+$0x0], $0xffff;
	[tilespmem:s31+$0xFFFFFC20] =	vst v61  }
0x4b2: {  	v27 =	vld.idx.msk [tilespmem:v60+s4+$0x0], $0xffff;
	[tilespmem:s30+$0x2E0] =	vst v11;
	v11 =	vadd.s32 $0x1008, v52  }
0x4b3: {  	v30 =	vadd.s32 $0x1008, v7;
	v31 =	vld.idx.msk [tilespmem:v63+s4+$0x0], $0xffff  }
0x4b4: {  	v8 =	vadd.s32 $0x180C, v9;
	v9 =	vadd.s32 $0x1008, v55;
	[tilespmem:s30+$0x1D0] =	vst v15;
	v29 =	vld.idx.msk [tilespmem:v62+s4+$0x0], $0xffff  }
0x4b5: {  	v4 =	vld [tilespmem:s5+$0x60];
	[tilespmem:s31+$0x2A0] =	vst v19;
	vm0 =	vlt.s32 v6, $0x800  }
0x4b6: {  	[tilespmem:s31+$0xFFFFFEA0] =	vst v17;
	v33 =	vld.idx.msk [tilespmem:v28+s4+$0x0], $0xffff;
	v6 =	vnsel vm0, $0x800, v6  }
0x4b7: {  	v5 =	vadd.s32 $0x180C, v5;
	[tilespmem:s31+$0xA0] =	vst v27;
	v11 =	vld.idx.msk [tilespmem:v11+s4+$0x0], $0xffff  }
0x4b8: {  	v13 =	vadd.s32 $0x180C, v52;
	v18 =	vld.idx.msk [tilespmem:v30+s4+$0x0], $0xffff;
	[tilespmem:s31+$0xFFFFFCA0] =	vst v31  }
0x4b9: {  	v7 =	vadd.s32 $0x180C, v7;
	[tilespmem:s30+$0x360] =	vst v29;
	v9 =	vld.idx.msk [tilespmem:v9+s4+$0x0], $0xffff  }
0x4ba: {  	v14 =	vadd.s32 $0x180C, v55;
	v8 =	vld.idx.msk [tilespmem:v8+s4+$0x0], $0xffff  }
0x4bb: {  	vm0 =	vlt.s32 v32, $0x800;
	[tilespmem:s31+$0x320] =	vst v33;
	v36 =	vld.idx.msk [tilespmem:v6+s4+$0x0], $0xffff  }
0x4bc: {  	[tilespmem:s31+$0xFFFFFF20] =	vst v11;
	v5 =	vld.idx.msk [tilespmem:v5+s4+$0x0], $0xffff;
	v11 =	vnsel vm0, $0x800, v32  }
0x4bd: {  	[tilespmem:s31+$0x120] =	vst v18;
	v13 =	vld.idx.msk [tilespmem:v13+s4+$0x0], $0xffff  }
0x4be: {  	v37 =	vadd.s32 $0x804, v6;
	v7 =	vld.idx.msk [tilespmem:v7+s4+$0x0], $0xffff;
	[tilespmem:s31+$0xFFFFFD20] =	vst v9  }
0x4bf: {  	vm0 =	vlt.s32 v4, $0x800;
	[tilespmem:s30+$0x3E0] =	vst v8;
	v9 =	vld.idx.msk [tilespmem:v14+s4+$0x0], $0xffff  }
0x4c0: {  	v4 =	vnsel vm0, $0x800, v4;
	v8 =	vld [tilespmem:s5+$0xF0]  }
0x4c1: {  	[tilespmem:s31+$0x3A0] =	vst v5;
	v5 =	vld.idx.msk [tilespmem:v11+s4+$0x0], $0xffff  }
0x4c2: {  	[tilespmem:s30+$0xFFFFFC60] =	vst v36;
	v38 =	vld [tilespmem:s0+$0xB0]  }
0x4c3: {  	v39 =	vadd.s32 $0x804, v11;
	v16 =	vld.idx.msk [tilespmem:v37+s4+$0x0], $0xffff;
	[tilespmem:s31+$0xFFFFFFA0] =	vst v13  }
0x4c4: {  	v46 =	vadd.s32 $0x1008, v6;
	[tilespmem:s31+$0x1A0] =	vst v7;
	v40 =	vld [tilespmem:s0+$0xFFFFFFB0]  }
0x4c5: {  	v2 =	vadd.s32 $0x180C, v2;
	[tilespmem:s31+$0xFFFFFDA0] =	vst v9;
	v9 =	vld.idx.msk [tilespmem:v4+s4+$0x0], $0xffff  }
0x4c6: {  	[tilespmem:s29+$0xFFFFFFF0] =	vst v3;
	v42 =	vadd.s32 $0x804, v4;
	v7 =	vld [tilespmem:s0+$0x30];
	vm0 =	vlt.s32 v8, $0x800  }
0x4c7: {  	v41 =	vld [tilespmem:s0+$0xFFFFFF30];
	v8 =	vnsel vm0, $0x800, v8;
	[tilespmem:s30+$0xFFFFFE60] =	vst v5;
	vm0 =	vlt.s32 v38, $0x800  }
0x4c8: {  	[tilespmem:s30+$0xFFFFFCE0] =	vst v16;
	v43 =	vld.idx.msk [tilespmem:v39+s4+$0x0], $0xffff;
	v5 =	vnsel vm0, $0x800, v38  }
0x4c9: {  	[tilespmem:s29+$0xFFFFFD70] =	vst v10;
	v48 =	vadd.s32 $0x1008, v11;
	v3 =	vld.idx.msk [tilespmem:v46+s4+$0x0], $0xffff  }
0x4ca: {  	v2 =	vld.idx.msk [tilespmem:v2+s4+$0x0], $0xffff;
	v6 =	vadd.s32 $0x180C, v6;
	vm1 =	vlt.s32 v40, $0x800;
	[tilespmem:s30+$0x60] =	vst v9  }
0x4cb: {  	vm0 =	vlt.s32 v7, $0x800;
	v10 =	vnsel vm1, $0x800, v40;
	v45 =	vld.idx.msk [tilespmem:v42+s4+$0x0], $0xffff  }
0x4cc: {  	v7 =	vnsel vm0, $0x800, v7;
	v44 =	vld.idx.msk [tilespmem:v8+s4+$0x0], $0xffff  }
0x4cd: {  	v57 =	vadd.s32 $0x1008, v4;
	[tilespmem:s30+$0xFFFFFEE0] =	vst v43;
	v47 =	vld.idx.msk [tilespmem:v5+s4+$0x0], $0xffff  }
0x4ce: {  	v9 =	vadd.s32 $0x804, v8;
	vm0 =	vlt.s32 v41, $0x800;
	[tilespmem:s30+$0xFFFFFD60] =	vst v3;
	v56 =	vld.idx.msk [tilespmem:v48+s4+$0x0], $0xffff  }
0x4cf: {  	[tilespmem:s29+$0x3F0] =	vst v1;
	v1 =	vnsel vm0, $0x800, v41;
	v6 =	vld.idx.msk [tilespmem:v6+s4+$0x0], $0xffff  }
0x4d0: {  	[tilespmem:s29+$0xFFFFFDF0] =	vst v2;
	v51 =	vadd.s32 $0x804, v5;
	v49 =	vld.idx.msk [tilespmem:v10+s4+$0x0], $0xffff  }
0x4d1: {  	v52 =	vadd.s32 $0x804, v10;
	v50 =	vld.idx.msk [tilespmem:v7+s4+$0x0], $0xffff;
	[tilespmem:s30+$0xE0] =	vst v45  }
0x4d2: {  	v53 =	vadd.s32 $0x804, v7;
	[tilespmem:s30+$0x270] =	vst v44;
	v3 =	vld.idx.msk [tilespmem:v57+s4+$0x0], $0xffff  }
0x4d3: {  	v11 =	vadd.s32 $0x180C, v11;
	v9 =	vld.idx.msk [tilespmem:v9+s4+$0x0], $0xffff;
	[tilespmem:s31+$0x230] =	vst v47  }
0x4d4: {  	v54 =	vadd.s32 $0x1008, v8;
	v2 =	vld.idx.msk [tilespmem:v1+s4+$0x0], $0xffff;
	[tilespmem:s30+$0xFFFFFF60] =	vst v56  }
0x4d5: {  	v55 =	vadd.s32 $0x804, v1;
	[tilespmem:s31+$0xFFFFFE30] =	vst v49;
	v58 =	vld.idx.msk [tilespmem:v51+s4+$0x0], $0xffff  }
0x4d6: {  	[tilespmem:s31+$0x30] =	vst v50;
	v17 =	vld.idx.msk [tilespmem:v52+s4+$0x0], $0xffff  }
0x4d7: {  	v59 =	vadd.s32 $0x1008, v5;
	v13 =	vld.idx.msk [tilespmem:v53+s4+$0x0], $0xffff;
	[tilespmem:s30+$0x160] =	vst v3  }
0x4d8: {  	v3 =	vld.idx.msk [tilespmem:v11+s4+$0x0], $0xffff;
	[tilespmem:s30+$0x2F0] =	vst v9;
	v9 =	vadd.s32 $0x1008, v10  }
0x4d9: {  	v60 =	vadd.s32 $0x1008, v7;
	[tilespmem:s31+$0xFFFFFC30] =	vst v2;
	v2 =	vld.idx.msk [tilespmem:v54+s4+$0x0], $0xffff  }
0x4da: {  	v4 =	vadd.s32 $0x180C, v4;
	[tilespmem:s30+$0xFFFFFDE0] =	vst v6;
	v61 =	vld.idx.msk [tilespmem:v55+s4+$0x0], $0xffff  }
0x4db: {  	v62 =	vadd.s32 $0x1008, v1;
	v11 =	vld [tilespmem:s5+$0xFFFFFF70];
	[tilespmem:s31+$0x2B0] =	vst v58  }
0x4dc: {  	[tilespmem:s31+$0xFFFFFEB0] =	vst v17;
	v16 =	vld.idx.msk [tilespmem:v59+s4+$0x0], $0xffff  }
0x4dd: {  	v5 =	vadd.s32 $0x180C, v5;
	[tilespmem:s31+$0xB0] =	vst v13;
	v9 =	vld.idx.msk [tilespmem:v9+s4+$0x0], $0xffff  }
0x4de: {  	v13 =	vld.idx.msk [tilespmem:v60+s4+$0x0], $0xffff;
	[tilespmem:s30+$0x370] =	vst v2;
	v2 =	vadd.s32 $0x180C, v10  }
0x4df: {  	v7 =	vadd.s32 $0x180C, v7;
	v4 =	vld.idx.msk [tilespmem:v4+s4+$0x0], $0xffff;
	[tilespmem:s31+$0xFFFFFCB0] =	vst v61  }
0x4e0: {  	v8 =	vadd.s32 $0x180C, v8;
	[tilespmem:s30+$0xFFFFFFE0] =	vst v3;
	v10 =	vld.idx.msk [tilespmem:v62+s4+$0x0], $0xffff  }
0x4e1: {  	v1 =	vadd.s32 $0x180C, v1;
	v6 =	vld [tilespmem:s5+$0xFFFFFFF0];
	[tilespmem:s31+$0x330] =	vst v16  }
0x4e2: {  	[tilespmem:s31+$0xFFFFFF30] =	vst v9;
	v5 =	vld.idx.msk [tilespmem:v5+s4+$0x0], $0xffff  }
0x4e3: {  	[tilespmem:s31+$0x130] =	vst v13;
	v2 =	vld.idx.msk [tilespmem:v2+s4+$0x0], $0xffff  }
0x4e4: {  	[tilespmem:s29+$0x170] =	vst v35;
	v9 =	vld.idx.msk [tilespmem:v7+s4+$0x0], $0xffff  }
0x4e5: {  	v8 =	vld.idx.msk [tilespmem:v8+s4+$0x0], $0xffff;
	[tilespmem:s31+$0xFFFFFD30] =	vst v10  }
0x4e6: {  	v63 =	vadd.s32 $0x180C, v0;
	[tilespmem:s30+$0x1E0] =	vst v4;
	v1 =	vld.idx.msk [tilespmem:v1+s4+$0x0], $0xffff  }
0x4e7: {  	[tilespmem:s31+$0x3B0] =	vst v5;
	v5 =	vld [tilespmem:s5+$0x70]  }
0x4e8: {  	[tilespmem:s31+$0xFFFFFFB0] =	vst v2;
	v7 =	vld [tilespmem:s0+$0xC0]  }
0x4e9: {  	vm0 =	vlt.s32 v11, $0x800;
	[tilespmem:s31+$0x1B0] =	vst v9;
	v10 =	vld [tilespmem:s0+$0xFFFFFFC0]  }
0x4ea: {  	v3 =	vnsel vm0, $0x800, v11;
	[tilespmem:s30+$0x3F0] =	vst v8;
	v9 =	vld [tilespmem:s0+$0x40]  }
0x4eb: {  	s2 =	simm.s32 $0x8;
	v4 =	vadd.s32 $0x804, v3;
	v0 =	vadd.s32 $0x1008, v3;
	vm0 =	vlt.s32 v6, $0x800;
	s5 =	simm.s32 $0x3780;
	[tilespmem:s31+$0xFFFFFDB0] =	vst v1;
	v1 =	vld.idx.msk [tilespmem:v63+s4+$0x0], $0xffff  }
.LBB2_5:
0x4ec: {  	v11 =	vld [tilespmem:s5+$0x80];
	s2 =	sadd.s32 $0x4, s2;
	v2 =	vadd.s32 $0x180C, v3;
	v12 =	vnsel vm0, $0x800, v6;
	vm0 =	vlt.s32 v5, $0x800  }
0x4ed: {  	v13 =	vld [tilespmem:s5+$0xFFFFFF80];
	p0 =	slt.u32 s2, $0x1C;
	vm1 =	vlt.s32 v7, $0x800;
	v8 =	vadd.s32 $0x804, v12;
	v14 =	vnsel vm0, $0x800, v5  }
0x4ee: {  	v5 =	vld [tilespmem:s5+$0x0];
	vm0 =	vlt.s32 v10, $0x800;
	v15 =	vnsel vm1, $0x800, v7;
	v7 =	vadd.s32 $0x804, v14  }
0x4ef: {  	v6 =	vadd.s32 $0x1008, v12;
	v16 =	vld [tilespmem:s5+$0xFFFFFF00];
	v10 =	vnsel vm0, $0x800, v10;
	vm0 =	vlt.s32 v9, $0x800  }
0x4f0: {  	v17 =	vld [tilespmem:s0+$0xFFFFFF40];
	v18 =	vadd.s32 $0x804, v10;
	v19 =	vadd.s32 $0x1008, v10;
	v20 =	vnsel vm0, $0x800, v9  }
0x4f1: {  	vm0 =	vlt.s32 v11, $0x800;
	v21 =	vadd.s32 $0x804, v20;
	v22 =	vadd.s32 $0x1008, v20;
	v3 =	vld.idx.msk [tilespmem:v3+s4+$0x0], $0xffff;
	[tilespmem:s29+$0x1F0] =	vst v1;
	s29 =	smov.u32 s30;
	s30 =	smov.u32 s31  }
0x4f2: {  	v23 =	vadd.s32 $0x180C, v10;
	vm1 =	vlt.s32 v13, $0x800;
	v11 =	vnsel vm0, $0x800, v11;
	v1 =	vld.idx.msk [tilespmem:v12+s4+$0x0], $0xffff  }
0x4f3: {  	v9 =	vadd.s32 $0x180C, v20;
	v13 =	vnsel vm1, $0x800, v13;
	vm0 =	vlt.s32 v5, $0x800;
	v24 =	vld.idx.msk [tilespmem:v15+s4+$0x0], $0xffff  }
0x4f4: {  	vm1 =	vlt.s32 v16, $0x800;
	v25 =	vadd.s32 $0x804, v13;
	v26 =	vnsel vm0, $0x800, v5;
	v10 =	vld.idx.msk [tilespmem:v10+s4+$0x0], $0xffff  }
0x4f5: {  	v28 =	vadd.s32 $0x804, v15;
	v16 =	vnsel vm1, $0x800, v16;
	v27 =	vadd.s32 $0x804, v26;
	v20 =	vld.idx.msk [tilespmem:v20+s4+$0x0], $0xffff  }
0x4f6: {  	v31 =	vadd.s32 $0x1008, v13;
	v29 =	vadd.s32 $0x804, v16;
	v30 =	vadd.s32 $0x1008, v16;
	v32 =	vld.idx.msk [tilespmem:v14+s4+$0x0], $0xffff  }
0x4f7: {  	v34 =	vadd.s32 $0x180C, v13;
	v35 =	vadd.s32 $0x1008, v26;
	v33 =	vadd.s32 $0x180C, v16;
	v36 =	vld.idx.msk [tilespmem:v11+s4+$0x0], $0xffff;
	[tilespmem:s29+$0xFFFFFC70] =	vst v3  }
0x4f8: {  	v5 =	vadd.s32 $0x1008, v14;
	v37 =	vadd.s32 $0x180C, v26;
	vm0 =	vlt.s32 v17, $0x800;
	v13 =	vld.idx.msk [tilespmem:v13+s4+$0x0], $0xffff;
	[tilespmem:s29+$0xFFFFFE70] =	vst v1  }
0x4f9: {  	v38 =	vadd.s32 $0x804, v11;
	v17 =	vnsel vm0, $0x800, v17;
	v3 =	vadd.s32 $0x180C, v12;
	v26 =	vld.idx.msk [tilespmem:v26+s4+$0x0], $0xffff;
	[tilespmem:s31+$0x240] =	vst v24  }
0x4fa: {  	v12 =	vadd.s32 $0x804, v17;
	v39 =	vadd.s32 $0x180C, v17;
	v24 =	vadd.s32 $0x1008, v17;
	[tilespmem:s31+$0xFFFFFE40] =	vst v10;
	v10 =	vld.idx.msk [tilespmem:v28+s4+$0x0], $0xffff  }
0x4fb: {  	v1 =	vadd.s32 $0x180C, v14;
	v16 =	vld.idx.msk [tilespmem:v16+s4+$0x0], $0xffff;
	[tilespmem:s31+$0x40] =	vst v20  }
0x4fc: {  	s31 =	sadd.s32 $0x800, s31;
	v14 =	vld.idx.msk [tilespmem:v18+s4+$0x0], $0xffff;
	v18 =	vadd.s32 $0x1008, v15;
	[tilespmem:s29+$0x70] =	vst v32  }
0x4fd: {  	[tilespmem:s31+$0x200] =	vst v36;
	v20 =	vld.idx.msk [tilespmem:v21+s4+$0x0], $0xffff  }
0x4fe: {  	[tilespmem:s31+$0xFFFFFE00] =	vst v13;
	v13 =	vld.idx.msk [tilespmem:v38+s4+$0x0], $0xffff  }
0x4ff: {  	v21 =	vld.idx.msk [tilespmem:v25+s4+$0x0], $0xffff;
	[tilespmem:s31+$0x0] =	vst v26  }
0x500: {  	v26 =	vadd.s32 $0x1008, v11;
	v25 =	vld.idx.msk [tilespmem:v27+s4+$0x0], $0xffff;
	[tilespmem:s30+$0x2C0] =	vst v10  }
0x501: {  	[tilespmem:s31+$0xFFFFFC00] =	vst v16;
	v10 =	vld.idx.msk [tilespmem:v18+s4+$0x0], $0xffff  }
0x502: {  	v16 =	vld.idx.msk [tilespmem:v29+s4+$0x0], $0xffff;
	[tilespmem:s30+$0xFFFFFEC0] =	vst v14  }
0x503: {  	v15 =	vadd.s32 $0x180C, v15;
	v14 =	vld.idx.msk [tilespmem:v17+s4+$0x0], $0xffff;
	[tilespmem:s30+$0xC0] =	vst v20  }
0x504: {  	[tilespmem:s31+$0x280] =	vst v13;
	v13 =	vld.idx.msk [tilespmem:v19+s4+$0x0], $0xffff  }
0x505: {  	[tilespmem:s31+$0xFFFFFE80] =	vst v21;
	v17 =	vld.idx.msk [tilespmem:v26+s4+$0x0], $0xffff  }
0x506: {  	v18 =	vld.idx.msk [tilespmem:v31+s4+$0x0], $0xffff;
	[tilespmem:s31+$0x80] =	vst v25  }
0x507: {  	v11 =	vadd.s32 $0x180C, v11;
	v19 =	vld.idx.msk [tilespmem:v35+s4+$0x0], $0xffff;
	[tilespmem:s30+$0x340] =	vst v10  }
0x508: {  	[tilespmem:s31+$0xFFFFFC80] =	vst v16;
	v10 =	vld.idx.msk [tilespmem:v15+s4+$0x0], $0xffff  }
0x509: {  	v15 =	vld.idx.msk [tilespmem:v30+s4+$0x0], $0xffff;
	[tilespmem:s30+$0xFFFFFC40] =	vst v14  }
0x50a: {  	v12 =	vld.idx.msk [tilespmem:v12+s4+$0x0], $0xffff;
	[tilespmem:s30+$0xFFFFFF40] =	vst v13  }
0x50b: {  	[tilespmem:s31+$0x300] =	vst v17;
	v13 =	vld.idx.msk [tilespmem:v22+s4+$0x0], $0xffff  }
0x50c: {  	[tilespmem:s31+$0xFFFFFF00] =	vst v18;
	v11 =	vld.idx.msk [tilespmem:v11+s4+$0x0], $0xffff  }
0x50d: {  	v14 =	vld.idx.msk [tilespmem:v34+s4+$0x0], $0xffff;
	[tilespmem:s31+$0x100] =	vst v19  }
0x50e: {  	v16 =	vld.idx.msk [tilespmem:v37+s4+$0x0], $0xffff;
	[tilespmem:s30+$0x3C0] =	vst v10  }
0x50f: {  	[tilespmem:s31+$0xFFFFFD00] =	vst v15;
	v10 =	vld [tilespmem:s0+$0xD0]  }
0x510: {  	v15 =	vld.idx.msk [tilespmem:v33+s4+$0x0], $0xffff;
	[tilespmem:s30+$0xFFFFFCC0] =	vst v12  }
0x511: {  	v12 =	vld.idx.msk [tilespmem:v24+s4+$0x0], $0xffff;
	[tilespmem:s30+$0x140] =	vst v13  }
0x512: {  	[tilespmem:s31+$0x380] =	vst v11;
	v11 =	vld.idx.msk [tilespmem:v23+s4+$0x0], $0xffff  }
0x513: {  	[tilespmem:s31+$0xFFFFFF80] =	vst v14;
	v13 =	vld [tilespmem:s5+$0x90]  }
0x514: {  	v14 =	vld [tilespmem:s5+$0xFFFFFF90];
	[tilespmem:s31+$0x180] =	vst v16;
	vm0 =	vlt.s32 v10, $0x800  }
0x515: {  	v16 =	vld [tilespmem:s5+$0x10];
	v10 =	vnsel vm0, $0x800, v10  }
0x516: {  	[tilespmem:s31+$0xFFFFFD80] =	vst v15;
	v9 =	vld.idx.msk [tilespmem:v9+s4+$0x0], $0xffff  }
0x517: {  	v15 =	vld [tilespmem:s5+$0xFFFFFF10];
	[tilespmem:s30+$0xFFFFFD40] =	vst v12  }
0x518: {  	vm0 =	vlt.s32 v13, $0x800;
	v12 =	vld.idx.msk [tilespmem:v39+s4+$0x0], $0xffff;
	[tilespmem:s30+$0xFFFFFFC0] =	vst v11  }
0x519: {  	vm1 =	vlt.s32 v14, $0x800;
	v11 =	vnsel vm0, $0x800, v13;
	v13 =	vld [tilespmem:s0+$0xFFFFFFD0]  }
0x51a: {  	v14 =	vnsel vm1, $0x800, v14;
	vm0 =	vlt.s32 v16, $0x800;
	v17 =	vld.idx.msk [tilespmem:v10+s4+$0x0], $0xffff  }
0x51b: {  	v18 =	vadd.s32 $0x804, v14;
	v19 =	vadd.s32 $0x1008, v14;
	v16 =	vnsel vm0, $0x800, v16;
	v4 =	vld.idx.msk [tilespmem:v4+s4+$0x0], $0xffff  }
0x51c: {  	vm0 =	vlt.s32 v15, $0x800;
	v20 =	vadd.s32 $0x804, v16;
	[tilespmem:s30+$0x1C0] =	vst v9;
	v9 =	vadd.s32 $0x804, v10;
	v21 =	vld.idx.msk [tilespmem:v8+s4+$0x0], $0xffff  }
0x51d: {  	v22 =	vadd.s32 $0x180C, v14;
	v23 =	vadd.s32 $0x1008, v16;
	v15 =	vnsel vm0, $0x800, v15;
	v24 =	vld [tilespmem:s0+$0x50]  }
0x51e: {  	v25 =	vadd.s32 $0x804, v15;
	v26 =	vadd.s32 $0x1008, v15;
	v27 =	vadd.s32 $0x180C, v15;
	v28 =	vld.idx.msk [tilespmem:v11+s4+$0x0], $0xffff;
	[tilespmem:s30+$0xFFFFFDC0] =	vst v12  }
0x51f: {  	vm0 =	vlt.s32 v13, $0x800;
	v12 =	vld.idx.msk [tilespmem:v14+s4+$0x0], $0xffff;
	v14 =	vadd.s32 $0x180C, v16  }
0x520: {  	v29 =	vadd.s32 $0x804, v11;
	v13 =	vnsel vm0, $0x800, v13;
	v16 =	vld.idx.msk [tilespmem:v16+s4+$0x0], $0xffff;
	[tilespmem:s30+$0x250] =	vst v17  }
0x521: {  	v17 =	vadd.s32 $0x804, v13;
	v30 =	vadd.s32 $0x1008, v13;
	v8 =	vadd.s32 $0x180C, v13;
	v9 =	vld.idx.msk [tilespmem:v9+s4+$0x0], $0xffff;
	[tilespmem:s29+$0xFFFFFCF0] =	vst v4  }
0x522: {  	v15 =	vld.idx.msk [tilespmem:v15+s4+$0x0], $0xffff;
	vm0 =	vlt.s32 v24, $0x800;
	[tilespmem:s29+$0xFFFFFEF0] =	vst v21  }
0x523: {  	v31 =	vadd.s32 $0x1008, v10;
	v21 =	vld [tilespmem:s0+$0xFFFFFF50];
	v24 =	vnsel vm0, $0x800, v24  }
0x524: {  	[tilespmem:s31+$0x210] =	vst v28;
	v28 =	vadd.s32 $0x804, v24;
	v32 =	vadd.s32 $0x1008, v24;
	v4 =	vadd.s32 $0x180C, v24;
	v7 =	vld.idx.msk [tilespmem:v7+s4+$0x0], $0xffff  }
0x525: {  	[tilespmem:s31+$0xFFFFFE10] =	vst v12;
	v12 =	vld.idx.msk [tilespmem:v29+s4+$0x0], $0xffff  }
0x526: {  	v18 =	vld.idx.msk [tilespmem:v18+s4+$0x0], $0xffff;
	[tilespmem:s31+$0x10] =	vst v16  }
0x527: {  	v16 =	vld.idx.msk [tilespmem:v20+s4+$0x0], $0xffff;
	v20 =	vadd.s32 $0x1008, v11;
	[tilespmem:s30+$0x2D0] =	vst v9  }
0x528: {  	[tilespmem:s31+$0xFFFFFC10] =	vst v15;
	vm0 =	vlt.s32 v21, $0x800;
	v9 =	vld.idx.msk [tilespmem:v31+s4+$0x0], $0xffff  }
0x529: {  	v15 =	vld.idx.msk [tilespmem:v25+s4+$0x0], $0xffff;
	v21 =	vnsel vm0, $0x800, v21  }
0x52a: {  	v10 =	vadd.s32 $0x180C, v10;
	v25 =	vadd.s32 $0x804, v21;
	v29 =	vadd.s32 $0x1008, v21;
	v13 =	vld.idx.msk [tilespmem:v13+s4+$0x0], $0xffff;
	[tilespmem:s29+$0xF0] =	vst v7  }
0x52b: {  	v7 =	vadd.s32 $0x180C, v21;
	[tilespmem:s31+$0x290] =	vst v12;
	v12 =	vld.idx.msk [tilespmem:v24+s4+$0x0], $0xffff  }
0x52c: {  	[tilespmem:s31+$0xFFFFFE90] =	vst v18;
	v18 =	vld.idx.msk [tilespmem:v20+s4+$0x0], $0xffff  }
0x52d: {  	v19 =	vld.idx.msk [tilespmem:v19+s4+$0x0], $0xffff;
	[tilespmem:s31+$0x90] =	vst v16  }
0x52e: {  	v11 =	vadd.s32 $0x180C, v11;
	v16 =	vld.idx.msk [tilespmem:v23+s4+$0x0], $0xffff;
	[tilespmem:s30+$0x350] =	vst v9  }
0x52f: {  	[tilespmem:s31+$0xFFFFFC90] =	vst v15;
	v9 =	vld.idx.msk [tilespmem:v10+s4+$0x0], $0xffff  }
0x530: {  	v10 =	vld.idx.msk [tilespmem:v26+s4+$0x0], $0xffff;
	[tilespmem:s30+$0xFFFFFE50] =	vst v13  }
0x531: {  	v13 =	vld.idx.msk [tilespmem:v21+s4+$0x0], $0xffff;
	[tilespmem:s30+$0x50] =	vst v12  }
0x532: {  	[tilespmem:s31+$0x310] =	vst v18;
	v12 =	vld.idx.msk [tilespmem:v17+s4+$0x0], $0xffff  }
0x533: {  	[tilespmem:s31+$0xFFFFFF10] =	vst v19;
	v11 =	vld.idx.msk [tilespmem:v11+s4+$0x0], $0xffff  }
0x534: {  	v15 =	vld.idx.msk [tilespmem:v22+s4+$0x0], $0xffff;
	[tilespmem:s31+$0x110] =	vst v16  }
0x535: {  	v14 =	vld.idx.msk [tilespmem:v14+s4+$0x0], $0xffff;
	[tilespmem:s30+$0x3D0] =	vst v9  }
0x536: {  	[tilespmem:s31+$0xFFFFFD10] =	vst v10;
	v9 =	vld [tilespmem:s0+$0xE0]  }
0x537: {  	v10 =	vld.idx.msk [tilespmem:v27+s4+$0x0], $0xffff;
	[tilespmem:s30+$0xFFFFFC50] =	vst v13  }
0x538: {  	v13 =	vld.idx.msk [tilespmem:v25+s4+$0x0], $0xffff;
	[tilespmem:s30+$0xFFFFFED0] =	vst v12  }
0x539: {  	[tilespmem:s31+$0x390] =	vst v11;
	v11 =	vld.idx.msk [tilespmem:v28+s4+$0x0], $0xffff  }
0x53a: {  	[tilespmem:s31+$0xFFFFFF90] =	vst v15;
	v12 =	vld [tilespmem:s5+$0xA0]  }
0x53b: {  	v15 =	vld [tilespmem:s5+$0xFFFFFFA0];
	[tilespmem:s31+$0x190] =	vst v14;
	vm0 =	vlt.s32 v9, $0x800  }
0x53c: {  	v14 =	vld [tilespmem:s5+$0x20];
	v9 =	vnsel vm0, $0x800, v9  }
0x53d: {  	[tilespmem:s31+$0xFFFFFD90] =	vst v10;
	v10 =	vld.idx.msk [tilespmem:v30+s4+$0x0], $0xffff  }
0x53e: {  	v16 =	vld [tilespmem:s5+$0xFFFFFF20];
	[tilespmem:s30+$0xFFFFFCD0] =	vst v13  }
0x53f: {  	vm0 =	vlt.s32 v12, $0x800;
	v13 =	vld.idx.msk [tilespmem:v29+s4+$0x0], $0xffff;
	[tilespmem:s30+$0xD0] =	vst v11  }
0x540: {  	vm1 =	vlt.s32 v15, $0x800;
	v11 =	vnsel vm0, $0x800, v12;
	v12 =	vld.idx.msk [tilespmem:v32+s4+$0x0], $0xffff  }
0x541: {  	v15 =	vnsel vm1, $0x800, v15;
	vm0 =	vlt.s32 v14, $0x800;
	v17 =	vld.idx.msk [tilespmem:v9+s4+$0x0], $0xffff  }
0x542: {  	v18 =	vadd.s32 $0x804, v15;
	v19 =	vadd.s32 $0x1008, v15;
	v14 =	vnsel vm0, $0x800, v14;
	v0 =	vld.idx.msk [tilespmem:v0+s4+$0x0], $0xffff  }
0x543: {  	vm0 =	vlt.s32 v16, $0x800;
	v20 =	vadd.s32 $0x804, v14;
	[tilespmem:s30+$0xFFFFFF50] =	vst v10;
	v10 =	vadd.s32 $0x804, v9;
	v6 =	vld.idx.msk [tilespmem:v6+s4+$0x0], $0xffff  }
0x544: {  	v21 =	vadd.s32 $0x180C, v15;
	v22 =	vadd.s32 $0x1008, v14;
	v16 =	vnsel vm0, $0x800, v16;
	v8 =	vld.idx.msk [tilespmem:v8+s4+$0x0], $0xffff  }
0x545: {  	v23 =	vadd.s32 $0x804, v16;
	v24 =	vadd.s32 $0x1008, v16;
	v25 =	vadd.s32 $0x180C, v16;
	v26 =	vld.idx.msk [tilespmem:v11+s4+$0x0], $0xffff;
	[tilespmem:s30+$0xFFFFFD50] =	vst v13  }
0x546: {  	v13 =	vld.idx.msk [tilespmem:v15+s4+$0x0], $0xffff;
	v15 =	vadd.s32 $0x180C, v14;
	[tilespmem:s30+$0x150] =	vst v12  }
0x547: {  	v12 =	vld.idx.msk [tilespmem:v14+s4+$0x0], $0xffff;
	v14 =	vadd.s32 $0x804, v11;
	[tilespmem:s30+$0x260] =	vst v17  }
0x548: {  	v10 =	vld.idx.msk [tilespmem:v10+s4+$0x0], $0xffff;
	[tilespmem:s29+$0xFFFFFD70] =	vst v0  }
0x549: {  	v0 =	vld.idx.msk [tilespmem:v16+s4+$0x0], $0xffff;
	[tilespmem:s29+$0xFFFFFF70] =	vst v6  }
0x54a: {  	v6 =	vld.idx.msk [tilespmem:v7+s4+$0x0], $0xffff;
	[tilespmem:s30+$0xFFFFFFD0] =	vst v8;
	v7 =	vadd.s32 $0x1008, v9  }
0x54b: {  	[tilespmem:s31+$0x220] =	vst v26;
	v4 =	vld.idx.msk [tilespmem:v4+s4+$0x0], $0xffff  }
0x54c: {  	[tilespmem:s31+$0xFFFFFE20] =	vst v13;
	v8 =	vld.idx.msk [tilespmem:v14+s4+$0x0], $0xffff  }
0x54d: {  	v13 =	vld.idx.msk [tilespmem:v18+s4+$0x0], $0xffff;
	[tilespmem:s31+$0x20] =	vst v12  }
0x54e: {  	v14 =	vadd.s32 $0x1008, v11;
	v12 =	vld.idx.msk [tilespmem:v20+s4+$0x0], $0xffff;
	[tilespmem:s30+$0x2E0] =	vst v10  }
0x54f: {  	[tilespmem:s31+$0xFFFFFC20] =	vst v0;
	v0 =	vld.idx.msk [tilespmem:v7+s4+$0x0], $0xffff  }
0x550: {  	v7 =	vld.idx.msk [tilespmem:v23+s4+$0x0], $0xffff;
	[tilespmem:s30+$0xFFFFFDD0] =	vst v6  }
0x551: {  	v6 =	vld [tilespmem:s0+$0xFFFFFF60];
	[tilespmem:s30+$0x1D0] =	vst v4;
	v4 =	vadd.s32 $0x180C, v9  }
0x552: {  	[tilespmem:s31+$0x2A0] =	vst v8;
	v8 =	vld [tilespmem:s0+$0xFFFFFFE0]  }
0x553: {  	[tilespmem:s31+$0xFFFFFEA0] =	vst v13;
	v9 =	vld.idx.msk [tilespmem:v14+s4+$0x0], $0xffff  }
0x554: {  	v10 =	vld.idx.msk [tilespmem:v19+s4+$0x0], $0xffff;
	[tilespmem:s31+$0xA0] =	vst v12  }
0x555: {  	v11 =	vadd.s32 $0x180C, v11;
	v12 =	vld.idx.msk [tilespmem:v22+s4+$0x0], $0xffff;
	[tilespmem:s30+$0x360] =	vst v0  }
0x556: {  	[tilespmem:s31+$0xFFFFFCA0] =	vst v7;
	vm0 =	vlt.s32 v6, $0x800;
	v4 =	vld.idx.msk [tilespmem:v4+s4+$0x0], $0xffff  }
0x557: {  	v7 =	vld.idx.msk [tilespmem:v24+s4+$0x0], $0xffff;
	v6 =	vnsel vm0, $0x800, v6;
	vm0 =	vlt.s32 v8, $0x800  }
0x558: {  	v13 =	vadd.s32 $0x804, v6;
	v14 =	vadd.s32 $0x1008, v6;
	v8 =	vnsel vm0, $0x800, v8;
	v16 =	vld [tilespmem:s0+$0x60]  }
0x559: {  	[tilespmem:s31+$0x320] =	vst v9;
	v9 =	vadd.s32 $0x180C, v6;
	v17 =	vadd.s32 $0x804, v8;
	v18 =	vadd.s32 $0x1008, v8;
	v5 =	vld.idx.msk [tilespmem:v5+s4+$0x0], $0xffff  }
0x55a: {  	v0 =	vadd.s32 $0x180C, v8;
	[tilespmem:s31+$0xFFFFFF20] =	vst v10;
	v10 =	vld.idx.msk [tilespmem:v11+s4+$0x0], $0xffff  }
0x55b: {  	v11 =	vld.idx.msk [tilespmem:v21+s4+$0x0], $0xffff;
	[tilespmem:s31+$0x120] =	vst v12  }
0x55c: {  	v12 =	vld.idx.msk [tilespmem:v15+s4+$0x0], $0xffff;
	[tilespmem:s30+$0x3E0] =	vst v4  }
0x55d: {  	[tilespmem:s31+$0xFFFFFD20] =	vst v7;
	vm0 =	vlt.s32 v16, $0x800;
	v4 =	vld [tilespmem:s0+$0xF0]  }
0x55e: {  	v7 =	vld.idx.msk [tilespmem:v25+s4+$0x0], $0xffff;
	v15 =	vnsel vm0, $0x800, v16  }
0x55f: {  	v6 =	vld.idx.msk [tilespmem:v6+s4+$0x0], $0xffff;
	v16 =	vadd.s32 $0x804, v15;
	v19 =	vadd.s32 $0x1008, v15;
	v20 =	vadd.s32 $0x180C, v15;
	[tilespmem:s29+$0x170] =	vst v5  }
0x560: {  	[tilespmem:s31+$0x3A0] =	vst v10;
	v5 =	vld.idx.msk [tilespmem:v8+s4+$0x0], $0xffff  }
0x561: {  	[tilespmem:s31+$0xFFFFFFA0] =	vst v11;
	v8 =	vld [tilespmem:s5+$0xB0]  }
0x562: {  	v10 =	vld [tilespmem:s5+$0xFFFFFFB0];
	[tilespmem:s31+$0x1A0] =	vst v12;
	vm0 =	vlt.s32 v4, $0x800  }
0x563: {  	v11 =	vld [tilespmem:s5+$0x30];
	v4 =	vnsel vm0, $0x800, v4  }
0x564: {  	[tilespmem:s31+$0xFFFFFDA0] =	vst v7;
	v7 =	vld.idx.msk [tilespmem:v15+s4+$0x0], $0xffff  }
0x565: {  	v12 =	vld [tilespmem:s5+$0xFFFFFF30];
	[tilespmem:s30+$0xFFFFFC60] =	vst v6  }
0x566: {  	vm0 =	vlt.s32 v8, $0x800;
	v6 =	vld.idx.msk [tilespmem:v13+s4+$0x0], $0xffff;
	[tilespmem:s30+$0xFFFFFE60] =	vst v5  }
0x567: {  	vm1 =	vlt.s32 v10, $0x800;
	v5 =	vnsel vm0, $0x800, v8;
	v8 =	vld.idx.msk [tilespmem:v17+s4+$0x0], $0xffff  }
0x568: {  	v10 =	vnsel vm1, $0x800, v10;
	vm0 =	vlt.s32 v11, $0x800;
	v13 =	vld.idx.msk [tilespmem:v4+s4+$0x0], $0xffff  }
0x569: {  	v15 =	vadd.s32 $0x804, v10;
	v17 =	vadd.s32 $0x1008, v10;
	v11 =	vnsel vm0, $0x800, v11;
	v2 =	vld.idx.msk [tilespmem:v2+s4+$0x0], $0xffff  }
0x56a: {  	vm0 =	vlt.s32 v12, $0x800;
	v21 =	vadd.s32 $0x804, v11;
	[tilespmem:s30+$0x60] =	vst v7;
	v7 =	vadd.s32 $0x804, v4;
	v3 =	vld.idx.msk [tilespmem:v3+s4+$0x0], $0xffff  }
0x56b: {  	v22 =	vadd.s32 $0x180C, v10;
	v23 =	vadd.s32 $0x1008, v11;
	v12 =	vnsel vm0, $0x800, v12;
	v16 =	vld.idx.msk [tilespmem:v16+s4+$0x0], $0xffff  }
0x56c: {  	v24 =	vadd.s32 $0x804, v12;
	v25 =	vadd.s32 $0x1008, v12;
	v26 =	vadd.s32 $0x180C, v12;
	v27 =	vld.idx.msk [tilespmem:v5+s4+$0x0], $0xffff;
	[tilespmem:s30+$0xFFFFFCE0] =	vst v6  }
0x56d: {  	v6 =	vld.idx.msk [tilespmem:v10+s4+$0x0], $0xffff;
	v10 =	vadd.s32 $0x180C, v11;
	[tilespmem:s30+$0xFFFFFEE0] =	vst v8  }
0x56e: {  	v8 =	vld.idx.msk [tilespmem:v11+s4+$0x0], $0xffff;
	v11 =	vadd.s32 $0x804, v5;
	[tilespmem:s30+$0x270] =	vst v13  }
0x56f: {  	v7 =	vld.idx.msk [tilespmem:v7+s4+$0x0], $0xffff;
	[tilespmem:s29+$0xFFFFFDF0] =	vst v2  }
0x570: {  	v2 =	vld.idx.msk [tilespmem:v12+s4+$0x0], $0xffff;
	[tilespmem:s29+$0xFFFFFFF0] =	vst v3  }
0x571: {  	v12 =	vadd.s32 $0x1008, v4;
	v3 =	vld.idx.msk [tilespmem:v14+s4+$0x0], $0xffff;
	[tilespmem:s30+$0xE0] =	vst v16  }
0x572: {  	[tilespmem:s31+$0x230] =	vst v27;
	v13 =	vld.idx.msk [tilespmem:v18+s4+$0x0], $0xffff  }
0x573: {  	[tilespmem:s31+$0xFFFFFE30] =	vst v6;
	v6 =	vld.idx.msk [tilespmem:v11+s4+$0x0], $0xffff  }
0x574: {  	v11 =	vld.idx.msk [tilespmem:v15+s4+$0x0], $0xffff;
	[tilespmem:s31+$0x30] =	vst v8  }
0x575: {  	v14 =	vadd.s32 $0x1008, v5;
	v8 =	vld.idx.msk [tilespmem:v21+s4+$0x0], $0xffff;
	[tilespmem:s30+$0x2F0] =	vst v7  }
0x576: {  	[tilespmem:s31+$0xFFFFFC30] =	vst v2;
	v2 =	vld.idx.msk [tilespmem:v12+s4+$0x0], $0xffff  }
0x577: {  	v7 =	vld.idx.msk [tilespmem:v24+s4+$0x0], $0xffff;
	[tilespmem:s30+$0xFFFFFD60] =	vst v3  }
0x578: {  	v4 =	vadd.s32 $0x180C, v4;
	[tilespmem:s30+$0xFFFFFF60] =	vst v13;
	v3 =	vld.idx.msk [tilespmem:v19+s4+$0x0], $0xffff  }
0x579: {  	[tilespmem:s31+$0x2B0] =	vst v6;
	v6 =	vld.idx.msk [tilespmem:v9+s4+$0x0], $0xffff  }
0x57a: {  	[tilespmem:s31+$0xFFFFFEB0] =	vst v11;
	v9 =	vld.idx.msk [tilespmem:v14+s4+$0x0], $0xffff  }
0x57b: {  	v11 =	vld.idx.msk [tilespmem:v17+s4+$0x0], $0xffff;
	[tilespmem:s31+$0xB0] =	vst v8  }
0x57c: {  	v5 =	vadd.s32 $0x180C, v5;
	v8 =	vld.idx.msk [tilespmem:v23+s4+$0x0], $0xffff;
	[tilespmem:s30+$0x370] =	vst v2  }
0x57d: {  	[tilespmem:s31+$0xFFFFFCB0] =	vst v7;
	v2 =	vld.idx.msk [tilespmem:v4+s4+$0x0], $0xffff  }
0x57e: {  	v4 =	vld.idx.msk [tilespmem:v25+s4+$0x0], $0xffff;
	[tilespmem:s30+$0x160] =	vst v3  }
0x57f: {  	[tilespmem:s30+$0xFFFFFDE0] =	vst v6;
	v0 =	vld.idx.msk [tilespmem:v0+s4+$0x0], $0xffff  }
0x580: {  	[tilespmem:s31+$0x330] =	vst v9;
	v3 =	vld.idx.msk [tilespmem:v20+s4+$0x0], $0xffff  }
0x581: {  	[tilespmem:s31+$0xFFFFFF30] =	vst v11;
	v5 =	vld.idx.msk [tilespmem:v5+s4+$0x0], $0xffff  }
0x582: {  	v7 =	vld.idx.msk [tilespmem:v22+s4+$0x0], $0xffff;
	[tilespmem:s31+$0x130] =	vst v8  }
0x583: {  	v8 =	vld.idx.msk [tilespmem:v10+s4+$0x0], $0xffff;
	[tilespmem:s30+$0x3F0] =	vst v2  }
0x584: {  	[tilespmem:s31+$0xFFFFFD30] =	vst v4;
	v2 =	vld [tilespmem:s0+$0xFFFFFF70]  }
0x585: {  	v4 =	vld.idx.msk [tilespmem:v26+s4+$0x0], $0xffff;
	[tilespmem:s30+$0xFFFFFFE0] =	vst v0  }
0x586: {  	v6 =	vld [tilespmem:s0+$0xFFFFFFF0];
	[tilespmem:s30+$0x1E0] =	vst v3  }
.Ltmp1:
0x587: {  	[tilespmem:s31+$0x3B0] =	vst v5;
	v5 =	vld [tilespmem:s0+$0x70];
	s0 =	smov.u32 s5;
	(pc) =	sbr.rel @p0 .LBB2_5-.Ltmp1, $4  }
0x588: {  	[tilespmem:s31+$0xFFFFFFB0] =	vst v7;
	v7 =	vld [tilespmem:s5+$0xC0]  }
0x589: {  	v10 =	vld [tilespmem:s5+$0xFFFFFFC0];
	[tilespmem:s31+$0x1B0] =	vst v8;
	vm0 =	vlt.s32 v2, $0x800  }
0x58a: {  	v9 =	vld [tilespmem:s5+$0x40];
	v3 =	vnsel vm0, $0x800, v2  }
0x58b: {  	s5 =	sadd.s32 $0x200, s5;
	[tilespmem:s31+$0xFFFFFDB0] =	vst v4;
	v4 =	vadd.s32 $0x804, v3;
	v0 =	vadd.s32 $0x1008, v3;
	vm0 =	vlt.s32 v6, $0x800;
	v1 =	vld.idx.msk [tilespmem:v1+s4+$0x0], $0xffff  }
0x58c: {  	v2 =	vld [tilespmem:s0+$0xFFFFFF40];
	_ =	sdelay $0x1  }
0x58d: {  	vm1 =	vlt.s32 v7, $0x800  }
0x58e: {  	v7 =	vnsel vm1, $0x800, v7;
	vm13 =	vlt.s32 v10, $0x800  }
0x58f: {  	v8 =	vnsel vm13, $0x800, v10;
	vm14 =	vlt.s32 v9, $0x800  }
0x590: {  	v9 =	vnsel vm14, $0x800, v9;
	vm12 =	vlt.s32 v2, $0x800  }
0x591: {  	v2 =	vnsel vm12, $0x800, v2;
	_ =	sdelay $0x1  }
0x592: {  	v43 =	vld.idx.msk [tilespmem:v7+s4+$0x0], $0xffff  }
0x593: {  	v11 =	vadd.s32 $0x804, v7;
	v13 =	vld.idx.msk [tilespmem:v8+s4+$0x0], $0xffff  }
0x594: {  	v15 =	vadd.s32 $0x804, v8;
	v16 =	vld.idx.msk [tilespmem:v9+s4+$0x0], $0xffff  }
0x595: {  	v17 =	vadd.s32 $0x804, v9;
	v12 =	vld.idx.msk [tilespmem:v2+s4+$0x0], $0xffff  }
0x596: {  	v14 =	vadd.s32 $0x804, v2  }
0x597: {  	[tilespmem:s31+$0x240] =	vst v43  }
0x598: {  	v10 =	vld.idx.msk [tilespmem:v11+s4+$0x0], $0xffff;
	[tilespmem:s31+$0xFFFFFE40] =	vst v13  }
0x599: {  	v44 =	vadd.s32 $0x1008, v7;
	[tilespmem:s31+$0x40] =	vst v16;
	v46 =	vld.idx.msk [tilespmem:v15+s4+$0x0], $0xffff  }
0x59a: {  	v47 =	vadd.s32 $0x1008, v8;
	v16 =	vld.idx.msk [tilespmem:v17+s4+$0x0], $0xffff;
	[tilespmem:s31+$0xFFFFFC40] =	vst v12  }
0x59b: {  	v48 =	vadd.s32 $0x1008, v9;
	v12 =	vld.idx.msk [tilespmem:v14+s4+$0x0], $0xffff  }
0x59c: {  	v45 =	vadd.s32 $0x1008, v2  }
0x59d: {  	[tilespmem:s31+$0x2C0] =	vst v10  }
0x59e: {  	v10 =	vld.idx.msk [tilespmem:v44+s4+$0x0], $0xffff;
	[tilespmem:s31+$0xFFFFFEC0] =	vst v46  }
0x59f: {  	v7 =	vadd.s32 $0x180C, v7;
	[tilespmem:s31+$0xC0] =	vst v16;
	v50 =	vld.idx.msk [tilespmem:v47+s4+$0x0], $0xffff  }
0x5a0: {  	v8 =	vadd.s32 $0x180C, v8;
	v51 =	vld.idx.msk [tilespmem:v48+s4+$0x0], $0xffff;
	[tilespmem:s31+$0xFFFFFCC0] =	vst v12  }
0x5a1: {  	v9 =	vadd.s32 $0x180C, v9;
	v49 =	vld.idx.msk [tilespmem:v45+s4+$0x0], $0xffff  }
0x5a2: {  	v2 =	vadd.s32 $0x180C, v2  }
0x5a3: {  	[tilespmem:s31+$0x340] =	vst v10  }
0x5a4: {  	v7 =	vld.idx.msk [tilespmem:v7+s4+$0x0], $0xffff;
	[tilespmem:s31+$0xFFFFFF40] =	vst v50  }
0x5a5: {  	[tilespmem:s31+$0x140] =	vst v51;
	v8 =	vld.idx.msk [tilespmem:v8+s4+$0x0], $0xffff  }
0x5a6: {  	v9 =	vld.idx.msk [tilespmem:v9+s4+$0x0], $0xffff;
	[tilespmem:s31+$0xFFFFFD40] =	vst v49  }
0x5a7: {  	v2 =	vld.idx.msk [tilespmem:v2+s4+$0x0], $0xffff;
	_ =	sdelay $0x1  }
0x5a8: {  	[tilespmem:s31+$0x3C0] =	vst v7  }
0x5a9: {  	v7 =	vld [tilespmem:s0+$0xD0];
	[tilespmem:s31+$0xFFFFFFC0] =	vst v8  }
0x5aa: {  	v8 =	vld [tilespmem:s0+$0xFFFFFFD0];
	[tilespmem:s31+$0x1C0] =	vst v9  }
0x5ab: {  	v9 =	vld [tilespmem:s0+$0x50];
	[tilespmem:s31+$0xFFFFFDC0] =	vst v2  }
0x5ac: {  	v2 =	vld [tilespmem:s0+$0xFFFFFF50];
	_ =	sdelay $0x1  }
0x5ad: {  	vm15 =	vlt.s32 v7, $0x800  }
0x5ae: {  	v7 =	vnsel vm15, $0x800, v7;
	vm5 =	vlt.s32 v8, $0x800  }
0x5af: {  	v8 =	vnsel vm5, $0x800, v8;
	vm6 =	vlt.s32 v9, $0x800  }
0x5b0: {  	v9 =	vnsel vm6, $0x800, v9;
	vm4 =	vlt.s32 v2, $0x800  }
0x5b1: {  	v2 =	vnsel vm4, $0x800, v2;
	_ =	sdelay $0x1  }
0x5b2: {  	v10 =	vld.idx.msk [tilespmem:v7+s4+$0x0], $0xffff  }
0x5b3: {  	v52 =	vadd.s32 $0x804, v7;
	v14 =	vld.idx.msk [tilespmem:v8+s4+$0x0], $0xffff  }
0x5b4: {  	v55 =	vadd.s32 $0x804, v8;
	v16 =	vld.idx.msk [tilespmem:v9+s4+$0x0], $0xffff  }
0x5b5: {  	v56 =	vadd.s32 $0x804, v9;
	v53 =	vld.idx.msk [tilespmem:v2+s4+$0x0], $0xffff  }
0x5b6: {  	v54 =	vadd.s32 $0x804, v2  }
0x5b7: {  	[tilespmem:s31+$0x250] =	vst v10  }
0x5b8: {  	v11 =	vld.idx.msk [tilespmem:v52+s4+$0x0], $0xffff;
	[tilespmem:s31+$0xFFFFFE50] =	vst v14  }
0x5b9: {  	v57 =	vadd.s32 $0x1008, v7;
	[tilespmem:s31+$0x50] =	vst v16;
	v14 =	vld.idx.msk [tilespmem:v55+s4+$0x0], $0xffff  }
0x5ba: {  	v59 =	vadd.s32 $0x1008, v8;
	v10 =	vld.idx.msk [tilespmem:v56+s4+$0x0], $0xffff;
	[tilespmem:s31+$0xFFFFFC50] =	vst v53  }
0x5bb: {  	v60 =	vadd.s32 $0x1008, v9;
	v12 =	vld.idx.msk [tilespmem:v54+s4+$0x0], $0xffff  }
0x5bc: {  	v58 =	vadd.s32 $0x1008, v2  }
0x5bd: {  	[tilespmem:s31+$0x2D0] =	vst v11  }
0x5be: {  	v11 =	vld.idx.msk [tilespmem:v57+s4+$0x0], $0xffff;
	[tilespmem:s31+$0xFFFFFED0] =	vst v14  }
0x5bf: {  	v7 =	vadd.s32 $0x180C, v7;
	v61 =	vld.idx.msk [tilespmem:v59+s4+$0x0], $0xffff;
	[tilespmem:s31+$0xD0] =	vst v10  }
0x5c0: {  	v8 =	vadd.s32 $0x180C, v8;
	v10 =	vld.idx.msk [tilespmem:v60+s4+$0x0], $0xffff;
	[tilespmem:s31+$0xFFFFFCD0] =	vst v12  }
0x5c1: {  	v9 =	vadd.s32 $0x180C, v9;
	v12 =	vld.idx.msk [tilespmem:v58+s4+$0x0], $0xffff  }
0x5c2: {  	v2 =	vadd.s32 $0x180C, v2  }
0x5c3: {  	[tilespmem:s31+$0x350] =	vst v11  }
0x5c4: {  	v7 =	vld.idx.msk [tilespmem:v7+s4+$0x0], $0xffff;
	[tilespmem:s31+$0xFFFFFF50] =	vst v61  }
0x5c5: {  	v8 =	vld.idx.msk [tilespmem:v8+s4+$0x0], $0xffff;
	[tilespmem:s31+$0x150] =	vst v10  }
0x5c6: {  	v9 =	vld.idx.msk [tilespmem:v9+s4+$0x0], $0xffff;
	[tilespmem:s31+$0xFFFFFD50] =	vst v12  }
0x5c7: {  	v2 =	vld.idx.msk [tilespmem:v2+s4+$0x0], $0xffff;
	_ =	sdelay $0x1  }
0x5c8: {  	[tilespmem:s31+$0x3D0] =	vst v7  }
0x5c9: {  	v7 =	vld [tilespmem:s0+$0xE0];
	[tilespmem:s31+$0xFFFFFFD0] =	vst v8  }
0x5ca: {  	[tilespmem:s31+$0x1D0] =	vst v9;
	v8 =	vld [tilespmem:s0+$0xFFFFFFE0]  }
0x5cb: {  	v9 =	vld [tilespmem:s0+$0x60];
	[tilespmem:s31+$0xFFFFFDD0] =	vst v2  }
0x5cc: {  	v2 =	vld [tilespmem:s0+$0xFFFFFF60];
	_ =	sdelay $0x1  }
0x5cd: {  	vm7 =	vlt.s32 v7, $0x800  }
0x5ce: {  	v7 =	vnsel vm7, $0x800, v7;
	vm9 =	vlt.s32 v8, $0x800  }
0x5cf: {  	v8 =	vnsel vm9, $0x800, v8;
	vm10 =	vlt.s32 v9, $0x800  }
0x5d0: {  	v9 =	vnsel vm10, $0x800, v9;
	vm8 =	vlt.s32 v2, $0x800  }
0x5d1: {  	v2 =	vnsel vm8, $0x800, v2;
	_ =	sdelay $0x1  }
0x5d2: {  	v62 =	vld.idx.msk [tilespmem:v7+s4+$0x0], $0xffff  }
0x5d3: {  	v63 =	vadd.s32 $0x804, v7;
	v14 =	vld.idx.msk [tilespmem:v8+s4+$0x0], $0xffff  }
0x5d4: {  	v21 =	vadd.s32 $0x804, v8;
	v22 =	vld.idx.msk [tilespmem:v9+s4+$0x0], $0xffff  }
0x5d5: {  	v23 =	vadd.s32 $0x804, v9;
	v12 =	vld.idx.msk [tilespmem:v2+s4+$0x0], $0xffff  }
0x5d6: {  	v20 =	vadd.s32 $0x804, v2  }
0x5d7: {  	[tilespmem:s31+$0x260] =	vst v62  }
0x5d8: {  	v11 =	vld.idx.msk [tilespmem:v63+s4+$0x0], $0xffff;
	[tilespmem:s31+$0xFFFFFE60] =	vst v14  }
0x5d9: {  	v24 =	vadd.s32 $0x1008, v7;
	v14 =	vld.idx.msk [tilespmem:v21+s4+$0x0], $0xffff;
	[tilespmem:s31+$0x60] =	vst v22  }
0x5da: {  	v26 =	vadd.s32 $0x1008, v8;
	v10 =	vld.idx.msk [tilespmem:v23+s4+$0x0], $0xffff;
	[tilespmem:s31+$0xFFFFFC60] =	vst v12  }
0x5db: {  	v27 =	vadd.s32 $0x1008, v9;
	v12 =	vld.idx.msk [tilespmem:v20+s4+$0x0], $0xffff  }
0x5dc: {  	v25 =	vadd.s32 $0x1008, v2  }
0x5dd: {  	[tilespmem:s31+$0x2E0] =	vst v11  }
0x5de: {  	v28 =	vld.idx.msk [tilespmem:v24+s4+$0x0], $0xffff;
	[tilespmem:s31+$0xFFFFFEE0] =	vst v14  }
0x5df: {  	v7 =	vadd.s32 $0x180C, v7;
	[tilespmem:s31+$0xE0] =	vst v10;
	v29 =	vld.idx.msk [tilespmem:v26+s4+$0x0], $0xffff  }
0x5e0: {  	v8 =	vadd.s32 $0x180C, v8;
	v11 =	vld.idx.msk [tilespmem:v27+s4+$0x0], $0xffff;
	[tilespmem:s31+$0xFFFFFCE0] =	vst v12  }
0x5e1: {  	v9 =	vadd.s32 $0x180C, v9;
	v12 =	vld.idx.msk [tilespmem:v25+s4+$0x0], $0xffff  }
0x5e2: {  	v2 =	vadd.s32 $0x180C, v2  }
0x5e3: {  	[tilespmem:s31+$0x360] =	vst v28  }
0x5e4: {  	v6 =	vnsel vm0, $0x800, v6;
	v7 =	vld.idx.msk [tilespmem:v7+s4+$0x0], $0xffff;
	[tilespmem:s31+$0xFFFFFF60] =	vst v29  }
0x5e5: {  	[tilespmem:s31+$0x160] =	vst v11;
	v8 =	vld.idx.msk [tilespmem:v8+s4+$0x0], $0xffff  }
0x5e6: {  	v9 =	vld.idx.msk [tilespmem:v9+s4+$0x0], $0xffff;
	[tilespmem:s31+$0xFFFFFD60] =	vst v12  }
0x5e7: {  	v2 =	vld.idx.msk [tilespmem:v2+s4+$0x0], $0xffff  }
0x5e8: {  	v30 =	vld.idx.msk [tilespmem:v3+s4+$0x0], $0xffff;
	vm11 =	vlt.s32 v5, $0x800  }
0x5e9: {  	v5 =	vnsel vm11, $0x800, v5;
	v31 =	vld.idx.msk [tilespmem:v6+s4+$0x0], $0xffff;
	[tilespmem:s31+$0x3E0] =	vst v7  }
0x5ea: {  	v7 =	vld [tilespmem:s0+$0xF0];
	[tilespmem:s31+$0xFFFFFFE0] =	vst v8  }
0x5eb: {  	v8 =	vld [tilespmem:s0+$0xFFFFFFF0];
	[tilespmem:s31+$0x1E0] =	vst v9  }
0x5ec: {  	v9 =	vld [tilespmem:s0+$0x70];
	[tilespmem:s31+$0xFFFFFDE0] =	vst v2  }
0x5ed: {  	v2 =	vld [tilespmem:s0+$0xFFFFFF70]  }
0x5ee: {  	v32 =	vadd.s32 $0x804, v6;
	v33 =	vld.idx.msk [tilespmem:v5+s4+$0x0], $0xffff  }
0x5ef: {  	v34 =	vadd.s32 $0x804, v5;
	vm12 =	vlt.s32 v7, $0x800  }
0x5f0: {  	v7 =	vnsel vm12, $0x800, v7;
	vm14 =	vlt.s32 v8, $0x800  }
0x5f1: {  	[tilespmem:s30+$0xFFFFFC70] =	vst v30;
	v8 =	vnsel vm14, $0x800, v8;
	vm15 =	vlt.s32 v9, $0x800  }
0x5f2: {  	v4 =	vld.idx.msk [tilespmem:v4+s4+$0x0], $0xffff;
	[tilespmem:s30+$0xFFFFFE70] =	vst v31;
	v9 =	vnsel vm15, $0x800, v9;
	vm13 =	vlt.s32 v2, $0x800  }
0x5f3: {  	v35 =	vld.idx.msk [tilespmem:v32+s4+$0x0], $0xffff;
	[tilespmem:s30+$0x70] =	vst v33;
	v2 =	vnsel vm13, $0x800, v2  }
0x5f4: {  	v39 =	vadd.s32 $0x1008, v6;
	v37 =	vld.idx.msk [tilespmem:v34+s4+$0x0], $0xffff  }
0x5f5: {  	v36 =	vld.idx.msk [tilespmem:v7+s4+$0x0], $0xffff  }
0x5f6: {  	[tilespmem:s29+$0x1F0] =	vst v1;
	v38 =	vadd.s32 $0x804, v7;
	v42 =	vld.idx.msk [tilespmem:v8+s4+$0x0], $0xffff  }
0x5f7: {  	[tilespmem:s30+$0xFFFFFCF0] =	vst v4;
	v43 =	vadd.s32 $0x804, v8;
	v44 =	vld.idx.msk [tilespmem:v9+s4+$0x0], $0xffff  }
0x5f8: {  	[tilespmem:s30+$0xFFFFFEF0] =	vst v35;
	v45 =	vadd.s32 $0x804, v9;
	v40 =	vld.idx.msk [tilespmem:v2+s4+$0x0], $0xffff  }
0x5f9: {  	[tilespmem:s30+$0xF0] =	vst v37;
	v48 =	vld.idx.msk [tilespmem:v39+s4+$0x0], $0xffff;
	v41 =	vadd.s32 $0x804, v2  }
0x5fa: {  	v6 =	vadd.s32 $0x180C, v6;
	v0 =	vld.idx.msk [tilespmem:v0+s4+$0x0], $0xffff;
	[tilespmem:s31+$0x270] =	vst v36  }
0x5fb: {  	v46 =	vadd.s32 $0x1008, v5;
	v47 =	vld.idx.msk [tilespmem:v38+s4+$0x0], $0xffff;
	[tilespmem:s31+$0xFFFFFE70] =	vst v42  }
0x5fc: {  	v49 =	vadd.s32 $0x1008, v7;
	[tilespmem:s31+$0x70] =	vst v44;
	v10 =	vld.idx.msk [tilespmem:v43+s4+$0x0], $0xffff  }
0x5fd: {  	v53 =	vadd.s32 $0x1008, v8;
	v11 =	vld.idx.msk [tilespmem:v45+s4+$0x0], $0xffff;
	[tilespmem:s31+$0xFFFFFC70] =	vst v40  }
0x5fe: {  	[tilespmem:s30+$0xFFFFFF70] =	vst v48;
	v55 =	vadd.s32 $0x1008, v9;
	v51 =	vld.idx.msk [tilespmem:v41+s4+$0x0], $0xffff  }
0x5ff: {  	[tilespmem:s30+$0xFFFFFD70] =	vst v0;
	v6 =	vld.idx.msk [tilespmem:v6+s4+$0x0], $0xffff;
	v52 =	vadd.s32 $0x1008, v2  }
0x600: {  	v50 =	vadd.s32 $0x180C, v3;
	v54 =	vld.idx.msk [tilespmem:v46+s4+$0x0], $0xffff;
	[tilespmem:s31+$0x2F0] =	vst v47  }
0x601: {  	v57 =	vadd.s32 $0x180C, v5;
	v56 =	vld.idx.msk [tilespmem:v49+s4+$0x0], $0xffff;
	[tilespmem:s31+$0xFFFFFEF0] =	vst v10  }
0x602: {  	v7 =	vadd.s32 $0x180C, v7;
	[tilespmem:s31+$0xF0] =	vst v11;
	v0 =	vld.idx.msk [tilespmem:v53+s4+$0x0], $0xffff  }
0x603: {  	v58 =	vadd.s32 $0x180C, v8;
	v59 =	vld.idx.msk [tilespmem:v55+s4+$0x0], $0xffff;
	[tilespmem:s31+$0xFFFFFCF0] =	vst v51  }
0x604: {  	[tilespmem:s30+$0xFFFFFFF0] =	vst v6;
	v9 =	vadd.s32 $0x180C, v9;
	v4 =	vld.idx.msk [tilespmem:v52+s4+$0x0], $0xffff  }
0x605: {  	v1 =	vld.idx.msk [tilespmem:v50+s4+$0x0], $0xffff;
	[tilespmem:s30+$0x170] =	vst v54;
	v2 =	vadd.s32 $0x180C, v2  }
0x606: {  	v3 =	vld.idx.msk [tilespmem:v57+s4+$0x0], $0xffff;
	[tilespmem:s31+$0x370] =	vst v56  }
0x607: {  	v60 =	vld.idx.msk [tilespmem:v7+s4+$0x0], $0xffff;
	[tilespmem:s31+$0xFFFFFF70] =	vst v0  }
0x608: {  	[tilespmem:s31+$0x170] =	vst v59;
	v62 =	vld.idx.msk [tilespmem:v58+s4+$0x0], $0xffff  }
0x609: {  	v63 =	vld.idx.msk [tilespmem:v9+s4+$0x0], $0xffff;
	[tilespmem:s31+$0xFFFFFD70] =	vst v4  }
0x60a: {  	[tilespmem:s30+$0xFFFFFDF0] =	vst v1;
	v61 =	vld.idx.msk [tilespmem:v2+s4+$0x0], $0xffff  }
0x60b: {  	[tilespmem:s30+$0x1F0] =	vst v3  }
0x60c: {  	[tilespmem:s31+$0x3F0] =	vst v60  }
0x60d: {  	[tilespmem:s31+$0xFFFFFFF0] =	vst v62  }
0x60e: {  	[tilespmem:s31+$0x1F0] =	vst v63  }
0x60f: {  	s30 =	sadd.s32 s28, s10;
	[tilespmem:s31+$0xFFFFFDF0] =	vst v61;
	s31 =	sadd.s32 $0x3, s26  }
0x610: {  	[hbm4b:s30+s4] =	stream.linear.scatter [tilespmem:s21], [sflag:$0x4], $0x4000, $0x38;
	[tilespmem:$0xC080] =	vst v63  }
0x611: {  	s25 =	sadd.s32 $0x1, s25;
	s0 =	smin.u32 s31, s7  }
0x612: {  	p0 =	sne.s32 s25, $0xC;
	s2 =	sshll.u32 s0, $0x9  }
.Ltmp2:
0x613: {  	s5 =	sshll.u32 s0, $0xC;
	s0 =	sshll.u32 s0, $0x2;
	(pc) =	sbr.rel @p0 .LBB2_2-.Ltmp2, $4  }
0x614: {  	s2 =	sand.u32 $0xFC000, s2;
	s5 =	sand.u32 $0x3000, s5;
	s0 =	sand.u32 $0x70, s0  }
0x615: {  	s2 =	sor.u32 s5, s2;
	s0 =	sadd.s32 s1, s0  }
0x616: {  	s0 =	sadd.s32 s2, s0  }
0x617: {  	[tilespmem:s17], [sflag:$0x2] =	stream.strided.gather [hbm4b:s0+s14], $0x1000, s15, s14, $0x38;
	[tilespmem:$0xC080] =	vst v63  }
0x618: {  	_ =	swait.ge [sflag:s18], $0x1000  }
0x619: {  	[sflag:s18] =	ssyncset.done $0x0  }
0x61a: {  	[sflag:s18] =	ssyncadd.s32 $0xFFFFF000  }
0x61b: {  	_ =	swait.ge [sflag:s22], $0x4000  }
0x61c: {  	[sflag:s22] =	ssyncset.done $0x0  }
0x61d: {  	s0 =	simm.s32 $0x2180;
	[sflag:s22] =	ssyncadd.s32 $0xFFFFC000  }
0x61e: {  	v0 =	vld [tilespmem:s0+$0x80]  }
0x61f: {  	v1 =	vld [tilespmem:s0+$0xFFFFFF80]  }
0x620: {  	v2 =	vld [tilespmem:s0+$0x0];
	_ =	sdelay $0x2  }
0x621: {  	vm0 =	vlt.s32 v0, $0x800  }
0x622: {  	vm1 =	vlt.s32 v1, $0x800;
	v0 =	vnsel vm0, $0x800, v0  }
0x623: {  	v1 =	vnsel vm1, $0x800, v1;
	vm0 =	vlt.s32 v2, $0x800  }
0x624: {  	v2 =	vnsel vm0, $0x800, v2;
	_ =	sdelay $0x1  }
0x625: {  	v3 =	vld [tilespmem:s0+$0xFFFFFF00]  }
0x626: {  	v4 =	vld.idx.msk [tilespmem:v0+s4+$0x0], $0xffff  }
0x627: {  	v6 =	vadd.s32 $0x804, v0;
	v5 =	vld.idx.msk [tilespmem:v1+s4+$0x0], $0xffff  }
0x628: {  	v7 =	vadd.s32 $0x804, v1;
	v8 =	vld.idx.msk [tilespmem:v2+s4+$0x0], $0xffff  }
0x629: {  	v9 =	vadd.s32 $0x804, v2  }
0x62a: {  	s25 =	simm.s32 $0x4480;
	vm0 =	vlt.s32 v3, $0x800  }
0x62b: {  	v3 =	vnsel vm0, $0x800, v3;
	[tilespmem:s25+$0x200] =	vst v4  }
0x62c: {  	[tilespmem:s25+$0xFFFFFE00] =	vst v5;
	v5 =	vld.idx.msk [tilespmem:v6+s4+$0x0], $0xffff  }
0x62d: {  	v6 =	vld.idx.msk [tilespmem:v7+s4+$0x0], $0xffff;
	[tilespmem:s25+$0x0] =	vst v8;
	v7 =	vadd.s32 $0x1008, v0  }
0x62e: {  	v8 =	vadd.s32 $0x1008, v1;
	v9 =	vld.idx.msk [tilespmem:v9+s4+$0x0], $0xffff  }
0x62f: {  	v11 =	vadd.s32 $0x1008, v2  }
0x630: {  	v10 =	vld.idx.msk [tilespmem:v3+s4+$0x0], $0xffff  }
0x631: {  	v4 =	vadd.s32 $0x804, v3;
	[tilespmem:s25+$0x280] =	vst v5  }
0x632: {  	[tilespmem:s25+$0xFFFFFE80] =	vst v6;
	v6 =	vld.idx.msk [tilespmem:v7+s4+$0x0], $0xffff  }
0x633: {  	v0 =	vadd.s32 $0x180C, v0;
	v7 =	vld.idx.msk [tilespmem:v8+s4+$0x0], $0xffff;
	[tilespmem:s25+$0x80] =	vst v9  }
0x634: {  	v1 =	vadd.s32 $0x180C, v1;
	v8 =	vld.idx.msk [tilespmem:v11+s4+$0x0], $0xffff  }
0x635: {  	v2 =	vadd.s32 $0x180C, v2;
	[tilespmem:s25+$0xFFFFFC00] =	vst v10  }
0x636: {  	v4 =	vld.idx.msk [tilespmem:v4+s4+$0x0], $0xffff  }
0x637: {  	v5 =	vadd.s32 $0x1008, v3;
	[tilespmem:s25+$0x300] =	vst v6  }
0x638: {  	[tilespmem:s25+$0xFFFFFF00] =	vst v7;
	v0 =	vld.idx.msk [tilespmem:v0+s4+$0x0], $0xffff  }
0x639: {  	v1 =	vld.idx.msk [tilespmem:v1+s4+$0x0], $0xffff;
	[tilespmem:s25+$0x100] =	vst v8  }
0x63a: {  	v2 =	vld.idx.msk [tilespmem:v2+s4+$0x0], $0xffff  }
0x63b: {  	[tilespmem:s25+$0xFFFFFC80] =	vst v4  }
0x63c: {  	v4 =	vld.idx.msk [tilespmem:v5+s4+$0x0], $0xffff  }
0x63d: {  	v3 =	vadd.s32 $0x180C, v3;
	[tilespmem:s25+$0x380] =	vst v0  }
0x63e: {  	[tilespmem:s25+$0xFFFFFF80] =	vst v1;
	v0 =	vld [tilespmem:s0+$0x90]  }
0x63f: {  	v1 =	vld [tilespmem:s0+$0xFFFFFF90];
	[tilespmem:s25+$0x180] =	vst v2  }
0x640: {  	v2 =	vld [tilespmem:s0+$0x10]  }
0x641: {  	[tilespmem:s25+$0xFFFFFD00] =	vst v4  }
0x642: {  	v3 =	vld.idx.msk [tilespmem:v3+s4+$0x0], $0xffff  }
0x643: {  	vm0 =	vlt.s32 v0, $0x800  }
0x644: {  	vm1 =	vlt.s32 v1, $0x800;
	v0 =	vnsel vm0, $0x800, v0  }
0x645: {  	v1 =	vnsel vm1, $0x800, v1;
	vm0 =	vlt.s32 v2, $0x800  }
0x646: {  	v2 =	vnsel vm0, $0x800, v2  }
0x647: {  	[tilespmem:s25+$0xFFFFFD80] =	vst v3  }
0x648: {  	v3 =	vld [tilespmem:s0+$0xFFFFFF10]  }
0x649: {  	v4 =	vld.idx.msk [tilespmem:v0+s4+$0x0], $0xffff  }
0x64a: {  	v6 =	vadd.s32 $0x804, v0;
	v5 =	vld.idx.msk [tilespmem:v1+s4+$0x0], $0xffff  }
0x64b: {  	v7 =	vadd.s32 $0x804, v1;
	v8 =	vld.idx.msk [tilespmem:v2+s4+$0x0], $0xffff  }
0x64c: {  	v9 =	vadd.s32 $0x804, v2  }
0x64d: {  	vm0 =	vlt.s32 v3, $0x800  }
0x64e: {  	v3 =	vnsel vm0, $0x800, v3;
	[tilespmem:s25+$0x210] =	vst v4  }
0x64f: {  	[tilespmem:s25+$0xFFFFFE10] =	vst v5;
	v5 =	vld.idx.msk [tilespmem:v6+s4+$0x0], $0xffff  }
0x650: {  	v6 =	vld.idx.msk [tilespmem:v7+s4+$0x0], $0xffff;
	[tilespmem:s25+$0x10] =	vst v8;
	v7 =	vadd.s32 $0x1008, v0  }
0x651: {  	v8 =	vadd.s32 $0x1008, v1;
	v9 =	vld.idx.msk [tilespmem:v9+s4+$0x0], $0xffff  }
0x652: {  	v11 =	vadd.s32 $0x1008, v2  }
0x653: {  	v10 =	vld.idx.msk [tilespmem:v3+s4+$0x0], $0xffff  }
0x654: {  	v4 =	vadd.s32 $0x804, v3;
	[tilespmem:s25+$0x290] =	vst v5  }
0x655: {  	[tilespmem:s25+$0xFFFFFE90] =	vst v6;
	v6 =	vld.idx.msk [tilespmem:v7+s4+$0x0], $0xffff  }
0x656: {  	v0 =	vadd.s32 $0x180C, v0;
	v7 =	vld.idx.msk [tilespmem:v8+s4+$0x0], $0xffff;
	[tilespmem:s25+$0x90] =	vst v9  }
0x657: {  	v1 =	vadd.s32 $0x180C, v1;
	v8 =	vld.idx.msk [tilespmem:v11+s4+$0x0], $0xffff  }
0x658: {  	v2 =	vadd.s32 $0x180C, v2;
	[tilespmem:s25+$0xFFFFFC10] =	vst v10  }
0x659: {  	v4 =	vld.idx.msk [tilespmem:v4+s4+$0x0], $0xffff  }
0x65a: {  	v5 =	vadd.s32 $0x1008, v3;
	[tilespmem:s25+$0x310] =	vst v6  }
0x65b: {  	[tilespmem:s25+$0xFFFFFF10] =	vst v7;
	v0 =	vld.idx.msk [tilespmem:v0+s4+$0x0], $0xffff  }
0x65c: {  	v1 =	vld.idx.msk [tilespmem:v1+s4+$0x0], $0xffff;
	[tilespmem:s25+$0x110] =	vst v8  }
0x65d: {  	v2 =	vld.idx.msk [tilespmem:v2+s4+$0x0], $0xffff  }
0x65e: {  	[tilespmem:s25+$0xFFFFFC90] =	vst v4  }
0x65f: {  	v4 =	vld.idx.msk [tilespmem:v5+s4+$0x0], $0xffff  }
0x660: {  	v3 =	vadd.s32 $0x180C, v3;
	[tilespmem:s25+$0x390] =	vst v0  }
0x661: {  	[tilespmem:s25+$0xFFFFFF90] =	vst v1;
	v0 =	vld [tilespmem:s0+$0xA0]  }
0x662: {  	v1 =	vld [tilespmem:s0+$0xFFFFFFA0];
	[tilespmem:s25+$0x190] =	vst v2  }
0x663: {  	v2 =	vld [tilespmem:s0+$0x20]  }
0x664: {  	[tilespmem:s25+$0xFFFFFD10] =	vst v4  }
0x665: {  	v3 =	vld.idx.msk [tilespmem:v3+s4+$0x0], $0xffff  }
0x666: {  	vm0 =	vlt.s32 v0, $0x800  }
0x667: {  	vm1 =	vlt.s32 v1, $0x800;
	v0 =	vnsel vm0, $0x800, v0  }
0x668: {  	v1 =	vnsel vm1, $0x800, v1;
	vm0 =	vlt.s32 v2, $0x800  }
0x669: {  	v2 =	vnsel vm0, $0x800, v2  }
0x66a: {  	[tilespmem:s25+$0xFFFFFD90] =	vst v3  }
0x66b: {  	v3 =	vld [tilespmem:s0+$0xFFFFFF20]  }
0x66c: {  	v4 =	vld.idx.msk [tilespmem:v0+s4+$0x0], $0xffff  }
0x66d: {  	v6 =	vadd.s32 $0x804, v0;
	v5 =	vld.idx.msk [tilespmem:v1+s4+$0x0], $0xffff  }
0x66e: {  	v7 =	vadd.s32 $0x804, v1;
	v8 =	vld.idx.msk [tilespmem:v2+s4+$0x0], $0xffff  }
0x66f: {  	v9 =	vadd.s32 $0x804, v2  }
0x670: {  	vm0 =	vlt.s32 v3, $0x800  }
0x671: {  	v3 =	vnsel vm0, $0x800, v3;
	[tilespmem:s25+$0x220] =	vst v4  }
0x672: {  	[tilespmem:s25+$0xFFFFFE20] =	vst v5;
	v5 =	vld.idx.msk [tilespmem:v6+s4+$0x0], $0xffff  }
0x673: {  	v6 =	vld.idx.msk [tilespmem:v7+s4+$0x0], $0xffff;
	[tilespmem:s25+$0x20] =	vst v8;
	v7 =	vadd.s32 $0x1008, v0  }
0x674: {  	v8 =	vadd.s32 $0x1008, v1;
	v9 =	vld.idx.msk [tilespmem:v9+s4+$0x0], $0xffff  }
0x675: {  	v11 =	vadd.s32 $0x1008, v2  }
0x676: {  	v10 =	vld.idx.msk [tilespmem:v3+s4+$0x0], $0xffff  }
0x677: {  	v4 =	vadd.s32 $0x804, v3;
	[tilespmem:s25+$0x2A0] =	vst v5  }
0x678: {  	[tilespmem:s25+$0xFFFFFEA0] =	vst v6;
	v6 =	vld.idx.msk [tilespmem:v7+s4+$0x0], $0xffff  }
0x679: {  	v0 =	vadd.s32 $0x180C, v0;
	v7 =	vld.idx.msk [tilespmem:v8+s4+$0x0], $0xffff;
	[tilespmem:s25+$0xA0] =	vst v9  }
0x67a: {  	v1 =	vadd.s32 $0x180C, v1;
	v8 =	vld.idx.msk [tilespmem:v11+s4+$0x0], $0xffff  }
0x67b: {  	v2 =	vadd.s32 $0x180C, v2;
	[tilespmem:s25+$0xFFFFFC20] =	vst v10  }
0x67c: {  	v4 =	vld.idx.msk [tilespmem:v4+s4+$0x0], $0xffff  }
0x67d: {  	v5 =	vadd.s32 $0x1008, v3;
	[tilespmem:s25+$0x320] =	vst v6  }
0x67e: {  	[tilespmem:s25+$0xFFFFFF20] =	vst v7;
	v0 =	vld.idx.msk [tilespmem:v0+s4+$0x0], $0xffff  }
0x67f: {  	v1 =	vld.idx.msk [tilespmem:v1+s4+$0x0], $0xffff;
	[tilespmem:s25+$0x120] =	vst v8  }
0x680: {  	v2 =	vld.idx.msk [tilespmem:v2+s4+$0x0], $0xffff  }
0x681: {  	[tilespmem:s25+$0xFFFFFCA0] =	vst v4  }
0x682: {  	v4 =	vld.idx.msk [tilespmem:v5+s4+$0x0], $0xffff  }
0x683: {  	v3 =	vadd.s32 $0x180C, v3;
	[tilespmem:s25+$0x3A0] =	vst v0  }
0x684: {  	[tilespmem:s25+$0xFFFFFFA0] =	vst v1;
	v0 =	vld [tilespmem:s0+$0xB0]  }
0x685: {  	v1 =	vld [tilespmem:s0+$0xFFFFFFB0];
	[tilespmem:s25+$0x1A0] =	vst v2  }
0x686: {  	v2 =	vld [tilespmem:s0+$0x30]  }
0x687: {  	[tilespmem:s25+$0xFFFFFD20] =	vst v4  }
0x688: {  	v3 =	vld.idx.msk [tilespmem:v3+s4+$0x0], $0xffff  }
0x689: {  	vm0 =	vlt.s32 v0, $0x800  }
0x68a: {  	vm1 =	vlt.s32 v1, $0x800;
	v0 =	vnsel vm0, $0x800, v0  }
0x68b: {  	v1 =	vnsel vm1, $0x800, v1;
	vm0 =	vlt.s32 v2, $0x800  }
0x68c: {  	v2 =	vnsel vm0, $0x800, v2  }
0x68d: {  	[tilespmem:s25+$0xFFFFFDA0] =	vst v3  }
0x68e: {  	v3 =	vld [tilespmem:s0+$0xFFFFFF30]  }
0x68f: {  	v4 =	vld.idx.msk [tilespmem:v0+s4+$0x0], $0xffff  }
0x690: {  	v6 =	vadd.s32 $0x804, v0;
	v5 =	vld.idx.msk [tilespmem:v1+s4+$0x0], $0xffff  }
0x691: {  	v7 =	vadd.s32 $0x804, v1;
	v8 =	vld.idx.msk [tilespmem:v2+s4+$0x0], $0xffff  }
0x692: {  	v9 =	vadd.s32 $0x804, v2  }
0x693: {  	vm0 =	vlt.s32 v3, $0x800  }
0x694: {  	v3 =	vnsel vm0, $0x800, v3;
	[tilespmem:s25+$0x230] =	vst v4  }
0x695: {  	[tilespmem:s25+$0xFFFFFE30] =	vst v5;
	v5 =	vld.idx.msk [tilespmem:v6+s4+$0x0], $0xffff  }
0x696: {  	v6 =	vld.idx.msk [tilespmem:v7+s4+$0x0], $0xffff;
	[tilespmem:s25+$0x30] =	vst v8;
	v7 =	vadd.s32 $0x1008, v0  }
0x697: {  	v8 =	vadd.s32 $0x1008, v1;
	v9 =	vld.idx.msk [tilespmem:v9+s4+$0x0], $0xffff  }
0x698: {  	v11 =	vadd.s32 $0x1008, v2  }
0x699: {  	v10 =	vld.idx.msk [tilespmem:v3+s4+$0x0], $0xffff  }
0x69a: {  	v4 =	vadd.s32 $0x804, v3;
	[tilespmem:s25+$0x2B0] =	vst v5  }
0x69b: {  	[tilespmem:s25+$0xFFFFFEB0] =	vst v6;
	v6 =	vld.idx.msk [tilespmem:v7+s4+$0x0], $0xffff  }
0x69c: {  	v0 =	vadd.s32 $0x180C, v0;
	v7 =	vld.idx.msk [tilespmem:v8+s4+$0x0], $0xffff;
	[tilespmem:s25+$0xB0] =	vst v9  }
0x69d: {  	v1 =	vadd.s32 $0x180C, v1;
	v8 =	vld.idx.msk [tilespmem:v11+s4+$0x0], $0xffff  }
0x69e: {  	v2 =	vadd.s32 $0x180C, v2;
	[tilespmem:s25+$0xFFFFFC30] =	vst v10  }
0x69f: {  	v4 =	vld.idx.msk [tilespmem:v4+s4+$0x0], $0xffff  }
0x6a0: {  	v5 =	vadd.s32 $0x1008, v3;
	[tilespmem:s25+$0x330] =	vst v6  }
0x6a1: {  	[tilespmem:s25+$0xFFFFFF30] =	vst v7;
	v0 =	vld.idx.msk [tilespmem:v0+s4+$0x0], $0xffff  }
0x6a2: {  	v1 =	vld.idx.msk [tilespmem:v1+s4+$0x0], $0xffff;
	[tilespmem:s25+$0x130] =	vst v8  }
0x6a3: {  	v2 =	vld.idx.msk [tilespmem:v2+s4+$0x0], $0xffff  }
0x6a4: {  	[tilespmem:s25+$0xFFFFFCB0] =	vst v4  }
0x6a5: {  	s2 =	simm.s32 $0x2380;
	v4 =	vld.idx.msk [tilespmem:v5+s4+$0x0], $0xffff  }
0x6a6: {  	v3 =	vadd.s32 $0x180C, v3;
	v5 =	vld [tilespmem:s2+$0xFFFFFF80];
	[tilespmem:s25+$0x3B0] =	vst v0  }
0x6a7: {  	[tilespmem:s25+$0xFFFFFFB0] =	vst v1;
	v0 =	vld [tilespmem:s0+$0xC0]  }
0x6a8: {  	v1 =	vld [tilespmem:s0+$0xFFFFFFC0];
	[tilespmem:s25+$0x1B0] =	vst v2  }
0x6a9: {  	v2 =	vld [tilespmem:s0+$0x40]  }
0x6aa: {  	[tilespmem:s25+$0xFFFFFD30] =	vst v4;
	v4 =	vld [tilespmem:s2+$0x80]  }
0x6ab: {  	v3 =	vld.idx.msk [tilespmem:v3+s4+$0x0], $0xffff  }
0x6ac: {  	v6 =	vld [tilespmem:s2+$0x0];
	vm0 =	vlt.s32 v0, $0x800  }
0x6ad: {  	v7 =	vld [tilespmem:s2+$0xFFFFFF00];
	vm1 =	vlt.s32 v1, $0x800;
	v0 =	vnsel vm0, $0x800, v0  }
0x6ae: {  	v1 =	vnsel vm1, $0x800, v1;
	vm0 =	vlt.s32 v2, $0x800  }
0x6af: {  	vm1 =	vlt.s32 v5, $0x800;
	v2 =	vnsel vm0, $0x800, v2  }
0x6b0: {  	[tilespmem:s25+$0xFFFFFDB0] =	vst v3;
	vm0 =	vlt.s32 v4, $0x800;
	v5 =	vnsel vm1, $0x800, v5  }
0x6b1: {  	v3 =	vnsel vm0, $0x800, v4;
	v4 =	vld [tilespmem:s0+$0xFFFFFF40];
	vm0 =	vlt.s32 v6, $0x800  }
0x6b2: {  	v6 =	vnsel vm0, $0x800, v6;
	vm0 =	vlt.s32 v7, $0x800;
	v8 =	vld.idx.msk [tilespmem:v0+s4+$0x0], $0xffff  }
0x6b3: {  	v7 =	vnsel vm0, $0x800, v7;
	v9 =	vld.idx.msk [tilespmem:v1+s4+$0x0], $0xffff  }
0x6b4: {  	v10 =	vadd.s32 $0x804, v0;
	v11 =	vld.idx.msk [tilespmem:v2+s4+$0x0], $0xffff  }
0x6b5: {  	v12 =	vadd.s32 $0x804, v1;
	v15 =	vld.idx.msk [tilespmem:v5+s4+$0x0], $0xffff  }
0x6b6: {  	v14 =	vadd.s32 $0x804, v2;
	v13 =	vld.idx.msk [tilespmem:v3+s4+$0x0], $0xffff  }
0x6b7: {  	v17 =	vadd.s32 $0x804, v3;
	v16 =	vld.idx.msk [tilespmem:v6+s4+$0x0], $0xffff;
	[tilespmem:s25+$0x240] =	vst v8  }
0x6b8: {  	v18 =	vadd.s32 $0x804, v6;
	[tilespmem:s25+$0xFFFFFE40] =	vst v9;
	v9 =	vld.idx.msk [tilespmem:v7+s4+$0x0], $0xffff  }
0x6b9: {  	v8 =	vadd.s32 $0x804, v5;
	v10 =	vld.idx.msk [tilespmem:v10+s4+$0x0], $0xffff  }
0x6ba: {  	s26 =	simm.s32 $0x4C80;
	v19 =	vadd.s32 $0x804, v7;
	vm0 =	vlt.s32 v4, $0x800;
	[tilespmem:s25+$0x40] =	vst v11;
	v11 =	vld.idx.msk [tilespmem:v12+s4+$0x0], $0xffff  }
0x6bb: {  	v4 =	vnsel vm0, $0x800, v4;
	[tilespmem:s26+$0x200] =	vst v13;
	v49 =	vld.idx.msk [tilespmem:v14+s4+$0x0], $0xffff  }
0x6bc: {  	v48 =	vadd.s32 $0x1008, v0;
	v50 =	vld.idx.msk [tilespmem:v17+s4+$0x0], $0xffff;
	[tilespmem:s26+$0x0] =	vst v16  }
0x6bd: {  	v51 =	vadd.s32 $0x1008, v1;
	[tilespmem:s26+$0xFFFFFE00] =	vst v15;
	v16 =	vld.idx.msk [tilespmem:v18+s4+$0x0], $0xffff  }
0x6be: {  	v52 =	vadd.s32 $0x1008, v3;
	v8 =	vld.idx.msk [tilespmem:v8+s4+$0x0], $0xffff;
	[tilespmem:s26+$0xFFFFFC00] =	vst v9  }
0x6bf: {  	v53 =	vadd.s32 $0x1008, v6;
	[tilespmem:s25+$0x2C0] =	vst v10;
	v54 =	vld.idx.msk [tilespmem:v19+s4+$0x0], $0xffff  }
0x6c0: {  	v10 =	vadd.s32 $0x1008, v5;
	[tilespmem:s25+$0xFFFFFEC0] =	vst v11;
	v11 =	vld.idx.msk [tilespmem:v4+s4+$0x0], $0xffff  }
0x6c1: {  	v55 =	vadd.s32 $0x1008, v7;
	v9 =	vld.idx.msk [tilespmem:v48+s4+$0x0], $0xffff;
	[tilespmem:s26+$0x280] =	vst v50  }
0x6c2: {  	v57 =	vadd.s32 $0x804, v4;
	v56 =	vld.idx.msk [tilespmem:v51+s4+$0x0], $0xffff;
	[tilespmem:s26+$0x80] =	vst v16  }
0x6c3: {  	v0 =	vadd.s32 $0x180C, v0;
	[tilespmem:s26+$0xFFFFFE80] =	vst v8;
	v8 =	vld.idx.msk [tilespmem:v52+s4+$0x0], $0xffff  }
0x6c4: {  	v58 =	vadd.s32 $0x1008, v2;
	v12 =	vld.idx.msk [tilespmem:v53+s4+$0x0], $0xffff;
	[tilespmem:s26+$0xFFFFFC80] =	vst v54  }
0x6c5: {  	v3 =	vadd.s32 $0x180C, v3;
	v10 =	vld.idx.msk [tilespmem:v10+s4+$0x0], $0xffff;
	[tilespmem:s25+$0xFFFFFC40] =	vst v11  }
0x6c6: {  	v5 =	vadd.s32 $0x180C, v5;
	[tilespmem:s25+$0x340] =	vst v9;
	v9 =	vld.idx.msk [tilespmem:v55+s4+$0x0], $0xffff  }
0x6c7: {  	v6 =	vadd.s32 $0x180C, v6;
	[tilespmem:s25+$0xC0] =	vst v49;
	v11 =	vld.idx.msk [tilespmem:v57+s4+$0x0], $0xffff  }
0x6c8: {  	v1 =	vadd.s32 $0x180C, v1;
	[tilespmem:s25+$0xFFFFFF40] =	vst v56;
	v0 =	vld.idx.msk [tilespmem:v0+s4+$0x0], $0xffff  }
0x6c9: {  	v7 =	vadd.s32 $0x180C, v7;
	[tilespmem:s26+$0x300] =	vst v8;
	v8 =	vld.idx.msk [tilespmem:v58+s4+$0x0], $0xffff  }
0x6ca: {  	[tilespmem:s26+$0xFFFFFF00] =	vst v10;
	v3 =	vld.idx.msk [tilespmem:v3+s4+$0x0], $0xffff  }
0x6cb: {  	[tilespmem:s26+$0x100] =	vst v12;
	v10 =	vadd.s32 $0x1008, v4;
	v5 =	vld.idx.msk [tilespmem:v5+s4+$0x0], $0xffff  }
0x6cc: {  	v6 =	vld.idx.msk [tilespmem:v6+s4+$0x0], $0xffff  }
0x6cd: {  	v2 =	vadd.s32 $0x180C, v2;
	[tilespmem:s26+$0xFFFFFD00] =	vst v9;
	v1 =	vld.idx.msk [tilespmem:v1+s4+$0x0], $0xffff  }
0x6ce: {  	[tilespmem:s25+$0x3C0] =	vst v0;
	v7 =	vld.idx.msk [tilespmem:v7+s4+$0x0], $0xffff  }
0x6cf: {  	[tilespmem:s25+$0xFFFFFCC0] =	vst v11;
	v0 =	vld [tilespmem:s0+$0xD0]  }
0x6d0: {  	v9 =	vld.idx.msk [tilespmem:v10+s4+$0x0], $0xffff;
	[tilespmem:s26+$0x380] =	vst v3  }
0x6d1: {  	[tilespmem:s25+$0x140] =	vst v8;
	v3 =	vld [tilespmem:s2+$0x90]  }
0x6d2: {  	v4 =	vadd.s32 $0x180C, v4;
	v2 =	vld.idx.msk [tilespmem:v2+s4+$0x0], $0xffff;
	[tilespmem:s26+$0xFFFFFF80] =	vst v5  }
0x6d3: {  	[tilespmem:s26+$0x180] =	vst v6;
	v5 =	vld [tilespmem:s2+$0xFFFFFF90]  }
0x6d4: {  	v6 =	vld [tilespmem:s2+$0x10];
	[tilespmem:s26+$0xFFFFFD80] =	vst v7  }
0x6d5: {  	[tilespmem:s25+$0xFFFFFFC0] =	vst v1;
	vm0 =	vlt.s32 v0, $0x800;
	v7 =	vld [tilespmem:s2+$0xFFFFFF10]  }
0x6d6: {  	v8 =	vld [tilespmem:s0+$0xFFFFFFD0];
	v0 =	vnsel vm0, $0x800, v0;
	[tilespmem:s25+$0xFFFFFD40] =	vst v9;
	vm0 =	vlt.s32 v3, $0x800  }
0x6d7: {  	v4 =	vld.idx.msk [tilespmem:v4+s4+$0x0], $0xffff;
	v3 =	vnsel vm0, $0x800, v3  }
0x6d8: {  	vm1 =	vlt.s32 v5, $0x800  }
0x6d9: {  	[tilespmem:s25+$0x1C0] =	vst v2;
	vm0 =	vlt.s32 v6, $0x800;
	v5 =	vnsel vm1, $0x800, v5  }
0x6da: {  	v9 =	vld [tilespmem:s0+$0x50];
	v6 =	vnsel vm0, $0x800, v6;
	vm0 =	vlt.s32 v7, $0x800  }
0x6db: {  	v1 =	vld.idx.msk [tilespmem:v0+s4+$0x0], $0xffff;
	v7 =	vnsel vm0, $0x800, v7  }
0x6dc: {  	v2 =	vadd.s32 $0x804, v0;
	vm0 =	vlt.s32 v8, $0x800;
	[tilespmem:s25+$0xFFFFFDC0] =	vst v4;
	v10 =	vld.idx.msk [tilespmem:v3+s4+$0x0], $0xffff  }
0x6dd: {  	v8 =	vnsel vm0, $0x800, v8;
	v20 =	vld [tilespmem:s0+$0xFFFFFF50]  }
0x6de: {  	v59 =	vadd.s32 $0x804, v3;
	v11 =	vld.idx.msk [tilespmem:v5+s4+$0x0], $0xffff  }
0x6df: {  	v60 =	vadd.s32 $0x804, v5;
	v61 =	vld.idx.msk [tilespmem:v6+s4+$0x0], $0xffff  }
0x6e0: {  	[tilespmem:s25+$0x250] =	vst v1;
	v1 =	vadd.s32 $0x804, v6;
	v4 =	vld.idx.msk [tilespmem:v7+s4+$0x0], $0xffff  }
0x6e1: {  	v63 =	vadd.s32 $0x804, v7;
	v2 =	vld.idx.msk [tilespmem:v2+s4+$0x0], $0xffff  }
0x6e2: {  	v62 =	vadd.s32 $0x1008, v0;
	vm0 =	vlt.s32 v9, $0x800;
	v24 =	vld.idx.msk [tilespmem:v8+s4+$0x0], $0xffff;
	[tilespmem:s26+$0x210] =	vst v10  }
0x6e3: {  	v9 =	vnsel vm0, $0x800, v9;
	vm0 =	vlt.s32 v20, $0x800;
	[tilespmem:s26+$0xFFFFFE10] =	vst v11;
	v10 =	vld.idx.msk [tilespmem:v59+s4+$0x0], $0xffff  }
0x6e4: {  	[tilespmem:s26+$0x10] =	vst v61;
	v17 =	vnsel vm0, $0x800, v20;
	v11 =	vld.idx.msk [tilespmem:v60+s4+$0x0], $0xffff  }
0x6e5: {  	v21 =	vadd.s32 $0x1008, v3;
	v1 =	vld.idx.msk [tilespmem:v1+s4+$0x0], $0xffff;
	[tilespmem:s26+$0xFFFFFC10] =	vst v4  }
0x6e6: {  	[tilespmem:s25+$0x2D0] =	vst v2;
	v2 =	vadd.s32 $0x1008, v5;
	v23 =	vld.idx.msk [tilespmem:v63+s4+$0x0], $0xffff  }
0x6e7: {  	v22 =	vadd.s32 $0x1008, v6;
	v4 =	vld.idx.msk [tilespmem:v62+s4+$0x0], $0xffff  }
0x6e8: {  	v25 =	vadd.s32 $0x1008, v7;
	[tilespmem:s26+$0x290] =	vst v10;
	v10 =	vld.idx.msk [tilespmem:v9+s4+$0x0], $0xffff  }
0x6e9: {  	v0 =	vadd.s32 $0x180C, v0;
	v27 =	vld.idx.msk [tilespmem:v17+s4+$0x0], $0xffff;
	[tilespmem:s26+$0xFFFFFE90] =	vst v11  }
0x6ea: {  	v26 =	vadd.s32 $0x804, v8;
	v11 =	vld.idx.msk [tilespmem:v21+s4+$0x0], $0xffff;
	[tilespmem:s26+$0x90] =	vst v1  }
0x6eb: {  	v3 =	vadd.s32 $0x180C, v3;
	v2 =	vld.idx.msk [tilespmem:v2+s4+$0x0], $0xffff;
	[tilespmem:s26+$0xFFFFFC90] =	vst v23  }
0x6ec: {  	v1 =	vld.idx.msk [tilespmem:v22+s4+$0x0], $0xffff;
	[tilespmem:s25+$0x350] =	vst v4;
	v4 =	vadd.s32 $0x180C, v5  }
0x6ed: {  	v5 =	vadd.s32 $0x180C, v6;
	v6 =	vld.idx.msk [tilespmem:v25+s4+$0x0], $0xffff  }
0x6ee: {  	v7 =	vadd.s32 $0x180C, v7;
	[tilespmem:s25+$0xFFFFFE50] =	vst v24;
	v0 =	vld.idx.msk [tilespmem:v0+s4+$0x0], $0xffff  }
0x6ef: {  	v28 =	vadd.s32 $0x804, v17;
	[tilespmem:s26+$0x310] =	vst v11;
	v11 =	vld.idx.msk [tilespmem:v26+s4+$0x0], $0xffff  }
0x6f0: {  	[tilespmem:s26+$0xFFFFFF10] =	vst v2;
	v2 =	vld.idx.msk [tilespmem:v3+s4+$0x0], $0xffff  }
0x6f1: {  	v3 =	vadd.s32 $0x804, v9;
	[tilespmem:s26+$0x110] =	vst v1;
	v4 =	vld.idx.msk [tilespmem:v4+s4+$0x0], $0xffff  }
0x6f2: {  	v1 =	vld.idx.msk [tilespmem:v5+s4+$0x0], $0xffff;
	[tilespmem:s26+$0xFFFFFD10] =	vst v6  }
0x6f3: {  	[tilespmem:s25+$0xFFFFFC50] =	vst v27;
	v5 =	vld.idx.msk [tilespmem:v7+s4+$0x0], $0xffff  }
0x6f4: {  	[tilespmem:s25+$0x3D0] =	vst v0;
	v7 =	vld.idx.msk [tilespmem:v28+s4+$0x0], $0xffff  }
0x6f5: {  	[tilespmem:s25+$0x50] =	vst v10;
	v6 =	vadd.s32 $0x1008, v8;
	v0 =	vld [tilespmem:s0+$0xE0]  }
0x6f6: {  	[tilespmem:s26+$0x390] =	vst v2;
	v2 =	vld.idx.msk [tilespmem:v3+s4+$0x0], $0xffff  }
0x6f7: {  	[tilespmem:s26+$0xFFFFFF90] =	vst v4;
	v3 =	vld [tilespmem:s2+$0xA0]  }
0x6f8: {  	[tilespmem:s26+$0x190] =	vst v1;
	v4 =	vld [tilespmem:s2+$0xFFFFFFA0]  }
0x6f9: {  	[tilespmem:s25+$0xFFFFFED0] =	vst v11;
	v1 =	vadd.s32 $0x1008, v17;
	v10 =	vld [tilespmem:s2+$0x20]  }
0x6fa: {  	[tilespmem:s26+$0xFFFFFD90] =	vst v5;
	v5 =	vld.idx.msk [tilespmem:v6+s4+$0x0], $0xffff;
	v6 =	vadd.s32 $0x1008, v9  }
0x6fb: {  	v8 =	vadd.s32 $0x180C, v8;
	vm0 =	vlt.s32 v0, $0x800;
	v11 =	vld [tilespmem:s2+$0xFFFFFF20]  }
0x6fc: {  	v0 =	vnsel vm0, $0x800, v0;
	vm0 =	vlt.s32 v3, $0x800  }
0x6fd: {  	[tilespmem:s25+$0xFFFFFCD0] =	vst v7;
	vm1 =	vlt.s32 v4, $0x800;
	v3 =	vnsel vm0, $0x800, v3  }
0x6fe: {  	[tilespmem:s25+$0xD0] =	vst v2;
	v1 =	vld.idx.msk [tilespmem:v1+s4+$0x0], $0xffff;
	vm0 =	vlt.s32 v10, $0x800;
	v4 =	vnsel vm1, $0x800, v4  }
0x6ff: {  	v6 =	vld.idx.msk [tilespmem:v6+s4+$0x0], $0xffff;
	[tilespmem:s25+$0xFFFFFF50] =	vst v5;
	v7 =	vnsel vm0, $0x800, v10  }
0x700: {  	v9 =	vadd.s32 $0x180C, v9;
	vm0 =	vlt.s32 v11, $0x800;
	v8 =	vld.idx.msk [tilespmem:v8+s4+$0x0], $0xffff  }
0x701: {  	v2 =	vld.idx.msk [tilespmem:v0+s4+$0x0], $0xffff;
	v10 =	vnsel vm0, $0x800, v11  }
0x702: {  	v5 =	vadd.s32 $0x804, v0;
	v29 =	vld.idx.msk [tilespmem:v3+s4+$0x0], $0xffff  }
0x703: {  	v11 =	vadd.s32 $0x180C, v17;
	v30 =	vld.idx.msk [tilespmem:v4+s4+$0x0], $0xffff  }
0x704: {  	[tilespmem:s25+$0x150] =	vst v6;
	v31 =	vld.idx.msk [tilespmem:v7+s4+$0x0], $0xffff  }
0x705: {  	v32 =	vadd.s32 $0x804, v3;
	[tilespmem:s25+$0xFFFFFD50] =	vst v1;
	v9 =	vld.idx.msk [tilespmem:v9+s4+$0x0], $0xffff  }
0x706: {  	[tilespmem:s25+$0x260] =	vst v2;
	v2 =	vadd.s32 $0x804, v4;
	v1 =	vld.idx.msk [tilespmem:v10+s4+$0x0], $0xffff  }
0x707: {  	v33 =	vadd.s32 $0x804, v7;
	v5 =	vld.idx.msk [tilespmem:v5+s4+$0x0], $0xffff  }
0x708: {  	[tilespmem:s25+$0xFFFFFFD0] =	vst v8;
	v6 =	vld.idx.msk [tilespmem:v11+s4+$0x0], $0xffff;
	v11 =	vadd.s32 $0x1008, v0  }
0x709: {  	v34 =	vadd.s32 $0x804, v10;
	v38 =	vld [tilespmem:s0+$0xFFFFFFE0];
	[tilespmem:s26+$0x220] =	vst v29  }
0x70a: {  	[tilespmem:s26+$0xFFFFFE20] =	vst v30;
	v12 =	vld.idx.msk [tilespmem:v32+s4+$0x0], $0xffff  }
0x70b: {  	v36 =	vadd.s32 $0x1008, v3;
	[tilespmem:s26+$0x20] =	vst v31;
	v2 =	vld.idx.msk [tilespmem:v2+s4+$0x0], $0xffff  }
0x70c: {  	v35 =	vld.idx.msk [tilespmem:v33+s4+$0x0], $0xffff;
	[tilespmem:s25+$0x2E0] =	vst v5;
	v5 =	vadd.s32 $0x1008, v4  }
0x70d: {  	[tilespmem:s26+$0xFFFFFC20] =	vst v1;
	v1 =	vld.idx.msk [tilespmem:v11+s4+$0x0], $0xffff;
	v11 =	vadd.s32 $0x1008, v7  }
0x70e: {  	v0 =	vadd.s32 $0x180C, v0;
	[tilespmem:s25+$0xFFFFFDD0] =	vst v6;
	v37 =	vld.idx.msk [tilespmem:v34+s4+$0x0], $0xffff  }
0x70f: {  	v8 =	vadd.s32 $0x1008, v10;
	v6 =	vld [tilespmem:s0+$0xFFFFFF60];
	[tilespmem:s26+$0x2A0] =	vst v12  }
0x710: {  	[tilespmem:s26+$0xFFFFFEA0] =	vst v2;
	v2 =	vld.idx.msk [tilespmem:v36+s4+$0x0], $0xffff  }
0x711: {  	v3 =	vadd.s32 $0x180C, v3;
	[tilespmem:s26+$0xA0] =	vst v35;
	v5 =	vld.idx.msk [tilespmem:v5+s4+$0x0], $0xffff  }
0x712: {  	v4 =	vadd.s32 $0x180C, v4;
	v11 =	vld.idx.msk [tilespmem:v11+s4+$0x0], $0xffff;
	[tilespmem:s25+$0x360] =	vst v1  }
0x713: {  	[tilespmem:s26+$0xFFFFFCA0] =	vst v37;
	v1 =	vadd.s32 $0x180C, v7;
	v0 =	vld.idx.msk [tilespmem:v0+s4+$0x0], $0xffff  }
0x714: {  	[tilespmem:s25+$0x1D0] =	vst v9;
	v7 =	vld.idx.msk [tilespmem:v8+s4+$0x0], $0xffff  }
0x715: {  	v9 =	vld [tilespmem:s0+$0x60];
	vm0 =	vlt.s32 v6, $0x800;
	v8 =	vadd.s32 $0x180C, v10;
	[tilespmem:s26+$0x320] =	vst v2  }
0x716: {  	v2 =	vnsel vm0, $0x800, v6;
	[tilespmem:s26+$0xFFFFFF20] =	vst v5;
	v3 =	vld.idx.msk [tilespmem:v3+s4+$0x0], $0xffff  }
0x717: {  	v4 =	vld.idx.msk [tilespmem:v4+s4+$0x0], $0xffff;
	[tilespmem:s26+$0x120] =	vst v11  }
0x718: {  	v1 =	vld.idx.msk [tilespmem:v1+s4+$0x0], $0xffff;
	[tilespmem:s25+$0x3E0] =	vst v0  }
0x719: {  	vm0 =	vlt.s32 v38, $0x800;
	[tilespmem:s26+$0xFFFFFD20] =	vst v7;
	v0 =	vld [tilespmem:s0+$0xF0]  }
0x71a: {  	v5 =	vnsel vm0, $0x800, v38;
	vm0 =	vlt.s32 v9, $0x800;
	v6 =	vld.idx.msk [tilespmem:v8+s4+$0x0], $0xffff  }
0x71b: {  	v7 =	vnsel vm0, $0x800, v9;
	v8 =	vld.idx.msk [tilespmem:v2+s4+$0x0], $0xffff;
	[tilespmem:s26+$0x3A0] =	vst v3  }
0x71c: {  	[tilespmem:s26+$0xFFFFFFA0] =	vst v4;
	v4 =	vld [tilespmem:s2+$0xB0]  }
0x71d: {  	v9 =	vld [tilespmem:s2+$0xFFFFFFB0];
	[tilespmem:s26+$0x1A0] =	vst v1  }
0x71e: {  	v1 =	vadd.s32 $0x804, v2;
	vm0 =	vlt.s32 v0, $0x800;
	v10 =	vld [tilespmem:s2+$0x30]  }
0x71f: {  	v3 =	vld.idx.msk [tilespmem:v5+s4+$0x0], $0xffff;
	v0 =	vnsel vm0, $0x800, v0  }
0x720: {  	v11 =	vadd.s32 $0x804, v5;
	[tilespmem:s26+$0xFFFFFDA0] =	vst v6;
	v6 =	vld.idx.msk [tilespmem:v7+s4+$0x0], $0xffff  }
0x721: {  	v40 =	vadd.s32 $0x804, v7;
	v39 =	vld [tilespmem:s2+$0xFFFFFF30];
	vm0 =	vlt.s32 v4, $0x800  }
0x722: {  	[tilespmem:s25+$0xFFFFFC60] =	vst v8;
	vm1 =	vlt.s32 v9, $0x800;
	v4 =	vnsel vm0, $0x800, v4  }
0x723: {  	v1 =	vld.idx.msk [tilespmem:v1+s4+$0x0], $0xffff;
	v8 =	vnsel vm1, $0x800, v9;
	vm0 =	vlt.s32 v10, $0x800  }
0x724: {  	[tilespmem:s25+$0xFFFFFE60] =	vst v3;
	v3 =	vld.idx.msk [tilespmem:v0+s4+$0x0], $0xffff;
	v9 =	vnsel vm0, $0x800, v10  }
0x725: {  	v42 =	vadd.s32 $0x1008, v2;
	[tilespmem:s25+$0x60] =	vst v6;
	v10 =	vld.idx.msk [tilespmem:v11+s4+$0x0], $0xffff  }
0x726: {  	v6 =	vadd.s32 $0x804, v0;
	v41 =	vld.idx.msk [tilespmem:v40+s4+$0x0], $0xffff;
	vm0 =	vlt.s32 v39, $0x800  }
0x727: {  	v11 =	vnsel vm0, $0x800, v39;
	v43 =	vld.idx.msk [tilespmem:v4+s4+$0x0], $0xffff  }
0x728: {  	v44 =	vadd.s32 $0x1008, v5;
	[tilespmem:s25+$0xFFFFFCE0] =	vst v1;
	v45 =	vld.idx.msk [tilespmem:v8+s4+$0x0], $0xffff  }
0x729: {  	v47 =	vadd.s32 $0x804, v4;
	v46 =	vld.idx.msk [tilespmem:v9+s4+$0x0], $0xffff;
	[tilespmem:s25+$0x270] =	vst v3  }
0x72a: {  	v3 =	vadd.s32 $0x804, v8;
	[tilespmem:s25+$0xFFFFFEE0] =	vst v10;
	v10 =	vld.idx.msk [tilespmem:v42+s4+$0x0], $0xffff  }
0x72b: {  	v51 =	vadd.s32 $0x1008, v7;
	v6 =	vld.idx.msk [tilespmem:v6+s4+$0x0], $0xffff  }
0x72c: {  	v48 =	vadd.s32 $0x804, v9;
	[tilespmem:s25+$0xE0] =	vst v41;
	v1 =	vld.idx.msk [tilespmem:v11+s4+$0x0], $0xffff  }
0x72d: {  	v2 =	vadd.s32 $0x180C, v2;
	v50 =	vld.idx.msk [tilespmem:v44+s4+$0x0], $0xffff;
	[tilespmem:s26+$0x230] =	vst v43  }
0x72e: {  	v49 =	vadd.s32 $0x1008, v0;
	[tilespmem:s26+$0xFFFFFE30] =	vst v45;
	v52 =	vld.idx.msk [tilespmem:v47+s4+$0x0], $0xffff  }
0x72f: {  	v20 =	vadd.s32 $0x804, v11;
	v3 =	vld.idx.msk [tilespmem:v3+s4+$0x0], $0xffff;
	[tilespmem:s26+$0x30] =	vst v46  }
0x730: {  	v5 =	vadd.s32 $0x180C, v5;
	[tilespmem:s25+$0xFFFFFD60] =	vst v10;
	v10 =	vld.idx.msk [tilespmem:v51+s4+$0x0], $0xffff  }
0x731: {  	v53 =	vadd.s32 $0x1008, v4;
	v17 =	vld.idx.msk [tilespmem:v48+s4+$0x0], $0xffff;
	[tilespmem:s25+$0x2F0] =	vst v6  }
0x732: {  	v6 =	vadd.s32 $0x1008, v8;
	[tilespmem:s26+$0xFFFFFC30] =	vst v1;
	v2 =	vld.idx.msk [tilespmem:v2+s4+$0x0], $0xffff  }
0x733: {  	v54 =	vadd.s32 $0x1008, v9;
	[tilespmem:s25+$0xFFFFFF60] =	vst v50;
	v1 =	vld.idx.msk [tilespmem:v49+s4+$0x0], $0xffff  }
0x734: {  	v0 =	vadd.s32 $0x180C, v0;
	v55 =	vld.idx.msk [tilespmem:v20+s4+$0x0], $0xffff;
	[tilespmem:s26+$0x2B0] =	vst v52  }
0x735: {  	v5 =	vld.idx.msk [tilespmem:v5+s4+$0x0], $0xffff;
	[tilespmem:s26+$0xFFFFFEB0] =	vst v3  }
0x736: {  	v56 =	vadd.s32 $0x1008, v11;
	v3 =	vld.idx.msk [tilespmem:v53+s4+$0x0], $0xffff;
	[tilespmem:s25+$0x160] =	vst v10  }
0x737: {  	v4 =	vadd.s32 $0x180C, v4;
	v6 =	vld.idx.msk [tilespmem:v6+s4+$0x0], $0xffff;
	[tilespmem:s26+$0xB0] =	vst v17  }
0x738: {  	v8 =	vadd.s32 $0x180C, v8;
	v13 =	vld.idx.msk [tilespmem:v54+s4+$0x0], $0xffff;
	[tilespmem:s25+$0x370] =	vst v1  }
0x739: {  	[tilespmem:s25+$0xFFFFFDE0] =	vst v2;
	v1 =	vld.idx.msk [tilespmem:v0+s4+$0x0], $0xffff;
	v0 =	vadd.s32 $0x180C, v9  }
0x73a: {  	v7 =	vadd.s32 $0x180C, v7;
	[tilespmem:s26+$0xFFFFFCB0] =	vst v55;
	v2 =	vld [tilespmem:s0+$0xFFFFFF70]  }
0x73b: {  	v9 =	vld.idx.msk [tilespmem:v56+s4+$0x0], $0xffff;
	[tilespmem:s26+$0x330] =	vst v3  }
0x73c: {  	v10 =	vadd.s32 $0x180C, v11;
	[tilespmem:s26+$0xFFFFFF30] =	vst v6;
	v4 =	vld.idx.msk [tilespmem:v4+s4+$0x0], $0xffff  }
0x73d: {  	v6 =	vld.idx.msk [tilespmem:v8+s4+$0x0], $0xffff;
	[tilespmem:s26+$0x130] =	vst v13  }
0x73e: {  	v0 =	vld.idx.msk [tilespmem:v0+s4+$0x0], $0xffff  }
0x73f: {  	[tilespmem:s25+$0xFFFFFFE0] =	vst v5;
	v3 =	vld.idx.msk [tilespmem:v7+s4+$0x0], $0xffff  }
0x740: {  	v5 =	vld [tilespmem:s0+$0xFFFFFFF0];
	[tilespmem:s26+$0xFFFFFD30] =	vst v9  }
0x741: {  	v7 =	vld.idx.msk [tilespmem:v10+s4+$0x0], $0xffff;
	[tilespmem:s26+$0x3B0] =	vst v4  }
0x742: {  	[tilespmem:s26+$0xFFFFFFB0] =	vst v6;
	v4 =	vld [tilespmem:s2+$0xC0]  }
0x743: {  	v6 =	vld [tilespmem:s2+$0xFFFFFFC0];
	[tilespmem:s26+$0x1B0] =	vst v0  }
0x744: {  	vm0 =	vlt.s32 v2, $0x800;
	[tilespmem:s25+$0x1E0] =	vst v3;
	v0 =	vld [tilespmem:s2+$0x40]  }
0x745: {  	v2 =	vnsel vm0, $0x800, v2;
	vm0 =	vlt.s32 v5, $0x800;
	v8 =	vld [tilespmem:s0+$0x70];
	s0 =	simm.s32 $0x2580  }
0x746: {  	v3 =	vnsel vm0, $0x800, v5;
	v9 =	vld [tilespmem:s0+$0x80]  }
0x747: {  	v5 =	vld [tilespmem:s0+$0xFFFFFF80];
	vm0 =	vlt.s32 v4, $0x800  }
0x748: {  	v10 =	vld [tilespmem:s0+$0x0];
	vm1 =	vlt.s32 v6, $0x800;
	v4 =	vnsel vm0, $0x800, v4  }
0x749: {  	[tilespmem:s26+$0xFFFFFDB0] =	vst v7;
	v7 =	vld [tilespmem:s0+$0xFFFFFF00];
	v6 =	vnsel vm1, $0x800, v6;
	vm0 =	vlt.s32 v0, $0x800  }
0x74a: {  	v11 =	vld [tilespmem:s2+$0xFFFFFF40];
	vm1 =	vlt.s32 v8, $0x800;
	v57 =	vnsel vm0, $0x800, v0  }
0x74b: {  	v58 =	vld.idx.msk [tilespmem:v3+s4+$0x0], $0xffff;
	v0 =	vnsel vm1, $0x800, v8;
	vm0 =	vlt.s32 v9, $0x800  }
0x74c: {  	v8 =	vld.idx.msk [tilespmem:v2+s4+$0x0], $0xffff;
	vm1 =	vlt.s32 v5, $0x800;
	v9 =	vnsel vm0, $0x800, v9  }
0x74d: {  	v5 =	vnsel vm1, $0x800, v5;
	vm0 =	vlt.s32 v10, $0x800;
	v59 =	vld.idx.msk [tilespmem:v4+s4+$0x0], $0xffff  }
0x74e: {  	v10 =	vnsel vm0, $0x800, v10;
	vm0 =	vlt.s32 v7, $0x800;
	v60 =	vld.idx.msk [tilespmem:v6+s4+$0x0], $0xffff  }
0x74f: {  	v7 =	vnsel vm0, $0x800, v7;
	v61 =	vld.idx.msk [tilespmem:v57+s4+$0x0], $0xffff  }
0x750: {  	v62 =	vadd.s32 $0x804, v4;
	vm0 =	vlt.s32 v11, $0x800;
	v18 =	vld.idx.msk [tilespmem:v0+s4+$0x0], $0xffff  }
0x751: {  	v11 =	vnsel vm0, $0x800, v11;
	v28 =	vld.idx.msk [tilespmem:v9+s4+$0x0], $0xffff  }
0x752: {  	v63 =	vadd.s32 $0x804, v6;
	v22 =	vld.idx.msk [tilespmem:v5+s4+$0x0], $0xffff  }
0x753: {  	v21 =	vadd.s32 $0x804, v57;
	v23 =	vld.idx.msk [tilespmem:v10+s4+$0x0], $0xffff  }
0x754: {  	v24 =	vadd.s32 $0x804, v9;
	[tilespmem:s26+$0x240] =	vst v59;
	v30 =	vld.idx.msk [tilespmem:v7+s4+$0x0], $0xffff  }
0x755: {  	v29 =	vadd.s32 $0x804, v5;
	v17 =	vld.idx.msk [tilespmem:v62+s4+$0x0], $0xffff;
	[tilespmem:s26+$0xFFFFFE40] =	vst v60  }
0x756: {  	s28 =	simm.s32 $0x5480;
	v25 =	vadd.s32 $0x804, v10;
	v41 =	vld.idx.msk [tilespmem:v11+s4+$0x0], $0xffff;
	[tilespmem:s26+$0x40] =	vst v61  }
0x757: {  	v26 =	vadd.s32 $0x804, v7;
	v31 =	vld.idx.msk [tilespmem:v63+s4+$0x0], $0xffff;
	[tilespmem:s28+$0x200] =	vst v28  }
0x758: {  	v32 =	vadd.s32 $0x1008, v4;
	v33 =	vld.idx.msk [tilespmem:v21+s4+$0x0], $0xffff;
	[tilespmem:s28+$0xFFFFFE00] =	vst v22  }
0x759: {  	v44 =	vadd.s32 $0x804, v11;
	v34 =	vld.idx.msk [tilespmem:v24+s4+$0x0], $0xffff;
	[tilespmem:s28+$0x0] =	vst v23  }
0x75a: {  	v35 =	vadd.s32 $0x1008, v6;
	v14 =	vld.idx.msk [tilespmem:v29+s4+$0x0], $0xffff;
	[tilespmem:s28+$0xFFFFFC00] =	vst v30  }
0x75b: {  	v46 =	vadd.s32 $0x1008, v57;
	v23 =	vld.idx.msk [tilespmem:v25+s4+$0x0], $0xffff;
	[tilespmem:s26+$0x2C0] =	vst v17  }
0x75c: {  	v36 =	vadd.s32 $0x1008, v9;
	v40 =	vld.idx.msk [tilespmem:v26+s4+$0x0], $0xffff;
	[tilespmem:s26+$0xFFFFFC40] =	vst v41  }
0x75d: {  	v37 =	vadd.s32 $0x1008, v5;
	v38 =	vld.idx.msk [tilespmem:v32+s4+$0x0], $0xffff;
	[tilespmem:s26+$0xFFFFFEC0] =	vst v31  }
0x75e: {  	v39 =	vadd.s32 $0x1008, v10;
	v16 =	vld.idx.msk [tilespmem:v44+s4+$0x0], $0xffff;
	[tilespmem:s26+$0xC0] =	vst v33  }
0x75f: {  	v42 =	vadd.s32 $0x1008, v7;
	v43 =	vld.idx.msk [tilespmem:v35+s4+$0x0], $0xffff;
	[tilespmem:s28+$0x280] =	vst v34  }
0x760: {  	v4 =	vadd.s32 $0x180C, v4;
	[tilespmem:s28+$0xFFFFFE80] =	vst v14;
	v48 =	vld.idx.msk [tilespmem:v46+s4+$0x0], $0xffff  }
0x761: {  	v49 =	vadd.s32 $0x1008, v11;
	v45 =	vld.idx.msk [tilespmem:v36+s4+$0x0], $0xffff;
	[tilespmem:s28+$0x80] =	vst v23  }
0x762: {  	v9 =	vadd.s32 $0x180C, v9;
	v17 =	vld.idx.msk [tilespmem:v37+s4+$0x0], $0xffff;
	[tilespmem:s28+$0xFFFFFC80] =	vst v40  }
0x763: {  	v5 =	vadd.s32 $0x180C, v5;
	v19 =	vld.idx.msk [tilespmem:v39+s4+$0x0], $0xffff;
	[tilespmem:s26+$0x340] =	vst v38  }
0x764: {  	v10 =	vadd.s32 $0x180C, v10;
	v47 =	vld.idx.msk [tilespmem:v42+s4+$0x0], $0xffff;
	[tilespmem:s26+$0xFFFFFCC0] =	vst v16  }
0x765: {  	v7 =	vadd.s32 $0x180C, v7;
	v4 =	vld.idx.msk [tilespmem:v4+s4+$0x0], $0xffff;
	[tilespmem:s26+$0xFFFFFF40] =	vst v43  }
0x766: {  	v50 =	vld.idx.msk [tilespmem:v49+s4+$0x0], $0xffff;
	[tilespmem:s28+$0x300] =	vst v45  }
0x767: {  	v6 =	vadd.s32 $0x180C, v6;
	[tilespmem:s28+$0xFFFFFF00] =	vst v17;
	v9 =	vld.idx.msk [tilespmem:v9+s4+$0x0], $0xffff  }
0x768: {  	v5 =	vld.idx.msk [tilespmem:v5+s4+$0x0], $0xffff;
	[tilespmem:s28+$0x100] =	vst v19  }
0x769: {  	v10 =	vld.idx.msk [tilespmem:v10+s4+$0x0], $0xffff;
	[tilespmem:s28+$0xFFFFFD00] =	vst v47  }
0x76a: {  	v12 =	vadd.s32 $0x180C, v57;
	[tilespmem:s26+$0x3C0] =	vst v4;
	v7 =	vld.idx.msk [tilespmem:v7+s4+$0x0], $0xffff  }
0x76b: {  	[tilespmem:s26+$0x140] =	vst v48;
	v4 =	vld [tilespmem:s2+$0xD0]  }
0x76c: {  	v6 =	vld.idx.msk [tilespmem:v6+s4+$0x0], $0xffff;
	[tilespmem:s28+$0x380] =	vst v9  }
0x76d: {  	v9 =	vadd.s32 $0x180C, v11;
	[tilespmem:s28+$0xFFFFFF80] =	vst v5;
	v5 =	vld [tilespmem:s0+$0x90]  }
0x76e: {  	v11 =	vld [tilespmem:s0+$0xFFFFFF90];
	[tilespmem:s28+$0x180] =	vst v10  }
0x76f: {  	v52 =	vadd.s32 $0x804, v3;
	[tilespmem:s28+$0xFFFFFD80] =	vst v7;
	v7 =	vld.idx.msk [tilespmem:v12+s4+$0x0], $0xffff  }
0x770: {  	v10 =	vld [tilespmem:s0+$0x10];
	vm0 =	vlt.s32 v4, $0x800  }
0x771: {  	[tilespmem:s26+$0xFFFFFD40] =	vst v50;
	v53 =	vld [tilespmem:s0+$0xFFFFFF10];
	v51 =	vnsel vm0, $0x800, v4  }
0x772: {  	[tilespmem:s26+$0xFFFFFFC0] =	vst v6;
	v4 =	vadd.s32 $0x804, v2;
	v9 =	vld.idx.msk [tilespmem:v9+s4+$0x0], $0xffff  }
0x773: {  	[tilespmem:s25+$0xFFFFFE70] =	vst v58;
	v6 =	vld [tilespmem:s2+$0xFFFFFFD0];
	vm0 =	vlt.s32 v5, $0x800  }
0x774: {  	vm1 =	vlt.s32 v11, $0x800;
	v5 =	vnsel vm0, $0x800, v5;
	[tilespmem:s26+$0x1C0] =	vst v7;
	v7 =	vld.idx.msk [tilespmem:v52+s4+$0x0], $0xffff  }
0x775: {  	[tilespmem:s25+$0xFFFFFC70] =	vst v8;
	v8 =	vnsel vm1, $0x800, v11;
	vm0 =	vlt.s32 v10, $0x800;
	v56 =	vld [tilespmem:s2+$0x50]  }
0x776: {  	v10 =	vnsel vm0, $0x800, v10;
	vm0 =	vlt.s32 v53, $0x800;
	v11 =	vld.idx.msk [tilespmem:v51+s4+$0x0], $0xffff  }
0x777: {  	v54 =	vld.idx.msk [tilespmem:v4+s4+$0x0], $0xffff;
	v55 =	vnsel vm0, $0x800, v53;
	[tilespmem:s26+$0xFFFFFDC0] =	vst v9  }
0x778: {  	v50 =	vadd.s32 $0x1008, v3;
	v28 =	vld [tilespmem:s2+$0xFFFFFF50]  }
0x779: {  	v4 =	vadd.s32 $0x804, v51;
	v57 =	vld.idx.msk [tilespmem:v5+s4+$0x0], $0xffff  }
0x77a: {  	v58 =	vadd.s32 $0x804, v0;
	vm0 =	vlt.s32 v6, $0x800;
	v59 =	vld.idx.msk [tilespmem:v8+s4+$0x0], $0xffff  }
0x77b: {  	v6 =	vnsel vm0, $0x800, v6;
	[tilespmem:s25+$0xFFFFFEF0] =	vst v7;
	v60 =	vld.idx.msk [tilespmem:v10+s4+$0x0], $0xffff  }
0x77c: {  	v61 =	vadd.s32 $0x804, v5;
	[tilespmem:s26+$0x250] =	vst v11;
	v9 =	vld.idx.msk [tilespmem:v55+s4+$0x0], $0xffff  }
0x77d: {  	v11 =	vadd.s32 $0x804, v8;
	[tilespmem:s25+$0xFFFFFCF0] =	vst v54;
	v54 =	vld.idx.msk [tilespmem:v50+s4+$0x0], $0xffff  }
0x77e: {  	[tilespmem:s25+$0x70] =	vst v18;
	v63 =	vadd.s32 $0x804, v10;
	vm0 =	vlt.s32 v56, $0x800;
	v62 =	vld.idx.msk [tilespmem:v4+s4+$0x0], $0xffff  }
0x77f: {  	v15 =	vnsel vm0, $0x800, v56;
	v4 =	vld.idx.msk [tilespmem:v58+s4+$0x0], $0xffff  }
0x780: {  	v30 =	vadd.s32 $0x804, v55;
	v36 =	vld.idx.msk [tilespmem:v6+s4+$0x0], $0xffff;
	[tilespmem:s28+$0x210] =	vst v57  }
0x781: {  	v3 =	vadd.s32 $0x180C, v3;
	[tilespmem:s28+$0xFFFFFE10] =	vst v59;
	v16 =	vld.idx.msk [tilespmem:v61+s4+$0x0], $0xffff  }
0x782: {  	v29 =	vadd.s32 $0x1008, v51;
	vm0 =	vlt.s32 v28, $0x800;
	[tilespmem:s28+$0x10] =	vst v60;
	v11 =	vld.idx.msk [tilespmem:v11+s4+$0x0], $0xffff  }
0x783: {  	v18 =	vnsel vm0, $0x800, v28;
	v31 =	vld.idx.msk [tilespmem:v63+s4+$0x0], $0xffff  }
0x784: {  	v32 =	vadd.s32 $0x1008, v5;
	[tilespmem:s28+$0xFFFFFC10] =	vst v9;
	v38 =	vld.idx.msk [tilespmem:v15+s4+$0x0], $0xffff  }
0x785: {  	v33 =	vadd.s32 $0x1008, v8;
	[tilespmem:s25+$0xFFFFFF70] =	vst v54;
	v35 =	vld.idx.msk [tilespmem:v30+s4+$0x0], $0xffff  }
0x786: {  	v34 =	vadd.s32 $0x1008, v10;
	[tilespmem:s26+$0x2D0] =	vst v62;
	v3 =	vld.idx.msk [tilespmem:v3+s4+$0x0], $0xffff  }
0x787: {  	v37 =	vadd.s32 $0x1008, v55;
	[tilespmem:s26+$0xFFFFFE50] =	vst v36;
	v9 =	vld.idx.msk [tilespmem:v29+s4+$0x0], $0xffff  }
0x788: {  	v14 =	vadd.s32 $0x180C, v51;
	v41 =	vld.idx.msk [tilespmem:v18+s4+$0x0], $0xffff;
	[tilespmem:s28+$0x290] =	vst v16  }
0x789: {  	v42 =	vadd.s32 $0x804, v18;
	[tilespmem:s28+$0xFFFFFE90] =	vst v11;
	v11 =	vld.idx.msk [tilespmem:v32+s4+$0x0], $0xffff  }
0x78a: {  	v39 =	vadd.s32 $0x804, v6;
	[tilespmem:s28+$0x90] =	vst v31;
	v20 =	vld.idx.msk [tilespmem:v33+s4+$0x0], $0xffff  }
0x78b: {  	v5 =	vadd.s32 $0x180C, v5;
	v17 =	vld.idx.msk [tilespmem:v34+s4+$0x0], $0xffff;
	[tilespmem:s28+$0xFFFFFC90] =	vst v35  }
0x78c: {  	v8 =	vadd.s32 $0x180C, v8;
	[tilespmem:s26+$0x350] =	vst v9;
	v40 =	vld.idx.msk [tilespmem:v37+s4+$0x0], $0xffff  }
0x78d: {  	v10 =	vadd.s32 $0x180C, v10;
	v9 =	vld.idx.msk [tilespmem:v14+s4+$0x0], $0xffff;
	[tilespmem:s26+$0xFFFFFC50] =	vst v41  }
0x78e: {  	v12 =	vadd.s32 $0x180C, v55;
	[tilespmem:s26+$0x50] =	vst v38;
	v45 =	vld.idx.msk [tilespmem:v42+s4+$0x0], $0xffff  }
0x78f: {  	[tilespmem:s28+$0x310] =	vst v11;
	v11 =	vld.idx.msk [tilespmem:v39+s4+$0x0], $0xffff  }
0x790: {  	v44 =	vadd.s32 $0x1008, v6;
	[tilespmem:s28+$0xFFFFFF10] =	vst v20;
	v5 =	vld.idx.msk [tilespmem:v5+s4+$0x0], $0xffff  }
0x791: {  	[tilespmem:s28+$0x110] =	vst v17;
	v8 =	vld.idx.msk [tilespmem:v8+s4+$0x0], $0xffff  }
0x792: {  	v43 =	vadd.s32 $0x804, v15;
	v10 =	vld.idx.msk [tilespmem:v10+s4+$0x0], $0xffff;
	[tilespmem:s28+$0xFFFFFD10] =	vst v40  }
0x793: {  	[tilespmem:s26+$0x3D0] =	vst v9;
	v12 =	vld.idx.msk [tilespmem:v12+s4+$0x0], $0xffff  }
0x794: {  	v9 =	vld [tilespmem:s2+$0xE0];
	[tilespmem:s26+$0xFFFFFED0] =	vst v11  }
0x795: {  	v46 =	vadd.s32 $0x1008, v18;
	[tilespmem:s28+$0x390] =	vst v5;
	v49 =	vld.idx.msk [tilespmem:v44+s4+$0x0], $0xffff  }
0x796: {  	[tilespmem:s28+$0xFFFFFF90] =	vst v8;
	v8 =	vld [tilespmem:s0+$0xA0]  }
0x797: {  	v6 =	vadd.s32 $0x180C, v6;
	v5 =	vld.idx.msk [tilespmem:v43+s4+$0x0], $0xffff  }
0x798: {  	v47 =	vadd.s32 $0x1008, v15;
	[tilespmem:s28+$0x190] =	vst v10;
	v48 =	vld [tilespmem:s0+$0xFFFFFFA0]  }
0x799: {  	v34 =	vadd.s32 $0x1008, v0;
	[tilespmem:s26+$0xFFFFFCD0] =	vst v45;
	v10 =	vld [tilespmem:s0+$0x20]  }
0x79a: {  	v11 =	vadd.s32 $0x1008, v2;
	v16 =	vld.idx.msk [tilespmem:v46+s4+$0x0], $0xffff;
	[tilespmem:s28+$0xFFFFFD90] =	vst v12;
	vm0 =	vlt.s32 v9, $0x800  }
0x79b: {  	v51 =	vld [tilespmem:s0+$0xFFFFFF20];
	v9 =	vnsel vm0, $0x800, v9;
	[tilespmem:s26+$0xFFFFFF50] =	vst v49;
	vm0 =	vlt.s32 v8, $0x800  }
0x79c: {  	[tilespmem:s26+$0xD0] =	vst v5;
	v6 =	vld.idx.msk [tilespmem:v6+s4+$0x0], $0xffff;
	v5 =	vnsel vm0, $0x800, v8  }
0x79d: {  	[tilespmem:s25+$0xF0] =	vst v4;
	v18 =	vadd.s32 $0x180C, v18;
	v8 =	vld.idx.msk [tilespmem:v47+s4+$0x0], $0xffff  }
0x79e: {  	v35 =	vld.idx.msk [tilespmem:v34+s4+$0x0], $0xffff;
	vm1 =	vlt.s32 v48, $0x800;
	vm0 =	vlt.s32 v10, $0x800  }
0x79f: {  	v52 =	vnsel vm1, $0x800, v48;
	v7 =	vnsel vm0, $0x800, v10;
	v10 =	vld.idx.msk [tilespmem:v11+s4+$0x0], $0xffff  }
0x7a0: {  	[tilespmem:s26+$0xFFFFFD50] =	vst v16;
	vm0 =	vlt.s32 v51, $0x800;
	v53 =	vld.idx.msk [tilespmem:v9+s4+$0x0], $0xffff  }
0x7a1: {  	v55 =	vnsel vm0, $0x800, v51;
	[tilespmem:s26+$0xFFFFFFD0] =	vst v6;
	v56 =	vld.idx.msk [tilespmem:v5+s4+$0x0], $0xffff  }
0x7a2: {  	v11 =	vadd.s32 $0x804, v9;
	[tilespmem:s26+$0x150] =	vst v8;
	v8 =	vld.idx.msk [tilespmem:v18+s4+$0x0], $0xffff  }
0x7a3: {  	v15 =	vadd.s32 $0x180C, v15;
	v32 =	vld [tilespmem:s2+$0xFFFFFFE0]  }
0x7a4: {  	v58 =	vadd.s32 $0x804, v5;
	v20 =	vld.idx.msk [tilespmem:v52+s4+$0x0], $0xffff  }
0x7a5: {  	v57 =	vld.idx.msk [tilespmem:v7+s4+$0x0], $0xffff  }
0x7a6: {  	v59 =	vadd.s32 $0x804, v52;
	[tilespmem:s26+$0x260] =	vst v53;
	v61 =	vld.idx.msk [tilespmem:v55+s4+$0x0], $0xffff  }
0x7a7: {  	v60 =	vadd.s32 $0x804, v7;
	v11 =	vld.idx.msk [tilespmem:v11+s4+$0x0], $0xffff;
	[tilespmem:s28+$0x220] =	vst v56  }
0x7a8: {  	v63 =	vadd.s32 $0x804, v55;
	v15 =	vld.idx.msk [tilespmem:v15+s4+$0x0], $0xffff;
	[tilespmem:s26+$0xFFFFFDD0] =	vst v8  }
0x7a9: {  	v62 =	vadd.s32 $0x1008, v9;
	[tilespmem:s28+$0xFFFFFE20] =	vst v20;
	v19 =	vld.idx.msk [tilespmem:v58+s4+$0x0], $0xffff  }
0x7aa: {  	[tilespmem:s28+$0x20] =	vst v57;
	v6 =	vld [tilespmem:s2+$0xFFFFFF60]  }
0x7ab: {  	v28 =	vadd.s32 $0x1008, v5;
	v17 =	vld.idx.msk [tilespmem:v59+s4+$0x0], $0xffff;
	[tilespmem:s28+$0xFFFFFC20] =	vst v61  }
0x7ac: {  	v27 =	vld.idx.msk [tilespmem:v60+s4+$0x0], $0xffff;
	[tilespmem:s26+$0x2E0] =	vst v11;
	v11 =	vadd.s32 $0x1008, v52  }
0x7ad: {  	v30 =	vadd.s32 $0x1008, v7;
	v31 =	vld.idx.msk [tilespmem:v63+s4+$0x0], $0xffff  }
0x7ae: {  	v8 =	vadd.s32 $0x180C, v9;
	v9 =	vadd.s32 $0x1008, v55;
	[tilespmem:s26+$0x1D0] =	vst v15;
	v29 =	vld.idx.msk [tilespmem:v62+s4+$0x0], $0xffff  }
0x7af: {  	v4 =	vld [tilespmem:s2+$0x60];
	[tilespmem:s28+$0x2A0] =	vst v19;
	vm0 =	vlt.s32 v6, $0x800  }
0x7b0: {  	[tilespmem:s28+$0xFFFFFEA0] =	vst v17;
	v33 =	vld.idx.msk [tilespmem:v28+s4+$0x0], $0xffff;
	v6 =	vnsel vm0, $0x800, v6  }
0x7b1: {  	v5 =	vadd.s32 $0x180C, v5;
	[tilespmem:s28+$0xA0] =	vst v27;
	v11 =	vld.idx.msk [tilespmem:v11+s4+$0x0], $0xffff  }
0x7b2: {  	v13 =	vadd.s32 $0x180C, v52;
	v18 =	vld.idx.msk [tilespmem:v30+s4+$0x0], $0xffff;
	[tilespmem:s28+$0xFFFFFCA0] =	vst v31  }
0x7b3: {  	v7 =	vadd.s32 $0x180C, v7;
	[tilespmem:s26+$0x360] =	vst v29;
	v9 =	vld.idx.msk [tilespmem:v9+s4+$0x0], $0xffff  }
0x7b4: {  	v14 =	vadd.s32 $0x180C, v55;
	v8 =	vld.idx.msk [tilespmem:v8+s4+$0x0], $0xffff  }
0x7b5: {  	vm0 =	vlt.s32 v32, $0x800;
	[tilespmem:s28+$0x320] =	vst v33;
	v36 =	vld.idx.msk [tilespmem:v6+s4+$0x0], $0xffff  }
0x7b6: {  	[tilespmem:s28+$0xFFFFFF20] =	vst v11;
	v5 =	vld.idx.msk [tilespmem:v5+s4+$0x0], $0xffff;
	v11 =	vnsel vm0, $0x800, v32  }
0x7b7: {  	[tilespmem:s28+$0x120] =	vst v18;
	v13 =	vld.idx.msk [tilespmem:v13+s4+$0x0], $0xffff  }
0x7b8: {  	v37 =	vadd.s32 $0x804, v6;
	v7 =	vld.idx.msk [tilespmem:v7+s4+$0x0], $0xffff;
	[tilespmem:s28+$0xFFFFFD20] =	vst v9  }
0x7b9: {  	vm0 =	vlt.s32 v4, $0x800;
	[tilespmem:s26+$0x3E0] =	vst v8;
	v9 =	vld.idx.msk [tilespmem:v14+s4+$0x0], $0xffff  }
0x7ba: {  	v4 =	vnsel vm0, $0x800, v4;
	v8 =	vld [tilespmem:s2+$0xF0]  }
0x7bb: {  	[tilespmem:s28+$0x3A0] =	vst v5;
	v5 =	vld.idx.msk [tilespmem:v11+s4+$0x0], $0xffff  }
0x7bc: {  	[tilespmem:s26+$0xFFFFFC60] =	vst v36;
	v38 =	vld [tilespmem:s0+$0xB0]  }
0x7bd: {  	v39 =	vadd.s32 $0x804, v11;
	v16 =	vld.idx.msk [tilespmem:v37+s4+$0x0], $0xffff;
	[tilespmem:s28+$0xFFFFFFA0] =	vst v13  }
0x7be: {  	v46 =	vadd.s32 $0x1008, v6;
	[tilespmem:s28+$0x1A0] =	vst v7;
	v40 =	vld [tilespmem:s0+$0xFFFFFFB0]  }
0x7bf: {  	v2 =	vadd.s32 $0x180C, v2;
	[tilespmem:s28+$0xFFFFFDA0] =	vst v9;
	v9 =	vld.idx.msk [tilespmem:v4+s4+$0x0], $0xffff  }
0x7c0: {  	[tilespmem:s25+$0xFFFFFFF0] =	vst v3;
	v42 =	vadd.s32 $0x804, v4;
	v7 =	vld [tilespmem:s0+$0x30];
	vm0 =	vlt.s32 v8, $0x800  }
0x7c1: {  	v41 =	vld [tilespmem:s0+$0xFFFFFF30];
	v8 =	vnsel vm0, $0x800, v8;
	[tilespmem:s26+$0xFFFFFE60] =	vst v5;
	vm0 =	vlt.s32 v38, $0x800  }
0x7c2: {  	[tilespmem:s26+$0xFFFFFCE0] =	vst v16;
	v43 =	vld.idx.msk [tilespmem:v39+s4+$0x0], $0xffff;
	v5 =	vnsel vm0, $0x800, v38  }
0x7c3: {  	[tilespmem:s25+$0xFFFFFD70] =	vst v10;
	v48 =	vadd.s32 $0x1008, v11;
	v3 =	vld.idx.msk [tilespmem:v46+s4+$0x0], $0xffff  }
0x7c4: {  	v2 =	vld.idx.msk [tilespmem:v2+s4+$0x0], $0xffff;
	v6 =	vadd.s32 $0x180C, v6;
	vm1 =	vlt.s32 v40, $0x800;
	[tilespmem:s26+$0x60] =	vst v9  }
0x7c5: {  	vm0 =	vlt.s32 v7, $0x800;
	v10 =	vnsel vm1, $0x800, v40;
	v45 =	vld.idx.msk [tilespmem:v42+s4+$0x0], $0xffff  }
0x7c6: {  	v7 =	vnsel vm0, $0x800, v7;
	v44 =	vld.idx.msk [tilespmem:v8+s4+$0x0], $0xffff  }
0x7c7: {  	v57 =	vadd.s32 $0x1008, v4;
	[tilespmem:s26+$0xFFFFFEE0] =	vst v43;
	v47 =	vld.idx.msk [tilespmem:v5+s4+$0x0], $0xffff  }
0x7c8: {  	v9 =	vadd.s32 $0x804, v8;
	vm0 =	vlt.s32 v41, $0x800;
	[tilespmem:s26+$0xFFFFFD60] =	vst v3;
	v56 =	vld.idx.msk [tilespmem:v48+s4+$0x0], $0xffff  }
0x7c9: {  	[tilespmem:s25+$0x3F0] =	vst v1;
	v1 =	vnsel vm0, $0x800, v41;
	v6 =	vld.idx.msk [tilespmem:v6+s4+$0x0], $0xffff  }
0x7ca: {  	[tilespmem:s25+$0xFFFFFDF0] =	vst v2;
	v51 =	vadd.s32 $0x804, v5;
	v49 =	vld.idx.msk [tilespmem:v10+s4+$0x0], $0xffff  }
0x7cb: {  	v52 =	vadd.s32 $0x804, v10;
	v50 =	vld.idx.msk [tilespmem:v7+s4+$0x0], $0xffff;
	[tilespmem:s26+$0xE0] =	vst v45  }
0x7cc: {  	v53 =	vadd.s32 $0x804, v7;
	[tilespmem:s26+$0x270] =	vst v44;
	v3 =	vld.idx.msk [tilespmem:v57+s4+$0x0], $0xffff  }
0x7cd: {  	v11 =	vadd.s32 $0x180C, v11;
	v9 =	vld.idx.msk [tilespmem:v9+s4+$0x0], $0xffff;
	[tilespmem:s28+$0x230] =	vst v47  }
0x7ce: {  	v54 =	vadd.s32 $0x1008, v8;
	v2 =	vld.idx.msk [tilespmem:v1+s4+$0x0], $0xffff;
	[tilespmem:s26+$0xFFFFFF60] =	vst v56  }
0x7cf: {  	v55 =	vadd.s32 $0x804, v1;
	[tilespmem:s28+$0xFFFFFE30] =	vst v49;
	v58 =	vld.idx.msk [tilespmem:v51+s4+$0x0], $0xffff  }
0x7d0: {  	[tilespmem:s28+$0x30] =	vst v50;
	v17 =	vld.idx.msk [tilespmem:v52+s4+$0x0], $0xffff  }
0x7d1: {  	v59 =	vadd.s32 $0x1008, v5;
	v13 =	vld.idx.msk [tilespmem:v53+s4+$0x0], $0xffff;
	[tilespmem:s26+$0x160] =	vst v3  }
0x7d2: {  	v3 =	vld.idx.msk [tilespmem:v11+s4+$0x0], $0xffff;
	[tilespmem:s26+$0x2F0] =	vst v9;
	v9 =	vadd.s32 $0x1008, v10  }
0x7d3: {  	v60 =	vadd.s32 $0x1008, v7;
	[tilespmem:s28+$0xFFFFFC30] =	vst v2;
	v2 =	vld.idx.msk [tilespmem:v54+s4+$0x0], $0xffff  }
0x7d4: {  	v4 =	vadd.s32 $0x180C, v4;
	[tilespmem:s26+$0xFFFFFDE0] =	vst v6;
	v61 =	vld.idx.msk [tilespmem:v55+s4+$0x0], $0xffff  }
0x7d5: {  	v62 =	vadd.s32 $0x1008, v1;
	v11 =	vld [tilespmem:s2+$0xFFFFFF70];
	[tilespmem:s28+$0x2B0] =	vst v58  }
0x7d6: {  	[tilespmem:s28+$0xFFFFFEB0] =	vst v17;
	v16 =	vld.idx.msk [tilespmem:v59+s4+$0x0], $0xffff  }
0x7d7: {  	v5 =	vadd.s32 $0x180C, v5;
	[tilespmem:s28+$0xB0] =	vst v13;
	v9 =	vld.idx.msk [tilespmem:v9+s4+$0x0], $0xffff  }
0x7d8: {  	v13 =	vld.idx.msk [tilespmem:v60+s4+$0x0], $0xffff;
	[tilespmem:s26+$0x370] =	vst v2;
	v2 =	vadd.s32 $0x180C, v10  }
0x7d9: {  	v7 =	vadd.s32 $0x180C, v7;
	v4 =	vld.idx.msk [tilespmem:v4+s4+$0x0], $0xffff;
	[tilespmem:s28+$0xFFFFFCB0] =	vst v61  }
0x7da: {  	v8 =	vadd.s32 $0x180C, v8;
	[tilespmem:s26+$0xFFFFFFE0] =	vst v3;
	v10 =	vld.idx.msk [tilespmem:v62+s4+$0x0], $0xffff  }
0x7db: {  	v1 =	vadd.s32 $0x180C, v1;
	v6 =	vld [tilespmem:s2+$0xFFFFFFF0];
	[tilespmem:s28+$0x330] =	vst v16  }
0x7dc: {  	[tilespmem:s28+$0xFFFFFF30] =	vst v9;
	v5 =	vld.idx.msk [tilespmem:v5+s4+$0x0], $0xffff  }
0x7dd: {  	[tilespmem:s28+$0x130] =	vst v13;
	v2 =	vld.idx.msk [tilespmem:v2+s4+$0x0], $0xffff  }
0x7de: {  	[tilespmem:s25+$0x170] =	vst v35;
	v9 =	vld.idx.msk [tilespmem:v7+s4+$0x0], $0xffff  }
0x7df: {  	v8 =	vld.idx.msk [tilespmem:v8+s4+$0x0], $0xffff;
	[tilespmem:s28+$0xFFFFFD30] =	vst v10  }
0x7e0: {  	v63 =	vadd.s32 $0x180C, v0;
	[tilespmem:s26+$0x1E0] =	vst v4;
	v1 =	vld.idx.msk [tilespmem:v1+s4+$0x0], $0xffff  }
0x7e1: {  	[tilespmem:s28+$0x3B0] =	vst v5;
	v5 =	vld [tilespmem:s2+$0x70]  }
0x7e2: {  	[tilespmem:s28+$0xFFFFFFB0] =	vst v2;
	v7 =	vld [tilespmem:s0+$0xC0]  }
0x7e3: {  	vm0 =	vlt.s32 v11, $0x800;
	[tilespmem:s28+$0x1B0] =	vst v9;
	v10 =	vld [tilespmem:s0+$0xFFFFFFC0]  }
0x7e4: {  	v3 =	vnsel vm0, $0x800, v11;
	[tilespmem:s26+$0x3F0] =	vst v8;
	v9 =	vld [tilespmem:s0+$0x40]  }
0x7e5: {  	s5 =	simm.s32 $0x2780;
	v4 =	vadd.s32 $0x804, v3;
	v0 =	vadd.s32 $0x1008, v3;
	vm0 =	vlt.s32 v6, $0x800;
	s2 =	simm.s32 $0x8;
	[tilespmem:s28+$0xFFFFFDB0] =	vst v1;
	v1 =	vld.idx.msk [tilespmem:v63+s4+$0x0], $0xffff  }
.LBB2_8:
0x7e6: {  	v11 =	vld [tilespmem:s5+$0x80];
	s2 =	sadd.s32 $0x4, s2;
	v2 =	vadd.s32 $0x180C, v3;
	v12 =	vnsel vm0, $0x800, v6;
	vm0 =	vlt.s32 v5, $0x800  }
0x7e7: {  	v13 =	vld [tilespmem:s5+$0xFFFFFF80];
	p0 =	slt.u32 s2, $0x1C;
	vm1 =	vlt.s32 v7, $0x800;
	v8 =	vadd.s32 $0x804, v12;
	v14 =	vnsel vm0, $0x800, v5  }
0x7e8: {  	v5 =	vld [tilespmem:s5+$0x0];
	vm0 =	vlt.s32 v10, $0x800;
	v15 =	vnsel vm1, $0x800, v7;
	v7 =	vadd.s32 $0x804, v14  }
0x7e9: {  	v6 =	vadd.s32 $0x1008, v12;
	v16 =	vld [tilespmem:s5+$0xFFFFFF00];
	v10 =	vnsel vm0, $0x800, v10;
	vm0 =	vlt.s32 v9, $0x800  }
0x7ea: {  	v17 =	vld [tilespmem:s0+$0xFFFFFF40];
	v18 =	vadd.s32 $0x804, v10;
	v19 =	vadd.s32 $0x1008, v10;
	v20 =	vnsel vm0, $0x800, v9  }
0x7eb: {  	vm0 =	vlt.s32 v11, $0x800;
	v21 =	vadd.s32 $0x804, v20;
	v22 =	vadd.s32 $0x1008, v20;
	v3 =	vld.idx.msk [tilespmem:v3+s4+$0x0], $0xffff;
	[tilespmem:s25+$0x1F0] =	vst v1;
	s25 =	smov.u32 s26;
	s26 =	smov.u32 s28  }
0x7ec: {  	v23 =	vadd.s32 $0x180C, v10;
	vm1 =	vlt.s32 v13, $0x800;
	v11 =	vnsel vm0, $0x800, v11;
	v1 =	vld.idx.msk [tilespmem:v12+s4+$0x0], $0xffff  }
0x7ed: {  	v9 =	vadd.s32 $0x180C, v20;
	v13 =	vnsel vm1, $0x800, v13;
	vm0 =	vlt.s32 v5, $0x800;
	v24 =	vld.idx.msk [tilespmem:v15+s4+$0x0], $0xffff  }
0x7ee: {  	vm1 =	vlt.s32 v16, $0x800;
	v25 =	vadd.s32 $0x804, v13;
	v26 =	vnsel vm0, $0x800, v5;
	v10 =	vld.idx.msk [tilespmem:v10+s4+$0x0], $0xffff  }
0x7ef: {  	v28 =	vadd.s32 $0x804, v15;
	v16 =	vnsel vm1, $0x800, v16;
	v27 =	vadd.s32 $0x804, v26;
	v20 =	vld.idx.msk [tilespmem:v20+s4+$0x0], $0xffff  }
0x7f0: {  	v31 =	vadd.s32 $0x1008, v13;
	v29 =	vadd.s32 $0x804, v16;
	v30 =	vadd.s32 $0x1008, v16;
	v32 =	vld.idx.msk [tilespmem:v14+s4+$0x0], $0xffff  }
0x7f1: {  	v34 =	vadd.s32 $0x180C, v13;
	v35 =	vadd.s32 $0x1008, v26;
	v33 =	vadd.s32 $0x180C, v16;
	v36 =	vld.idx.msk [tilespmem:v11+s4+$0x0], $0xffff;
	[tilespmem:s25+$0xFFFFFC70] =	vst v3  }
0x7f2: {  	v5 =	vadd.s32 $0x1008, v14;
	v37 =	vadd.s32 $0x180C, v26;
	vm0 =	vlt.s32 v17, $0x800;
	v13 =	vld.idx.msk [tilespmem:v13+s4+$0x0], $0xffff;
	[tilespmem:s25+$0xFFFFFE70] =	vst v1  }
0x7f3: {  	v38 =	vadd.s32 $0x804, v11;
	v17 =	vnsel vm0, $0x800, v17;
	v3 =	vadd.s32 $0x180C, v12;
	v26 =	vld.idx.msk [tilespmem:v26+s4+$0x0], $0xffff;
	[tilespmem:s28+$0x240] =	vst v24  }
0x7f4: {  	v12 =	vadd.s32 $0x804, v17;
	v39 =	vadd.s32 $0x180C, v17;
	v24 =	vadd.s32 $0x1008, v17;
	[tilespmem:s28+$0xFFFFFE40] =	vst v10;
	v10 =	vld.idx.msk [tilespmem:v28+s4+$0x0], $0xffff  }
0x7f5: {  	v1 =	vadd.s32 $0x180C, v14;
	v16 =	vld.idx.msk [tilespmem:v16+s4+$0x0], $0xffff;
	[tilespmem:s28+$0x40] =	vst v20  }
0x7f6: {  	s28 =	sadd.s32 $0x800, s28;
	v14 =	vld.idx.msk [tilespmem:v18+s4+$0x0], $0xffff;
	v18 =	vadd.s32 $0x1008, v15;
	[tilespmem:s25+$0x70] =	vst v32  }
0x7f7: {  	[tilespmem:s28+$0x200] =	vst v36;
	v20 =	vld.idx.msk [tilespmem:v21+s4+$0x0], $0xffff  }
0x7f8: {  	[tilespmem:s28+$0xFFFFFE00] =	vst v13;
	v13 =	vld.idx.msk [tilespmem:v38+s4+$0x0], $0xffff  }
0x7f9: {  	v21 =	vld.idx.msk [tilespmem:v25+s4+$0x0], $0xffff;
	[tilespmem:s28+$0x0] =	vst v26  }
0x7fa: {  	v26 =	vadd.s32 $0x1008, v11;
	v25 =	vld.idx.msk [tilespmem:v27+s4+$0x0], $0xffff;
	[tilespmem:s26+$0x2C0] =	vst v10  }
0x7fb: {  	[tilespmem:s28+$0xFFFFFC00] =	vst v16;
	v10 =	vld.idx.msk [tilespmem:v18+s4+$0x0], $0xffff  }
0x7fc: {  	v16 =	vld.idx.msk [tilespmem:v29+s4+$0x0], $0xffff;
	[tilespmem:s26+$0xFFFFFEC0] =	vst v14  }
0x7fd: {  	v15 =	vadd.s32 $0x180C, v15;
	v14 =	vld.idx.msk [tilespmem:v17+s4+$0x0], $0xffff;
	[tilespmem:s26+$0xC0] =	vst v20  }
0x7fe: {  	[tilespmem:s28+$0x280] =	vst v13;
	v13 =	vld.idx.msk [tilespmem:v19+s4+$0x0], $0xffff  }
0x7ff: {  	[tilespmem:s28+$0xFFFFFE80] =	vst v21;
	v17 =	vld.idx.msk [tilespmem:v26+s4+$0x0], $0xffff  }
0x800: {  	v18 =	vld.idx.msk [tilespmem:v31+s4+$0x0], $0xffff;
	[tilespmem:s28+$0x80] =	vst v25  }
0x801: {  	v11 =	vadd.s32 $0x180C, v11;
	v19 =	vld.idx.msk [tilespmem:v35+s4+$0x0], $0xffff;
	[tilespmem:s26+$0x340] =	vst v10  }
0x802: {  	[tilespmem:s28+$0xFFFFFC80] =	vst v16;
	v10 =	vld.idx.msk [tilespmem:v15+s4+$0x0], $0xffff  }
0x803: {  	v15 =	vld.idx.msk [tilespmem:v30+s4+$0x0], $0xffff;
	[tilespmem:s26+$0xFFFFFC40] =	vst v14  }
0x804: {  	v12 =	vld.idx.msk [tilespmem:v12+s4+$0x0], $0xffff;
	[tilespmem:s26+$0xFFFFFF40] =	vst v13  }
0x805: {  	[tilespmem:s28+$0x300] =	vst v17;
	v13 =	vld.idx.msk [tilespmem:v22+s4+$0x0], $0xffff  }
0x806: {  	[tilespmem:s28+$0xFFFFFF00] =	vst v18;
	v11 =	vld.idx.msk [tilespmem:v11+s4+$0x0], $0xffff  }
0x807: {  	v14 =	vld.idx.msk [tilespmem:v34+s4+$0x0], $0xffff;
	[tilespmem:s28+$0x100] =	vst v19  }
0x808: {  	v16 =	vld.idx.msk [tilespmem:v37+s4+$0x0], $0xffff;
	[tilespmem:s26+$0x3C0] =	vst v10  }
0x809: {  	[tilespmem:s28+$0xFFFFFD00] =	vst v15;
	v10 =	vld [tilespmem:s0+$0xD0]  }
0x80a: {  	v15 =	vld.idx.msk [tilespmem:v33+s4+$0x0], $0xffff;
	[tilespmem:s26+$0xFFFFFCC0] =	vst v12  }
0x80b: {  	v12 =	vld.idx.msk [tilespmem:v24+s4+$0x0], $0xffff;
	[tilespmem:s26+$0x140] =	vst v13  }
0x80c: {  	[tilespmem:s28+$0x380] =	vst v11;
	v11 =	vld.idx.msk [tilespmem:v23+s4+$0x0], $0xffff  }
0x80d: {  	[tilespmem:s28+$0xFFFFFF80] =	vst v14;
	v13 =	vld [tilespmem:s5+$0x90]  }
0x80e: {  	v14 =	vld [tilespmem:s5+$0xFFFFFF90];
	[tilespmem:s28+$0x180] =	vst v16;
	vm0 =	vlt.s32 v10, $0x800  }
0x80f: {  	v16 =	vld [tilespmem:s5+$0x10];
	v10 =	vnsel vm0, $0x800, v10  }
0x810: {  	[tilespmem:s28+$0xFFFFFD80] =	vst v15;
	v9 =	vld.idx.msk [tilespmem:v9+s4+$0x0], $0xffff  }
0x811: {  	v15 =	vld [tilespmem:s5+$0xFFFFFF10];
	[tilespmem:s26+$0xFFFFFD40] =	vst v12  }
0x812: {  	vm0 =	vlt.s32 v13, $0x800;
	v12 =	vld.idx.msk [tilespmem:v39+s4+$0x0], $0xffff;
	[tilespmem:s26+$0xFFFFFFC0] =	vst v11  }
0x813: {  	vm1 =	vlt.s32 v14, $0x800;
	v11 =	vnsel vm0, $0x800, v13;
	v13 =	vld [tilespmem:s0+$0xFFFFFFD0]  }
0x814: {  	v14 =	vnsel vm1, $0x800, v14;
	vm0 =	vlt.s32 v16, $0x800;
	v17 =	vld.idx.msk [tilespmem:v10+s4+$0x0], $0xffff  }
0x815: {  	v18 =	vadd.s32 $0x804, v14;
	v19 =	vadd.s32 $0x1008, v14;
	v16 =	vnsel vm0, $0x800, v16;
	v4 =	vld.idx.msk [tilespmem:v4+s4+$0x0], $0xffff  }
0x816: {  	vm0 =	vlt.s32 v15, $0x800;
	v20 =	vadd.s32 $0x804, v16;
	[tilespmem:s26+$0x1C0] =	vst v9;
	v9 =	vadd.s32 $0x804, v10;
	v21 =	vld.idx.msk [tilespmem:v8+s4+$0x0], $0xffff  }
0x817: {  	v22 =	vadd.s32 $0x180C, v14;
	v23 =	vadd.s32 $0x1008, v16;
	v15 =	vnsel vm0, $0x800, v15;
	v24 =	vld [tilespmem:s0+$0x50]  }
0x818: {  	v25 =	vadd.s32 $0x804, v15;
	v26 =	vadd.s32 $0x1008, v15;
	v27 =	vadd.s32 $0x180C, v15;
	v28 =	vld.idx.msk [tilespmem:v11+s4+$0x0], $0xffff;
	[tilespmem:s26+$0xFFFFFDC0] =	vst v12  }
0x819: {  	vm0 =	vlt.s32 v13, $0x800;
	v12 =	vld.idx.msk [tilespmem:v14+s4+$0x0], $0xffff;
	v14 =	vadd.s32 $0x180C, v16  }
0x81a: {  	v29 =	vadd.s32 $0x804, v11;
	v13 =	vnsel vm0, $0x800, v13;
	v16 =	vld.idx.msk [tilespmem:v16+s4+$0x0], $0xffff;
	[tilespmem:s26+$0x250] =	vst v17  }
0x81b: {  	v17 =	vadd.s32 $0x804, v13;
	v30 =	vadd.s32 $0x1008, v13;
	v8 =	vadd.s32 $0x180C, v13;
	v9 =	vld.idx.msk [tilespmem:v9+s4+$0x0], $0xffff;
	[tilespmem:s25+$0xFFFFFCF0] =	vst v4  }
0x81c: {  	v15 =	vld.idx.msk [tilespmem:v15+s4+$0x0], $0xffff;
	vm0 =	vlt.s32 v24, $0x800;
	[tilespmem:s25+$0xFFFFFEF0] =	vst v21  }
0x81d: {  	v31 =	vadd.s32 $0x1008, v10;
	v21 =	vld [tilespmem:s0+$0xFFFFFF50];
	v24 =	vnsel vm0, $0x800, v24  }
0x81e: {  	[tilespmem:s28+$0x210] =	vst v28;
	v28 =	vadd.s32 $0x804, v24;
	v32 =	vadd.s32 $0x1008, v24;
	v4 =	vadd.s32 $0x180C, v24;
	v7 =	vld.idx.msk [tilespmem:v7+s4+$0x0], $0xffff  }
0x81f: {  	[tilespmem:s28+$0xFFFFFE10] =	vst v12;
	v12 =	vld.idx.msk [tilespmem:v29+s4+$0x0], $0xffff  }
0x820: {  	v18 =	vld.idx.msk [tilespmem:v18+s4+$0x0], $0xffff;
	[tilespmem:s28+$0x10] =	vst v16  }
0x821: {  	v16 =	vld.idx.msk [tilespmem:v20+s4+$0x0], $0xffff;
	v20 =	vadd.s32 $0x1008, v11;
	[tilespmem:s26+$0x2D0] =	vst v9  }
0x822: {  	[tilespmem:s28+$0xFFFFFC10] =	vst v15;
	vm0 =	vlt.s32 v21, $0x800;
	v9 =	vld.idx.msk [tilespmem:v31+s4+$0x0], $0xffff  }
0x823: {  	v15 =	vld.idx.msk [tilespmem:v25+s4+$0x0], $0xffff;
	v21 =	vnsel vm0, $0x800, v21  }
0x824: {  	v10 =	vadd.s32 $0x180C, v10;
	v25 =	vadd.s32 $0x804, v21;
	v29 =	vadd.s32 $0x1008, v21;
	v13 =	vld.idx.msk [tilespmem:v13+s4+$0x0], $0xffff;
	[tilespmem:s25+$0xF0] =	vst v7  }
0x825: {  	v7 =	vadd.s32 $0x180C, v21;
	[tilespmem:s28+$0x290] =	vst v12;
	v12 =	vld.idx.msk [tilespmem:v24+s4+$0x0], $0xffff  }
0x826: {  	[tilespmem:s28+$0xFFFFFE90] =	vst v18;
	v18 =	vld.idx.msk [tilespmem:v20+s4+$0x0], $0xffff  }
0x827: {  	v19 =	vld.idx.msk [tilespmem:v19+s4+$0x0], $0xffff;
	[tilespmem:s28+$0x90] =	vst v16  }
0x828: {  	v11 =	vadd.s32 $0x180C, v11;
	v16 =	vld.idx.msk [tilespmem:v23+s4+$0x0], $0xffff;
	[tilespmem:s26+$0x350] =	vst v9  }
0x829: {  	[tilespmem:s28+$0xFFFFFC90] =	vst v15;
	v9 =	vld.idx.msk [tilespmem:v10+s4+$0x0], $0xffff  }
0x82a: {  	v10 =	vld.idx.msk [tilespmem:v26+s4+$0x0], $0xffff;
	[tilespmem:s26+$0xFFFFFE50] =	vst v13  }
0x82b: {  	v13 =	vld.idx.msk [tilespmem:v21+s4+$0x0], $0xffff;
	[tilespmem:s26+$0x50] =	vst v12  }
0x82c: {  	[tilespmem:s28+$0x310] =	vst v18;
	v12 =	vld.idx.msk [tilespmem:v17+s4+$0x0], $0xffff  }
0x82d: {  	[tilespmem:s28+$0xFFFFFF10] =	vst v19;
	v11 =	vld.idx.msk [tilespmem:v11+s4+$0x0], $0xffff  }
0x82e: {  	v15 =	vld.idx.msk [tilespmem:v22+s4+$0x0], $0xffff;
	[tilespmem:s28+$0x110] =	vst v16  }
0x82f: {  	v14 =	vld.idx.msk [tilespmem:v14+s4+$0x0], $0xffff;
	[tilespmem:s26+$0x3D0] =	vst v9  }
0x830: {  	[tilespmem:s28+$0xFFFFFD10] =	vst v10;
	v9 =	vld [tilespmem:s0+$0xE0]  }
0x831: {  	v10 =	vld.idx.msk [tilespmem:v27+s4+$0x0], $0xffff;
	[tilespmem:s26+$0xFFFFFC50] =	vst v13  }
0x832: {  	v13 =	vld.idx.msk [tilespmem:v25+s4+$0x0], $0xffff;
	[tilespmem:s26+$0xFFFFFED0] =	vst v12  }
0x833: {  	[tilespmem:s28+$0x390] =	vst v11;
	v11 =	vld.idx.msk [tilespmem:v28+s4+$0x0], $0xffff  }
0x834: {  	[tilespmem:s28+$0xFFFFFF90] =	vst v15;
	v12 =	vld [tilespmem:s5+$0xA0]  }
0x835: {  	v15 =	vld [tilespmem:s5+$0xFFFFFFA0];
	[tilespmem:s28+$0x190] =	vst v14;
	vm0 =	vlt.s32 v9, $0x800  }
0x836: {  	v14 =	vld [tilespmem:s5+$0x20];
	v9 =	vnsel vm0, $0x800, v9  }
0x837: {  	[tilespmem:s28+$0xFFFFFD90] =	vst v10;
	v10 =	vld.idx.msk [tilespmem:v30+s4+$0x0], $0xffff  }
0x838: {  	v16 =	vld [tilespmem:s5+$0xFFFFFF20];
	[tilespmem:s26+$0xFFFFFCD0] =	vst v13  }
0x839: {  	vm0 =	vlt.s32 v12, $0x800;
	v13 =	vld.idx.msk [tilespmem:v29+s4+$0x0], $0xffff;
	[tilespmem:s26+$0xD0] =	vst v11  }
0x83a: {  	vm1 =	vlt.s32 v15, $0x800;
	v11 =	vnsel vm0, $0x800, v12;
	v12 =	vld.idx.msk [tilespmem:v32+s4+$0x0], $0xffff  }
0x83b: {  	v15 =	vnsel vm1, $0x800, v15;
	vm0 =	vlt.s32 v14, $0x800;
	v17 =	vld.idx.msk [tilespmem:v9+s4+$0x0], $0xffff  }
0x83c: {  	v18 =	vadd.s32 $0x804, v15;
	v19 =	vadd.s32 $0x1008, v15;
	v14 =	vnsel vm0, $0x800, v14;
	v0 =	vld.idx.msk [tilespmem:v0+s4+$0x0], $0xffff  }
0x83d: {  	vm0 =	vlt.s32 v16, $0x800;
	v20 =	vadd.s32 $0x804, v14;
	[tilespmem:s26+$0xFFFFFF50] =	vst v10;
	v10 =	vadd.s32 $0x804, v9;
	v6 =	vld.idx.msk [tilespmem:v6+s4+$0x0], $0xffff  }
0x83e: {  	v21 =	vadd.s32 $0x180C, v15;
	v22 =	vadd.s32 $0x1008, v14;
	v16 =	vnsel vm0, $0x800, v16;
	v8 =	vld.idx.msk [tilespmem:v8+s4+$0x0], $0xffff  }
0x83f: {  	v23 =	vadd.s32 $0x804, v16;
	v24 =	vadd.s32 $0x1008, v16;
	v25 =	vadd.s32 $0x180C, v16;
	v26 =	vld.idx.msk [tilespmem:v11+s4+$0x0], $0xffff;
	[tilespmem:s26+$0xFFFFFD50] =	vst v13  }
0x840: {  	v13 =	vld.idx.msk [tilespmem:v15+s4+$0x0], $0xffff;
	v15 =	vadd.s32 $0x180C, v14;
	[tilespmem:s26+$0x150] =	vst v12  }
0x841: {  	v12 =	vld.idx.msk [tilespmem:v14+s4+$0x0], $0xffff;
	v14 =	vadd.s32 $0x804, v11;
	[tilespmem:s26+$0x260] =	vst v17  }
0x842: {  	v10 =	vld.idx.msk [tilespmem:v10+s4+$0x0], $0xffff;
	[tilespmem:s25+$0xFFFFFD70] =	vst v0  }
0x843: {  	v0 =	vld.idx.msk [tilespmem:v16+s4+$0x0], $0xffff;
	[tilespmem:s25+$0xFFFFFF70] =	vst v6  }
0x844: {  	v6 =	vld.idx.msk [tilespmem:v7+s4+$0x0], $0xffff;
	[tilespmem:s26+$0xFFFFFFD0] =	vst v8;
	v7 =	vadd.s32 $0x1008, v9  }
0x845: {  	[tilespmem:s28+$0x220] =	vst v26;
	v4 =	vld.idx.msk [tilespmem:v4+s4+$0x0], $0xffff  }
0x846: {  	[tilespmem:s28+$0xFFFFFE20] =	vst v13;
	v8 =	vld.idx.msk [tilespmem:v14+s4+$0x0], $0xffff  }
0x847: {  	v13 =	vld.idx.msk [tilespmem:v18+s4+$0x0], $0xffff;
	[tilespmem:s28+$0x20] =	vst v12  }
0x848: {  	v14 =	vadd.s32 $0x1008, v11;
	v12 =	vld.idx.msk [tilespmem:v20+s4+$0x0], $0xffff;
	[tilespmem:s26+$0x2E0] =	vst v10  }
0x849: {  	[tilespmem:s28+$0xFFFFFC20] =	vst v0;
	v0 =	vld.idx.msk [tilespmem:v7+s4+$0x0], $0xffff  }
0x84a: {  	v7 =	vld.idx.msk [tilespmem:v23+s4+$0x0], $0xffff;
	[tilespmem:s26+$0xFFFFFDD0] =	vst v6  }
0x84b: {  	v6 =	vld [tilespmem:s0+$0xFFFFFF60];
	[tilespmem:s26+$0x1D0] =	vst v4;
	v4 =	vadd.s32 $0x180C, v9  }
0x84c: {  	[tilespmem:s28+$0x2A0] =	vst v8;
	v8 =	vld [tilespmem:s0+$0xFFFFFFE0]  }
0x84d: {  	[tilespmem:s28+$0xFFFFFEA0] =	vst v13;
	v9 =	vld.idx.msk [tilespmem:v14+s4+$0x0], $0xffff  }
0x84e: {  	v10 =	vld.idx.msk [tilespmem:v19+s4+$0x0], $0xffff;
	[tilespmem:s28+$0xA0] =	vst v12  }
0x84f: {  	v11 =	vadd.s32 $0x180C, v11;
	v12 =	vld.idx.msk [tilespmem:v22+s4+$0x0], $0xffff;
	[tilespmem:s26+$0x360] =	vst v0  }
0x850: {  	[tilespmem:s28+$0xFFFFFCA0] =	vst v7;
	vm0 =	vlt.s32 v6, $0x800;
	v4 =	vld.idx.msk [tilespmem:v4+s4+$0x0], $0xffff  }
0x851: {  	v7 =	vld.idx.msk [tilespmem:v24+s4+$0x0], $0xffff;
	v6 =	vnsel vm0, $0x800, v6;
	vm0 =	vlt.s32 v8, $0x800  }
0x852: {  	v13 =	vadd.s32 $0x804, v6;
	v14 =	vadd.s32 $0x1008, v6;
	v8 =	vnsel vm0, $0x800, v8;
	v16 =	vld [tilespmem:s0+$0x60]  }
0x853: {  	[tilespmem:s28+$0x320] =	vst v9;
	v9 =	vadd.s32 $0x180C, v6;
	v17 =	vadd.s32 $0x804, v8;
	v18 =	vadd.s32 $0x1008, v8;
	v5 =	vld.idx.msk [tilespmem:v5+s4+$0x0], $0xffff  }
0x854: {  	v0 =	vadd.s32 $0x180C, v8;
	[tilespmem:s28+$0xFFFFFF20] =	vst v10;
	v10 =	vld.idx.msk [tilespmem:v11+s4+$0x0], $0xffff  }
0x855: {  	v11 =	vld.idx.msk [tilespmem:v21+s4+$0x0], $0xffff;
	[tilespmem:s28+$0x120] =	vst v12  }
0x856: {  	v12 =	vld.idx.msk [tilespmem:v15+s4+$0x0], $0xffff;
	[tilespmem:s26+$0x3E0] =	vst v4  }
0x857: {  	[tilespmem:s28+$0xFFFFFD20] =	vst v7;
	vm0 =	vlt.s32 v16, $0x800;
	v4 =	vld [tilespmem:s0+$0xF0]  }
0x858: {  	v7 =	vld.idx.msk [tilespmem:v25+s4+$0x0], $0xffff;
	v15 =	vnsel vm0, $0x800, v16  }
0x859: {  	v6 =	vld.idx.msk [tilespmem:v6+s4+$0x0], $0xffff;
	v16 =	vadd.s32 $0x804, v15;
	v19 =	vadd.s32 $0x1008, v15;
	v20 =	vadd.s32 $0x180C, v15;
	[tilespmem:s25+$0x170] =	vst v5  }
0x85a: {  	[tilespmem:s28+$0x3A0] =	vst v10;
	v5 =	vld.idx.msk [tilespmem:v8+s4+$0x0], $0xffff  }
0x85b: {  	[tilespmem:s28+$0xFFFFFFA0] =	vst v11;
	v8 =	vld [tilespmem:s5+$0xB0]  }
0x85c: {  	v10 =	vld [tilespmem:s5+$0xFFFFFFB0];
	[tilespmem:s28+$0x1A0] =	vst v12;
	vm0 =	vlt.s32 v4, $0x800  }
0x85d: {  	v11 =	vld [tilespmem:s5+$0x30];
	v4 =	vnsel vm0, $0x800, v4  }
0x85e: {  	[tilespmem:s28+$0xFFFFFDA0] =	vst v7;
	v7 =	vld.idx.msk [tilespmem:v15+s4+$0x0], $0xffff  }
0x85f: {  	v12 =	vld [tilespmem:s5+$0xFFFFFF30];
	[tilespmem:s26+$0xFFFFFC60] =	vst v6  }
0x860: {  	vm0 =	vlt.s32 v8, $0x800;
	v6 =	vld.idx.msk [tilespmem:v13+s4+$0x0], $0xffff;
	[tilespmem:s26+$0xFFFFFE60] =	vst v5  }
0x861: {  	vm1 =	vlt.s32 v10, $0x800;
	v5 =	vnsel vm0, $0x800, v8;
	v8 =	vld.idx.msk [tilespmem:v17+s4+$0x0], $0xffff  }
0x862: {  	v10 =	vnsel vm1, $0x800, v10;
	vm0 =	vlt.s32 v11, $0x800;
	v13 =	vld.idx.msk [tilespmem:v4+s4+$0x0], $0xffff  }
0x863: {  	v15 =	vadd.s32 $0x804, v10;
	v17 =	vadd.s32 $0x1008, v10;
	v11 =	vnsel vm0, $0x800, v11;
	v2 =	vld.idx.msk [tilespmem:v2+s4+$0x0], $0xffff  }
0x864: {  	vm0 =	vlt.s32 v12, $0x800;
	v21 =	vadd.s32 $0x804, v11;
	[tilespmem:s26+$0x60] =	vst v7;
	v7 =	vadd.s32 $0x804, v4;
	v3 =	vld.idx.msk [tilespmem:v3+s4+$0x0], $0xffff  }
0x865: {  	v22 =	vadd.s32 $0x180C, v10;
	v23 =	vadd.s32 $0x1008, v11;
	v12 =	vnsel vm0, $0x800, v12;
	v16 =	vld.idx.msk [tilespmem:v16+s4+$0x0], $0xffff  }
0x866: {  	v24 =	vadd.s32 $0x804, v12;
	v25 =	vadd.s32 $0x1008, v12;
	v26 =	vadd.s32 $0x180C, v12;
	v27 =	vld.idx.msk [tilespmem:v5+s4+$0x0], $0xffff;
	[tilespmem:s26+$0xFFFFFCE0] =	vst v6  }
0x867: {  	v6 =	vld.idx.msk [tilespmem:v10+s4+$0x0], $0xffff;
	v10 =	vadd.s32 $0x180C, v11;
	[tilespmem:s26+$0xFFFFFEE0] =	vst v8  }
0x868: {  	v8 =	vld.idx.msk [tilespmem:v11+s4+$0x0], $0xffff;
	v11 =	vadd.s32 $0x804, v5;
	[tilespmem:s26+$0x270] =	vst v13  }
0x869: {  	v7 =	vld.idx.msk [tilespmem:v7+s4+$0x0], $0xffff;
	[tilespmem:s25+$0xFFFFFDF0] =	vst v2  }
0x86a: {  	v2 =	vld.idx.msk [tilespmem:v12+s4+$0x0], $0xffff;
	[tilespmem:s25+$0xFFFFFFF0] =	vst v3  }
0x86b: {  	v12 =	vadd.s32 $0x1008, v4;
	v3 =	vld.idx.msk [tilespmem:v14+s4+$0x0], $0xffff;
	[tilespmem:s26+$0xE0] =	vst v16  }
0x86c: {  	[tilespmem:s28+$0x230] =	vst v27;
	v13 =	vld.idx.msk [tilespmem:v18+s4+$0x0], $0xffff  }
0x86d: {  	[tilespmem:s28+$0xFFFFFE30] =	vst v6;
	v6 =	vld.idx.msk [tilespmem:v11+s4+$0x0], $0xffff  }
0x86e: {  	v11 =	vld.idx.msk [tilespmem:v15+s4+$0x0], $0xffff;
	[tilespmem:s28+$0x30] =	vst v8  }
0x86f: {  	v14 =	vadd.s32 $0x1008, v5;
	v8 =	vld.idx.msk [tilespmem:v21+s4+$0x0], $0xffff;
	[tilespmem:s26+$0x2F0] =	vst v7  }
0x870: {  	[tilespmem:s28+$0xFFFFFC30] =	vst v2;
	v2 =	vld.idx.msk [tilespmem:v12+s4+$0x0], $0xffff  }
0x871: {  	v7 =	vld.idx.msk [tilespmem:v24+s4+$0x0], $0xffff;
	[tilespmem:s26+$0xFFFFFD60] =	vst v3  }
0x872: {  	v4 =	vadd.s32 $0x180C, v4;
	[tilespmem:s26+$0xFFFFFF60] =	vst v13;
	v3 =	vld.idx.msk [tilespmem:v19+s4+$0x0], $0xffff  }
0x873: {  	[tilespmem:s28+$0x2B0] =	vst v6;
	v6 =	vld.idx.msk [tilespmem:v9+s4+$0x0], $0xffff  }
0x874: {  	[tilespmem:s28+$0xFFFFFEB0] =	vst v11;
	v9 =	vld.idx.msk [tilespmem:v14+s4+$0x0], $0xffff  }
0x875: {  	v11 =	vld.idx.msk [tilespmem:v17+s4+$0x0], $0xffff;
	[tilespmem:s28+$0xB0] =	vst v8  }
0x876: {  	v5 =	vadd.s32 $0x180C, v5;
	v8 =	vld.idx.msk [tilespmem:v23+s4+$0x0], $0xffff;
	[tilespmem:s26+$0x370] =	vst v2  }
0x877: {  	[tilespmem:s28+$0xFFFFFCB0] =	vst v7;
	v2 =	vld.idx.msk [tilespmem:v4+s4+$0x0], $0xffff  }
0x878: {  	v4 =	vld.idx.msk [tilespmem:v25+s4+$0x0], $0xffff;
	[tilespmem:s26+$0x160] =	vst v3  }
0x879: {  	[tilespmem:s26+$0xFFFFFDE0] =	vst v6;
	v0 =	vld.idx.msk [tilespmem:v0+s4+$0x0], $0xffff  }
0x87a: {  	[tilespmem:s28+$0x330] =	vst v9;
	v3 =	vld.idx.msk [tilespmem:v20+s4+$0x0], $0xffff  }
0x87b: {  	[tilespmem:s28+$0xFFFFFF30] =	vst v11;
	v5 =	vld.idx.msk [tilespmem:v5+s4+$0x0], $0xffff  }
0x87c: {  	v7 =	vld.idx.msk [tilespmem:v22+s4+$0x0], $0xffff;
	[tilespmem:s28+$0x130] =	vst v8  }
0x87d: {  	v8 =	vld.idx.msk [tilespmem:v10+s4+$0x0], $0xffff;
	[tilespmem:s26+$0x3F0] =	vst v2  }
0x87e: {  	[tilespmem:s28+$0xFFFFFD30] =	vst v4;
	v2 =	vld [tilespmem:s0+$0xFFFFFF70]  }
0x87f: {  	v4 =	vld.idx.msk [tilespmem:v26+s4+$0x0], $0xffff;
	[tilespmem:s26+$0xFFFFFFE0] =	vst v0  }
0x880: {  	v6 =	vld [tilespmem:s0+$0xFFFFFFF0];
	[tilespmem:s26+$0x1E0] =	vst v3  }
.Ltmp3:
0x881: {  	[tilespmem:s28+$0x3B0] =	vst v5;
	v5 =	vld [tilespmem:s0+$0x70];
	s0 =	smov.u32 s5;
	(pc) =	sbr.rel @p0 .LBB2_8-.Ltmp3, $4  }
0x882: {  	[tilespmem:s28+$0xFFFFFFB0] =	vst v7;
	v7 =	vld [tilespmem:s5+$0xC0]  }
0x883: {  	v10 =	vld [tilespmem:s5+$0xFFFFFFC0];
	[tilespmem:s28+$0x1B0] =	vst v8;
	vm0 =	vlt.s32 v2, $0x800  }
0x884: {  	v9 =	vld [tilespmem:s5+$0x40];
	v3 =	vnsel vm0, $0x800, v2  }
0x885: {  	s5 =	sadd.s32 $0x200, s5;
	[tilespmem:s28+$0xFFFFFDB0] =	vst v4;
	v4 =	vadd.s32 $0x804, v3;
	v0 =	vadd.s32 $0x1008, v3;
	vm0 =	vlt.s32 v6, $0x800;
	v1 =	vld.idx.msk [tilespmem:v1+s4+$0x0], $0xffff  }
0x886: {  	v2 =	vld [tilespmem:s0+$0xFFFFFF40];
	_ =	sdelay $0x1  }
0x887: {  	vm1 =	vlt.s32 v7, $0x800  }
0x888: {  	v7 =	vnsel vm1, $0x800, v7;
	vm13 =	vlt.s32 v10, $0x800  }
0x889: {  	v8 =	vnsel vm13, $0x800, v10;
	vm14 =	vlt.s32 v9, $0x800  }
0x88a: {  	v9 =	vnsel vm14, $0x800, v9;
	vm12 =	vlt.s32 v2, $0x800  }
0x88b: {  	v2 =	vnsel vm12, $0x800, v2;
	_ =	sdelay $0x1  }
0x88c: {  	v43 =	vld.idx.msk [tilespmem:v7+s4+$0x0], $0xffff  }
0x88d: {  	v11 =	vadd.s32 $0x804, v7;
	v13 =	vld.idx.msk [tilespmem:v8+s4+$0x0], $0xffff  }
0x88e: {  	v15 =	vadd.s32 $0x804, v8;
	v16 =	vld.idx.msk [tilespmem:v9+s4+$0x0], $0xffff  }
0x88f: {  	v17 =	vadd.s32 $0x804, v9;
	v12 =	vld.idx.msk [tilespmem:v2+s4+$0x0], $0xffff  }
0x890: {  	v14 =	vadd.s32 $0x804, v2  }
0x891: {  	[tilespmem:s28+$0x240] =	vst v43  }
0x892: {  	v10 =	vld.idx.msk [tilespmem:v11+s4+$0x0], $0xffff;
	[tilespmem:s28+$0xFFFFFE40] =	vst v13  }
0x893: {  	v44 =	vadd.s32 $0x1008, v7;
	[tilespmem:s28+$0x40] =	vst v16;
	v46 =	vld.idx.msk [tilespmem:v15+s4+$0x0], $0xffff  }
0x894: {  	v47 =	vadd.s32 $0x1008, v8;
	v16 =	vld.idx.msk [tilespmem:v17+s4+$0x0], $0xffff;
	[tilespmem:s28+$0xFFFFFC40] =	vst v12  }
0x895: {  	v48 =	vadd.s32 $0x1008, v9;
	v12 =	vld.idx.msk [tilespmem:v14+s4+$0x0], $0xffff  }
0x896: {  	v45 =	vadd.s32 $0x1008, v2  }
0x897: {  	[tilespmem:s28+$0x2C0] =	vst v10  }
0x898: {  	v10 =	vld.idx.msk [tilespmem:v44+s4+$0x0], $0xffff;
	[tilespmem:s28+$0xFFFFFEC0] =	vst v46  }
0x899: {  	v7 =	vadd.s32 $0x180C, v7;
	[tilespmem:s28+$0xC0] =	vst v16;
	v50 =	vld.idx.msk [tilespmem:v47+s4+$0x0], $0xffff  }
0x89a: {  	v8 =	vadd.s32 $0x180C, v8;
	v51 =	vld.idx.msk [tilespmem:v48+s4+$0x0], $0xffff;
	[tilespmem:s28+$0xFFFFFCC0] =	vst v12  }
0x89b: {  	v9 =	vadd.s32 $0x180C, v9;
	v49 =	vld.idx.msk [tilespmem:v45+s4+$0x0], $0xffff  }
0x89c: {  	v2 =	vadd.s32 $0x180C, v2  }
0x89d: {  	[tilespmem:s28+$0x340] =	vst v10  }
0x89e: {  	v7 =	vld.idx.msk [tilespmem:v7+s4+$0x0], $0xffff;
	[tilespmem:s28+$0xFFFFFF40] =	vst v50  }
0x89f: {  	[tilespmem:s28+$0x140] =	vst v51;
	v8 =	vld.idx.msk [tilespmem:v8+s4+$0x0], $0xffff  }
0x8a0: {  	v9 =	vld.idx.msk [tilespmem:v9+s4+$0x0], $0xffff;
	[tilespmem:s28+$0xFFFFFD40] =	vst v49  }
0x8a1: {  	v2 =	vld.idx.msk [tilespmem:v2+s4+$0x0], $0xffff;
	_ =	sdelay $0x1  }
0x8a2: {  	[tilespmem:s28+$0x3C0] =	vst v7  }
0x8a3: {  	v7 =	vld [tilespmem:s0+$0xD0];
	[tilespmem:s28+$0xFFFFFFC0] =	vst v8  }
0x8a4: {  	v8 =	vld [tilespmem:s0+$0xFFFFFFD0];
	[tilespmem:s28+$0x1C0] =	vst v9  }
0x8a5: {  	v9 =	vld [tilespmem:s0+$0x50];
	[tilespmem:s28+$0xFFFFFDC0] =	vst v2  }
0x8a6: {  	v2 =	vld [tilespmem:s0+$0xFFFFFF50];
	_ =	sdelay $0x1  }
0x8a7: {  	vm15 =	vlt.s32 v7, $0x800  }
0x8a8: {  	v7 =	vnsel vm15, $0x800, v7;
	vm5 =	vlt.s32 v8, $0x800  }
0x8a9: {  	v8 =	vnsel vm5, $0x800, v8;
	vm6 =	vlt.s32 v9, $0x800  }
0x8aa: {  	v9 =	vnsel vm6, $0x800, v9;
	vm4 =	vlt.s32 v2, $0x800  }
0x8ab: {  	v2 =	vnsel vm4, $0x800, v2;
	_ =	sdelay $0x1  }
0x8ac: {  	v10 =	vld.idx.msk [tilespmem:v7+s4+$0x0], $0xffff  }
0x8ad: {  	v52 =	vadd.s32 $0x804, v7;
	v14 =	vld.idx.msk [tilespmem:v8+s4+$0x0], $0xffff  }
0x8ae: {  	v55 =	vadd.s32 $0x804, v8;
	v16 =	vld.idx.msk [tilespmem:v9+s4+$0x0], $0xffff  }
0x8af: {  	v56 =	vadd.s32 $0x804, v9;
	v53 =	vld.idx.msk [tilespmem:v2+s4+$0x0], $0xffff  }
0x8b0: {  	v54 =	vadd.s32 $0x804, v2  }
0x8b1: {  	[tilespmem:s28+$0x250] =	vst v10  }
0x8b2: {  	v11 =	vld.idx.msk [tilespmem:v52+s4+$0x0], $0xffff;
	[tilespmem:s28+$0xFFFFFE50] =	vst v14  }
0x8b3: {  	v57 =	vadd.s32 $0x1008, v7;
	[tilespmem:s28+$0x50] =	vst v16;
	v14 =	vld.idx.msk [tilespmem:v55+s4+$0x0], $0xffff  }
0x8b4: {  	v59 =	vadd.s32 $0x1008, v8;
	v10 =	vld.idx.msk [tilespmem:v56+s4+$0x0], $0xffff;
	[tilespmem:s28+$0xFFFFFC50] =	vst v53  }
0x8b5: {  	v60 =	vadd.s32 $0x1008, v9;
	v12 =	vld.idx.msk [tilespmem:v54+s4+$0x0], $0xffff  }
0x8b6: {  	v58 =	vadd.s32 $0x1008, v2  }
0x8b7: {  	[tilespmem:s28+$0x2D0] =	vst v11  }
0x8b8: {  	v11 =	vld.idx.msk [tilespmem:v57+s4+$0x0], $0xffff;
	[tilespmem:s28+$0xFFFFFED0] =	vst v14  }
0x8b9: {  	v7 =	vadd.s32 $0x180C, v7;
	v61 =	vld.idx.msk [tilespmem:v59+s4+$0x0], $0xffff;
	[tilespmem:s28+$0xD0] =	vst v10  }
0x8ba: {  	v8 =	vadd.s32 $0x180C, v8;
	v10 =	vld.idx.msk [tilespmem:v60+s4+$0x0], $0xffff;
	[tilespmem:s28+$0xFFFFFCD0] =	vst v12  }
0x8bb: {  	v9 =	vadd.s32 $0x180C, v9;
	v12 =	vld.idx.msk [tilespmem:v58+s4+$0x0], $0xffff  }
0x8bc: {  	v2 =	vadd.s32 $0x180C, v2  }
0x8bd: {  	[tilespmem:s28+$0x350] =	vst v11  }
0x8be: {  	v7 =	vld.idx.msk [tilespmem:v7+s4+$0x0], $0xffff;
	[tilespmem:s28+$0xFFFFFF50] =	vst v61  }
0x8bf: {  	v8 =	vld.idx.msk [tilespmem:v8+s4+$0x0], $0xffff;
	[tilespmem:s28+$0x150] =	vst v10  }
0x8c0: {  	v9 =	vld.idx.msk [tilespmem:v9+s4+$0x0], $0xffff;
	[tilespmem:s28+$0xFFFFFD50] =	vst v12  }
0x8c1: {  	v2 =	vld.idx.msk [tilespmem:v2+s4+$0x0], $0xffff;
	_ =	sdelay $0x1  }
0x8c2: {  	[tilespmem:s28+$0x3D0] =	vst v7  }
0x8c3: {  	v7 =	vld [tilespmem:s0+$0xE0];
	[tilespmem:s28+$0xFFFFFFD0] =	vst v8  }
0x8c4: {  	[tilespmem:s28+$0x1D0] =	vst v9;
	v8 =	vld [tilespmem:s0+$0xFFFFFFE0]  }
0x8c5: {  	v9 =	vld [tilespmem:s0+$0x60];
	[tilespmem:s28+$0xFFFFFDD0] =	vst v2  }
0x8c6: {  	v2 =	vld [tilespmem:s0+$0xFFFFFF60];
	_ =	sdelay $0x1  }
0x8c7: {  	vm7 =	vlt.s32 v7, $0x800  }
0x8c8: {  	v7 =	vnsel vm7, $0x800, v7;
	vm9 =	vlt.s32 v8, $0x800  }
0x8c9: {  	v8 =	vnsel vm9, $0x800, v8;
	vm10 =	vlt.s32 v9, $0x800  }
0x8ca: {  	v9 =	vnsel vm10, $0x800, v9;
	vm8 =	vlt.s32 v2, $0x800  }
0x8cb: {  	v2 =	vnsel vm8, $0x800, v2;
	_ =	sdelay $0x1  }
0x8cc: {  	v62 =	vld.idx.msk [tilespmem:v7+s4+$0x0], $0xffff  }
0x8cd: {  	v63 =	vadd.s32 $0x804, v7;
	v14 =	vld.idx.msk [tilespmem:v8+s4+$0x0], $0xffff  }
0x8ce: {  	v21 =	vadd.s32 $0x804, v8;
	v22 =	vld.idx.msk [tilespmem:v9+s4+$0x0], $0xffff  }
0x8cf: {  	v23 =	vadd.s32 $0x804, v9;
	v12 =	vld.idx.msk [tilespmem:v2+s4+$0x0], $0xffff  }
0x8d0: {  	v20 =	vadd.s32 $0x804, v2  }
0x8d1: {  	[tilespmem:s28+$0x260] =	vst v62  }
0x8d2: {  	v11 =	vld.idx.msk [tilespmem:v63+s4+$0x0], $0xffff;
	[tilespmem:s28+$0xFFFFFE60] =	vst v14  }
0x8d3: {  	v24 =	vadd.s32 $0x1008, v7;
	v14 =	vld.idx.msk [tilespmem:v21+s4+$0x0], $0xffff;
	[tilespmem:s28+$0x60] =	vst v22  }
0x8d4: {  	v26 =	vadd.s32 $0x1008, v8;
	v10 =	vld.idx.msk [tilespmem:v23+s4+$0x0], $0xffff;
	[tilespmem:s28+$0xFFFFFC60] =	vst v12  }
0x8d5: {  	v27 =	vadd.s32 $0x1008, v9;
	v12 =	vld.idx.msk [tilespmem:v20+s4+$0x0], $0xffff  }
0x8d6: {  	v25 =	vadd.s32 $0x1008, v2  }
0x8d7: {  	[tilespmem:s28+$0x2E0] =	vst v11  }
0x8d8: {  	v28 =	vld.idx.msk [tilespmem:v24+s4+$0x0], $0xffff;
	[tilespmem:s28+$0xFFFFFEE0] =	vst v14  }
0x8d9: {  	v7 =	vadd.s32 $0x180C, v7;
	[tilespmem:s28+$0xE0] =	vst v10;
	v29 =	vld.idx.msk [tilespmem:v26+s4+$0x0], $0xffff  }
0x8da: {  	v8 =	vadd.s32 $0x180C, v8;
	v11 =	vld.idx.msk [tilespmem:v27+s4+$0x0], $0xffff;
	[tilespmem:s28+$0xFFFFFCE0] =	vst v12  }
0x8db: {  	v9 =	vadd.s32 $0x180C, v9;
	v12 =	vld.idx.msk [tilespmem:v25+s4+$0x0], $0xffff  }
0x8dc: {  	v2 =	vadd.s32 $0x180C, v2  }
0x8dd: {  	[tilespmem:s28+$0x360] =	vst v28  }
0x8de: {  	v6 =	vnsel vm0, $0x800, v6;
	v7 =	vld.idx.msk [tilespmem:v7+s4+$0x0], $0xffff;
	[tilespmem:s28+$0xFFFFFF60] =	vst v29  }
0x8df: {  	[tilespmem:s28+$0x160] =	vst v11;
	v8 =	vld.idx.msk [tilespmem:v8+s4+$0x0], $0xffff  }
0x8e0: {  	v9 =	vld.idx.msk [tilespmem:v9+s4+$0x0], $0xffff;
	[tilespmem:s28+$0xFFFFFD60] =	vst v12  }
0x8e1: {  	v2 =	vld.idx.msk [tilespmem:v2+s4+$0x0], $0xffff  }
0x8e2: {  	v30 =	vld.idx.msk [tilespmem:v3+s4+$0x0], $0xffff;
	vm11 =	vlt.s32 v5, $0x800  }
0x8e3: {  	v5 =	vnsel vm11, $0x800, v5;
	v31 =	vld.idx.msk [tilespmem:v6+s4+$0x0], $0xffff;
	[tilespmem:s28+$0x3E0] =	vst v7  }
0x8e4: {  	v7 =	vld [tilespmem:s0+$0xF0];
	[tilespmem:s28+$0xFFFFFFE0] =	vst v8  }
0x8e5: {  	v8 =	vld [tilespmem:s0+$0xFFFFFFF0];
	[tilespmem:s28+$0x1E0] =	vst v9  }
0x8e6: {  	v9 =	vld [tilespmem:s0+$0x70];
	[tilespmem:s28+$0xFFFFFDE0] =	vst v2  }
0x8e7: {  	v2 =	vld [tilespmem:s0+$0xFFFFFF70]  }
0x8e8: {  	v32 =	vadd.s32 $0x804, v6;
	v33 =	vld.idx.msk [tilespmem:v5+s4+$0x0], $0xffff  }
0x8e9: {  	v34 =	vadd.s32 $0x804, v5;
	vm12 =	vlt.s32 v7, $0x800  }
0x8ea: {  	v7 =	vnsel vm12, $0x800, v7;
	vm14 =	vlt.s32 v8, $0x800  }
0x8eb: {  	[tilespmem:s26+$0xFFFFFC70] =	vst v30;
	v8 =	vnsel vm14, $0x800, v8;
	vm15 =	vlt.s32 v9, $0x800  }
0x8ec: {  	v4 =	vld.idx.msk [tilespmem:v4+s4+$0x0], $0xffff;
	[tilespmem:s26+$0xFFFFFE70] =	vst v31;
	v9 =	vnsel vm15, $0x800, v9;
	vm13 =	vlt.s32 v2, $0x800  }
0x8ed: {  	v35 =	vld.idx.msk [tilespmem:v32+s4+$0x0], $0xffff;
	[tilespmem:s26+$0x70] =	vst v33;
	v2 =	vnsel vm13, $0x800, v2  }
0x8ee: {  	v39 =	vadd.s32 $0x1008, v6;
	v37 =	vld.idx.msk [tilespmem:v34+s4+$0x0], $0xffff  }
0x8ef: {  	v36 =	vld.idx.msk [tilespmem:v7+s4+$0x0], $0xffff  }
0x8f0: {  	[tilespmem:s25+$0x1F0] =	vst v1;
	v38 =	vadd.s32 $0x804, v7;
	v42 =	vld.idx.msk [tilespmem:v8+s4+$0x0], $0xffff  }
0x8f1: {  	[tilespmem:s26+$0xFFFFFCF0] =	vst v4;
	v43 =	vadd.s32 $0x804, v8;
	v44 =	vld.idx.msk [tilespmem:v9+s4+$0x0], $0xffff  }
0x8f2: {  	[tilespmem:s26+$0xFFFFFEF0] =	vst v35;
	v45 =	vadd.s32 $0x804, v9;
	v40 =	vld.idx.msk [tilespmem:v2+s4+$0x0], $0xffff  }
0x8f3: {  	[tilespmem:s26+$0xF0] =	vst v37;
	v48 =	vld.idx.msk [tilespmem:v39+s4+$0x0], $0xffff;
	v41 =	vadd.s32 $0x804, v2  }
0x8f4: {  	v6 =	vadd.s32 $0x180C, v6;
	v0 =	vld.idx.msk [tilespmem:v0+s4+$0x0], $0xffff;
	[tilespmem:s28+$0x270] =	vst v36  }
0x8f5: {  	v46 =	vadd.s32 $0x1008, v5;
	v47 =	vld.idx.msk [tilespmem:v38+s4+$0x0], $0xffff;
	[tilespmem:s28+$0xFFFFFE70] =	vst v42  }
0x8f6: {  	v49 =	vadd.s32 $0x1008, v7;
	[tilespmem:s28+$0x70] =	vst v44;
	v10 =	vld.idx.msk [tilespmem:v43+s4+$0x0], $0xffff  }
0x8f7: {  	v53 =	vadd.s32 $0x1008, v8;
	v11 =	vld.idx.msk [tilespmem:v45+s4+$0x0], $0xffff;
	[tilespmem:s28+$0xFFFFFC70] =	vst v40  }
0x8f8: {  	[tilespmem:s26+$0xFFFFFF70] =	vst v48;
	v55 =	vadd.s32 $0x1008, v9;
	v51 =	vld.idx.msk [tilespmem:v41+s4+$0x0], $0xffff  }
0x8f9: {  	[tilespmem:s26+$0xFFFFFD70] =	vst v0;
	v6 =	vld.idx.msk [tilespmem:v6+s4+$0x0], $0xffff;
	v52 =	vadd.s32 $0x1008, v2  }
0x8fa: {  	v50 =	vadd.s32 $0x180C, v3;
	v54 =	vld.idx.msk [tilespmem:v46+s4+$0x0], $0xffff;
	[tilespmem:s28+$0x2F0] =	vst v47  }
0x8fb: {  	v57 =	vadd.s32 $0x180C, v5;
	v56 =	vld.idx.msk [tilespmem:v49+s4+$0x0], $0xffff;
	[tilespmem:s28+$0xFFFFFEF0] =	vst v10  }
0x8fc: {  	v7 =	vadd.s32 $0x180C, v7;
	[tilespmem:s28+$0xF0] =	vst v11;
	v0 =	vld.idx.msk [tilespmem:v53+s4+$0x0], $0xffff  }
0x8fd: {  	v58 =	vadd.s32 $0x180C, v8;
	v59 =	vld.idx.msk [tilespmem:v55+s4+$0x0], $0xffff;
	[tilespmem:s28+$0xFFFFFCF0] =	vst v51  }
0x8fe: {  	[tilespmem:s26+$0xFFFFFFF0] =	vst v6;
	v9 =	vadd.s32 $0x180C, v9;
	v4 =	vld.idx.msk [tilespmem:v52+s4+$0x0], $0xffff  }
0x8ff: {  	v1 =	vld.idx.msk [tilespmem:v50+s4+$0x0], $0xffff;
	[tilespmem:s26+$0x170] =	vst v54;
	v2 =	vadd.s32 $0x180C, v2  }
0x900: {  	v3 =	vld.idx.msk [tilespmem:v57+s4+$0x0], $0xffff;
	[tilespmem:s28+$0x370] =	vst v56  }
0x901: {  	v60 =	vld.idx.msk [tilespmem:v7+s4+$0x0], $0xffff;
	[tilespmem:s28+$0xFFFFFF70] =	vst v0  }
0x902: {  	[tilespmem:s28+$0x170] =	vst v59;
	v62 =	vld.idx.msk [tilespmem:v58+s4+$0x0], $0xffff  }
0x903: {  	v63 =	vld.idx.msk [tilespmem:v9+s4+$0x0], $0xffff;
	[tilespmem:s28+$0xFFFFFD70] =	vst v4  }
0x904: {  	[tilespmem:s26+$0xFFFFFDF0] =	vst v1;
	v61 =	vld.idx.msk [tilespmem:v2+s4+$0x0], $0xffff  }
0x905: {  	[tilespmem:s26+$0x1F0] =	vst v3  }
0x906: {  	[tilespmem:s28+$0x3F0] =	vst v60  }
0x907: {  	[tilespmem:s28+$0xFFFFFFF0] =	vst v62  }
0x908: {  	[tilespmem:s28+$0x1F0] =	vst v63  }
0x909: {  	[tilespmem:s28+$0xFFFFFDF0] =	vst v61  }
0x90a: {  	[hbm4b:s11+s4] =	stream.linear.scatter [tilespmem:s19], [sflag:$0x3], $0x4000, $0x38;
	[tilespmem:$0xC080] =	vst v63  }
0x90b: {  	_ =	swait.ge [sflag:s22], $0x4000  }
0x90c: {  	[sflag:s22] =	ssyncset.done $0x0  }
0x90d: {  	s24 =	sadd.s32 $0x1, s24;
	[sflag:s22] =	ssyncadd.s32 $0xFFFFC000  }
0x90e: {  	p0 =	sne.s32 s24, s12;
	_ =	swait.ge [sflag:s23], $0x4000  }
.Ltmp4:
0x90f: {  	[sflag:s23] =	ssyncset.done $0x0;
	(pc) =	sbr.rel @p0 .LBB2_1-.Ltmp4, $4  }
0x910: {  	[sflag:s23] =	ssyncadd.s32 $0xFFFFC000  }
0x911: {  	_ =	swait.ge [sflag:s20], $0x1000  }
0x912: {  	[sflag:s20] =	ssyncset.done $0x0  }
0x913: {  	[sflag:s20] =	ssyncadd.s32 $0xFFFFF000  }
0x914: {  	_ =	sfence.sel $0x180000  }
0x915: {  	[bflag:$0x0] =	sbarrier.arrive $0xFFFF  }
0x916: {  	_ =	strace $0x90000047  }
0x917: {  	s0 =	stileid.u32;
	[bflag:$0x2] =	sbarrier.arrive $0xFFFF  }
0x918: {  	p0 =	sne.s32 s0, $0x0;
	s0 =	rddreg [dreg:$0x3]  }
0x919: {  	s0 =	sadd.s32 @!p0 $0x100000, s0  }
0x91a: {  	[sflag:s0] =	ssyncadd.tile.s32 @!p0 $0x1;
	_ =	shalt  }
.Lfunc_end2:
_tile_overlayer_lowered:
.L_overlay_start_2:
0x91b: {  	(tag) =	ssettag $0x2  }
0x91c: {  	s0 =	rddreg [dreg:$0x0];
	s2 =	stileid.u32  }
0x91d: {  	s1 =	rddreg [dreg:$0x1];
	p0 =	sne.s32 s2, $0x0  }
0x91e: {  	s3 =	rddreg [dreg:$0x2];
	[bflag:$0x3] =	sbarrier.arrive $0xFFFF;
	s2 =	simm.s32 @!p0 $0x1C05  }
0x91f: {  	[timem:s3], [sflag:s2] =	dma.local @!p0 [hbm:s0], s1  }
0x920: {  	s0 =	simm.s32 @!p0 $0x5  }
0x921: {  	_ =	swait.ge @!p0 [sflag:s0], s1  }
0x922: {  	s1 =	ssub.s32 @!p0 $0x0, s1;
	[sflag:s0] =	ssyncset.done @!p0 $0x0  }
0x923: {  	[sflag:s0] =	ssyncadd.s32 @!p0 s1  }
0x924: {  	[bflag:$0x3] =	sbarrier.arrive $0xFFFF  }
0x925: {  	_ =	shalt  }

</sc_bundles>
